<compile_context>
chip_gen: v7x
topology: tpu7x:2x2x1
jax: 0.10.2.dev20260603
libtpu: 0.0.44.dev20260713+nightly
codegen_flags: <defaults>
</compile_context>

<pallas_src>
import jax
import jax.numpy as jnp
from jax import lax
from jax.experimental import pallas as pl
from jax.experimental.pallas import tpu as pltpu
from jax.experimental.pallas import tpu_sc as plsc

N = 6400000
NNODES = 100000

NC = 2
NS = 16
NW = NC * NS
L = 16
U1 = 5
U3 = 5

NPAD = 102400
R1 = N // NS
C1 = 4000
R3 = N // NW
C3 = 4000
E2 = NPAD // NS


def _mesh():
    return plsc.VectorSubcoreMesh(core_axis_name="c", subcore_axis_name="s")


def _strict_group(table, idxv, vv):
    cc = plsc.load_gather(table, [idxv])
    nv = jnp.maximum(cc, vv)
    plsc.store_scatter(table, [idxv], nv)
    c2 = plsc.load_gather(table, [idxv])
    pend = (c2 < nv).astype(jnp.int32)

    @pl.when(jnp.max(pend, axis=0) > 0)
    def _retry():
        def body(_, p):
            m = p > 0
            c3 = plsc.load_gather(table, [idxv])
            n3 = jnp.maximum(c3, vv)
            plsc.store_scatter(table, [idxv], n3, mask=m)
            c4 = plsc.load_gather(table, [idxv])
            return ((c4 < n3) & m).astype(jnp.int32)

        lax.fori_loop(0, L - 1, body, pend)


def _segmax_chunk(table, idxbuf, valbuf):

    def pack(p, carry):
        gb = p * (U1 * L)
        idxs = [idxbuf[pl.ds(gb + u * L, L)] for u in range(U1)]
        vals = [valbuf[pl.ds(gb + u * L, L)] for u in range(U1)]
        curs = [plsc.load_gather(table, [idxs[u]]) for u in range(U1)]
        news = [jnp.maximum(curs[u], vals[u]) for u in range(U1)]
        for u in range(U1):
            plsc.store_scatter(table, [idxs[u]], news[u])
        chk = [plsc.load_gather(table, [idxs[u]]) for u in range(U1)]
        bad = (chk[0] < news[0])
        for u in range(1, U1):
            bad = bad | (chk[u] < news[u])

        @pl.when(jnp.any(bad))
        def _repair():
            for u in range(U1):
                _strict_group(table, idxs[u], vals[u])

        return carry

    lax.fori_loop(0, C1 // (U1 * L), pack, 0)


def _k1_body(ids, vals, zeros, partials, table, idxA, valA, idxB, valB,
             semA, semB):
    c = lax.axis_index("c")
    s = lax.axis_index("s")
    pltpu.sync_copy(zeros, table)
    base = c * N + s * R1
    vbase = s * R1
    nch = R1 // C1

    def start(bufi, bufv, sem, k):
        kc = jnp.minimum(k, nch - 1) * C1
        pltpu.async_copy(ids.at[pl.ds(base + kc, C1)], bufi, sem)
        pltpu.async_copy(vals.at[pl.ds(vbase + kc, C1)], bufv, sem)

    def wait(bufi, bufv, sem, k):
        kc = jnp.minimum(k, nch - 1) * C1
        pltpu.make_async_copy(ids.at[pl.ds(base + kc, C1)], bufi, sem).wait()
        pltpu.make_async_copy(vals.at[pl.ds(vbase + kc, C1)], bufv, sem).wait()

    start(idxA, valA, semA, 0)
    start(idxB, valB, semB, 1)

    def body(k2, carry):
        k0 = 2 * k2
        wait(idxA, valA, semA, k0)
        _segmax_chunk(table, idxA, valA)
        start(idxA, valA, semA, k0 + 2)
        wait(idxB, valB, semB, k0 + 1)
        _segmax_chunk(table, idxB, valB)
        start(idxB, valB, semB, k0 + 3)
        return carry

    lax.fori_loop(0, nch // 2, body, 0)
    wait(idxA, valA, semA, nch - 1)
    wait(idxB, valB, semB, nch - 1)
    pltpu.sync_copy(table, partials.at[pl.ds((c * NS + s) * NPAD, NPAD)])


def _k2_body(partials, tables, acc, tmpA, tmpB, semA, semB):
    c = lax.axis_index("c")
    s = lax.axis_index("s")
    seg = s * E2
    bufs = [(tmpA, semA), (tmpB, semB)]

    def src(p):
        return partials.at[pl.ds((c * NS + p) * NPAD + seg, E2)]

    pltpu.sync_copy(src(0), acc)
    pltpu.async_copy(src(1), tmpA, semA)
    for p in range(1, NS):
        tmp, sem = bufs[(p - 1) % 2]
        pltpu.make_async_copy(src(p), tmp, sem).wait()
        if p + 1 < NS:
            nxt, nsem = bufs[p % 2]
            pltpu.async_copy(src(p + 1), nxt, nsem)

        def grp(g, carry2, tmp=tmp):
            for u in range(5):
                d = pl.ds((g * 5 + u) * L, L)
                acc[d] = jnp.maximum(acc[d], tmp[d])
            return carry2

        lax.fori_loop(0, E2 // (5 * L), grp, 0)
    pltpu.sync_copy(acc, tables.at[pl.ds(c * NPAD + seg, E2)])


def _gather_chunk(tbl, idxbuf, gbuf):
    def pack(p, carry):
        gb = p * (U3 * L)
        for u in range(U3):
            d = pl.ds(gb + u * L, L)
            gbuf[d] = plsc.load_gather(tbl, [idxbuf[d]])
        return carry

    lax.fori_loop(0, C3 // (U3 * L), pack, 0)


def _gather_mul_chunk(tbl, idxbuf, g0buf, gbuf):
    def pack(p, carry):
        gb = p * (U3 * L)
        for u in range(U3):
            d = pl.ds(gb + u * L, L)
            gbuf[d] = plsc.load_gather(tbl, [idxbuf[d]]) * g0buf[d]
        return carry

    lax.fori_loop(0, C3 // (U3 * L), pack, 0)


def _k3_body(ids, tables, out, gtmp, dump, tbl, idxA, idxB, gA, gB, g0A, g0B,
             semA, semB, semOA, semOB):
    c = lax.axis_index("c")
    s = lax.axis_index("s")
    w = s * NC + c
    base = w * R3
    nch = R3 // C3

    def startp0(bufi, sem, k):
        kc = base + jnp.minimum(k, nch - 1) * C3
        pltpu.async_copy(ids.at[pl.ds(kc, C3)], bufi, sem)

    def waitp0(bufi, sem, k):
        kc = base + jnp.minimum(k, nch - 1) * C3
        pltpu.make_async_copy(ids.at[pl.ds(kc, C3)], bufi, sem).wait()

    def prime_out():
        pltpu.async_copy(gA, dump.at[pl.ds(w * 2 * C3, C3)], semOA)
        pltpu.async_copy(gB, dump.at[pl.ds(w * 2 * C3 + C3, C3)], semOB)

    pltpu.sync_copy(tables.at[pl.ds(0, NPAD)], tbl)
    startp0(idxA, semA, 0)
    startp0(idxB, semB, 1)
    prime_out()

    def body0(k2, carry):
        k0 = 2 * k2
        off0 = base + k0 * C3
        waitp0(idxA, semA, k0)
        pltpu.make_async_copy(gA, gtmp.at[pl.ds(off0, C3)], semOA).wait()
        _gather_chunk(tbl, idxA, gA)
        pltpu.async_copy(gA, gtmp.at[pl.ds(off0, C3)], semOA)
        startp0(idxA, semA, k0 + 2)
        waitp0(idxB, semB, k0 + 1)
        pltpu.make_async_copy(gB, gtmp.at[pl.ds(off0 + C3, C3)], semOB).wait()
        _gather_chunk(tbl, idxB, gB)
        pltpu.async_copy(gB, gtmp.at[pl.ds(off0 + C3, C3)], semOB)
        startp0(idxB, semB, k0 + 3)
        return carry

    lax.fori_loop(0, nch // 2, body0, 0)
    waitp0(idxA, semA, nch - 1)
    waitp0(idxB, semB, nch - 1)
    pltpu.make_async_copy(gA, gtmp.at[pl.ds(base, C3)], semOA).wait()
    pltpu.make_async_copy(gB, gtmp.at[pl.ds(base, C3)], semOB).wait()

    pltpu.sync_copy(tables.at[pl.ds(NPAD, NPAD)], tbl)

    def startp1(bufi, bufg, semi, k):
        kc = jnp.minimum(k, nch - 1) * C3
        pltpu.async_copy(ids.at[pl.ds(N + base + kc, C3)], bufi, semi)
        pltpu.async_copy(gtmp.at[pl.ds(base + kc, C3)], bufg, semi)

    def waitp1(bufi, bufg, semi, k):
        kc = jnp.minimum(k, nch - 1) * C3
        pltpu.make_async_copy(ids.at[pl.ds(N + base + kc, C3)], bufi, semi).wait()
        pltpu.make_async_copy(gtmp.at[pl.ds(base + kc, C3)], bufg, semi).wait()

    startp1(idxA, g0A, semA, 0)
    startp1(idxB, g0B, semB, 1)
    prime_out()

    def body1(k2, carry):
        k0 = 2 * k2
        off0 = base + k0 * C3
        waitp1(idxA, g0A, semA, k0)
        pltpu.make_async_copy(gA, out.at[pl.ds(off0, C3)], semOA).wait()
        _gather_mul_chunk(tbl, idxA, g0A, gA)
        pltpu.async_copy(gA, out.at[pl.ds(off0, C3)], semOA)
        startp1(idxA, g0A, semA, k0 + 2)
        waitp1(idxB, g0B, semB, k0 + 1)
        pltpu.make_async_copy(gB, out.at[pl.ds(off0 + C3, C3)], semOB).wait()
        _gather_mul_chunk(tbl, idxB, g0B, gB)
        pltpu.async_copy(gB, out.at[pl.ds(off0 + C3, C3)], semOB)
        startp1(idxB, g0B, semB, k0 + 3)
        return carry

    lax.fori_loop(0, nch // 2, body1, 0)
    waitp1(idxA, g0A, semA, nch - 1)
    waitp1(idxB, g0B, semB, nch - 1)
    pltpu.make_async_copy(gA, out.at[pl.ds(base, C3)], semOA).wait()
    pltpu.make_async_copy(gB, out.at[pl.ds(base, C3)], semOB).wait()


def _k1():
    return pl.kernel(
        _k1_body,
        out_type=jax.ShapeDtypeStruct((NC * NS * NPAD,), jnp.float32),
        mesh=_mesh(),
        compiler_params=pltpu.CompilerParams(needs_layout_passes=False),
        scratch_types=[
            pltpu.VMEM((NPAD,), jnp.float32),
            pltpu.VMEM((C1,), jnp.int32),
            pltpu.VMEM((C1,), jnp.float32),
            pltpu.VMEM((C1,), jnp.int32),
            pltpu.VMEM((C1,), jnp.float32),
            pltpu.SemaphoreType.DMA,
            pltpu.SemaphoreType.DMA,
        ],
    )


def _k2():
    return pl.kernel(
        _k2_body,
        out_type=jax.ShapeDtypeStruct((NC * NPAD,), jnp.float32),
        mesh=_mesh(),
        compiler_params=pltpu.CompilerParams(needs_layout_passes=False),
        scratch_types=[
            pltpu.VMEM((E2,), jnp.float32),
            pltpu.VMEM((E2,), jnp.float32),
            pltpu.VMEM((E2,), jnp.float32),
            pltpu.SemaphoreType.DMA,
            pltpu.SemaphoreType.DMA,
        ],
    )


def _k3():
    return pl.kernel(
        _k3_body,
        out_type=(
            jax.ShapeDtypeStruct((N,), jnp.float32),
            jax.ShapeDtypeStruct((N,), jnp.float32),
            jax.ShapeDtypeStruct((NW * 2 * C3,), jnp.float32),
        ),
        mesh=_mesh(),
        compiler_params=pltpu.CompilerParams(needs_layout_passes=False),
        scratch_types=[
            pltpu.VMEM((NPAD,), jnp.float32),
            pltpu.VMEM((C3,), jnp.int32),
            pltpu.VMEM((C3,), jnp.int32),
            pltpu.VMEM((C3,), jnp.float32),
            pltpu.VMEM((C3,), jnp.float32),
            pltpu.VMEM((C3,), jnp.float32),
            pltpu.VMEM((C3,), jnp.float32),
            pltpu.SemaphoreType.DMA,
            pltpu.SemaphoreType.DMA,
            pltpu.SemaphoreType.DMA,
            pltpu.SemaphoreType.DMA,
        ],
    )


@jax.jit
def kernel(pred_pair, reg_feat):
    ids = pred_pair.T.reshape(NC * N)
    zeros = jnp.zeros((NPAD,), jnp.float32)
    partials = _k1()(ids, reg_feat, zeros)
    tables = _k2()(partials)
    out, _, _ = _k3()(ids, tables)
    return out

# --- scband reference (transcript-rebuilt; emitter-appended) ---
"""Pipeline reference for scband-gtsms-fast-27341761806805 (READ-ONLY COPY).

The authoritative reference and input builder live on the scoring server;
editing this copy changes nothing except your own understanding.
"""

import jax, jax.numpy as jnp
import numpy as np

N = 6400000
NNODES = 100000


def setup_inputs(seed: int = 0) -> dict:
    key = jax.random.key(seed)
    k1, k2 = jax.random.split(key)
    pred_pair = jax.random.randint(k1, (N, 2), 0, NNODES, dtype=jnp.int32)
    reg_feat = jax.random.uniform(k2, (N,), dtype=jnp.float32)
    return {"pred_pair": pred_pair, "reg_feat": reg_feat}


def reference(pred_pair, reg_feat):
    # Faithful vectorization of the original python loops:
    # loop 1 computes a running max per id0 / per id1 (initialized at 0),
    # which is exactly a segment-max clamped at 0 (scores are in [0,1)).
    # loop 2 gathers max_score0[id0] * max_score1[id1] per pair.
    id0 = pred_pair[:, 0]
    id1 = pred_pair[:, 1]
    max_score0 = jax.ops.segment_max(reg_feat, id0, num_segments=NNODES)
    max_score0 = jnp.maximum(max_score0, 0.0)  # original init is zeros
    max_score1 = jax.ops.segment_max(reg_feat, id1, num_segments=NNODES)
    max_score1 = jnp.maximum(max_score1, 0.0)
    soft_mutual_score = max_score0[id0] * max_score1[id1]
    return soft_mutual_score

if __name__ == "__main__":
    import jax
    _d = setup_inputs()
    print(jax.jit(kernel)(*tuple(_d.values())))

</pallas_src>

<mosaic_0001>
#map = affine_map<(d0, d1) -> (0)>
module attributes {stable_mosaic.version = 14 : i64} {
  func.func @_k1_body(%arg0: i32, %arg1: i32, %arg2: memref<12800000xi32, #tpu.memory_space<hbm>>, %arg3: memref<6400000xf32, #tpu.memory_space<hbm>>, %arg4: memref<102400xf32, #tpu.memory_space<hbm>>, %arg5: memref<3276800xf32, #tpu.memory_space<hbm>>, %arg6: memref<102400xf32, #tpu.memory_space<vmem>>, %arg7: memref<4000xi32, #tpu.memory_space<vmem>>, %arg8: memref<4000xf32, #tpu.memory_space<vmem>>, %arg9: memref<4000xi32, #tpu.memory_space<vmem>>, %arg10: memref<4000xf32, #tpu.memory_space<vmem>>, %arg11: memref<!tpu.dma_semaphore, #tpu.memory_space<semaphore_mem>>, %arg12: memref<!tpu.dma_semaphore, #tpu.memory_space<semaphore_mem>>) attributes {dimension_semantics = [#tpu.dimension_semantics<core_parallel>, #tpu.dimension_semantics<subcore_parallel>], iteration_bounds = array<i64: 2, 16>, scalar_prefetch = 0 : i64, scratch_operands = 7 : i64, tpu.core_type = #tpu.core_type<sc_vector_subcore>, window_params = [{transform_indices = #map}, {transform_indices = #map}, {transform_indices = #map}, {transform_indices = #map}]} {
    "tpu.region"() ({
      %run_scoped3A = tpu.sem_alloc : memref<!tpu.dma_semaphore, #tpu.memory_space<semaphore_mem>>
      tpu.enqueue_dma source(%arg4 : memref<102400xf32, #tpu.memory_space<hbm>>) target(%arg6 : memref<102400xf32, #tpu.memory_space<vmem>>) target_semaphore(%run_scoped3A : memref<!tpu.dma_semaphore, #tpu.memory_space<semaphore_mem>>)
      tpu.wait_dma2 semaphore(%run_scoped3A : memref<!tpu.dma_semaphore, #tpu.memory_space<semaphore_mem>>) src(%arg4 : memref<102400xf32, #tpu.memory_space<hbm>>) dst(%arg6 : memref<102400xf32, #tpu.memory_space<vmem>>)
      tpu.yield
    }) : () -> ()
    %mul3A = arith.constant 6400000 : i32
    %mul3A_0 = arith.muli %arg0, %mul3A : i32
    %mul3A_1 = arith.constant 400000 : i32
    %mul3A_2 = arith.muli %arg1, %mul3A_1 : i32
    %add3A = arith.addi %mul3A_0, %mul3A_2 : i32
    %mul3A_3 = arith.constant 400000 : i32
    %mul3A_4 = arith.muli %arg1, %mul3A_3 : i32
    %min3A = arith.constant 0 : i32
    %min3A_5 = arith.constant 99 : i32
    %min3A_6 = arith.minsi %min3A, %min3A_5 : i32
    %mul3A_7 = arith.constant 4000 : i32
    %mul3A_8 = arith.muli %min3A_6, %mul3A_7 : i32
    %add3A_9 = arith.addi %add3A, %mul3A_8 : i32
    %dma_start3A = tpu.memref_slice %arg2[%add3A_9] : memref<12800000xi32, #tpu.memory_space<hbm>> -> memref<4000xi32, #tpu.memory_space<hbm>>
    %dma_start3A_10 = tpu.memref_slice %arg2[%add3A_9] : memref<12800000xi32, #tpu.memory_space<hbm>> -> memref<4000xi32, #tpu.memory_space<hbm>>
    tpu.enqueue_dma source(%dma_start3A_10 : memref<4000xi32, #tpu.memory_space<hbm>>) target(%arg7 : memref<4000xi32, #tpu.memory_space<vmem>>) target_semaphore(%arg11 : memref<!tpu.dma_semaphore, #tpu.memory_space<semaphore_mem>>)
    %add3A_11 = arith.addi %mul3A_4, %mul3A_8 : i32
    %dma_start3A_12 = tpu.memref_slice %arg3[%add3A_11] : memref<6400000xf32, #tpu.memory_space<hbm>> -> memref<4000xf32, #tpu.memory_space<hbm>>
    %dma_start3A_13 = tpu.memref_slice %arg3[%add3A_11] : memref<6400000xf32, #tpu.memory_space<hbm>> -> memref<4000xf32, #tpu.memory_space<hbm>>
    tpu.enqueue_dma source(%dma_start3A_13 : memref<4000xf32, #tpu.memory_space<hbm>>) target(%arg8 : memref<4000xf32, #tpu.memory_space<vmem>>) target_semaphore(%arg11 : memref<!tpu.dma_semaphore, #tpu.memory_space<semaphore_mem>>)
    %min3A_14 = arith.constant 1 : i32
    %min3A_15 = arith.constant 99 : i32
    %min3A_16 = arith.minsi %min3A_14, %min3A_15 : i32
    %mul3A_17 = arith.constant 4000 : i32
    %mul3A_18 = arith.muli %min3A_16, %mul3A_17 : i32
    %add3A_19 = arith.addi %add3A, %mul3A_18 : i32
    %dma_start3A_20 = tpu.memref_slice %arg2[%add3A_19] : memref<12800000xi32, #tpu.memory_space<hbm>> -> memref<4000xi32, #tpu.memory_space<hbm>>
    %dma_start3A_21 = tpu.memref_slice %arg2[%add3A_19] : memref<12800000xi32, #tpu.memory_space<hbm>> -> memref<4000xi32, #tpu.memory_space<hbm>>
    tpu.enqueue_dma source(%dma_start3A_21 : memref<4000xi32, #tpu.memory_space<hbm>>) target(%arg9 : memref<4000xi32, #tpu.memory_space<vmem>>) target_semaphore(%arg12 : memref<!tpu.dma_semaphore, #tpu.memory_space<semaphore_mem>>)
    %add3A_22 = arith.addi %mul3A_4, %mul3A_18 : i32
    %dma_start3A_23 = tpu.memref_slice %arg3[%add3A_22] : memref<6400000xf32, #tpu.memory_space<hbm>> -> memref<4000xf32, #tpu.memory_space<hbm>>
    %dma_start3A_24 = tpu.memref_slice %arg3[%add3A_22] : memref<6400000xf32, #tpu.memory_space<hbm>> -> memref<4000xf32, #tpu.memory_space<hbm>>
    tpu.enqueue_dma source(%dma_start3A_24 : memref<4000xf32, #tpu.memory_space<hbm>>) target(%arg10 : memref<4000xf32, #tpu.memory_space<vmem>>) target_semaphore(%arg12 : memref<!tpu.dma_semaphore, #tpu.memory_space<semaphore_mem>>)
    %scan3A = arith.constant 0 : i32
    %scan3A_25 = arith.constant 0 : i32
    %scan3A_26 = arith.constant 50 : i32
    %scan3A_27 = arith.addi %scan3A_25, %scan3A_26 : i32
    %scan3A_28 = arith.constant 1 : i32
    scf.for %scan3A_56 = %scan3A_25 to %scan3A_27 step %scan3A_28  : i32 {
      %mul3A_57 = arith.constant 2 : i32
      %mul3A_58 = arith.muli %mul3A_57, %scan3A_56 : i32
      %min3A_59 = arith.constant 99 : i32
      %min3A_60 = arith.minsi %mul3A_58, %min3A_59 : i32
      %mul3A_61 = arith.constant 4000 : i32
      %mul3A_62 = arith.muli %min3A_60, %mul3A_61 : i32
      %add3A_63 = arith.addi %add3A, %mul3A_62 : i32
      %dma_wait3A_64 = tpu.memref_slice %arg2[%add3A_63] : memref<12800000xi32, #tpu.memory_space<hbm>> -> memref<4000xi32, #tpu.memory_space<hbm>>
      %dma_wait3A_65 = tpu.memref_slice %arg2[%add3A_63] : memref<12800000xi32, #tpu.memory_space<hbm>> -> memref<4000xi32, #tpu.memory_space<hbm>>
      tpu.wait_dma2 semaphore(%arg11 : memref<!tpu.dma_semaphore, #tpu.memory_space<semaphore_mem>>) src(%dma_wait3A_65 : memref<4000xi32, #tpu.memory_space<hbm>>) dst(%arg7 : memref<4000xi32, #tpu.memory_space<vmem>>)
      %add3A_66 = arith.addi %mul3A_4, %mul3A_62 : i32
      %dma_wait3A_67 = tpu.memref_slice %arg3[%add3A_66] : memref<6400000xf32, #tpu.memory_space<hbm>> -> memref<4000xf32, #tpu.memory_space<hbm>>
      %dma_wait3A_68 = tpu.memref_slice %arg3[%add3A_66] : memref<6400000xf32, #tpu.memory_space<hbm>> -> memref<4000xf32, #tpu.memory_space<hbm>>
      tpu.wait_dma2 semaphore(%arg11 : memref<!tpu.dma_semaphore, #tpu.memory_space<semaphore_mem>>) src(%dma_wait3A_68 : memref<4000xf32, #tpu.memory_space<hbm>>) dst(%arg8 : memref<4000xf32, #tpu.memory_space<vmem>>)
      %scan3A_69 = arith.constant 0 : i32
      %scan3A_70 = arith.constant 0 : i32
      %scan3A_71 = arith.constant 50 : i32
      %scan3A_72 = arith.addi %scan3A_70, %scan3A_71 : i32
      %scan3A_73 = arith.constant 1 : i32
      scf.for %scan3A_117 = %scan3A_70 to %scan3A_72 step %scan3A_73  : i32 {
        %mul3A_118 = arith.constant 80 : i32
        %mul3A_119 = arith.muli %scan3A_117, %mul3A_118 : i32
        %add3A_120 = arith.constant 0 : i32
        %add3A_121 = arith.addi %mul3A_119, %add3A_120 : i32
        %get3A = arith.index_cast %add3A_121 : i32 to index
        %get3A_122 = tpu.vector_load %arg7[%get3A] {strides = array<i32>} : memref<4000xi32, #tpu.memory_space<vmem>>, vector<16xi32>,
        %add3A_123 = arith.constant 16 : i32
        %add3A_124 = arith.addi %mul3A_119, %add3A_123 : i32
        %get3A_125 = arith.index_cast %add3A_124 : i32 to index
        %get3A_126 = tpu.vector_load %arg7[%get3A_125] {strides = array<i32>} : memref<4000xi32, #tpu.memory_space<vmem>>, vector<16xi32>,
        %add3A_127 = arith.constant 32 : i32
        %add3A_128 = arith.addi %mul3A_119, %add3A_127 : i32
        %get3A_129 = arith.index_cast %add3A_128 : i32 to index
        %get3A_130 = tpu.vector_load %arg7[%get3A_129] {strides = array<i32>} : memref<4000xi32, #tpu.memory_space<vmem>>, vector<16xi32>,
        %add3A_131 = arith.constant 48 : i32
        %add3A_132 = arith.addi %mul3A_119, %add3A_131 : i32
        %get3A_133 = arith.index_cast %add3A_132 : i32 to index
        %get3A_134 = tpu.vector_load %arg7[%get3A_133] {strides = array<i32>} : memref<4000xi32, #tpu.memory_space<vmem>>, vector<16xi32>,
        %add3A_135 = arith.constant 64 : i32
        %add3A_136 = arith.addi %mul3A_119, %add3A_135 : i32
        %get3A_137 = arith.index_cast %add3A_136 : i32 to index
        %get3A_138 = tpu.vector_load %arg7[%get3A_137] {strides = array<i32>} : memref<4000xi32, #tpu.memory_space<vmem>>, vector<16xi32>,
        %add3A_139 = arith.constant 0 : i32
        %add3A_140 = arith.addi %mul3A_119, %add3A_139 : i32
        %get3A_141 = arith.index_cast %add3A_140 : i32 to index
        %get3A_142 = tpu.vector_load %arg8[%get3A_141] {strides = array<i32>} : memref<4000xf32, #tpu.memory_space<vmem>>, vector<16xf32>,
        %add3A_143 = arith.constant 16 : i32
        %add3A_144 = arith.addi %mul3A_119, %add3A_143 : i32
        %get3A_145 = arith.index_cast %add3A_144 : i32 to index
        %get3A_146 = tpu.vector_load %arg8[%get3A_145] {strides = array<i32>} : memref<4000xf32, #tpu.memory_space<vmem>>, vector<16xf32>,
        %add3A_147 = arith.constant 32 : i32
        %add3A_148 = arith.addi %mul3A_119, %add3A_147 : i32
        %get3A_149 = arith.index_cast %add3A_148 : i32 to index
        %get3A_150 = tpu.vector_load %arg8[%get3A_149] {strides = array<i32>} : memref<4000xf32, #tpu.memory_space<vmem>>, vector<16xf32>,
        %add3A_151 = arith.constant 48 : i32
        %add3A_152 = arith.addi %mul3A_119, %add3A_151 : i32
        %get3A_153 = arith.index_cast %add3A_152 : i32 to index
        %get3A_154 = tpu.vector_load %arg8[%get3A_153] {strides = array<i32>} : memref<4000xf32, #tpu.memory_space<vmem>>, vector<16xf32>,
        %add3A_155 = arith.constant 64 : i32
        %add3A_156 = arith.addi %mul3A_119, %add3A_155 : i32
        %get3A_157 = arith.index_cast %add3A_156 : i32 to index
        %get3A_158 = tpu.vector_load %arg8[%get3A_157] {strides = array<i32>} : memref<4000xf32, #tpu.memory_space<vmem>>, vector<16xf32>,
        %gather3A = tpu.vector_load_idx %arg6[%get3A_122] : memref<102400xf32, #tpu.memory_space<vmem>>[vector<16xi32>], vector<16xf32>,
        %gather3A_159 = tpu.vector_load_idx %arg6[%get3A_126] : memref<102400xf32, #tpu.memory_space<vmem>>[vector<16xi32>], vector<16xf32>,
        %gather3A_160 = tpu.vector_load_idx %arg6[%get3A_130] : memref<102400xf32, #tpu.memory_space<vmem>>[vector<16xi32>], vector<16xf32>,
        %gather3A_161 = tpu.vector_load_idx %arg6[%get3A_134] : memref<102400xf32, #tpu.memory_space<vmem>>[vector<16xi32>], vector<16xf32>,
        %gather3A_162 = tpu.vector_load_idx %arg6[%get3A_138] : memref<102400xf32, #tpu.memory_space<vmem>>[vector<16xi32>], vector<16xf32>,
        %max3A = arith.maximumf %gather3A, %get3A_142 : vector<16xf32>
        %max3A_163 = arith.maximumf %gather3A_159, %get3A_146 : vector<16xf32>
        %max3A_164 = arith.maximumf %gather3A_160, %get3A_150 : vector<16xf32>
        %max3A_165 = arith.maximumf %gather3A_161, %get3A_154 : vector<16xf32>
        %max3A_166 = arith.maximumf %gather3A_162, %get3A_158 : vector<16xf32>
        tpu.vector_store_idx %arg6[%get3A_122], %max3A : memref<102400xf32, #tpu.memory_space<vmem>>[vector<16xi32>], vector<16xf32>,
        tpu.vector_store_idx %arg6[%get3A_126], %max3A_163 : memref<102400xf32, #tpu.memory_space<vmem>>[vector<16xi32>], vector<16xf32>,
        tpu.vector_store_idx %arg6[%get3A_130], %max3A_164 : memref<102400xf32, #tpu.memory_space<vmem>>[vector<16xi32>], vector<16xf32>,
        tpu.vector_store_idx %arg6[%get3A_134], %max3A_165 : memref<102400xf32, #tpu.memory_space<vmem>>[vector<16xi32>], vector<16xf32>,
        tpu.vector_store_idx %arg6[%get3A_138], %max3A_166 : memref<102400xf32, #tpu.memory_space<vmem>>[vector<16xi32>], vector<16xf32>,
        %gather3A_167 = tpu.vector_load_idx %arg6[%get3A_122] : memref<102400xf32, #tpu.memory_space<vmem>>[vector<16xi32>], vector<16xf32>,
        %gather3A_168 = tpu.vector_load_idx %arg6[%get3A_126] : memref<102400xf32, #tpu.memory_space<vmem>>[vector<16xi32>], vector<16xf32>,
        %gather3A_169 = tpu.vector_load_idx %arg6[%get3A_130] : memref<102400xf32, #tpu.memory_space<vmem>>[vector<16xi32>], vector<16xf32>,
        %gather3A_170 = tpu.vector_load_idx %arg6[%get3A_134] : memref<102400xf32, #tpu.memory_space<vmem>>[vector<16xi32>], vector<16xf32>,
        %gather3A_171 = tpu.vector_load_idx %arg6[%get3A_138] : memref<102400xf32, #tpu.memory_space<vmem>>[vector<16xi32>], vector<16xf32>,
        %lt3A = arith.cmpf olt, %gather3A_167, %max3A : vector<16xf32>
        %lt3A_172 = arith.cmpf olt, %gather3A_168, %max3A_163 : vector<16xf32>
        %or3A = arith.ori %lt3A, %lt3A_172 : vector<16xi1>
        %lt3A_173 = arith.cmpf olt, %gather3A_169, %max3A_164 : vector<16xf32>
        %or3A_174 = arith.ori %or3A, %lt3A_173 : vector<16xi1>
        %lt3A_175 = arith.cmpf olt, %gather3A_170, %max3A_165 : vector<16xf32>
        %or3A_176 = arith.ori %or3A_174, %lt3A_175 : vector<16xi1>
        %lt3A_177 = arith.cmpf olt, %gather3A_171, %max3A_166 : vector<16xf32>
        %or3A_178 = arith.ori %or3A_176, %lt3A_177 : vector<16xi1>
        %reduce_or3A = arith.constant 1.000000e+00 : f32
        %reduce_or3A_179 = arith.constant 0.000000e+00 : f32
        %reduce_or3A_180 = vector.broadcast %reduce_or3A : f32 to vector<16xf32>
        %reduce_or3A_181 = vector.broadcast %reduce_or3A_179 : f32 to vector<16xf32>
        %reduce_or3A_182 = arith.select %or3A_178, %reduce_or3A_180, %reduce_or3A_181 : vector<16xi1>, vector<16xf32>
        %reduce_or3A_183 = arith.constant true
        %reduce_or3A_184 = vector.broadcast %reduce_or3A_183 : i1 to vector<16xi1>
        %reduce_or3A_185 = tpu.scan <max>, %reduce_or3A_182 masked %reduce_or3A_184 : vector<16xf32>, vector<16xi1> -> vector<16xf32>
        %reduce_or3A_186 = vector.extract %reduce_or3A_185[15] : f32 from vector<16xf32>
        %reduce_or3A_187 = arith.constant 0.000000e+00 : f32
        %reduce_or3A_188 = arith.cmpf ogt, %reduce_or3A_186, %reduce_or3A_187 : f32
        %convert_element_type3A = arith.extui %reduce_or3A_188 : i1 to i32
        %cond3A = arith.constant 0 : i32
        %cond3A_189 = arith.cmpi ne, %convert_element_type3A, %cond3A : i32
        scf.if %cond3A_189 {
          %gather3A_190 = tpu.vector_load_idx %arg6[%get3A_122] : memref<102400xf32, #tpu.memory_space<vmem>>[vector<16xi32>], vector<16xf32>,
          %max3A_191 = arith.maximumf %gather3A_190, %get3A_142 : vector<16xf32>
          tpu.vector_store_idx %arg6[%get3A_122], %max3A_191 : memref<102400xf32, #tpu.memory_space<vmem>>[vector<16xi32>], vector<16xf32>,
          %gather3A_192 = tpu.vector_load_idx %arg6[%get3A_122] : memref<102400xf32, #tpu.memory_space<vmem>>[vector<16xi32>], vector<16xf32>,
          %lt3A_193 = arith.cmpf olt, %gather3A_192, %max3A_191 : vector<16xf32>
          %convert_element_type3A_194 = arith.extui %lt3A_193 : vector<16xi1> to vector<16xi32>
          %reduce_max3A = arith.constant true
          %reduce_max3A_195 = vector.broadcast %reduce_max3A : i1 to vector<16xi1>
          %reduce_max3A_196 = arith.constant -2147483648 : i32
          %reduce_max3A_197 = vector.broadcast %reduce_max3A_196 : i32 to vector<16xi32>
          %reduce_max3A_198 = arith.xori %convert_element_type3A_194, %reduce_max3A_197 : vector<16xi32>
          %reduce_max3A_199 = tpu.scan <max>, %reduce_max3A_198 masked %reduce_max3A_195 : vector<16xi32>, vector<16xi1> -> vector<16xi32>
          %reduce_max3A_200 = arith.xori %reduce_max3A_199, %reduce_max3A_197 : vector<16xi32>
          %reduce_max3A_201 = vector.extract %reduce_max3A_200[15] : i32 from vector<16xi32>
          %gt3A = arith.constant 0 : i32
          %gt3A_202 = arith.cmpi sgt, %reduce_max3A_201, %gt3A : i32
          %convert_element_type3A_203 = arith.extui %gt3A_202 : i1 to i32
          %cond3A_204 = arith.constant 0 : i32
          %cond3A_205 = arith.cmpi ne, %convert_element_type3A_203, %cond3A_204 : i32
          scf.if %cond3A_205 {
            %scan3A_278 = arith.constant 0 : i32
            %scan3A_279 = arith.constant 15 : i32
            %scan3A_280 = arith.addi %scan3A_278, %scan3A_279 : i32
            %scan3A_281 = arith.constant 1 : i32
            %scan3A_282 = scf.for %scan3A_284 = %scan3A_278 to %scan3A_280 step %scan3A_281 iter_args(%scan3A_285 = %convert_element_type3A_194) -> (vector<16xi32>)  : i32 {
              %gt3A_286 = arith.constant 0 : i32
              %gt3A_287 = vector.broadcast %gt3A_286 : i32 to vector<16xi32>
              %gt3A_288 = arith.cmpi sgt, %scan3A_285, %gt3A_287 : vector<16xi32>
              %gather3A_289 = tpu.vector_load_idx %arg6[%get3A_122] : memref<102400xf32, #tpu.memory_space<vmem>>[vector<16xi32>], vector<16xf32>,
              %max3A_290 = arith.maximumf %gather3A_289, %get3A_142 : vector<16xf32>
              tpu.vector_store_idx %arg6[%get3A_122], %max3A_290 masked %gt3A_288 : memref<102400xf32, #tpu.memory_space<vmem>>[vector<16xi32>], vector<16xf32>, vector<16xi1>
              %gather3A_291 = tpu.vector_load_idx %arg6[%get3A_122] : memref<102400xf32, #tpu.memory_space<vmem>>[vector<16xi32>], vector<16xf32>,
              %lt3A_292 = arith.cmpf olt, %gather3A_291, %max3A_290 : vector<16xf32>
              %and3A = arith.andi %lt3A_292, %gt3A_288 : vector<16xi1>
              %convert_element_type3A_293 = arith.extui %and3A : vector<16xi1> to vector<16xi32>
              scf.yield %convert_element_type3A_293 : vector<16xi32>
            }
            %scan3A_283 = arith.constant 15 : i32
          } else {
          }
          %gather3A_206 = tpu.vector_load_idx %arg6[%get3A_126] : memref<102400xf32, #tpu.memory_space<vmem>>[vector<16xi32>], vector<16xf32>,
          %max3A_207 = arith.maximumf %gather3A_206, %get3A_146 : vector<16xf32>
          tpu.vector_store_idx %arg6[%get3A_126], %max3A_207 : memref<102400xf32, #tpu.memory_space<vmem>>[vector<16xi32>], vector<16xf32>,
          %gather3A_208 = tpu.vector_load_idx %arg6[%get3A_126] : memref<102400xf32, #tpu.memory_space<vmem>>[vector<16xi32>], vector<16xf32>,
          %lt3A_209 = arith.cmpf olt, %gather3A_208, %max3A_207 : vector<16xf32>
          %convert_element_type3A_210 = arith.extui %lt3A_209 : vector<16xi1> to vector<16xi32>
          %reduce_max3A_211 = arith.constant true
          %reduce_max3A_212 = vector.broadcast %reduce_max3A_211 : i1 to vector<16xi1>
          %reduce_max3A_213 = arith.constant -2147483648 : i32
          %reduce_max3A_214 = vector.broadcast %reduce_max3A_213 : i32 to vector<16xi32>
          %reduce_max3A_215 = arith.xori %convert_element_type3A_210, %reduce_max3A_214 : vector<16xi32>
          %reduce_max3A_216 = tpu.scan <max>, %reduce_max3A_215 masked %reduce_max3A_212 : vector<16xi32>, vector<16xi1> -> vector<16xi32>
          %reduce_max3A_217 = arith.xori %reduce_max3A_216, %reduce_max3A_214 : vector<16xi32>
          %reduce_max3A_218 = vector.extract %reduce_max3A_217[15] : i32 from vector<16xi32>
          %gt3A_219 = arith.constant 0 : i32
          %gt3A_220 = arith.cmpi sgt, %reduce_max3A_218, %gt3A_219 : i32
          %convert_element_type3A_221 = arith.extui %gt3A_220 : i1 to i32
          %cond3A_222 = arith.constant 0 : i32
          %cond3A_223 = arith.cmpi ne, %convert_element_type3A_221, %cond3A_222 : i32
          scf.if %cond3A_223 {
            %scan3A_278 = arith.constant 0 : i32
            %scan3A_279 = arith.constant 15 : i32
            %scan3A_280 = arith.addi %scan3A_278, %scan3A_279 : i32
            %scan3A_281 = arith.constant 1 : i32
            %scan3A_282 = scf.for %scan3A_284 = %scan3A_278 to %scan3A_280 step %scan3A_281 iter_args(%scan3A_285 = %convert_element_type3A_210) -> (vector<16xi32>)  : i32 {
              %gt3A_286 = arith.constant 0 : i32
              %gt3A_287 = vector.broadcast %gt3A_286 : i32 to vector<16xi32>
              %gt3A_288 = arith.cmpi sgt, %scan3A_285, %gt3A_287 : vector<16xi32>
              %gather3A_289 = tpu.vector_load_idx %arg6[%get3A_126] : memref<102400xf32, #tpu.memory_space<vmem>>[vector<16xi32>], vector<16xf32>,
              %max3A_290 = arith.maximumf %gather3A_289, %get3A_146 : vector<16xf32>
              tpu.vector_store_idx %arg6[%get3A_126], %max3A_290 masked %gt3A_288 : memref<102400xf32, #tpu.memory_space<vmem>>[vector<16xi32>], vector<16xf32>, vector<16xi1>
              %gather3A_291 = tpu.vector_load_idx %arg6[%get3A_126] : memref<102400xf32, #tpu.memory_space<vmem>>[vector<16xi32>], vector<16xf32>,
              %lt3A_292 = arith.cmpf olt, %gather3A_291, %max3A_290 : vector<16xf32>
              %and3A = arith.andi %lt3A_292, %gt3A_288 : vector<16xi1>
              %convert_element_type3A_293 = arith.extui %and3A : vector<16xi1> to vector<16xi32>
              scf.yield %convert_element_type3A_293 : vector<16xi32>
            }
            %scan3A_283 = arith.constant 15 : i32
          } else {
          }
          %gather3A_224 = tpu.vector_load_idx %arg6[%get3A_130] : memref<102400xf32, #tpu.memory_space<vmem>>[vector<16xi32>], vector<16xf32>,
          %max3A_225 = arith.maximumf %gather3A_224, %get3A_150 : vector<16xf32>
          tpu.vector_store_idx %arg6[%get3A_130], %max3A_225 : memref<102400xf32, #tpu.memory_space<vmem>>[vector<16xi32>], vector<16xf32>,
          %gather3A_226 = tpu.vector_load_idx %arg6[%get3A_130] : memref<102400xf32, #tpu.memory_space<vmem>>[vector<16xi32>], vector<16xf32>,
          %lt3A_227 = arith.cmpf olt, %gather3A_226, %max3A_225 : vector<16xf32>
          %convert_element_type3A_228 = arith.extui %lt3A_227 : vector<16xi1> to vector<16xi32>
          %reduce_max3A_229 = arith.constant true
          %reduce_max3A_230 = vector.broadcast %reduce_max3A_229 : i1 to vector<16xi1>
          %reduce_max3A_231 = arith.constant -2147483648 : i32
          %reduce_max3A_232 = vector.broadcast %reduce_max3A_231 : i32 to vector<16xi32>
          %reduce_max3A_233 = arith.xori %convert_element_type3A_228, %reduce_max3A_232 : vector<16xi32>
          %reduce_max3A_234 = tpu.scan <max>, %reduce_max3A_233 masked %reduce_max3A_230 : vector<16xi32>, vector<16xi1> -> vector<16xi32>
          %reduce_max3A_235 = arith.xori %reduce_max3A_234, %reduce_max3A_232 : vector<16xi32>
          %reduce_max3A_236 = vector.extract %reduce_max3A_235[15] : i32 from vector<16xi32>
          %gt3A_237 = arith.constant 0 : i32
          %gt3A_238 = arith.cmpi sgt, %reduce_max3A_236, %gt3A_237 : i32
          %convert_element_type3A_239 = arith.extui %gt3A_238 : i1 to i32
          %cond3A_240 = arith.constant 0 : i32
          %cond3A_241 = arith.cmpi ne, %convert_element_type3A_239, %cond3A_240 : i32
          scf.if %cond3A_241 {
            %scan3A_278 = arith.constant 0 : i32
            %scan3A_279 = arith.constant 15 : i32
            %scan3A_280 = arith.addi %scan3A_278, %scan3A_279 : i32
            %scan3A_281 = arith.constant 1 : i32
            %scan3A_282 = scf.for %scan3A_284 = %scan3A_278 to %scan3A_280 step %scan3A_281 iter_args(%scan3A_285 = %convert_element_type3A_228) -> (vector<16xi32>)  : i32 {
              %gt3A_286 = arith.constant 0 : i32
              %gt3A_287 = vector.broadcast %gt3A_286 : i32 to vector<16xi32>
              %gt3A_288 = arith.cmpi sgt, %scan3A_285, %gt3A_287 : vector<16xi32>
              %gather3A_289 = tpu.vector_load_idx %arg6[%get3A_130] : memref<102400xf32, #tpu.memory_space<vmem>>[vector<16xi32>], vector<16xf32>,
              %max3A_290 = arith.maximumf %gather3A_289, %get3A_150 : vector<16xf32>
              tpu.vector_store_idx %arg6[%get3A_130], %max3A_290 masked %gt3A_288 : memref<102400xf32, #tpu.memory_space<vmem>>[vector<16xi32>], vector<16xf32>, vector<16xi1>
              %gather3A_291 = tpu.vector_load_idx %arg6[%get3A_130] : memref<102400xf32, #tpu.memory_space<vmem>>[vector<16xi32>], vector<16xf32>,
              %lt3A_292 = arith.cmpf olt, %gather3A_291, %max3A_290 : vector<16xf32>
              %and3A = arith.andi %lt3A_292, %gt3A_288 : vector<16xi1>
              %convert_element_type3A_293 = arith.extui %and3A : vector<16xi1> to vector<16xi32>
              scf.yield %convert_element_type3A_293 : vector<16xi32>
            }
            %scan3A_283 = arith.constant 15 : i32
          } else {
          }
          %gather3A_242 = tpu.vector_load_idx %arg6[%get3A_134] : memref<102400xf32, #tpu.memory_space<vmem>>[vector<16xi32>], vector<16xf32>,
          %max3A_243 = arith.maximumf %gather3A_242, %get3A_154 : vector<16xf32>
          tpu.vector_store_idx %arg6[%get3A_134], %max3A_243 : memref<102400xf32, #tpu.memory_space<vmem>>[vector<16xi32>], vector<16xf32>,
          %gather3A_244 = tpu.vector_load_idx %arg6[%get3A_134] : memref<102400xf32, #tpu.memory_space<vmem>>[vector<16xi32>], vector<16xf32>,
          %lt3A_245 = arith.cmpf olt, %gather3A_244, %max3A_243 : vector<16xf32>
          %convert_element_type3A_246 = arith.extui %lt3A_245 : vector<16xi1> to vector<16xi32>
          %reduce_max3A_247 = arith.constant true
          %reduce_max3A_248 = vector.broadcast %reduce_max3A_247 : i1 to vector<16xi1>
          %reduce_max3A_249 = arith.constant -2147483648 : i32
          %reduce_max3A_250 = vector.broadcast %reduce_max3A_249 : i32 to vector<16xi32>
          %reduce_max3A_251 = arith.xori %convert_element_type3A_246, %reduce_max3A_250 : vector<16xi32>
          %reduce_max3A_252 = tpu.scan <max>, %reduce_max3A_251 masked %reduce_max3A_248 : vector<16xi32>, vector<16xi1> -> vector<16xi32>
          %reduce_max3A_253 = arith.xori %reduce_max3A_252, %reduce_max3A_250 : vector<16xi32>
          %reduce_max3A_254 = vector.extract %reduce_max3A_253[15] : i32 from vector<16xi32>
          %gt3A_255 = arith.constant 0 : i32
          %gt3A_256 = arith.cmpi sgt, %reduce_max3A_254, %gt3A_255 : i32
          %convert_element_type3A_257 = arith.extui %gt3A_256 : i1 to i32
          %cond3A_258 = arith.constant 0 : i32
          %cond3A_259 = arith.cmpi ne, %convert_element_type3A_257, %cond3A_258 : i32
          scf.if %cond3A_259 {
            %scan3A_278 = arith.constant 0 : i32
            %scan3A_279 = arith.constant 15 : i32
            %scan3A_280 = arith.addi %scan3A_278, %scan3A_279 : i32
            %scan3A_281 = arith.constant 1 : i32
            %scan3A_282 = scf.for %scan3A_284 = %scan3A_278 to %scan3A_280 step %scan3A_281 iter_args(%scan3A_285 = %convert_element_type3A_246) -> (vector<16xi32>)  : i32 {
              %gt3A_286 = arith.constant 0 : i32
              %gt3A_287 = vector.broadcast %gt3A_286 : i32 to vector<16xi32>
              %gt3A_288 = arith.cmpi sgt, %scan3A_285, %gt3A_287 : vector<16xi32>
              %gather3A_289 = tpu.vector_load_idx %arg6[%get3A_134] : memref<102400xf32, #tpu.memory_space<vmem>>[vector<16xi32>], vector<16xf32>,
              %max3A_290 = arith.maximumf %gather3A_289, %get3A_154 : vector<16xf32>
              tpu.vector_store_idx %arg6[%get3A_134], %max3A_290 masked %gt3A_288 : memref<102400xf32, #tpu.memory_space<vmem>>[vector<16xi32>], vector<16xf32>, vector<16xi1>
              %gather3A_291 = tpu.vector_load_idx %arg6[%get3A_134] : memref<102400xf32, #tpu.memory_space<vmem>>[vector<16xi32>], vector<16xf32>,
              %lt3A_292 = arith.cmpf olt, %gather3A_291, %max3A_290 : vector<16xf32>
              %and3A = arith.andi %lt3A_292, %gt3A_288 : vector<16xi1>
              %convert_element_type3A_293 = arith.extui %and3A : vector<16xi1> to vector<16xi32>
              scf.yield %convert_element_type3A_293 : vector<16xi32>
            }
            %scan3A_283 = arith.constant 15 : i32
          } else {
          }
          %gather3A_260 = tpu.vector_load_idx %arg6[%get3A_138] : memref<102400xf32, #tpu.memory_space<vmem>>[vector<16xi32>], vector<16xf32>,
          %max3A_261 = arith.maximumf %gather3A_260, %get3A_158 : vector<16xf32>
          tpu.vector_store_idx %arg6[%get3A_138], %max3A_261 : memref<102400xf32, #tpu.memory_space<vmem>>[vector<16xi32>], vector<16xf32>,
          %gather3A_262 = tpu.vector_load_idx %arg6[%get3A_138] : memref<102400xf32, #tpu.memory_space<vmem>>[vector<16xi32>], vector<16xf32>,
          %lt3A_263 = arith.cmpf olt, %gather3A_262, %max3A_261 : vector<16xf32>
          %convert_element_type3A_264 = arith.extui %lt3A_263 : vector<16xi1> to vector<16xi32>
          %reduce_max3A_265 = arith.constant true
          %reduce_max3A_266 = vector.broadcast %reduce_max3A_265 : i1 to vector<16xi1>
          %reduce_max3A_267 = arith.constant -2147483648 : i32
          %reduce_max3A_268 = vector.broadcast %reduce_max3A_267 : i32 to vector<16xi32>
          %reduce_max3A_269 = arith.xori %convert_element_type3A_264, %reduce_max3A_268 : vector<16xi32>
          %reduce_max3A_270 = tpu.scan <max>, %reduce_max3A_269 masked %reduce_max3A_266 : vector<16xi32>, vector<16xi1> -> vector<16xi32>
          %reduce_max3A_271 = arith.xori %reduce_max3A_270, %reduce_max3A_268 : vector<16xi32>
          %reduce_max3A_272 = vector.extract %reduce_max3A_271[15] : i32 from vector<16xi32>
          %gt3A_273 = arith.constant 0 : i32
          %gt3A_274 = arith.cmpi sgt, %reduce_max3A_272, %gt3A_273 : i32
          %convert_element_type3A_275 = arith.extui %gt3A_274 : i1 to i32
          %cond3A_276 = arith.constant 0 : i32
          %cond3A_277 = arith.cmpi ne, %convert_element_type3A_275, %cond3A_276 : i32
          scf.if %cond3A_277 {
            %scan3A_278 = arith.constant 0 : i32
            %scan3A_279 = arith.constant 15 : i32
            %scan3A_280 = arith.addi %scan3A_278, %scan3A_279 : i32
            %scan3A_281 = arith.constant 1 : i32
            %scan3A_282 = scf.for %scan3A_284 = %scan3A_278 to %scan3A_280 step %scan3A_281 iter_args(%scan3A_285 = %convert_element_type3A_264) -> (vector<16xi32>)  : i32 {
              %gt3A_286 = arith.constant 0 : i32
              %gt3A_287 = vector.broadcast %gt3A_286 : i32 to vector<16xi32>
              %gt3A_288 = arith.cmpi sgt, %scan3A_285, %gt3A_287 : vector<16xi32>
              %gather3A_289 = tpu.vector_load_idx %arg6[%get3A_138] : memref<102400xf32, #tpu.memory_space<vmem>>[vector<16xi32>], vector<16xf32>,
              %max3A_290 = arith.maximumf %gather3A_289, %get3A_158 : vector<16xf32>
              tpu.vector_store_idx %arg6[%get3A_138], %max3A_290 masked %gt3A_288 : memref<102400xf32, #tpu.memory_space<vmem>>[vector<16xi32>], vector<16xf32>, vector<16xi1>
              %gather3A_291 = tpu.vector_load_idx %arg6[%get3A_138] : memref<102400xf32, #tpu.memory_space<vmem>>[vector<16xi32>], vector<16xf32>,
              %lt3A_292 = arith.cmpf olt, %gather3A_291, %max3A_290 : vector<16xf32>
              %and3A = arith.andi %lt3A_292, %gt3A_288 : vector<16xi1>
              %convert_element_type3A_293 = arith.extui %and3A : vector<16xi1> to vector<16xi32>
              scf.yield %convert_element_type3A_293 : vector<16xi32>
            }
            %scan3A_283 = arith.constant 15 : i32
          } else {
          }
        } else {
        }
      }
      %scan3A_74 = arith.constant 50 : i32
      %add3A_75 = arith.constant 2 : i32
      %add3A_76 = arith.addi %mul3A_58, %add3A_75 : i32
      %min3A_77 = arith.constant 99 : i32
      %min3A_78 = arith.minsi %add3A_76, %min3A_77 : i32
      %mul3A_79 = arith.constant 4000 : i32
      %mul3A_80 = arith.muli %min3A_78, %mul3A_79 : i32
      %add3A_81 = arith.addi %add3A, %mul3A_80 : i32
      %dma_start3A_82 = tpu.memref_slice %arg2[%add3A_81] : memref<12800000xi32, #tpu.memory_space<hbm>> -> memref<4000xi32, #tpu.memory_space<hbm>>
      %dma_start3A_83 = tpu.memref_slice %arg2[%add3A_81] : memref<12800000xi32, #tpu.memory_space<hbm>> -> memref<4000xi32, #tpu.memory_space<hbm>>
      tpu.enqueue_dma source(%dma_start3A_83 : memref<4000xi32, #tpu.memory_space<hbm>>) target(%arg7 : memref<4000xi32, #tpu.memory_space<vmem>>) target_semaphore(%arg11 : memref<!tpu.dma_semaphore, #tpu.memory_space<semaphore_mem>>)
      %add3A_84 = arith.addi %mul3A_4, %mul3A_80 : i32
      %dma_start3A_85 = tpu.memref_slice %arg3[%add3A_84] : memref<6400000xf32, #tpu.memory_space<hbm>> -> memref<4000xf32, #tpu.memory_space<hbm>>
      %dma_start3A_86 = tpu.memref_slice %arg3[%add3A_84] : memref<6400000xf32, #tpu.memory_space<hbm>> -> memref<4000xf32, #tpu.memory_space<hbm>>
      tpu.enqueue_dma source(%dma_start3A_86 : memref<4000xf32, #tpu.memory_space<hbm>>) target(%arg8 : memref<4000xf32, #tpu.memory_space<vmem>>) target_semaphore(%arg11 : memref<!tpu.dma_semaphore, #tpu.memory_space<semaphore_mem>>)
      %add3A_87 = arith.constant 1 : i32
      %add3A_88 = arith.addi %mul3A_58, %add3A_87 : i32
      %min3A_89 = arith.constant 99 : i32
      %min3A_90 = arith.minsi %add3A_88, %min3A_89 : i32
      %mul3A_91 = arith.constant 4000 : i32
      %mul3A_92 = arith.muli %min3A_90, %mul3A_91 : i32
      %add3A_93 = arith.addi %add3A, %mul3A_92 : i32
      %dma_wait3A_94 = tpu.memref_slice %arg2[%add3A_93] : memref<12800000xi32, #tpu.memory_space<hbm>> -> memref<4000xi32, #tpu.memory_space<hbm>>
      %dma_wait3A_95 = tpu.memref_slice %arg2[%add3A_93] : memref<12800000xi32, #tpu.memory_space<hbm>> -> memref<4000xi32, #tpu.memory_space<hbm>>
      tpu.wait_dma2 semaphore(%arg12 : memref<!tpu.dma_semaphore, #tpu.memory_space<semaphore_mem>>) src(%dma_wait3A_95 : memref<4000xi32, #tpu.memory_space<hbm>>) dst(%arg9 : memref<4000xi32, #tpu.memory_space<vmem>>)
      %add3A_96 = arith.addi %mul3A_4, %mul3A_92 : i32
      %dma_wait3A_97 = tpu.memref_slice %arg3[%add3A_96] : memref<6400000xf32, #tpu.memory_space<hbm>> -> memref<4000xf32, #tpu.memory_space<hbm>>
      %dma_wait3A_98 = tpu.memref_slice %arg3[%add3A_96] : memref<6400000xf32, #tpu.memory_space<hbm>> -> memref<4000xf32, #tpu.memory_space<hbm>>
      tpu.wait_dma2 semaphore(%arg12 : memref<!tpu.dma_semaphore, #tpu.memory_space<semaphore_mem>>) src(%dma_wait3A_98 : memref<4000xf32, #tpu.memory_space<hbm>>) dst(%arg10 : memref<4000xf32, #tpu.memory_space<vmem>>)
      %scan3A_99 = arith.constant 0 : i32
      %scan3A_100 = arith.constant 0 : i32
      %scan3A_101 = arith.constant 50 : i32
      %scan3A_102 = arith.addi %scan3A_100, %scan3A_101 : i32
      %scan3A_103 = arith.constant 1 : i32
      scf.for %scan3A_117 = %scan3A_100 to %scan3A_102 step %scan3A_103  : i32 {
        %mul3A_118 = arith.constant 80 : i32
        %mul3A_119 = arith.muli %scan3A_117, %mul3A_118 : i32
        %add3A_120 = arith.constant 0 : i32
        %add3A_121 = arith.addi %mul3A_119, %add3A_120 : i32
        %get3A = arith.index_cast %add3A_121 : i32 to index
        %get3A_122 = tpu.vector_load %arg9[%get3A] {strides = array<i32>} : memref<4000xi32, #tpu.memory_space<vmem>>, vector<16xi32>,
        %add3A_123 = arith.constant 16 : i32
        %add3A_124 = arith.addi %mul3A_119, %add3A_123 : i32
        %get3A_125 = arith.index_cast %add3A_124 : i32 to index
        %get3A_126 = tpu.vector_load %arg9[%get3A_125] {strides = array<i32>} : memref<4000xi32, #tpu.memory_space<vmem>>, vector<16xi32>,
        %add3A_127 = arith.constant 32 : i32
        %add3A_128 = arith.addi %mul3A_119, %add3A_127 : i32
        %get3A_129 = arith.index_cast %add3A_128 : i32 to index
        %get3A_130 = tpu.vector_load %arg9[%get3A_129] {strides = array<i32>} : memref<4000xi32, #tpu.memory_space<vmem>>, vector<16xi32>,
        %add3A_131 = arith.constant 48 : i32
        %add3A_132 = arith.addi %mul3A_119, %add3A_131 : i32
        %get3A_133 = arith.index_cast %add3A_132 : i32 to index
        %get3A_134 = tpu.vector_load %arg9[%get3A_133] {strides = array<i32>} : memref<4000xi32, #tpu.memory_space<vmem>>, vector<16xi32>,
        %add3A_135 = arith.constant 64 : i32
        %add3A_136 = arith.addi %mul3A_119, %add3A_135 : i32
        %get3A_137 = arith.index_cast %add3A_136 : i32 to index
        %get3A_138 = tpu.vector_load %arg9[%get3A_137] {strides = array<i32>} : memref<4000xi32, #tpu.memory_space<vmem>>, vector<16xi32>,
        %add3A_139 = arith.constant 0 : i32
        %add3A_140 = arith.addi %mul3A_119, %add3A_139 : i32
        %get3A_141 = arith.index_cast %add3A_140 : i32 to index
        %get3A_142 = tpu.vector_load %arg10[%get3A_141] {strides = array<i32>} : memref<4000xf32, #tpu.memory_space<vmem>>, vector<16xf32>,
        %add3A_143 = arith.constant 16 : i32
        %add3A_144 = arith.addi %mul3A_119, %add3A_143 : i32
        %get3A_145 = arith.index_cast %add3A_144 : i32 to index
        %get3A_146 = tpu.vector_load %arg10[%get3A_145] {strides = array<i32>} : memref<4000xf32, #tpu.memory_space<vmem>>, vector<16xf32>,
        %add3A_147 = arith.constant 32 : i32
        %add3A_148 = arith.addi %mul3A_119, %add3A_147 : i32
        %get3A_149 = arith.index_cast %add3A_148 : i32 to index
        %get3A_150 = tpu.vector_load %arg10[%get3A_149] {strides = array<i32>} : memref<4000xf32, #tpu.memory_space<vmem>>, vector<16xf32>,
        %add3A_151 = arith.constant 48 : i32
        %add3A_152 = arith.addi %mul3A_119, %add3A_151 : i32
        %get3A_153 = arith.index_cast %add3A_152 : i32 to index
        %get3A_154 = tpu.vector_load %arg10[%get3A_153] {strides = array<i32>} : memref<4000xf32, #tpu.memory_space<vmem>>, vector<16xf32>,
        %add3A_155 = arith.constant 64 : i32
        %add3A_156 = arith.addi %mul3A_119, %add3A_155 : i32
        %get3A_157 = arith.index_cast %add3A_156 : i32 to index
        %get3A_158 = tpu.vector_load %arg10[%get3A_157] {strides = array<i32>} : memref<4000xf32, #tpu.memory_space<vmem>>, vector<16xf32>,
        %gather3A = tpu.vector_load_idx %arg6[%get3A_122] : memref<102400xf32, #tpu.memory_space<vmem>>[vector<16xi32>], vector<16xf32>,
        %gather3A_159 = tpu.vector_load_idx %arg6[%get3A_126] : memref<102400xf32, #tpu.memory_space<vmem>>[vector<16xi32>], vector<16xf32>,
        %gather3A_160 = tpu.vector_load_idx %arg6[%get3A_130] : memref<102400xf32, #tpu.memory_space<vmem>>[vector<16xi32>], vector<16xf32>,
        %gather3A_161 = tpu.vector_load_idx %arg6[%get3A_134] : memref<102400xf32, #tpu.memory_space<vmem>>[vector<16xi32>], vector<16xf32>,
        %gather3A_162 = tpu.vector_load_idx %arg6[%get3A_138] : memref<102400xf32, #tpu.memory_space<vmem>>[vector<16xi32>], vector<16xf32>,
        %max3A = arith.maximumf %gather3A, %get3A_142 : vector<16xf32>
        %max3A_163 = arith.maximumf %gather3A_159, %get3A_146 : vector<16xf32>
        %max3A_164 = arith.maximumf %gather3A_160, %get3A_150 : vector<16xf32>
        %max3A_165 = arith.maximumf %gather3A_161, %get3A_154 : vector<16xf32>
        %max3A_166 = arith.maximumf %gather3A_162, %get3A_158 : vector<16xf32>
        tpu.vector_store_idx %arg6[%get3A_122], %max3A : memref<102400xf32, #tpu.memory_space<vmem>>[vector<16xi32>], vector<16xf32>,
        tpu.vector_store_idx %arg6[%get3A_126], %max3A_163 : memref<102400xf32, #tpu.memory_space<vmem>>[vector<16xi32>], vector<16xf32>,
        tpu.vector_store_idx %arg6[%get3A_130], %max3A_164 : memref<102400xf32, #tpu.memory_space<vmem>>[vector<16xi32>], vector<16xf32>,
        tpu.vector_store_idx %arg6[%get3A_134], %max3A_165 : memref<102400xf32, #tpu.memory_space<vmem>>[vector<16xi32>], vector<16xf32>,
        tpu.vector_store_idx %arg6[%get3A_138], %max3A_166 : memref<102400xf32, #tpu.memory_space<vmem>>[vector<16xi32>], vector<16xf32>,
        %gather3A_167 = tpu.vector_load_idx %arg6[%get3A_122] : memref<102400xf32, #tpu.memory_space<vmem>>[vector<16xi32>], vector<16xf32>,
        %gather3A_168 = tpu.vector_load_idx %arg6[%get3A_126] : memref<102400xf32, #tpu.memory_space<vmem>>[vector<16xi32>], vector<16xf32>,
        %gather3A_169 = tpu.vector_load_idx %arg6[%get3A_130] : memref<102400xf32, #tpu.memory_space<vmem>>[vector<16xi32>], vector<16xf32>,
        %gather3A_170 = tpu.vector_load_idx %arg6[%get3A_134] : memref<102400xf32, #tpu.memory_space<vmem>>[vector<16xi32>], vector<16xf32>,
        %gather3A_171 = tpu.vector_load_idx %arg6[%get3A_138] : memref<102400xf32, #tpu.memory_space<vmem>>[vector<16xi32>], vector<16xf32>,
        %lt3A = arith.cmpf olt, %gather3A_167, %max3A : vector<16xf32>
        %lt3A_172 = arith.cmpf olt, %gather3A_168, %max3A_163 : vector<16xf32>
        %or3A = arith.ori %lt3A, %lt3A_172 : vector<16xi1>
        %lt3A_173 = arith.cmpf olt, %gather3A_169, %max3A_164 : vector<16xf32>
        %or3A_174 = arith.ori %or3A, %lt3A_173 : vector<16xi1>
        %lt3A_175 = arith.cmpf olt, %gather3A_170, %max3A_165 : vector<16xf32>
        %or3A_176 = arith.ori %or3A_174, %lt3A_175 : vector<16xi1>
        %lt3A_177 = arith.cmpf olt, %gather3A_171, %max3A_166 : vector<16xf32>
        %or3A_178 = arith.ori %or3A_176, %lt3A_177 : vector<16xi1>
        %reduce_or3A = arith.constant 1.000000e+00 : f32
        %reduce_or3A_179 = arith.constant 0.000000e+00 : f32
        %reduce_or3A_180 = vector.broadcast %reduce_or3A : f32 to vector<16xf32>
        %reduce_or3A_181 = vector.broadcast %reduce_or3A_179 : f32 to vector<16xf32>
        %reduce_or3A_182 = arith.select %or3A_178, %reduce_or3A_180, %reduce_or3A_181 : vector<16xi1>, vector<16xf32>
        %reduce_or3A_183 = arith.constant true
        %reduce_or3A_184 = vector.broadcast %reduce_or3A_183 : i1 to vector<16xi1>
        %reduce_or3A_185 = tpu.scan <max>, %reduce_or3A_182 masked %reduce_or3A_184 : vector<16xf32>, vector<16xi1> -> vector<16xf32>
        %reduce_or3A_186 = vector.extract %reduce_or3A_185[15] : f32 from vector<16xf32>
        %reduce_or3A_187 = arith.constant 0.000000e+00 : f32
        %reduce_or3A_188 = arith.cmpf ogt, %reduce_or3A_186, %reduce_or3A_187 : f32
        %convert_element_type3A = arith.extui %reduce_or3A_188 : i1 to i32
        %cond3A = arith.constant 0 : i32
        %cond3A_189 = arith.cmpi ne, %convert_element_type3A, %cond3A : i32
        scf.if %cond3A_189 {
          %gather3A_190 = tpu.vector_load_idx %arg6[%get3A_122] : memref<102400xf32, #tpu.memory_space<vmem>>[vector<16xi32>], vector<16xf32>,
          %max3A_191 = arith.maximumf %gather3A_190, %get3A_142 : vector<16xf32>
          tpu.vector_store_idx %arg6[%get3A_122], %max3A_191 : memref<102400xf32, #tpu.memory_space<vmem>>[vector<16xi32>], vector<16xf32>,
          %gather3A_192 = tpu.vector_load_idx %arg6[%get3A_122] : memref<102400xf32, #tpu.memory_space<vmem>>[vector<16xi32>], vector<16xf32>,
          %lt3A_193 = arith.cmpf olt, %gather3A_192, %max3A_191 : vector<16xf32>
          %convert_element_type3A_194 = arith.extui %lt3A_193 : vector<16xi1> to vector<16xi32>
          %reduce_max3A = arith.constant true
          %reduce_max3A_195 = vector.broadcast %reduce_max3A : i1 to vector<16xi1>
          %reduce_max3A_196 = arith.constant -2147483648 : i32
          %reduce_max3A_197 = vector.broadcast %reduce_max3A_196 : i32 to vector<16xi32>
          %reduce_max3A_198 = arith.xori %convert_element_type3A_194, %reduce_max3A_197 : vector<16xi32>
          %reduce_max3A_199 = tpu.scan <max>, %reduce_max3A_198 masked %reduce_max3A_195 : vector<16xi32>, vector<16xi1> -> vector<16xi32>
          %reduce_max3A_200 = arith.xori %reduce_max3A_199, %reduce_max3A_197 : vector<16xi32>
          %reduce_max3A_201 = vector.extract %reduce_max3A_200[15] : i32 from vector<16xi32>
          %gt3A = arith.constant 0 : i32
          %gt3A_202 = arith.cmpi sgt, %reduce_max3A_201, %gt3A : i32
          %convert_element_type3A_203 = arith.extui %gt3A_202 : i1 to i32
          %cond3A_204 = arith.constant 0 : i32
          %cond3A_205 = arith.cmpi ne, %convert_element_type3A_203, %cond3A_204 : i32
          scf.if %cond3A_205 {
            %scan3A_278 = arith.constant 0 : i32
            %scan3A_279 = arith.constant 15 : i32
            %scan3A_280 = arith.addi %scan3A_278, %scan3A_279 : i32
            %scan3A_281 = arith.constant 1 : i32
            %scan3A_282 = scf.for %scan3A_284 = %scan3A_278 to %scan3A_280 step %scan3A_281 iter_args(%scan3A_285 = %convert_element_type3A_194) -> (vector<16xi32>)  : i32 {
              %gt3A_286 = arith.constant 0 : i32
              %gt3A_287 = vector.broadcast %gt3A_286 : i32 to vector<16xi32>
              %gt3A_288 = arith.cmpi sgt, %scan3A_285, %gt3A_287 : vector<16xi32>
              %gather3A_289 = tpu.vector_load_idx %arg6[%get3A_122] : memref<102400xf32, #tpu.memory_space<vmem>>[vector<16xi32>], vector<16xf32>,
              %max3A_290 = arith.maximumf %gather3A_289, %get3A_142 : vector<16xf32>
              tpu.vector_store_idx %arg6[%get3A_122], %max3A_290 masked %gt3A_288 : memref<102400xf32, #tpu.memory_space<vmem>>[vector<16xi32>], vector<16xf32>, vector<16xi1>
              %gather3A_291 = tpu.vector_load_idx %arg6[%get3A_122] : memref<102400xf32, #tpu.memory_space<vmem>>[vector<16xi32>], vector<16xf32>,
              %lt3A_292 = arith.cmpf olt, %gather3A_291, %max3A_290 : vector<16xf32>
              %and3A = arith.andi %lt3A_292, %gt3A_288 : vector<16xi1>
              %convert_element_type3A_293 = arith.extui %and3A : vector<16xi1> to vector<16xi32>
              scf.yield %convert_element_type3A_293 : vector<16xi32>
            }
            %scan3A_283 = arith.constant 15 : i32
          } else {
          }
          %gather3A_206 = tpu.vector_load_idx %arg6[%get3A_126] : memref<102400xf32, #tpu.memory_space<vmem>>[vector<16xi32>], vector<16xf32>,
          %max3A_207 = arith.maximumf %gather3A_206, %get3A_146 : vector<16xf32>
          tpu.vector_store_idx %arg6[%get3A_126], %max3A_207 : memref<102400xf32, #tpu.memory_space<vmem>>[vector<16xi32>], vector<16xf32>,
          %gather3A_208 = tpu.vector_load_idx %arg6[%get3A_126] : memref<102400xf32, #tpu.memory_space<vmem>>[vector<16xi32>], vector<16xf32>,
          %lt3A_209 = arith.cmpf olt, %gather3A_208, %max3A_207 : vector<16xf32>
          %convert_element_type3A_210 = arith.extui %lt3A_209 : vector<16xi1> to vector<16xi32>
          %reduce_max3A_211 = arith.constant true
          %reduce_max3A_212 = vector.broadcast %reduce_max3A_211 : i1 to vector<16xi1>
          %reduce_max3A_213 = arith.constant -2147483648 : i32
          %reduce_max3A_214 = vector.broadcast %reduce_max3A_213 : i32 to vector<16xi32>
          %reduce_max3A_215 = arith.xori %convert_element_type3A_210, %reduce_max3A_214 : vector<16xi32>
          %reduce_max3A_216 = tpu.scan <max>, %reduce_max3A_215 masked %reduce_max3A_212 : vector<16xi32>, vector<16xi1> -> vector<16xi32>
          %reduce_max3A_217 = arith.xori %reduce_max3A_216, %reduce_max3A_214 : vector<16xi32>
          %reduce_max3A_218 = vector.extract %reduce_max3A_217[15] : i32 from vector<16xi32>
          %gt3A_219 = arith.constant 0 : i32
          %gt3A_220 = arith.cmpi sgt, %reduce_max3A_218, %gt3A_219 : i32
          %convert_element_type3A_221 = arith.extui %gt3A_220 : i1 to i32
          %cond3A_222 = arith.constant 0 : i32
          %cond3A_223 = arith.cmpi ne, %convert_element_type3A_221, %cond3A_222 : i32
          scf.if %cond3A_223 {
            %scan3A_278 = arith.constant 0 : i32
            %scan3A_279 = arith.constant 15 : i32
            %scan3A_280 = arith.addi %scan3A_278, %scan3A_279 : i32
            %scan3A_281 = arith.constant 1 : i32
            %scan3A_282 = scf.for %scan3A_284 = %scan3A_278 to %scan3A_280 step %scan3A_281 iter_args(%scan3A_285 = %convert_element_type3A_210) -> (vector<16xi32>)  : i32 {
              %gt3A_286 = arith.constant 0 : i32
              %gt3A_287 = vector.broadcast %gt3A_286 : i32 to vector<16xi32>
              %gt3A_288 = arith.cmpi sgt, %scan3A_285, %gt3A_287 : vector<16xi32>
              %gather3A_289 = tpu.vector_load_idx %arg6[%get3A_126] : memref<102400xf32, #tpu.memory_space<vmem>>[vector<16xi32>], vector<16xf32>,
              %max3A_290 = arith.maximumf %gather3A_289, %get3A_146 : vector<16xf32>
              tpu.vector_store_idx %arg6[%get3A_126], %max3A_290 masked %gt3A_288 : memref<102400xf32, #tpu.memory_space<vmem>>[vector<16xi32>], vector<16xf32>, vector<16xi1>
              %gather3A_291 = tpu.vector_load_idx %arg6[%get3A_126] : memref<102400xf32, #tpu.memory_space<vmem>>[vector<16xi32>], vector<16xf32>,
              %lt3A_292 = arith.cmpf olt, %gather3A_291, %max3A_290 : vector<16xf32>
              %and3A = arith.andi %lt3A_292, %gt3A_288 : vector<16xi1>
              %convert_element_type3A_293 = arith.extui %and3A : vector<16xi1> to vector<16xi32>
              scf.yield %convert_element_type3A_293 : vector<16xi32>
            }
            %scan3A_283 = arith.constant 15 : i32
          } else {
          }
          %gather3A_224 = tpu.vector_load_idx %arg6[%get3A_130] : memref<102400xf32, #tpu.memory_space<vmem>>[vector<16xi32>], vector<16xf32>,
          %max3A_225 = arith.maximumf %gather3A_224, %get3A_150 : vector<16xf32>
          tpu.vector_store_idx %arg6[%get3A_130], %max3A_225 : memref<102400xf32, #tpu.memory_space<vmem>>[vector<16xi32>], vector<16xf32>,
          %gather3A_226 = tpu.vector_load_idx %arg6[%get3A_130] : memref<102400xf32, #tpu.memory_space<vmem>>[vector<16xi32>], vector<16xf32>,
          %lt3A_227 = arith.cmpf olt, %gather3A_226, %max3A_225 : vector<16xf32>
          %convert_element_type3A_228 = arith.extui %lt3A_227 : vector<16xi1> to vector<16xi32>
          %reduce_max3A_229 = arith.constant true
          %reduce_max3A_230 = vector.broadcast %reduce_max3A_229 : i1 to vector<16xi1>
          %reduce_max3A_231 = arith.constant -2147483648 : i32
          %reduce_max3A_232 = vector.broadcast %reduce_max3A_231 : i32 to vector<16xi32>
          %reduce_max3A_233 = arith.xori %convert_element_type3A_228, %reduce_max3A_232 : vector<16xi32>
          %reduce_max3A_234 = tpu.scan <max>, %reduce_max3A_233 masked %reduce_max3A_230 : vector<16xi32>, vector<16xi1> -> vector<16xi32>
          %reduce_max3A_235 = arith.xori %reduce_max3A_234, %reduce_max3A_232 : vector<16xi32>
          %reduce_max3A_236 = vector.extract %reduce_max3A_235[15] : i32 from vector<16xi32>
          %gt3A_237 = arith.constant 0 : i32
          %gt3A_238 = arith.cmpi sgt, %reduce_max3A_236, %gt3A_237 : i32
          %convert_element_type3A_239 = arith.extui %gt3A_238 : i1 to i32
          %cond3A_240 = arith.constant 0 : i32
          %cond3A_241 = arith.cmpi ne, %convert_element_type3A_239, %cond3A_240 : i32
          scf.if %cond3A_241 {
            %scan3A_278 = arith.constant 0 : i32
            %scan3A_279 = arith.constant 15 : i32
            %scan3A_280 = arith.addi %scan3A_278, %scan3A_279 : i32
            %scan3A_281 = arith.constant 1 : i32
            %scan3A_282 = scf.for %scan3A_284 = %scan3A_278 to %scan3A_280 step %scan3A_281 iter_args(%scan3A_285 = %convert_element_type3A_228) -> (vector<16xi32>)  : i32 {
              %gt3A_286 = arith.constant 0 : i32
              %gt3A_287 = vector.broadcast %gt3A_286 : i32 to vector<16xi32>
              %gt3A_288 = arith.cmpi sgt, %scan3A_285, %gt3A_287 : vector<16xi32>
              %gather3A_289 = tpu.vector_load_idx %arg6[%get3A_130] : memref<102400xf32, #tpu.memory_space<vmem>>[vector<16xi32>], vector<16xf32>,
              %max3A_290 = arith.maximumf %gather3A_289, %get3A_150 : vector<16xf32>
              tpu.vector_store_idx %arg6[%get3A_130], %max3A_290 masked %gt3A_288 : memref<102400xf32, #tpu.memory_space<vmem>>[vector<16xi32>], vector<16xf32>, vector<16xi1>
              %gather3A_291 = tpu.vector_load_idx %arg6[%get3A_130] : memref<102400xf32, #tpu.memory_space<vmem>>[vector<16xi32>], vector<16xf32>,
              %lt3A_292 = arith.cmpf olt, %gather3A_291, %max3A_290 : vector<16xf32>
              %and3A = arith.andi %lt3A_292, %gt3A_288 : vector<16xi1>
              %convert_element_type3A_293 = arith.extui %and3A : vector<16xi1> to vector<16xi32>
              scf.yield %convert_element_type3A_293 : vector<16xi32>
            }
            %scan3A_283 = arith.constant 15 : i32
          } else {
          }
          %gather3A_242 = tpu.vector_load_idx %arg6[%get3A_134] : memref<102400xf32, #tpu.memory_space<vmem>>[vector<16xi32>], vector<16xf32>,
          %max3A_243 = arith.maximumf %gather3A_242, %get3A_154 : vector<16xf32>
          tpu.vector_store_idx %arg6[%get3A_134], %max3A_243 : memref<102400xf32, #tpu.memory_space<vmem>>[vector<16xi32>], vector<16xf32>,
          %gather3A_244 = tpu.vector_load_idx %arg6[%get3A_134] : memref<102400xf32, #tpu.memory_space<vmem>>[vector<16xi32>], vector<16xf32>,
          %lt3A_245 = arith.cmpf olt, %gather3A_244, %max3A_243 : vector<16xf32>
          %convert_element_type3A_246 = arith.extui %lt3A_245 : vector<16xi1> to vector<16xi32>
          %reduce_max3A_247 = arith.constant true
          %reduce_max3A_248 = vector.broadcast %reduce_max3A_247 : i1 to vector<16xi1>
          %reduce_max3A_249 = arith.constant -2147483648 : i32
          %reduce_max3A_250 = vector.broadcast %reduce_max3A_249 : i32 to vector<16xi32>
          %reduce_max3A_251 = arith.xori %convert_element_type3A_246, %reduce_max3A_250 : vector<16xi32>
          %reduce_max3A_252 = tpu.scan <max>, %reduce_max3A_251 masked %reduce_max3A_248 : vector<16xi32>, vector<16xi1> -> vector<16xi32>
          %reduce_max3A_253 = arith.xori %reduce_max3A_252, %reduce_max3A_250 : vector<16xi32>
          %reduce_max3A_254 = vector.extract %reduce_max3A_253[15] : i32 from vector<16xi32>
          %gt3A_255 = arith.constant 0 : i32
          %gt3A_256 = arith.cmpi sgt, %reduce_max3A_254, %gt3A_255 : i32
          %convert_element_type3A_257 = arith.extui %gt3A_256 : i1 to i32
          %cond3A_258 = arith.constant 0 : i32
          %cond3A_259 = arith.cmpi ne, %convert_element_type3A_257, %cond3A_258 : i32
          scf.if %cond3A_259 {
            %scan3A_278 = arith.constant 0 : i32
            %scan3A_279 = arith.constant 15 : i32
            %scan3A_280 = arith.addi %scan3A_278, %scan3A_279 : i32
            %scan3A_281 = arith.constant 1 : i32
            %scan3A_282 = scf.for %scan3A_284 = %scan3A_278 to %scan3A_280 step %scan3A_281 iter_args(%scan3A_285 = %convert_element_type3A_246) -> (vector<16xi32>)  : i32 {
              %gt3A_286 = arith.constant 0 : i32
              %gt3A_287 = vector.broadcast %gt3A_286 : i32 to vector<16xi32>
              %gt3A_288 = arith.cmpi sgt, %scan3A_285, %gt3A_287 : vector<16xi32>
              %gather3A_289 = tpu.vector_load_idx %arg6[%get3A_134] : memref<102400xf32, #tpu.memory_space<vmem>>[vector<16xi32>], vector<16xf32>,
              %max3A_290 = arith.maximumf %gather3A_289, %get3A_154 : vector<16xf32>
              tpu.vector_store_idx %arg6[%get3A_134], %max3A_290 masked %gt3A_288 : memref<102400xf32, #tpu.memory_space<vmem>>[vector<16xi32>], vector<16xf32>, vector<16xi1>
              %gather3A_291 = tpu.vector_load_idx %arg6[%get3A_134] : memref<102400xf32, #tpu.memory_space<vmem>>[vector<16xi32>], vector<16xf32>,
              %lt3A_292 = arith.cmpf olt, %gather3A_291, %max3A_290 : vector<16xf32>
              %and3A = arith.andi %lt3A_292, %gt3A_288 : vector<16xi1>
              %convert_element_type3A_293 = arith.extui %and3A : vector<16xi1> to vector<16xi32>
              scf.yield %convert_element_type3A_293 : vector<16xi32>
            }
            %scan3A_283 = arith.constant 15 : i32
          } else {
          }
          %gather3A_260 = tpu.vector_load_idx %arg6[%get3A_138] : memref<102400xf32, #tpu.memory_space<vmem>>[vector<16xi32>], vector<16xf32>,
          %max3A_261 = arith.maximumf %gather3A_260, %get3A_158 : vector<16xf32>
          tpu.vector_store_idx %arg6[%get3A_138], %max3A_261 : memref<102400xf32, #tpu.memory_space<vmem>>[vector<16xi32>], vector<16xf32>,
          %gather3A_262 = tpu.vector_load_idx %arg6[%get3A_138] : memref<102400xf32, #tpu.memory_space<vmem>>[vector<16xi32>], vector<16xf32>,
          %lt3A_263 = arith.cmpf olt, %gather3A_262, %max3A_261 : vector<16xf32>
          %convert_element_type3A_264 = arith.extui %lt3A_263 : vector<16xi1> to vector<16xi32>
          %reduce_max3A_265 = arith.constant true
          %reduce_max3A_266 = vector.broadcast %reduce_max3A_265 : i1 to vector<16xi1>
          %reduce_max3A_267 = arith.constant -2147483648 : i32
          %reduce_max3A_268 = vector.broadcast %reduce_max3A_267 : i32 to vector<16xi32>
          %reduce_max3A_269 = arith.xori %convert_element_type3A_264, %reduce_max3A_268 : vector<16xi32>
          %reduce_max3A_270 = tpu.scan <max>, %reduce_max3A_269 masked %reduce_max3A_266 : vector<16xi32>, vector<16xi1> -> vector<16xi32>
          %reduce_max3A_271 = arith.xori %reduce_max3A_270, %reduce_max3A_268 : vector<16xi32>
          %reduce_max3A_272 = vector.extract %reduce_max3A_271[15] : i32 from vector<16xi32>
          %gt3A_273 = arith.constant 0 : i32
          %gt3A_274 = arith.cmpi sgt, %reduce_max3A_272, %gt3A_273 : i32
          %convert_element_type3A_275 = arith.extui %gt3A_274 : i1 to i32
          %cond3A_276 = arith.constant 0 : i32
          %cond3A_277 = arith.cmpi ne, %convert_element_type3A_275, %cond3A_276 : i32
          scf.if %cond3A_277 {
            %scan3A_278 = arith.constant 0 : i32
            %scan3A_279 = arith.constant 15 : i32
            %scan3A_280 = arith.addi %scan3A_278, %scan3A_279 : i32
            %scan3A_281 = arith.constant 1 : i32
            %scan3A_282 = scf.for %scan3A_284 = %scan3A_278 to %scan3A_280 step %scan3A_281 iter_args(%scan3A_285 = %convert_element_type3A_264) -> (vector<16xi32>)  : i32 {
              %gt3A_286 = arith.constant 0 : i32
              %gt3A_287 = vector.broadcast %gt3A_286 : i32 to vector<16xi32>
              %gt3A_288 = arith.cmpi sgt, %scan3A_285, %gt3A_287 : vector<16xi32>
              %gather3A_289 = tpu.vector_load_idx %arg6[%get3A_138] : memref<102400xf32, #tpu.memory_space<vmem>>[vector<16xi32>], vector<16xf32>,
              %max3A_290 = arith.maximumf %gather3A_289, %get3A_158 : vector<16xf32>
              tpu.vector_store_idx %arg6[%get3A_138], %max3A_290 masked %gt3A_288 : memref<102400xf32, #tpu.memory_space<vmem>>[vector<16xi32>], vector<16xf32>, vector<16xi1>
              %gather3A_291 = tpu.vector_load_idx %arg6[%get3A_138] : memref<102400xf32, #tpu.memory_space<vmem>>[vector<16xi32>], vector<16xf32>,
              %lt3A_292 = arith.cmpf olt, %gather3A_291, %max3A_290 : vector<16xf32>
              %and3A = arith.andi %lt3A_292, %gt3A_288 : vector<16xi1>
              %convert_element_type3A_293 = arith.extui %and3A : vector<16xi1> to vector<16xi32>
              scf.yield %convert_element_type3A_293 : vector<16xi32>
            }
            %scan3A_283 = arith.constant 15 : i32
          } else {
          }
        } else {
        }
      }
      %scan3A_104 = arith.constant 50 : i32
      %add3A_105 = arith.constant 3 : i32
      %add3A_106 = arith.addi %mul3A_58, %add3A_105 : i32
      %min3A_107 = arith.constant 99 : i32
      %min3A_108 = arith.minsi %add3A_106, %min3A_107 : i32
      %mul3A_109 = arith.constant 4000 : i32
      %mul3A_110 = arith.muli %min3A_108, %mul3A_109 : i32
      %add3A_111 = arith.addi %add3A, %mul3A_110 : i32
      %dma_start3A_112 = tpu.memref_slice %arg2[%add3A_111] : memref<12800000xi32, #tpu.memory_space<hbm>> -> memref<4000xi32, #tpu.memory_space<hbm>>
      %dma_start3A_113 = tpu.memref_slice %arg2[%add3A_111] : memref<12800000xi32, #tpu.memory_space<hbm>> -> memref<4000xi32, #tpu.memory_space<hbm>>
      tpu.enqueue_dma source(%dma_start3A_113 : memref<4000xi32, #tpu.memory_space<hbm>>) target(%arg9 : memref<4000xi32, #tpu.memory_space<vmem>>) target_semaphore(%arg12 : memref<!tpu.dma_semaphore, #tpu.memory_space<semaphore_mem>>)
      %add3A_114 = arith.addi %mul3A_4, %mul3A_110 : i32
      %dma_start3A_115 = tpu.memref_slice %arg3[%add3A_114] : memref<6400000xf32, #tpu.memory_space<hbm>> -> memref<4000xf32, #tpu.memory_space<hbm>>
      %dma_start3A_116 = tpu.memref_slice %arg3[%add3A_114] : memref<6400000xf32, #tpu.memory_space<hbm>> -> memref<4000xf32, #tpu.memory_space<hbm>>
      tpu.enqueue_dma source(%dma_start3A_116 : memref<4000xf32, #tpu.memory_space<hbm>>) target(%arg10 : memref<4000xf32, #tpu.memory_space<vmem>>) target_semaphore(%arg12 : memref<!tpu.dma_semaphore, #tpu.memory_space<semaphore_mem>>)
    }
    %scan3A_29 = arith.constant 50 : i32
    %min3A_30 = arith.constant 99 : i32
    %min3A_31 = arith.constant 99 : i32
    %min3A_32 = arith.minsi %min3A_30, %min3A_31 : i32
    %mul3A_33 = arith.constant 4000 : i32
    %mul3A_34 = arith.muli %min3A_32, %mul3A_33 : i32
    %add3A_35 = arith.addi %add3A, %mul3A_34 : i32
    %dma_wait3A = tpu.memref_slice %arg2[%add3A_35] : memref<12800000xi32, #tpu.memory_space<hbm>> -> memref<4000xi32, #tpu.memory_space<hbm>>
    %dma_wait3A_36 = tpu.memref_slice %arg2[%add3A_35] : memref<12800000xi32, #tpu.memory_space<hbm>> -> memref<4000xi32, #tpu.memory_space<hbm>>
    tpu.wait_dma2 semaphore(%arg11 : memref<!tpu.dma_semaphore, #tpu.memory_space<semaphore_mem>>) src(%dma_wait3A_36 : memref<4000xi32, #tpu.memory_space<hbm>>) dst(%arg7 : memref<4000xi32, #tpu.memory_space<vmem>>)
    %add3A_37 = arith.addi %mul3A_4, %mul3A_34 : i32
    %dma_wait3A_38 = tpu.memref_slice %arg3[%add3A_37] : memref<6400000xf32, #tpu.memory_space<hbm>> -> memref<4000xf32, #tpu.memory_space<hbm>>
    %dma_wait3A_39 = tpu.memref_slice %arg3[%add3A_37] : memref<6400000xf32, #tpu.memory_space<hbm>> -> memref<4000xf32, #tpu.memory_space<hbm>>
    tpu.wait_dma2 semaphore(%arg11 : memref<!tpu.dma_semaphore, #tpu.memory_space<semaphore_mem>>) src(%dma_wait3A_39 : memref<4000xf32, #tpu.memory_space<hbm>>) dst(%arg8 : memref<4000xf32, #tpu.memory_space<vmem>>)
    %min3A_40 = arith.constant 99 : i32
    %min3A_41 = arith.constant 99 : i32
    %min3A_42 = arith.minsi %min3A_40, %min3A_41 : i32
    %mul3A_43 = arith.constant 4000 : i32
    %mul3A_44 = arith.muli %min3A_42, %mul3A_43 : i32
    %add3A_45 = arith.addi %add3A, %mul3A_44 : i32
    %dma_wait3A_46 = tpu.memref_slice %arg2[%add3A_45] : memref<12800000xi32, #tpu.memory_space<hbm>> -> memref<4000xi32, #tpu.memory_space<hbm>>
    %dma_wait3A_47 = tpu.memref_slice %arg2[%add3A_45] : memref<12800000xi32, #tpu.memory_space<hbm>> -> memref<4000xi32, #tpu.memory_space<hbm>>
    tpu.wait_dma2 semaphore(%arg12 : memref<!tpu.dma_semaphore, #tpu.memory_space<semaphore_mem>>) src(%dma_wait3A_47 : memref<4000xi32, #tpu.memory_space<hbm>>) dst(%arg9 : memref<4000xi32, #tpu.memory_space<vmem>>)
    %add3A_48 = arith.addi %mul3A_4, %mul3A_44 : i32
    %dma_wait3A_49 = tpu.memref_slice %arg3[%add3A_48] : memref<6400000xf32, #tpu.memory_space<hbm>> -> memref<4000xf32, #tpu.memory_space<hbm>>
    %dma_wait3A_50 = tpu.memref_slice %arg3[%add3A_48] : memref<6400000xf32, #tpu.memory_space<hbm>> -> memref<4000xf32, #tpu.memory_space<hbm>>
    tpu.wait_dma2 semaphore(%arg12 : memref<!tpu.dma_semaphore, #tpu.memory_space<semaphore_mem>>) src(%dma_wait3A_50 : memref<4000xf32, #tpu.memory_space<hbm>>) dst(%arg10 : memref<4000xf32, #tpu.memory_space<vmem>>)
    %mul3A_51 = arith.constant 16 : i32
    %mul3A_52 = arith.muli %arg0, %mul3A_51 : i32
    %add3A_53 = arith.addi %mul3A_52, %arg1 : i32
    %mul3A_54 = arith.constant 102400 : i32
    %mul3A_55 = arith.muli %add3A_53, %mul3A_54 : i32
    "tpu.region"() ({
      %run_scoped3A = tpu.sem_alloc : memref<!tpu.dma_semaphore, #tpu.memory_space<semaphore_mem>>
      %dma_start3A_56 = tpu.memref_slice %arg5[%mul3A_55] : memref<3276800xf32, #tpu.memory_space<hbm>> -> memref<102400xf32, #tpu.memory_space<hbm>>
      %dma_start3A_57 = tpu.memref_slice %arg5[%mul3A_55] : memref<3276800xf32, #tpu.memory_space<hbm>> -> memref<102400xf32, #tpu.memory_space<hbm>>
      tpu.enqueue_dma source(%arg6 : memref<102400xf32, #tpu.memory_space<vmem>>) target(%dma_start3A_57 : memref<102400xf32, #tpu.memory_space<hbm>>) target_semaphore(%run_scoped3A : memref<!tpu.dma_semaphore, #tpu.memory_space<semaphore_mem>>)
      %dma_wait3A_58 = tpu.memref_slice %arg5[%mul3A_55] : memref<3276800xf32, #tpu.memory_space<hbm>> -> memref<102400xf32, #tpu.memory_space<hbm>>
      %dma_wait3A_59 = tpu.memref_slice %arg5[%mul3A_55] : memref<3276800xf32, #tpu.memory_space<hbm>> -> memref<102400xf32, #tpu.memory_space<hbm>>
      tpu.wait_dma2 semaphore(%run_scoped3A : memref<!tpu.dma_semaphore, #tpu.memory_space<semaphore_mem>>) src(%arg6 : memref<102400xf32, #tpu.memory_space<vmem>>) dst(%dma_wait3A_59 : memref<102400xf32, #tpu.memory_space<hbm>>)
      tpu.yield
    }) : () -> ()
    return
  }
}

#map = affine_map<(d0, d1) -> (0)>
module attributes {stable_mosaic.version = 14 : i64} {
  func.func @_k2_body(%arg0: i32, %arg1: i32, %arg2: memref<3276800xf32, #tpu.memory_space<hbm>>, %arg3: memref<204800xf32, #tpu.memory_space<hbm>>, %arg4: memref<6400xf32, #tpu.memory_space<vmem>>, %arg5: memref<6400xf32, #tpu.memory_space<vmem>>, %arg6: memref<6400xf32, #tpu.memory_space<vmem>>, %arg7: memref<!tpu.dma_semaphore, #tpu.memory_space<semaphore_mem>>, %arg8: memref<!tpu.dma_semaphore, #tpu.memory_space<semaphore_mem>>) attributes {dimension_semantics = [#tpu.dimension_semantics<core_parallel>, #tpu.dimension_semantics<subcore_parallel>], iteration_bounds = array<i64: 2, 16>, scalar_prefetch = 0 : i64, scratch_operands = 5 : i64, tpu.core_type = #tpu.core_type<sc_vector_subcore>, window_params = [{transform_indices = #map}, {transform_indices = #map}]} {
    %mul3A = arith.constant 6400 : i32
    %mul3A_0 = arith.muli %arg1, %mul3A : i32
    %mul3A_1 = arith.constant 16 : i32
    %mul3A_2 = arith.muli %arg0, %mul3A_1 : i32
    %add3A = arith.constant 0 : i32
    %add3A_3 = arith.addi %mul3A_2, %add3A : i32
    %mul3A_4 = arith.constant 102400 : i32
    %mul3A_5 = arith.muli %add3A_3, %mul3A_4 : i32
    %add3A_6 = arith.addi %mul3A_5, %mul3A_0 : i32
    "tpu.region"() ({
      %run_scoped3A = tpu.sem_alloc : memref<!tpu.dma_semaphore, #tpu.memory_space<semaphore_mem>>
      %dma_start3A_367 = tpu.memref_slice %arg2[%add3A_6] : memref<3276800xf32, #tpu.memory_space<hbm>> -> memref<6400xf32, #tpu.memory_space<hbm>>
      %dma_start3A_368 = tpu.memref_slice %arg2[%add3A_6] : memref<3276800xf32, #tpu.memory_space<hbm>> -> memref<6400xf32, #tpu.memory_space<hbm>>
      tpu.enqueue_dma source(%dma_start3A_368 : memref<6400xf32, #tpu.memory_space<hbm>>) target(%arg4 : memref<6400xf32, #tpu.memory_space<vmem>>) target_semaphore(%run_scoped3A : memref<!tpu.dma_semaphore, #tpu.memory_space<semaphore_mem>>)
      %dma_wait3A_369 = tpu.memref_slice %arg2[%add3A_6] : memref<3276800xf32, #tpu.memory_space<hbm>> -> memref<6400xf32, #tpu.memory_space<hbm>>
      %dma_wait3A_370 = tpu.memref_slice %arg2[%add3A_6] : memref<3276800xf32, #tpu.memory_space<hbm>> -> memref<6400xf32, #tpu.memory_space<hbm>>
      tpu.wait_dma2 semaphore(%run_scoped3A : memref<!tpu.dma_semaphore, #tpu.memory_space<semaphore_mem>>) src(%dma_wait3A_370 : memref<6400xf32, #tpu.memory_space<hbm>>) dst(%arg4 : memref<6400xf32, #tpu.memory_space<vmem>>)
      tpu.yield
    }) : () -> ()
    %mul3A_7 = arith.constant 16 : i32
    %mul3A_8 = arith.muli %arg0, %mul3A_7 : i32
    %add3A_9 = arith.constant 1 : i32
    %add3A_10 = arith.addi %mul3A_8, %add3A_9 : i32
    %mul3A_11 = arith.constant 102400 : i32
    %mul3A_12 = arith.muli %add3A_10, %mul3A_11 : i32
    %add3A_13 = arith.addi %mul3A_12, %mul3A_0 : i32
    %dma_start3A = tpu.memref_slice %arg2[%add3A_13] : memref<3276800xf32, #tpu.memory_space<hbm>> -> memref<6400xf32, #tpu.memory_space<hbm>>
    %dma_start3A_14 = tpu.memref_slice %arg2[%add3A_13] : memref<3276800xf32, #tpu.memory_space<hbm>> -> memref<6400xf32, #tpu.memory_space<hbm>>
    tpu.enqueue_dma source(%dma_start3A_14 : memref<6400xf32, #tpu.memory_space<hbm>>) target(%arg5 : memref<6400xf32, #tpu.memory_space<vmem>>) target_semaphore(%arg7 : memref<!tpu.dma_semaphore, #tpu.memory_space<semaphore_mem>>)
    %mul3A_15 = arith.constant 16 : i32
    %mul3A_16 = arith.muli %arg0, %mul3A_15 : i32
    %add3A_17 = arith.constant 1 : i32
    %add3A_18 = arith.addi %mul3A_16, %add3A_17 : i32
    %mul3A_19 = arith.constant 102400 : i32
    %mul3A_20 = arith.muli %add3A_18, %mul3A_19 : i32
    %add3A_21 = arith.addi %mul3A_20, %mul3A_0 : i32
    %dma_wait3A = tpu.memref_slice %arg2[%add3A_21] : memref<3276800xf32, #tpu.memory_space<hbm>> -> memref<6400xf32, #tpu.memory_space<hbm>>
    %dma_wait3A_22 = tpu.memref_slice %arg2[%add3A_21] : memref<3276800xf32, #tpu.memory_space<hbm>> -> memref<6400xf32, #tpu.memory_space<hbm>>
    tpu.wait_dma2 semaphore(%arg7 : memref<!tpu.dma_semaphore, #tpu.memory_space<semaphore_mem>>) src(%dma_wait3A_22 : memref<6400xf32, #tpu.memory_space<hbm>>) dst(%arg5 : memref<6400xf32, #tpu.memory_space<vmem>>)
    %mul3A_23 = arith.constant 16 : i32
    %mul3A_24 = arith.muli %arg0, %mul3A_23 : i32
    %add3A_25 = arith.constant 2 : i32
    %add3A_26 = arith.addi %mul3A_24, %add3A_25 : i32
    %mul3A_27 = arith.constant 102400 : i32
    %mul3A_28 = arith.muli %add3A_26, %mul3A_27 : i32
    %add3A_29 = arith.addi %mul3A_28, %mul3A_0 : i32
    %dma_start3A_30 = tpu.memref_slice %arg2[%add3A_29] : memref<3276800xf32, #tpu.memory_space<hbm>> -> memref<6400xf32, #tpu.memory_space<hbm>>
    %dma_start3A_31 = tpu.memref_slice %arg2[%add3A_29] : memref<3276800xf32, #tpu.memory_space<hbm>> -> memref<6400xf32, #tpu.memory_space<hbm>>
    tpu.enqueue_dma source(%dma_start3A_31 : memref<6400xf32, #tpu.memory_space<hbm>>) target(%arg6 : memref<6400xf32, #tpu.memory_space<vmem>>) target_semaphore(%arg8 : memref<!tpu.dma_semaphore, #tpu.memory_space<semaphore_mem>>)
    %scan3A = arith.constant 0 : i32
    %scan3A_32 = arith.constant 0 : i32
    %scan3A_33 = arith.constant 80 : i32
    %scan3A_34 = arith.addi %scan3A_32, %scan3A_33 : i32
    %scan3A_35 = arith.constant 1 : i32
    scf.for %scan3A_367 = %scan3A_32 to %scan3A_34 step %scan3A_35  : i32 {
      %mul3A_368 = arith.constant 5 : i32
      %mul3A_369 = arith.muli %scan3A_367, %mul3A_368 : i32
      %add3A_370 = arith.constant 0 : i32
      %add3A_371 = arith.addi %mul3A_369, %add3A_370 : i32
      %mul3A_372 = arith.constant 16 : i32
      %mul3A_373 = arith.muli %add3A_371, %mul3A_372 : i32
      %get3A = arith.index_cast %mul3A_373 : i32 to index
      %get3A_374 = tpu.vector_load %arg4[%get3A] {strides = array<i32>} : memref<6400xf32, #tpu.memory_space<vmem>>, vector<16xf32>,
      %get3A_375 = arith.index_cast %mul3A_373 : i32 to index
      %get3A_376 = tpu.vector_load %arg5[%get3A_375] {strides = array<i32>} : memref<6400xf32, #tpu.memory_space<vmem>>, vector<16xf32>,
      %max3A = arith.maximumf %get3A_374, %get3A_376 : vector<16xf32>
      %swap3A = arith.index_cast %mul3A_373 : i32 to index
      %swap3A_377 = tpu.vector_load %arg4[%swap3A] {strides = array<i32>} : memref<6400xf32, #tpu.memory_space<vmem>>, vector<16xf32>,
      tpu.vector_store %arg4[%swap3A], %max3A {strides = array<i32>} : memref<6400xf32, #tpu.memory_space<vmem>>, vector<16xf32>,
      %mul3A_378 = arith.constant 5 : i32
      %mul3A_379 = arith.muli %scan3A_367, %mul3A_378 : i32
      %add3A_380 = arith.constant 1 : i32
      %add3A_381 = arith.addi %mul3A_379, %add3A_380 : i32
      %mul3A_382 = arith.constant 16 : i32
      %mul3A_383 = arith.muli %add3A_381, %mul3A_382 : i32
      %get3A_384 = arith.index_cast %mul3A_383 : i32 to index
      %get3A_385 = tpu.vector_load %arg4[%get3A_384] {strides = array<i32>} : memref<6400xf32, #tpu.memory_space<vmem>>, vector<16xf32>,
      %get3A_386 = arith.index_cast %mul3A_383 : i32 to index
      %get3A_387 = tpu.vector_load %arg5[%get3A_386] {strides = array<i32>} : memref<6400xf32, #tpu.memory_space<vmem>>, vector<16xf32>,
      %max3A_388 = arith.maximumf %get3A_385, %get3A_387 : vector<16xf32>
      %swap3A_389 = arith.index_cast %mul3A_383 : i32 to index
      %swap3A_390 = tpu.vector_load %arg4[%swap3A_389] {strides = array<i32>} : memref<6400xf32, #tpu.memory_space<vmem>>, vector<16xf32>,
      tpu.vector_store %arg4[%swap3A_389], %max3A_388 {strides = array<i32>} : memref<6400xf32, #tpu.memory_space<vmem>>, vector<16xf32>,
      %mul3A_391 = arith.constant 5 : i32
      %mul3A_392 = arith.muli %scan3A_367, %mul3A_391 : i32
      %add3A_393 = arith.constant 2 : i32
      %add3A_394 = arith.addi %mul3A_392, %add3A_393 : i32
      %mul3A_395 = arith.constant 16 : i32
      %mul3A_396 = arith.muli %add3A_394, %mul3A_395 : i32
      %get3A_397 = arith.index_cast %mul3A_396 : i32 to index
      %get3A_398 = tpu.vector_load %arg4[%get3A_397] {strides = array<i32>} : memref<6400xf32, #tpu.memory_space<vmem>>, vector<16xf32>,
      %get3A_399 = arith.index_cast %mul3A_396 : i32 to index
      %get3A_400 = tpu.vector_load %arg5[%get3A_399] {strides = array<i32>} : memref<6400xf32, #tpu.memory_space<vmem>>, vector<16xf32>,
      %max3A_401 = arith.maximumf %get3A_398, %get3A_400 : vector<16xf32>
      %swap3A_402 = arith.index_cast %mul3A_396 : i32 to index
      %swap3A_403 = tpu.vector_load %arg4[%swap3A_402] {strides = array<i32>} : memref<6400xf32, #tpu.memory_space<vmem>>, vector<16xf32>,
      tpu.vector_store %arg4[%swap3A_402], %max3A_401 {strides = array<i32>} : memref<6400xf32, #tpu.memory_space<vmem>>, vector<16xf32>,
      %mul3A_404 = arith.constant 5 : i32
      %mul3A_405 = arith.muli %scan3A_367, %mul3A_404 : i32
      %add3A_406 = arith.constant 3 : i32
      %add3A_407 = arith.addi %mul3A_405, %add3A_406 : i32
      %mul3A_408 = arith.constant 16 : i32
      %mul3A_409 = arith.muli %add3A_407, %mul3A_408 : i32
      %get3A_410 = arith.index_cast %mul3A_409 : i32 to index
      %get3A_411 = tpu.vector_load %arg4[%get3A_410] {strides = array<i32>} : memref<6400xf32, #tpu.memory_space<vmem>>, vector<16xf32>,
      %get3A_412 = arith.index_cast %mul3A_409 : i32 to index
      %get3A_413 = tpu.vector_load %arg5[%get3A_412] {strides = array<i32>} : memref<6400xf32, #tpu.memory_space<vmem>>, vector<16xf32>,
      %max3A_414 = arith.maximumf %get3A_411, %get3A_413 : vector<16xf32>
      %swap3A_415 = arith.index_cast %mul3A_409 : i32 to index
      %swap3A_416 = tpu.vector_load %arg4[%swap3A_415] {strides = array<i32>} : memref<6400xf32, #tpu.memory_space<vmem>>, vector<16xf32>,
      tpu.vector_store %arg4[%swap3A_415], %max3A_414 {strides = array<i32>} : memref<6400xf32, #tpu.memory_space<vmem>>, vector<16xf32>,
      %mul3A_417 = arith.constant 5 : i32
      %mul3A_418 = arith.muli %scan3A_367, %mul3A_417 : i32
      %add3A_419 = arith.constant 4 : i32
      %add3A_420 = arith.addi %mul3A_418, %add3A_419 : i32
      %mul3A_421 = arith.constant 16 : i32
      %mul3A_422 = arith.muli %add3A_420, %mul3A_421 : i32
      %get3A_423 = arith.index_cast %mul3A_422 : i32 to index
      %get3A_424 = tpu.vector_load %arg4[%get3A_423] {strides = array<i32>} : memref<6400xf32, #tpu.memory_space<vmem>>, vector<16xf32>,
      %get3A_425 = arith.index_cast %mul3A_422 : i32 to index
      %get3A_426 = tpu.vector_load %arg5[%get3A_425] {strides = array<i32>} : memref<6400xf32, #tpu.memory_space<vmem>>, vector<16xf32>,
      %max3A_427 = arith.maximumf %get3A_424, %get3A_426 : vector<16xf32>
      %swap3A_428 = arith.index_cast %mul3A_422 : i32 to index
      %swap3A_429 = tpu.vector_load %arg4[%swap3A_428] {strides = array<i32>} : memref<6400xf32, #tpu.memory_space<vmem>>, vector<16xf32>,
      tpu.vector_store %arg4[%swap3A_428], %max3A_427 {strides = array<i32>} : memref<6400xf32, #tpu.memory_space<vmem>>, vector<16xf32>,
    }
    %scan3A_36 = arith.constant 80 : i32
    %mul3A_37 = arith.constant 16 : i32
    %mul3A_38 = arith.muli %arg0, %mul3A_37 : i32
    %add3A_39 = arith.constant 2 : i32
    %add3A_40 = arith.addi %mul3A_38, %add3A_39 : i32
    %mul3A_41 = arith.constant 102400 : i32
    %mul3A_42 = arith.muli %add3A_40, %mul3A_41 : i32
    %add3A_43 = arith.addi %mul3A_42, %mul3A_0 : i32
    %dma_wait3A_44 = tpu.memref_slice %arg2[%add3A_43] : memref<3276800xf32, #tpu.memory_space<hbm>> -> memref<6400xf32, #tpu.memory_space<hbm>>
    %dma_wait3A_45 = tpu.memref_slice %arg2[%add3A_43] : memref<3276800xf32, #tpu.memory_space<hbm>> -> memref<6400xf32, #tpu.memory_space<hbm>>
    tpu.wait_dma2 semaphore(%arg8 : memref<!tpu.dma_semaphore, #tpu.memory_space<semaphore_mem>>) src(%dma_wait3A_45 : memref<6400xf32, #tpu.memory_space<hbm>>) dst(%arg6 : memref<6400xf32, #tpu.memory_space<vmem>>)
    %mul3A_46 = arith.constant 16 : i32
    %mul3A_47 = arith.muli %arg0, %mul3A_46 : i32
    %add3A_48 = arith.constant 3 : i32
    %add3A_49 = arith.addi %mul3A_47, %add3A_48 : i32
    %mul3A_50 = arith.constant 102400 : i32
    %mul3A_51 = arith.muli %add3A_49, %mul3A_50 : i32
    %add3A_52 = arith.addi %mul3A_51, %mul3A_0 : i32
    %dma_start3A_53 = tpu.memref_slice %arg2[%add3A_52] : memref<3276800xf32, #tpu.memory_space<hbm>> -> memref<6400xf32, #tpu.memory_space<hbm>>
    %dma_start3A_54 = tpu.memref_slice %arg2[%add3A_52] : memref<3276800xf32, #tpu.memory_space<hbm>> -> memref<6400xf32, #tpu.memory_space<hbm>>
    tpu.enqueue_dma source(%dma_start3A_54 : memref<6400xf32, #tpu.memory_space<hbm>>) target(%arg5 : memref<6400xf32, #tpu.memory_space<vmem>>) target_semaphore(%arg7 : memref<!tpu.dma_semaphore, #tpu.memory_space<semaphore_mem>>)
    %scan3A_55 = arith.constant 0 : i32
    %scan3A_56 = arith.constant 0 : i32
    %scan3A_57 = arith.constant 80 : i32
    %scan3A_58 = arith.addi %scan3A_56, %scan3A_57 : i32
    %scan3A_59 = arith.constant 1 : i32
    scf.for %scan3A_367 = %scan3A_56 to %scan3A_58 step %scan3A_59  : i32 {
      %mul3A_368 = arith.constant 5 : i32
      %mul3A_369 = arith.muli %scan3A_367, %mul3A_368 : i32
      %add3A_370 = arith.constant 0 : i32
      %add3A_371 = arith.addi %mul3A_369, %add3A_370 : i32
      %mul3A_372 = arith.constant 16 : i32
      %mul3A_373 = arith.muli %add3A_371, %mul3A_372 : i32
      %get3A = arith.index_cast %mul3A_373 : i32 to index
      %get3A_374 = tpu.vector_load %arg4[%get3A] {strides = array<i32>} : memref<6400xf32, #tpu.memory_space<vmem>>, vector<16xf32>,
      %get3A_375 = arith.index_cast %mul3A_373 : i32 to index
      %get3A_376 = tpu.vector_load %arg6[%get3A_375] {strides = array<i32>} : memref<6400xf32, #tpu.memory_space<vmem>>, vector<16xf32>,
      %max3A = arith.maximumf %get3A_374, %get3A_376 : vector<16xf32>
      %swap3A = arith.index_cast %mul3A_373 : i32 to index
      %swap3A_377 = tpu.vector_load %arg4[%swap3A] {strides = array<i32>} : memref<6400xf32, #tpu.memory_space<vmem>>, vector<16xf32>,
      tpu.vector_store %arg4[%swap3A], %max3A {strides = array<i32>} : memref<6400xf32, #tpu.memory_space<vmem>>, vector<16xf32>,
      %mul3A_378 = arith.constant 5 : i32
      %mul3A_379 = arith.muli %scan3A_367, %mul3A_378 : i32
      %add3A_380 = arith.constant 1 : i32
      %add3A_381 = arith.addi %mul3A_379, %add3A_380 : i32
      %mul3A_382 = arith.constant 16 : i32
      %mul3A_383 = arith.muli %add3A_381, %mul3A_382 : i32
      %get3A_384 = arith.index_cast %mul3A_383 : i32 to index
      %get3A_385 = tpu.vector_load %arg4[%get3A_384] {strides = array<i32>} : memref<6400xf32, #tpu.memory_space<vmem>>, vector<16xf32>,
      %get3A_386 = arith.index_cast %mul3A_383 : i32 to index
      %get3A_387 = tpu.vector_load %arg6[%get3A_386] {strides = array<i32>} : memref<6400xf32, #tpu.memory_space<vmem>>, vector<16xf32>,
      %max3A_388 = arith.maximumf %get3A_385, %get3A_387 : vector<16xf32>
      %swap3A_389 = arith.index_cast %mul3A_383 : i32 to index
      %swap3A_390 = tpu.vector_load %arg4[%swap3A_389] {strides = array<i32>} : memref<6400xf32, #tpu.memory_space<vmem>>, vector<16xf32>,
      tpu.vector_store %arg4[%swap3A_389], %max3A_388 {strides = array<i32>} : memref<6400xf32, #tpu.memory_space<vmem>>, vector<16xf32>,
      %mul3A_391 = arith.constant 5 : i32
      %mul3A_392 = arith.muli %scan3A_367, %mul3A_391 : i32
      %add3A_393 = arith.constant 2 : i32
      %add3A_394 = arith.addi %mul3A_392, %add3A_393 : i32
      %mul3A_395 = arith.constant 16 : i32
      %mul3A_396 = arith.muli %add3A_394, %mul3A_395 : i32
      %get3A_397 = arith.index_cast %mul3A_396 : i32 to index
      %get3A_398 = tpu.vector_load %arg4[%get3A_397] {strides = array<i32>} : memref<6400xf32, #tpu.memory_space<vmem>>, vector<16xf32>,
      %get3A_399 = arith.index_cast %mul3A_396 : i32 to index
      %get3A_400 = tpu.vector_load %arg6[%get3A_399] {strides = array<i32>} : memref<6400xf32, #tpu.memory_space<vmem>>, vector<16xf32>,
      %max3A_401 = arith.maximumf %get3A_398, %get3A_400 : vector<16xf32>
      %swap3A_402 = arith.index_cast %mul3A_396 : i32 to index
      %swap3A_403 = tpu.vector_load %arg4[%swap3A_402] {strides = array<i32>} : memref<6400xf32, #tpu.memory_space<vmem>>, vector<16xf32>,
      tpu.vector_store %arg4[%swap3A_402], %max3A_401 {strides = array<i32>} : memref<6400xf32, #tpu.memory_space<vmem>>, vector<16xf32>,
      %mul3A_404 = arith.constant 5 : i32
      %mul3A_405 = arith.muli %scan3A_367, %mul3A_404 : i32
      %add3A_406 = arith.constant 3 : i32
      %add3A_407 = arith.addi %mul3A_405, %add3A_406 : i32
      %mul3A_408 = arith.constant 16 : i32
      %mul3A_409 = arith.muli %add3A_407, %mul3A_408 : i32
      %get3A_410 = arith.index_cast %mul3A_409 : i32 to index
      %get3A_411 = tpu.vector_load %arg4[%get3A_410] {strides = array<i32>} : memref<6400xf32, #tpu.memory_space<vmem>>, vector<16xf32>,
      %get3A_412 = arith.index_cast %mul3A_409 : i32 to index
      %get3A_413 = tpu.vector_load %arg6[%get3A_412] {strides = array<i32>} : memref<6400xf32, #tpu.memory_space<vmem>>, vector<16xf32>,
      %max3A_414 = arith.maximumf %get3A_411, %get3A_413 : vector<16xf32>
      %swap3A_415 = arith.index_cast %mul3A_409 : i32 to index
      %swap3A_416 = tpu.vector_load %arg4[%swap3A_415] {strides = array<i32>} : memref<6400xf32, #tpu.memory_space<vmem>>, vector<16xf32>,
      tpu.vector_store %arg4[%swap3A_415], %max3A_414 {strides = array<i32>} : memref<6400xf32, #tpu.memory_space<vmem>>, vector<16xf32>,
      %mul3A_417 = arith.constant 5 : i32
      %mul3A_418 = arith.muli %scan3A_367, %mul3A_417 : i32
      %add3A_419 = arith.constant 4 : i32
      %add3A_420 = arith.addi %mul3A_418, %add3A_419 : i32
      %mul3A_421 = arith.constant 16 : i32
      %mul3A_422 = arith.muli %add3A_420, %mul3A_421 : i32
      %get3A_423 = arith.index_cast %mul3A_422 : i32 to index
      %get3A_424 = tpu.vector_load %arg4[%get3A_423] {strides = array<i32>} : memref<6400xf32, #tpu.memory_space<vmem>>, vector<16xf32>,
      %get3A_425 = arith.index_cast %mul3A_422 : i32 to index
      %get3A_426 = tpu.vector_load %arg6[%get3A_425] {strides = array<i32>} : memref<6400xf32, #tpu.memory_space<vmem>>, vector<16xf32>,
      %max3A_427 = arith.maximumf %get3A_424, %get3A_426 : vector<16xf32>
      %swap3A_428 = arith.index_cast %mul3A_422 : i32 to index
      %swap3A_429 = tpu.vector_load %arg4[%swap3A_428] {strides = array<i32>} : memref<6400xf32, #tpu.memory_space<vmem>>, vector<16xf32>,
      tpu.vector_store %arg4[%swap3A_428], %max3A_427 {strides = array<i32>} : memref<6400xf32, #tpu.memory_space<vmem>>, vector<16xf32>,
    }
    %scan3A_60 = arith.constant 80 : i32
    %mul3A_61 = arith.constant 16 : i32
    %mul3A_62 = arith.muli %arg0, %mul3A_61 : i32
    %add3A_63 = arith.constant 3 : i32
    %add3A_64 = arith.addi %mul3A_62, %add3A_63 : i32
    %mul3A_65 = arith.constant 102400 : i32
    %mul3A_66 = arith.muli %add3A_64, %mul3A_65 : i32
    %add3A_67 = arith.addi %mul3A_66, %mul3A_0 : i32
    %dma_wait3A_68 = tpu.memref_slice %arg2[%add3A_67] : memref<3276800xf32, #tpu.memory_space<hbm>> -> memref<6400xf32, #tpu.memory_space<hbm>>
    %dma_wait3A_69 = tpu.memref_slice %arg2[%add3A_67] : memref<3276800xf32, #tpu.memory_space<hbm>> -> memref<6400xf32, #tpu.memory_space<hbm>>
    tpu.wait_dma2 semaphore(%arg7 : memref<!tpu.dma_semaphore, #tpu.memory_space<semaphore_mem>>) src(%dma_wait3A_69 : memref<6400xf32, #tpu.memory_space<hbm>>) dst(%arg5 : memref<6400xf32, #tpu.memory_space<vmem>>)
    %mul3A_70 = arith.constant 16 : i32
    %mul3A_71 = arith.muli %arg0, %mul3A_70 : i32
    %add3A_72 = arith.constant 4 : i32
    %add3A_73 = arith.addi %mul3A_71, %add3A_72 : i32
    %mul3A_74 = arith.constant 102400 : i32
    %mul3A_75 = arith.muli %add3A_73, %mul3A_74 : i32
    %add3A_76 = arith.addi %mul3A_75, %mul3A_0 : i32
    %dma_start3A_77 = tpu.memref_slice %arg2[%add3A_76] : memref<3276800xf32, #tpu.memory_space<hbm>> -> memref<6400xf32, #tpu.memory_space<hbm>>
    %dma_start3A_78 = tpu.memref_slice %arg2[%add3A_76] : memref<3276800xf32, #tpu.memory_space<hbm>> -> memref<6400xf32, #tpu.memory_space<hbm>>
    tpu.enqueue_dma source(%dma_start3A_78 : memref<6400xf32, #tpu.memory_space<hbm>>) target(%arg6 : memref<6400xf32, #tpu.memory_space<vmem>>) target_semaphore(%arg8 : memref<!tpu.dma_semaphore, #tpu.memory_space<semaphore_mem>>)
    %scan3A_79 = arith.constant 0 : i32
    %scan3A_80 = arith.constant 0 : i32
    %scan3A_81 = arith.constant 80 : i32
    %scan3A_82 = arith.addi %scan3A_80, %scan3A_81 : i32
    %scan3A_83 = arith.constant 1 : i32
    scf.for %scan3A_367 = %scan3A_80 to %scan3A_82 step %scan3A_83  : i32 {
      %mul3A_368 = arith.constant 5 : i32
      %mul3A_369 = arith.muli %scan3A_367, %mul3A_368 : i32
      %add3A_370 = arith.constant 0 : i32
      %add3A_371 = arith.addi %mul3A_369, %add3A_370 : i32
      %mul3A_372 = arith.constant 16 : i32
      %mul3A_373 = arith.muli %add3A_371, %mul3A_372 : i32
      %get3A = arith.index_cast %mul3A_373 : i32 to index
      %get3A_374 = tpu.vector_load %arg4[%get3A] {strides = array<i32>} : memref<6400xf32, #tpu.memory_space<vmem>>, vector<16xf32>,
      %get3A_375 = arith.index_cast %mul3A_373 : i32 to index
      %get3A_376 = tpu.vector_load %arg5[%get3A_375] {strides = array<i32>} : memref<6400xf32, #tpu.memory_space<vmem>>, vector<16xf32>,
      %max3A = arith.maximumf %get3A_374, %get3A_376 : vector<16xf32>
      %swap3A = arith.index_cast %mul3A_373 : i32 to index
      %swap3A_377 = tpu.vector_load %arg4[%swap3A] {strides = array<i32>} : memref<6400xf32, #tpu.memory_space<vmem>>, vector<16xf32>,
      tpu.vector_store %arg4[%swap3A], %max3A {strides = array<i32>} : memref<6400xf32, #tpu.memory_space<vmem>>, vector<16xf32>,
      %mul3A_378 = arith.constant 5 : i32
      %mul3A_379 = arith.muli %scan3A_367, %mul3A_378 : i32
      %add3A_380 = arith.constant 1 : i32
      %add3A_381 = arith.addi %mul3A_379, %add3A_380 : i32
      %mul3A_382 = arith.constant 16 : i32
      %mul3A_383 = arith.muli %add3A_381, %mul3A_382 : i32
      %get3A_384 = arith.index_cast %mul3A_383 : i32 to index
      %get3A_385 = tpu.vector_load %arg4[%get3A_384] {strides = array<i32>} : memref<6400xf32, #tpu.memory_space<vmem>>, vector<16xf32>,
      %get3A_386 = arith.index_cast %mul3A_383 : i32 to index
      %get3A_387 = tpu.vector_load %arg5[%get3A_386] {strides = array<i32>} : memref<6400xf32, #tpu.memory_space<vmem>>, vector<16xf32>,
      %max3A_388 = arith.maximumf %get3A_385, %get3A_387 : vector<16xf32>
      %swap3A_389 = arith.index_cast %mul3A_383 : i32 to index
      %swap3A_390 = tpu.vector_load %arg4[%swap3A_389] {strides = array<i32>} : memref<6400xf32, #tpu.memory_space<vmem>>, vector<16xf32>,
      tpu.vector_store %arg4[%swap3A_389], %max3A_388 {strides = array<i32>} : memref<6400xf32, #tpu.memory_space<vmem>>, vector<16xf32>,
      %mul3A_391 = arith.constant 5 : i32
      %mul3A_392 = arith.muli %scan3A_367, %mul3A_391 : i32
      %add3A_393 = arith.constant 2 : i32
      %add3A_394 = arith.addi %mul3A_392, %add3A_393 : i32
      %mul3A_395 = arith.constant 16 : i32
      %mul3A_396 = arith.muli %add3A_394, %mul3A_395 : i32
      %get3A_397 = arith.index_cast %mul3A_396 : i32 to index
      %get3A_398 = tpu.vector_load %arg4[%get3A_397] {strides = array<i32>} : memref<6400xf32, #tpu.memory_space<vmem>>, vector<16xf32>,
      %get3A_399 = arith.index_cast %mul3A_396 : i32 to index
      %get3A_400 = tpu.vector_load %arg5[%get3A_399] {strides = array<i32>} : memref<6400xf32, #tpu.memory_space<vmem>>, vector<16xf32>,
      %max3A_401 = arith.maximumf %get3A_398, %get3A_400 : vector<16xf32>
      %swap3A_402 = arith.index_cast %mul3A_396 : i32 to index
      %swap3A_403 = tpu.vector_load %arg4[%swap3A_402] {strides = array<i32>} : memref<6400xf32, #tpu.memory_space<vmem>>, vector<16xf32>,
      tpu.vector_store %arg4[%swap3A_402], %max3A_401 {strides = array<i32>} : memref<6400xf32, #tpu.memory_space<vmem>>, vector<16xf32>,
      %mul3A_404 = arith.constant 5 : i32
      %mul3A_405 = arith.muli %scan3A_367, %mul3A_404 : i32
      %add3A_406 = arith.constant 3 : i32
      %add3A_407 = arith.addi %mul3A_405, %add3A_406 : i32
      %mul3A_408 = arith.constant 16 : i32
      %mul3A_409 = arith.muli %add3A_407, %mul3A_408 : i32
      %get3A_410 = arith.index_cast %mul3A_409 : i32 to index
      %get3A_411 = tpu.vector_load %arg4[%get3A_410] {strides = array<i32>} : memref<6400xf32, #tpu.memory_space<vmem>>, vector<16xf32>,
      %get3A_412 = arith.index_cast %mul3A_409 : i32 to index
      %get3A_413 = tpu.vector_load %arg5[%get3A_412] {strides = array<i32>} : memref<6400xf32, #tpu.memory_space<vmem>>, vector<16xf32>,
      %max3A_414 = arith.maximumf %get3A_411, %get3A_413 : vector<16xf32>
      %swap3A_415 = arith.index_cast %mul3A_409 : i32 to index
      %swap3A_416 = tpu.vector_load %arg4[%swap3A_415] {strides = array<i32>} : memref<6400xf32, #tpu.memory_space<vmem>>, vector<16xf32>,
      tpu.vector_store %arg4[%swap3A_415], %max3A_414 {strides = array<i32>} : memref<6400xf32, #tpu.memory_space<vmem>>, vector<16xf32>,
      %mul3A_417 = arith.constant 5 : i32
      %mul3A_418 = arith.muli %scan3A_367, %mul3A_417 : i32
      %add3A_419 = arith.constant 4 : i32
      %add3A_420 = arith.addi %mul3A_418, %add3A_419 : i32
      %mul3A_421 = arith.constant 16 : i32
      %mul3A_422 = arith.muli %add3A_420, %mul3A_421 : i32
      %get3A_423 = arith.index_cast %mul3A_422 : i32 to index
      %get3A_424 = tpu.vector_load %arg4[%get3A_423] {strides = array<i32>} : memref<6400xf32, #tpu.memory_space<vmem>>, vector<16xf32>,
      %get3A_425 = arith.index_cast %mul3A_422 : i32 to index
      %get3A_426 = tpu.vector_load %arg5[%get3A_425] {strides = array<i32>} : memref<6400xf32, #tpu.memory_space<vmem>>, vector<16xf32>,
      %max3A_427 = arith.maximumf %get3A_424, %get3A_426 : vector<16xf32>
      %swap3A_428 = arith.index_cast %mul3A_422 : i32 to index
      %swap3A_429 = tpu.vector_load %arg4[%swap3A_428] {strides = array<i32>} : memref<6400xf32, #tpu.memory_space<vmem>>, vector<16xf32>,
      tpu.vector_store %arg4[%swap3A_428], %max3A_427 {strides = array<i32>} : memref<6400xf32, #tpu.memory_space<vmem>>, vector<16xf32>,
    }
    %scan3A_84 = arith.constant 80 : i32
    %mul3A_85 = arith.constant 16 : i32
    %mul3A_86 = arith.muli %arg0, %mul3A_85 : i32
    %add3A_87 = arith.constant 4 : i32
    %add3A_88 = arith.addi %mul3A_86, %add3A_87 : i32
    %mul3A_89 = arith.constant 102400 : i32
    %mul3A_90 = arith.muli %add3A_88, %mul3A_89 : i32
    %add3A_91 = arith.addi %mul3A_90, %mul3A_0 : i32
    %dma_wait3A_92 = tpu.memref_slice %arg2[%add3A_91] : memref<3276800xf32, #tpu.memory_space<hbm>> -> memref<6400xf32, #tpu.memory_space<hbm>>
    %dma_wait3A_93 = tpu.memref_slice %arg2[%add3A_91] : memref<3276800xf32, #tpu.memory_space<hbm>> -> memref<6400xf32, #tpu.memory_space<hbm>>
    tpu.wait_dma2 semaphore(%arg8 : memref<!tpu.dma_semaphore, #tpu.memory_space<semaphore_mem>>) src(%dma_wait3A_93 : memref<6400xf32, #tpu.memory_space<hbm>>) dst(%arg6 : memref<6400xf32, #tpu.memory_space<vmem>>)
    %mul3A_94 = arith.constant 16 : i32
    %mul3A_95 = arith.muli %arg0, %mul3A_94 : i32
    %add3A_96 = arith.constant 5 : i32
    %add3A_97 = arith.addi %mul3A_95, %add3A_96 : i32
    %mul3A_98 = arith.constant 102400 : i32
    %mul3A_99 = arith.muli %add3A_97, %mul3A_98 : i32
    %add3A_100 = arith.addi %mul3A_99, %mul3A_0 : i32
    %dma_start3A_101 = tpu.memref_slice %arg2[%add3A_100] : memref<3276800xf32, #tpu.memory_space<hbm>> -> memref<6400xf32, #tpu.memory_space<hbm>>
    %dma_start3A_102 = tpu.memref_slice %arg2[%add3A_100] : memref<3276800xf32, #tpu.memory_space<hbm>> -> memref<6400xf32, #tpu.memory_space<hbm>>
    tpu.enqueue_dma source(%dma_start3A_102 : memref<6400xf32, #tpu.memory_space<hbm>>) target(%arg5 : memref<6400xf32, #tpu.memory_space<vmem>>) target_semaphore(%arg7 : memref<!tpu.dma_semaphore, #tpu.memory_space<semaphore_mem>>)
    %scan3A_103 = arith.constant 0 : i32
    %scan3A_104 = arith.constant 0 : i32
    %scan3A_105 = arith.constant 80 : i32
    %scan3A_106 = arith.addi %scan3A_104, %scan3A_105 : i32
    %scan3A_107 = arith.constant 1 : i32
    scf.for %scan3A_367 = %scan3A_104 to %scan3A_106 step %scan3A_107  : i32 {
      %mul3A_368 = arith.constant 5 : i32
      %mul3A_369 = arith.muli %scan3A_367, %mul3A_368 : i32
      %add3A_370 = arith.constant 0 : i32
      %add3A_371 = arith.addi %mul3A_369, %add3A_370 : i32
      %mul3A_372 = arith.constant 16 : i32
      %mul3A_373 = arith.muli %add3A_371, %mul3A_372 : i32
      %get3A = arith.index_cast %mul3A_373 : i32 to index
      %get3A_374 = tpu.vector_load %arg4[%get3A] {strides = array<i32>} : memref<6400xf32, #tpu.memory_space<vmem>>, vector<16xf32>,
      %get3A_375 = arith.index_cast %mul3A_373 : i32 to index
      %get3A_376 = tpu.vector_load %arg6[%get3A_375] {strides = array<i32>} : memref<6400xf32, #tpu.memory_space<vmem>>, vector<16xf32>,
      %max3A = arith.maximumf %get3A_374, %get3A_376 : vector<16xf32>
      %swap3A = arith.index_cast %mul3A_373 : i32 to index
      %swap3A_377 = tpu.vector_load %arg4[%swap3A] {strides = array<i32>} : memref<6400xf32, #tpu.memory_space<vmem>>, vector<16xf32>,
      tpu.vector_store %arg4[%swap3A], %max3A {strides = array<i32>} : memref<6400xf32, #tpu.memory_space<vmem>>, vector<16xf32>,
      %mul3A_378 = arith.constant 5 : i32
      %mul3A_379 = arith.muli %scan3A_367, %mul3A_378 : i32
      %add3A_380 = arith.constant 1 : i32
      %add3A_381 = arith.addi %mul3A_379, %add3A_380 : i32
      %mul3A_382 = arith.constant 16 : i32
      %mul3A_383 = arith.muli %add3A_381, %mul3A_382 : i32
      %get3A_384 = arith.index_cast %mul3A_383 : i32 to index
      %get3A_385 = tpu.vector_load %arg4[%get3A_384] {strides = array<i32>} : memref<6400xf32, #tpu.memory_space<vmem>>, vector<16xf32>,
      %get3A_386 = arith.index_cast %mul3A_383 : i32 to index
      %get3A_387 = tpu.vector_load %arg6[%get3A_386] {strides = array<i32>} : memref<6400xf32, #tpu.memory_space<vmem>>, vector<16xf32>,
      %max3A_388 = arith.maximumf %get3A_385, %get3A_387 : vector<16xf32>
      %swap3A_389 = arith.index_cast %mul3A_383 : i32 to index
      %swap3A_390 = tpu.vector_load %arg4[%swap3A_389] {strides = array<i32>} : memref<6400xf32, #tpu.memory_space<vmem>>, vector<16xf32>,
      tpu.vector_store %arg4[%swap3A_389], %max3A_388 {strides = array<i32>} : memref<6400xf32, #tpu.memory_space<vmem>>, vector<16xf32>,
      %mul3A_391 = arith.constant 5 : i32
      %mul3A_392 = arith.muli %scan3A_367, %mul3A_391 : i32
      %add3A_393 = arith.constant 2 : i32
      %add3A_394 = arith.addi %mul3A_392, %add3A_393 : i32
      %mul3A_395 = arith.constant 16 : i32
      %mul3A_396 = arith.muli %add3A_394, %mul3A_395 : i32
      %get3A_397 = arith.index_cast %mul3A_396 : i32 to index
      %get3A_398 = tpu.vector_load %arg4[%get3A_397] {strides = array<i32>} : memref<6400xf32, #tpu.memory_space<vmem>>, vector<16xf32>,
      %get3A_399 = arith.index_cast %mul3A_396 : i32 to index
      %get3A_400 = tpu.vector_load %arg6[%get3A_399] {strides = array<i32>} : memref<6400xf32, #tpu.memory_space<vmem>>, vector<16xf32>,
      %max3A_401 = arith.maximumf %get3A_398, %get3A_400 : vector<16xf32>
      %swap3A_402 = arith.index_cast %mul3A_396 : i32 to index
      %swap3A_403 = tpu.vector_load %arg4[%swap3A_402] {strides = array<i32>} : memref<6400xf32, #tpu.memory_space<vmem>>, vector<16xf32>,
      tpu.vector_store %arg4[%swap3A_402], %max3A_401 {strides = array<i32>} : memref<6400xf32, #tpu.memory_space<vmem>>, vector<16xf32>,
      %mul3A_404 = arith.constant 5 : i32
      %mul3A_405 = arith.muli %scan3A_367, %mul3A_404 : i32
      %add3A_406 = arith.constant 3 : i32
      %add3A_407 = arith.addi %mul3A_405, %add3A_406 : i32
      %mul3A_408 = arith.constant 16 : i32
      %mul3A_409 = arith.muli %add3A_407, %mul3A_408 : i32
      %get3A_410 = arith.index_cast %mul3A_409 : i32 to index
      %get3A_411 = tpu.vector_load %arg4[%get3A_410] {strides = array<i32>} : memref<6400xf32, #tpu.memory_space<vmem>>, vector<16xf32>,
      %get3A_412 = arith.index_cast %mul3A_409 : i32 to index
      %get3A_413 = tpu.vector_load %arg6[%get3A_412] {strides = array<i32>} : memref<6400xf32, #tpu.memory_space<vmem>>, vector<16xf32>,
      %max3A_414 = arith.maximumf %get3A_411, %get3A_413 : vector<16xf32>
      %swap3A_415 = arith.index_cast %mul3A_409 : i32 to index
      %swap3A_416 = tpu.vector_load %arg4[%swap3A_415] {strides = array<i32>} : memref<6400xf32, #tpu.memory_space<vmem>>, vector<16xf32>,
      tpu.vector_store %arg4[%swap3A_415], %max3A_414 {strides = array<i32>} : memref<6400xf32, #tpu.memory_space<vmem>>, vector<16xf32>,
      %mul3A_417 = arith.constant 5 : i32
      %mul3A_418 = arith.muli %scan3A_367, %mul3A_417 : i32
      %add3A_419 = arith.constant 4 : i32
      %add3A_420 = arith.addi %mul3A_418, %add3A_419 : i32
      %mul3A_421 = arith.constant 16 : i32
      %mul3A_422 = arith.muli %add3A_420, %mul3A_421 : i32
      %get3A_423 = arith.index_cast %mul3A_422 : i32 to index
      %get3A_424 = tpu.vector_load %arg4[%get3A_423] {strides = array<i32>} : memref<6400xf32, #tpu.memory_space<vmem>>, vector<16xf32>,
      %get3A_425 = arith.index_cast %mul3A_422 : i32 to index
      %get3A_426 = tpu.vector_load %arg6[%get3A_425] {strides = array<i32>} : memref<6400xf32, #tpu.memory_space<vmem>>, vector<16xf32>,
      %max3A_427 = arith.maximumf %get3A_424, %get3A_426 : vector<16xf32>
      %swap3A_428 = arith.index_cast %mul3A_422 : i32 to index
      %swap3A_429 = tpu.vector_load %arg4[%swap3A_428] {strides = array<i32>} : memref<6400xf32, #tpu.memory_space<vmem>>, vector<16xf32>,
      tpu.vector_store %arg4[%swap3A_428], %max3A_427 {strides = array<i32>} : memref<6400xf32, #tpu.memory_space<vmem>>, vector<16xf32>,
    }
    %scan3A_108 = arith.constant 80 : i32
    %mul3A_109 = arith.constant 16 : i32
    %mul3A_110 = arith.muli %arg0, %mul3A_109 : i32
    %add3A_111 = arith.constant 5 : i32
    %add3A_112 = arith.addi %mul3A_110, %add3A_111 : i32
    %mul3A_113 = arith.constant 102400 : i32
    %mul3A_114 = arith.muli %add3A_112, %mul3A_113 : i32
    %add3A_115 = arith.addi %mul3A_114, %mul3A_0 : i32
    %dma_wait3A_116 = tpu.memref_slice %arg2[%add3A_115] : memref<3276800xf32, #tpu.memory_space<hbm>> -> memref<6400xf32, #tpu.memory_space<hbm>>
    %dma_wait3A_117 = tpu.memref_slice %arg2[%add3A_115] : memref<3276800xf32, #tpu.memory_space<hbm>> -> memref<6400xf32, #tpu.memory_space<hbm>>
    tpu.wait_dma2 semaphore(%arg7 : memref<!tpu.dma_semaphore, #tpu.memory_space<semaphore_mem>>) src(%dma_wait3A_117 : memref<6400xf32, #tpu.memory_space<hbm>>) dst(%arg5 : memref<6400xf32, #tpu.memory_space<vmem>>)
    %mul3A_118 = arith.constant 16 : i32
    %mul3A_119 = arith.muli %arg0, %mul3A_118 : i32
    %add3A_120 = arith.constant 6 : i32
    %add3A_121 = arith.addi %mul3A_119, %add3A_120 : i32
    %mul3A_122 = arith.constant 102400 : i32
    %mul3A_123 = arith.muli %add3A_121, %mul3A_122 : i32
    %add3A_124 = arith.addi %mul3A_123, %mul3A_0 : i32
    %dma_start3A_125 = tpu.memref_slice %arg2[%add3A_124] : memref<3276800xf32, #tpu.memory_space<hbm>> -> memref<6400xf32, #tpu.memory_space<hbm>>
    %dma_start3A_126 = tpu.memref_slice %arg2[%add3A_124] : memref<3276800xf32, #tpu.memory_space<hbm>> -> memref<6400xf32, #tpu.memory_space<hbm>>
    tpu.enqueue_dma source(%dma_start3A_126 : memref<6400xf32, #tpu.memory_space<hbm>>) target(%arg6 : memref<6400xf32, #tpu.memory_space<vmem>>) target_semaphore(%arg8 : memref<!tpu.dma_semaphore, #tpu.memory_space<semaphore_mem>>)
    %scan3A_127 = arith.constant 0 : i32
    %scan3A_128 = arith.constant 0 : i32
    %scan3A_129 = arith.constant 80 : i32
    %scan3A_130 = arith.addi %scan3A_128, %scan3A_129 : i32
    %scan3A_131 = arith.constant 1 : i32
    scf.for %scan3A_367 = %scan3A_128 to %scan3A_130 step %scan3A_131  : i32 {
      %mul3A_368 = arith.constant 5 : i32
      %mul3A_369 = arith.muli %scan3A_367, %mul3A_368 : i32
      %add3A_370 = arith.constant 0 : i32
      %add3A_371 = arith.addi %mul3A_369, %add3A_370 : i32
      %mul3A_372 = arith.constant 16 : i32
      %mul3A_373 = arith.muli %add3A_371, %mul3A_372 : i32
      %get3A = arith.index_cast %mul3A_373 : i32 to index
      %get3A_374 = tpu.vector_load %arg4[%get3A] {strides = array<i32>} : memref<6400xf32, #tpu.memory_space<vmem>>, vector<16xf32>,
      %get3A_375 = arith.index_cast %mul3A_373 : i32 to index
      %get3A_376 = tpu.vector_load %arg5[%get3A_375] {strides = array<i32>} : memref<6400xf32, #tpu.memory_space<vmem>>, vector<16xf32>,
      %max3A = arith.maximumf %get3A_374, %get3A_376 : vector<16xf32>
      %swap3A = arith.index_cast %mul3A_373 : i32 to index
      %swap3A_377 = tpu.vector_load %arg4[%swap3A] {strides = array<i32>} : memref<6400xf32, #tpu.memory_space<vmem>>, vector<16xf32>,
      tpu.vector_store %arg4[%swap3A], %max3A {strides = array<i32>} : memref<6400xf32, #tpu.memory_space<vmem>>, vector<16xf32>,
      %mul3A_378 = arith.constant 5 : i32
      %mul3A_379 = arith.muli %scan3A_367, %mul3A_378 : i32
      %add3A_380 = arith.constant 1 : i32
      %add3A_381 = arith.addi %mul3A_379, %add3A_380 : i32
      %mul3A_382 = arith.constant 16 : i32
      %mul3A_383 = arith.muli %add3A_381, %mul3A_382 : i32
      %get3A_384 = arith.index_cast %mul3A_383 : i32 to index
      %get3A_385 = tpu.vector_load %arg4[%get3A_384] {strides = array<i32>} : memref<6400xf32, #tpu.memory_space<vmem>>, vector<16xf32>,
      %get3A_386 = arith.index_cast %mul3A_383 : i32 to index
      %get3A_387 = tpu.vector_load %arg5[%get3A_386] {strides = array<i32>} : memref<6400xf32, #tpu.memory_space<vmem>>, vector<16xf32>,
      %max3A_388 = arith.maximumf %get3A_385, %get3A_387 : vector<16xf32>
      %swap3A_389 = arith.index_cast %mul3A_383 : i32 to index
      %swap3A_390 = tpu.vector_load %arg4[%swap3A_389] {strides = array<i32>} : memref<6400xf32, #tpu.memory_space<vmem>>, vector<16xf32>,
      tpu.vector_store %arg4[%swap3A_389], %max3A_388 {strides = array<i32>} : memref<6400xf32, #tpu.memory_space<vmem>>, vector<16xf32>,
      %mul3A_391 = arith.constant 5 : i32
      %mul3A_392 = arith.muli %scan3A_367, %mul3A_391 : i32
      %add3A_393 = arith.constant 2 : i32
      %add3A_394 = arith.addi %mul3A_392, %add3A_393 : i32
      %mul3A_395 = arith.constant 16 : i32
      %mul3A_396 = arith.muli %add3A_394, %mul3A_395 : i32
      %get3A_397 = arith.index_cast %mul3A_396 : i32 to index
      %get3A_398 = tpu.vector_load %arg4[%get3A_397] {strides = array<i32>} : memref<6400xf32, #tpu.memory_space<vmem>>, vector<16xf32>,
      %get3A_399 = arith.index_cast %mul3A_396 : i32 to index
      %get3A_400 = tpu.vector_load %arg5[%get3A_399] {strides = array<i32>} : memref<6400xf32, #tpu.memory_space<vmem>>, vector<16xf32>,
      %max3A_401 = arith.maximumf %get3A_398, %get3A_400 : vector<16xf32>
      %swap3A_402 = arith.index_cast %mul3A_396 : i32 to index
      %swap3A_403 = tpu.vector_load %arg4[%swap3A_402] {strides = array<i32>} : memref<6400xf32, #tpu.memory_space<vmem>>, vector<16xf32>,
      tpu.vector_store %arg4[%swap3A_402], %max3A_401 {strides = array<i32>} : memref<6400xf32, #tpu.memory_space<vmem>>, vector<16xf32>,
      %mul3A_404 = arith.constant 5 : i32
      %mul3A_405 = arith.muli %scan3A_367, %mul3A_404 : i32
      %add3A_406 = arith.constant 3 : i32
      %add3A_407 = arith.addi %mul3A_405, %add3A_406 : i32
      %mul3A_408 = arith.constant 16 : i32
      %mul3A_409 = arith.muli %add3A_407, %mul3A_408 : i32
      %get3A_410 = arith.index_cast %mul3A_409 : i32 to index
      %get3A_411 = tpu.vector_load %arg4[%get3A_410] {strides = array<i32>} : memref<6400xf32, #tpu.memory_space<vmem>>, vector<16xf32>,
      %get3A_412 = arith.index_cast %mul3A_409 : i32 to index
      %get3A_413 = tpu.vector_load %arg5[%get3A_412] {strides = array<i32>} : memref<6400xf32, #tpu.memory_space<vmem>>, vector<16xf32>,
      %max3A_414 = arith.maximumf %get3A_411, %get3A_413 : vector<16xf32>
      %swap3A_415 = arith.index_cast %mul3A_409 : i32 to index
      %swap3A_416 = tpu.vector_load %arg4[%swap3A_415] {strides = array<i32>} : memref<6400xf32, #tpu.memory_space<vmem>>, vector<16xf32>,
      tpu.vector_store %arg4[%swap3A_415], %max3A_414 {strides = array<i32>} : memref<6400xf32, #tpu.memory_space<vmem>>, vector<16xf32>,
      %mul3A_417 = arith.constant 5 : i32
      %mul3A_418 = arith.muli %scan3A_367, %mul3A_417 : i32
      %add3A_419 = arith.constant 4 : i32
      %add3A_420 = arith.addi %mul3A_418, %add3A_419 : i32
      %mul3A_421 = arith.constant 16 : i32
      %mul3A_422 = arith.muli %add3A_420, %mul3A_421 : i32
      %get3A_423 = arith.index_cast %mul3A_422 : i32 to index
      %get3A_424 = tpu.vector_load %arg4[%get3A_423] {strides = array<i32>} : memref<6400xf32, #tpu.memory_space<vmem>>, vector<16xf32>,
      %get3A_425 = arith.index_cast %mul3A_422 : i32 to index
      %get3A_426 = tpu.vector_load %arg5[%get3A_425] {strides = array<i32>} : memref<6400xf32, #tpu.memory_space<vmem>>, vector<16xf32>,
      %max3A_427 = arith.maximumf %get3A_424, %get3A_426 : vector<16xf32>
      %swap3A_428 = arith.index_cast %mul3A_422 : i32 to index
      %swap3A_429 = tpu.vector_load %arg4[%swap3A_428] {strides = array<i32>} : memref<6400xf32, #tpu.memory_space<vmem>>, vector<16xf32>,
      tpu.vector_store %arg4[%swap3A_428], %max3A_427 {strides = array<i32>} : memref<6400xf32, #tpu.memory_space<vmem>>, vector<16xf32>,
    }
    %scan3A_132 = arith.constant 80 : i32
    %mul3A_133 = arith.constant 16 : i32
    %mul3A_134 = arith.muli %arg0, %mul3A_133 : i32
    %add3A_135 = arith.constant 6 : i32
    %add3A_136 = arith.addi %mul3A_134, %add3A_135 : i32
    %mul3A_137 = arith.constant 102400 : i32
    %mul3A_138 = arith.muli %add3A_136, %mul3A_137 : i32
    %add3A_139 = arith.addi %mul3A_138, %mul3A_0 : i32
    %dma_wait3A_140 = tpu.memref_slice %arg2[%add3A_139] : memref<3276800xf32, #tpu.memory_space<hbm>> -> memref<6400xf32, #tpu.memory_space<hbm>>
    %dma_wait3A_141 = tpu.memref_slice %arg2[%add3A_139] : memref<3276800xf32, #tpu.memory_space<hbm>> -> memref<6400xf32, #tpu.memory_space<hbm>>
    tpu.wait_dma2 semaphore(%arg8 : memref<!tpu.dma_semaphore, #tpu.memory_space<semaphore_mem>>) src(%dma_wait3A_141 : memref<6400xf32, #tpu.memory_space<hbm>>) dst(%arg6 : memref<6400xf32, #tpu.memory_space<vmem>>)
    %mul3A_142 = arith.constant 16 : i32
    %mul3A_143 = arith.muli %arg0, %mul3A_142 : i32
    %add3A_144 = arith.constant 7 : i32
    %add3A_145 = arith.addi %mul3A_143, %add3A_144 : i32
    %mul3A_146 = arith.constant 102400 : i32
    %mul3A_147 = arith.muli %add3A_145, %mul3A_146 : i32
    %add3A_148 = arith.addi %mul3A_147, %mul3A_0 : i32
    %dma_start3A_149 = tpu.memref_slice %arg2[%add3A_148] : memref<3276800xf32, #tpu.memory_space<hbm>> -> memref<6400xf32, #tpu.memory_space<hbm>>
    %dma_start3A_150 = tpu.memref_slice %arg2[%add3A_148] : memref<3276800xf32, #tpu.memory_space<hbm>> -> memref<6400xf32, #tpu.memory_space<hbm>>
    tpu.enqueue_dma source(%dma_start3A_150 : memref<6400xf32, #tpu.memory_space<hbm>>) target(%arg5 : memref<6400xf32, #tpu.memory_space<vmem>>) target_semaphore(%arg7 : memref<!tpu.dma_semaphore, #tpu.memory_space<semaphore_mem>>)
    %scan3A_151 = arith.constant 0 : i32
    %scan3A_152 = arith.constant 0 : i32
    %scan3A_153 = arith.constant 80 : i32
    %scan3A_154 = arith.addi %scan3A_152, %scan3A_153 : i32
    %scan3A_155 = arith.constant 1 : i32
    scf.for %scan3A_367 = %scan3A_152 to %scan3A_154 step %scan3A_155  : i32 {
      %mul3A_368 = arith.constant 5 : i32
      %mul3A_369 = arith.muli %scan3A_367, %mul3A_368 : i32
      %add3A_370 = arith.constant 0 : i32
      %add3A_371 = arith.addi %mul3A_369, %add3A_370 : i32
      %mul3A_372 = arith.constant 16 : i32
      %mul3A_373 = arith.muli %add3A_371, %mul3A_372 : i32
      %get3A = arith.index_cast %mul3A_373 : i32 to index
      %get3A_374 = tpu.vector_load %arg4[%get3A] {strides = array<i32>} : memref<6400xf32, #tpu.memory_space<vmem>>, vector<16xf32>,
      %get3A_375 = arith.index_cast %mul3A_373 : i32 to index
      %get3A_376 = tpu.vector_load %arg6[%get3A_375] {strides = array<i32>} : memref<6400xf32, #tpu.memory_space<vmem>>, vector<16xf32>,
      %max3A = arith.maximumf %get3A_374, %get3A_376 : vector<16xf32>
      %swap3A = arith.index_cast %mul3A_373 : i32 to index
      %swap3A_377 = tpu.vector_load %arg4[%swap3A] {strides = array<i32>} : memref<6400xf32, #tpu.memory_space<vmem>>, vector<16xf32>,
      tpu.vector_store %arg4[%swap3A], %max3A {strides = array<i32>} : memref<6400xf32, #tpu.memory_space<vmem>>, vector<16xf32>,
      %mul3A_378 = arith.constant 5 : i32
      %mul3A_379 = arith.muli %scan3A_367, %mul3A_378 : i32
      %add3A_380 = arith.constant 1 : i32
      %add3A_381 = arith.addi %mul3A_379, %add3A_380 : i32
      %mul3A_382 = arith.constant 16 : i32
      %mul3A_383 = arith.muli %add3A_381, %mul3A_382 : i32
      %get3A_384 = arith.index_cast %mul3A_383 : i32 to index
      %get3A_385 = tpu.vector_load %arg4[%get3A_384] {strides = array<i32>} : memref<6400xf32, #tpu.memory_space<vmem>>, vector<16xf32>,
      %get3A_386 = arith.index_cast %mul3A_383 : i32 to index
      %get3A_387 = tpu.vector_load %arg6[%get3A_386] {strides = array<i32>} : memref<6400xf32, #tpu.memory_space<vmem>>, vector<16xf32>,
      %max3A_388 = arith.maximumf %get3A_385, %get3A_387 : vector<16xf32>
      %swap3A_389 = arith.index_cast %mul3A_383 : i32 to index
      %swap3A_390 = tpu.vector_load %arg4[%swap3A_389] {strides = array<i32>} : memref<6400xf32, #tpu.memory_space<vmem>>, vector<16xf32>,
      tpu.vector_store %arg4[%swap3A_389], %max3A_388 {strides = array<i32>} : memref<6400xf32, #tpu.memory_space<vmem>>, vector<16xf32>,
      %mul3A_391 = arith.constant 5 : i32
      %mul3A_392 = arith.muli %scan3A_367, %mul3A_391 : i32
      %add3A_393 = arith.constant 2 : i32
      %add3A_394 = arith.addi %mul3A_392, %add3A_393 : i32
      %mul3A_395 = arith.constant 16 : i32
      %mul3A_396 = arith.muli %add3A_394, %mul3A_395 : i32
      %get3A_397 = arith.index_cast %mul3A_396 : i32 to index
      %get3A_398 = tpu.vector_load %arg4[%get3A_397] {strides = array<i32>} : memref<6400xf32, #tpu.memory_space<vmem>>, vector<16xf32>,
      %get3A_399 = arith.index_cast %mul3A_396 : i32 to index
      %get3A_400 = tpu.vector_load %arg6[%get3A_399] {strides = array<i32>} : memref<6400xf32, #tpu.memory_space<vmem>>, vector<16xf32>,
      %max3A_401 = arith.maximumf %get3A_398, %get3A_400 : vector<16xf32>
      %swap3A_402 = arith.index_cast %mul3A_396 : i32 to index
      %swap3A_403 = tpu.vector_load %arg4[%swap3A_402] {strides = array<i32>} : memref<6400xf32, #tpu.memory_space<vmem>>, vector<16xf32>,
      tpu.vector_store %arg4[%swap3A_402], %max3A_401 {strides = array<i32>} : memref<6400xf32, #tpu.memory_space<vmem>>, vector<16xf32>,
      %mul3A_404 = arith.constant 5 : i32
      %mul3A_405 = arith.muli %scan3A_367, %mul3A_404 : i32
      %add3A_406 = arith.constant 3 : i32
      %add3A_407 = arith.addi %mul3A_405, %add3A_406 : i32
      %mul3A_408 = arith.constant 16 : i32
      %mul3A_409 = arith.muli %add3A_407, %mul3A_408 : i32
      %get3A_410 = arith.index_cast %mul3A_409 : i32 to index
      %get3A_411 = tpu.vector_load %arg4[%get3A_410] {strides = array<i32>} : memref<6400xf32, #tpu.memory_space<vmem>>, vector<16xf32>,
      %get3A_412 = arith.index_cast %mul3A_409 : i32 to index
      %get3A_413 = tpu.vector_load %arg6[%get3A_412] {strides = array<i32>} : memref<6400xf32, #tpu.memory_space<vmem>>, vector<16xf32>,
      %max3A_414 = arith.maximumf %get3A_411, %get3A_413 : vector<16xf32>
      %swap3A_415 = arith.index_cast %mul3A_409 : i32 to index
      %swap3A_416 = tpu.vector_load %arg4[%swap3A_415] {strides = array<i32>} : memref<6400xf32, #tpu.memory_space<vmem>>, vector<16xf32>,
      tpu.vector_store %arg4[%swap3A_415], %max3A_414 {strides = array<i32>} : memref<6400xf32, #tpu.memory_space<vmem>>, vector<16xf32>,
      %mul3A_417 = arith.constant 5 : i32
      %mul3A_418 = arith.muli %scan3A_367, %mul3A_417 : i32
      %add3A_419 = arith.constant 4 : i32
      %add3A_420 = arith.addi %mul3A_418, %add3A_419 : i32
      %mul3A_421 = arith.constant 16 : i32
      %mul3A_422 = arith.muli %add3A_420, %mul3A_421 : i32
      %get3A_423 = arith.index_cast %mul3A_422 : i32 to index
      %get3A_424 = tpu.vector_load %arg4[%get3A_423] {strides = array<i32>} : memref<6400xf32, #tpu.memory_space<vmem>>, vector<16xf32>,
      %get3A_425 = arith.index_cast %mul3A_422 : i32 to index
      %get3A_426 = tpu.vector_load %arg6[%get3A_425] {strides = array<i32>} : memref<6400xf32, #tpu.memory_space<vmem>>, vector<16xf32>,
      %max3A_427 = arith.maximumf %get3A_424, %get3A_426 : vector<16xf32>
      %swap3A_428 = arith.index_cast %mul3A_422 : i32 to index
      %swap3A_429 = tpu.vector_load %arg4[%swap3A_428] {strides = array<i32>} : memref<6400xf32, #tpu.memory_space<vmem>>, vector<16xf32>,
      tpu.vector_store %arg4[%swap3A_428], %max3A_427 {strides = array<i32>} : memref<6400xf32, #tpu.memory_space<vmem>>, vector<16xf32>,
    }
    %scan3A_156 = arith.constant 80 : i32
    %mul3A_157 = arith.constant 16 : i32
    %mul3A_158 = arith.muli %arg0, %mul3A_157 : i32
    %add3A_159 = arith.constant 7 : i32
    %add3A_160 = arith.addi %mul3A_158, %add3A_159 : i32
    %mul3A_161 = arith.constant 102400 : i32
    %mul3A_162 = arith.muli %add3A_160, %mul3A_161 : i32
    %add3A_163 = arith.addi %mul3A_162, %mul3A_0 : i32
    %dma_wait3A_164 = tpu.memref_slice %arg2[%add3A_163] : memref<3276800xf32, #tpu.memory_space<hbm>> -> memref<6400xf32, #tpu.memory_space<hbm>>
    %dma_wait3A_165 = tpu.memref_slice %arg2[%add3A_163] : memref<3276800xf32, #tpu.memory_space<hbm>> -> memref<6400xf32, #tpu.memory_space<hbm>>
    tpu.wait_dma2 semaphore(%arg7 : memref<!tpu.dma_semaphore, #tpu.memory_space<semaphore_mem>>) src(%dma_wait3A_165 : memref<6400xf32, #tpu.memory_space<hbm>>) dst(%arg5 : memref<6400xf32, #tpu.memory_space<vmem>>)
    %mul3A_166 = arith.constant 16 : i32
    %mul3A_167 = arith.muli %arg0, %mul3A_166 : i32
    %add3A_168 = arith.constant 8 : i32
    %add3A_169 = arith.addi %mul3A_167, %add3A_168 : i32
    %mul3A_170 = arith.constant 102400 : i32
    %mul3A_171 = arith.muli %add3A_169, %mul3A_170 : i32
    %add3A_172 = arith.addi %mul3A_171, %mul3A_0 : i32
    %dma_start3A_173 = tpu.memref_slice %arg2[%add3A_172] : memref<3276800xf32, #tpu.memory_space<hbm>> -> memref<6400xf32, #tpu.memory_space<hbm>>
    %dma_start3A_174 = tpu.memref_slice %arg2[%add3A_172] : memref<3276800xf32, #tpu.memory_space<hbm>> -> memref<6400xf32, #tpu.memory_space<hbm>>
    tpu.enqueue_dma source(%dma_start3A_174 : memref<6400xf32, #tpu.memory_space<hbm>>) target(%arg6 : memref<6400xf32, #tpu.memory_space<vmem>>) target_semaphore(%arg8 : memref<!tpu.dma_semaphore, #tpu.memory_space<semaphore_mem>>)
    %scan3A_175 = arith.constant 0 : i32
    %scan3A_176 = arith.constant 0 : i32
    %scan3A_177 = arith.constant 80 : i32
    %scan3A_178 = arith.addi %scan3A_176, %scan3A_177 : i32
    %scan3A_179 = arith.constant 1 : i32
    scf.for %scan3A_367 = %scan3A_176 to %scan3A_178 step %scan3A_179  : i32 {
      %mul3A_368 = arith.constant 5 : i32
      %mul3A_369 = arith.muli %scan3A_367, %mul3A_368 : i32
      %add3A_370 = arith.constant 0 : i32
      %add3A_371 = arith.addi %mul3A_369, %add3A_370 : i32
      %mul3A_372 = arith.constant 16 : i32
      %mul3A_373 = arith.muli %add3A_371, %mul3A_372 : i32
      %get3A = arith.index_cast %mul3A_373 : i32 to index
      %get3A_374 = tpu.vector_load %arg4[%get3A] {strides = array<i32>} : memref<6400xf32, #tpu.memory_space<vmem>>, vector<16xf32>,
      %get3A_375 = arith.index_cast %mul3A_373 : i32 to index
      %get3A_376 = tpu.vector_load %arg5[%get3A_375] {strides = array<i32>} : memref<6400xf32, #tpu.memory_space<vmem>>, vector<16xf32>,
      %max3A = arith.maximumf %get3A_374, %get3A_376 : vector<16xf32>
      %swap3A = arith.index_cast %mul3A_373 : i32 to index
      %swap3A_377 = tpu.vector_load %arg4[%swap3A] {strides = array<i32>} : memref<6400xf32, #tpu.memory_space<vmem>>, vector<16xf32>,
      tpu.vector_store %arg4[%swap3A], %max3A {strides = array<i32>} : memref<6400xf32, #tpu.memory_space<vmem>>, vector<16xf32>,
      %mul3A_378 = arith.constant 5 : i32
      %mul3A_379 = arith.muli %scan3A_367, %mul3A_378 : i32
      %add3A_380 = arith.constant 1 : i32
      %add3A_381 = arith.addi %mul3A_379, %add3A_380 : i32
      %mul3A_382 = arith.constant 16 : i32
      %mul3A_383 = arith.muli %add3A_381, %mul3A_382 : i32
      %get3A_384 = arith.index_cast %mul3A_383 : i32 to index
      %get3A_385 = tpu.vector_load %arg4[%get3A_384] {strides = array<i32>} : memref<6400xf32, #tpu.memory_space<vmem>>, vector<16xf32>,
      %get3A_386 = arith.index_cast %mul3A_383 : i32 to index
      %get3A_387 = tpu.vector_load %arg5[%get3A_386] {strides = array<i32>} : memref<6400xf32, #tpu.memory_space<vmem>>, vector<16xf32>,
      %max3A_388 = arith.maximumf %get3A_385, %get3A_387 : vector<16xf32>
      %swap3A_389 = arith.index_cast %mul3A_383 : i32 to index
      %swap3A_390 = tpu.vector_load %arg4[%swap3A_389] {strides = array<i32>} : memref<6400xf32, #tpu.memory_space<vmem>>, vector<16xf32>,
      tpu.vector_store %arg4[%swap3A_389], %max3A_388 {strides = array<i32>} : memref<6400xf32, #tpu.memory_space<vmem>>, vector<16xf32>,
      %mul3A_391 = arith.constant 5 : i32
      %mul3A_392 = arith.muli %scan3A_367, %mul3A_391 : i32
      %add3A_393 = arith.constant 2 : i32
      %add3A_394 = arith.addi %mul3A_392, %add3A_393 : i32
      %mul3A_395 = arith.constant 16 : i32
      %mul3A_396 = arith.muli %add3A_394, %mul3A_395 : i32
      %get3A_397 = arith.index_cast %mul3A_396 : i32 to index
      %get3A_398 = tpu.vector_load %arg4[%get3A_397] {strides = array<i32>} : memref<6400xf32, #tpu.memory_space<vmem>>, vector<16xf32>,
      %get3A_399 = arith.index_cast %mul3A_396 : i32 to index
      %get3A_400 = tpu.vector_load %arg5[%get3A_399] {strides = array<i32>} : memref<6400xf32, #tpu.memory_space<vmem>>, vector<16xf32>,
      %max3A_401 = arith.maximumf %get3A_398, %get3A_400 : vector<16xf32>
      %swap3A_402 = arith.index_cast %mul3A_396 : i32 to index
      %swap3A_403 = tpu.vector_load %arg4[%swap3A_402] {strides = array<i32>} : memref<6400xf32, #tpu.memory_space<vmem>>, vector<16xf32>,
      tpu.vector_store %arg4[%swap3A_402], %max3A_401 {strides = array<i32>} : memref<6400xf32, #tpu.memory_space<vmem>>, vector<16xf32>,
      %mul3A_404 = arith.constant 5 : i32
      %mul3A_405 = arith.muli %scan3A_367, %mul3A_404 : i32
      %add3A_406 = arith.constant 3 : i32
      %add3A_407 = arith.addi %mul3A_405, %add3A_406 : i32
      %mul3A_408 = arith.constant 16 : i32
      %mul3A_409 = arith.muli %add3A_407, %mul3A_408 : i32
      %get3A_410 = arith.index_cast %mul3A_409 : i32 to index
      %get3A_411 = tpu.vector_load %arg4[%get3A_410] {strides = array<i32>} : memref<6400xf32, #tpu.memory_space<vmem>>, vector<16xf32>,
      %get3A_412 = arith.index_cast %mul3A_409 : i32 to index
      %get3A_413 = tpu.vector_load %arg5[%get3A_412] {strides = array<i32>} : memref<6400xf32, #tpu.memory_space<vmem>>, vector<16xf32>,
      %max3A_414 = arith.maximumf %get3A_411, %get3A_413 : vector<16xf32>
      %swap3A_415 = arith.index_cast %mul3A_409 : i32 to index
      %swap3A_416 = tpu.vector_load %arg4[%swap3A_415] {strides = array<i32>} : memref<6400xf32, #tpu.memory_space<vmem>>, vector<16xf32>,
      tpu.vector_store %arg4[%swap3A_415], %max3A_414 {strides = array<i32>} : memref<6400xf32, #tpu.memory_space<vmem>>, vector<16xf32>,
      %mul3A_417 = arith.constant 5 : i32
      %mul3A_418 = arith.muli %scan3A_367, %mul3A_417 : i32
      %add3A_419 = arith.constant 4 : i32
      %add3A_420 = arith.addi %mul3A_418, %add3A_419 : i32
      %mul3A_421 = arith.constant 16 : i32
      %mul3A_422 = arith.muli %add3A_420, %mul3A_421 : i32
      %get3A_423 = arith.index_cast %mul3A_422 : i32 to index
      %get3A_424 = tpu.vector_load %arg4[%get3A_423] {strides = array<i32>} : memref<6400xf32, #tpu.memory_space<vmem>>, vector<16xf32>,
      %get3A_425 = arith.index_cast %mul3A_422 : i32 to index
      %get3A_426 = tpu.vector_load %arg5[%get3A_425] {strides = array<i32>} : memref<6400xf32, #tpu.memory_space<vmem>>, vector<16xf32>,
      %max3A_427 = arith.maximumf %get3A_424, %get3A_426 : vector<16xf32>
      %swap3A_428 = arith.index_cast %mul3A_422 : i32 to index
      %swap3A_429 = tpu.vector_load %arg4[%swap3A_428] {strides = array<i32>} : memref<6400xf32, #tpu.memory_space<vmem>>, vector<16xf32>,
      tpu.vector_store %arg4[%swap3A_428], %max3A_427 {strides = array<i32>} : memref<6400xf32, #tpu.memory_space<vmem>>, vector<16xf32>,
    }
    %scan3A_180 = arith.constant 80 : i32
    %mul3A_181 = arith.constant 16 : i32
    %mul3A_182 = arith.muli %arg0, %mul3A_181 : i32
    %add3A_183 = arith.constant 8 : i32
    %add3A_184 = arith.addi %mul3A_182, %add3A_183 : i32
    %mul3A_185 = arith.constant 102400 : i32
    %mul3A_186 = arith.muli %add3A_184, %mul3A_185 : i32
    %add3A_187 = arith.addi %mul3A_186, %mul3A_0 : i32
    %dma_wait3A_188 = tpu.memref_slice %arg2[%add3A_187] : memref<3276800xf32, #tpu.memory_space<hbm>> -> memref<6400xf32, #tpu.memory_space<hbm>>
    %dma_wait3A_189 = tpu.memref_slice %arg2[%add3A_187] : memref<3276800xf32, #tpu.memory_space<hbm>> -> memref<6400xf32, #tpu.memory_space<hbm>>
    tpu.wait_dma2 semaphore(%arg8 : memref<!tpu.dma_semaphore, #tpu.memory_space<semaphore_mem>>) src(%dma_wait3A_189 : memref<6400xf32, #tpu.memory_space<hbm>>) dst(%arg6 : memref<6400xf32, #tpu.memory_space<vmem>>)
    %mul3A_190 = arith.constant 16 : i32
    %mul3A_191 = arith.muli %arg0, %mul3A_190 : i32
    %add3A_192 = arith.constant 9 : i32
    %add3A_193 = arith.addi %mul3A_191, %add3A_192 : i32
    %mul3A_194 = arith.constant 102400 : i32
    %mul3A_195 = arith.muli %add3A_193, %mul3A_194 : i32
    %add3A_196 = arith.addi %mul3A_195, %mul3A_0 : i32
    %dma_start3A_197 = tpu.memref_slice %arg2[%add3A_196] : memref<3276800xf32, #tpu.memory_space<hbm>> -> memref<6400xf32, #tpu.memory_space<hbm>>
    %dma_start3A_198 = tpu.memref_slice %arg2[%add3A_196] : memref<3276800xf32, #tpu.memory_space<hbm>> -> memref<6400xf32, #tpu.memory_space<hbm>>
    tpu.enqueue_dma source(%dma_start3A_198 : memref<6400xf32, #tpu.memory_space<hbm>>) target(%arg5 : memref<6400xf32, #tpu.memory_space<vmem>>) target_semaphore(%arg7 : memref<!tpu.dma_semaphore, #tpu.memory_space<semaphore_mem>>)
    %scan3A_199 = arith.constant 0 : i32
    %scan3A_200 = arith.constant 0 : i32
    %scan3A_201 = arith.constant 80 : i32
    %scan3A_202 = arith.addi %scan3A_200, %scan3A_201 : i32
    %scan3A_203 = arith.constant 1 : i32
    scf.for %scan3A_367 = %scan3A_200 to %scan3A_202 step %scan3A_203  : i32 {
      %mul3A_368 = arith.constant 5 : i32
      %mul3A_369 = arith.muli %scan3A_367, %mul3A_368 : i32
      %add3A_370 = arith.constant 0 : i32
      %add3A_371 = arith.addi %mul3A_369, %add3A_370 : i32
      %mul3A_372 = arith.constant 16 : i32
      %mul3A_373 = arith.muli %add3A_371, %mul3A_372 : i32
      %get3A = arith.index_cast %mul3A_373 : i32 to index
      %get3A_374 = tpu.vector_load %arg4[%get3A] {strides = array<i32>} : memref<6400xf32, #tpu.memory_space<vmem>>, vector<16xf32>,
      %get3A_375 = arith.index_cast %mul3A_373 : i32 to index
      %get3A_376 = tpu.vector_load %arg6[%get3A_375] {strides = array<i32>} : memref<6400xf32, #tpu.memory_space<vmem>>, vector<16xf32>,
      %max3A = arith.maximumf %get3A_374, %get3A_376 : vector<16xf32>
      %swap3A = arith.index_cast %mul3A_373 : i32 to index
      %swap3A_377 = tpu.vector_load %arg4[%swap3A] {strides = array<i32>} : memref<6400xf32, #tpu.memory_space<vmem>>, vector<16xf32>,
      tpu.vector_store %arg4[%swap3A], %max3A {strides = array<i32>} : memref<6400xf32, #tpu.memory_space<vmem>>, vector<16xf32>,
      %mul3A_378 = arith.constant 5 : i32
      %mul3A_379 = arith.muli %scan3A_367, %mul3A_378 : i32
      %add3A_380 = arith.constant 1 : i32
      %add3A_381 = arith.addi %mul3A_379, %add3A_380 : i32
      %mul3A_382 = arith.constant 16 : i32
      %mul3A_383 = arith.muli %add3A_381, %mul3A_382 : i32
      %get3A_384 = arith.index_cast %mul3A_383 : i32 to index
      %get3A_385 = tpu.vector_load %arg4[%get3A_384] {strides = array<i32>} : memref<6400xf32, #tpu.memory_space<vmem>>, vector<16xf32>,
      %get3A_386 = arith.index_cast %mul3A_383 : i32 to index
      %get3A_387 = tpu.vector_load %arg6[%get3A_386] {strides = array<i32>} : memref<6400xf32, #tpu.memory_space<vmem>>, vector<16xf32>,
      %max3A_388 = arith.maximumf %get3A_385, %get3A_387 : vector<16xf32>
      %swap3A_389 = arith.index_cast %mul3A_383 : i32 to index
      %swap3A_390 = tpu.vector_load %arg4[%swap3A_389] {strides = array<i32>} : memref<6400xf32, #tpu.memory_space<vmem>>, vector<16xf32>,
      tpu.vector_store %arg4[%swap3A_389], %max3A_388 {strides = array<i32>} : memref<6400xf32, #tpu.memory_space<vmem>>, vector<16xf32>,
      %mul3A_391 = arith.constant 5 : i32
      %mul3A_392 = arith.muli %scan3A_367, %mul3A_391 : i32
      %add3A_393 = arith.constant 2 : i32
      %add3A_394 = arith.addi %mul3A_392, %add3A_393 : i32
      %mul3A_395 = arith.constant 16 : i32
      %mul3A_396 = arith.muli %add3A_394, %mul3A_395 : i32
      %get3A_397 = arith.index_cast %mul3A_396 : i32 to index
      %get3A_398 = tpu.vector_load %arg4[%get3A_397] {strides = array<i32>} : memref<6400xf32, #tpu.memory_space<vmem>>, vector<16xf32>,
      %get3A_399 = arith.index_cast %mul3A_396 : i32 to index
      %get3A_400 = tpu.vector_load %arg6[%get3A_399] {strides = array<i32>} : memref<6400xf32, #tpu.memory_space<vmem>>, vector<16xf32>,
      %max3A_401 = arith.maximumf %get3A_398, %get3A_400 : vector<16xf32>
      %swap3A_402 = arith.index_cast %mul3A_396 : i32 to index
      %swap3A_403 = tpu.vector_load %arg4[%swap3A_402] {strides = array<i32>} : memref<6400xf32, #tpu.memory_space<vmem>>, vector<16xf32>,
      tpu.vector_store %arg4[%swap3A_402], %max3A_401 {strides = array<i32>} : memref<6400xf32, #tpu.memory_space<vmem>>, vector<16xf32>,
      %mul3A_404 = arith.constant 5 : i32
      %mul3A_405 = arith.muli %scan3A_367, %mul3A_404 : i32
      %add3A_406 = arith.constant 3 : i32
      %add3A_407 = arith.addi %mul3A_405, %add3A_406 : i32
      %mul3A_408 = arith.constant 16 : i32
      %mul3A_409 = arith.muli %add3A_407, %mul3A_408 : i32
      %get3A_410 = arith.index_cast %mul3A_409 : i32 to index
      %get3A_411 = tpu.vector_load %arg4[%get3A_410] {strides = array<i32>} : memref<6400xf32, #tpu.memory_space<vmem>>, vector<16xf32>,
      %get3A_412 = arith.index_cast %mul3A_409 : i32 to index
      %get3A_413 = tpu.vector_load %arg6[%get3A_412] {strides = array<i32>} : memref<6400xf32, #tpu.memory_space<vmem>>, vector<16xf32>,
      %max3A_414 = arith.maximumf %get3A_411, %get3A_413 : vector<16xf32>
      %swap3A_415 = arith.index_cast %mul3A_409 : i32 to index
      %swap3A_416 = tpu.vector_load %arg4[%swap3A_415] {strides = array<i32>} : memref<6400xf32, #tpu.memory_space<vmem>>, vector<16xf32>,
      tpu.vector_store %arg4[%swap3A_415], %max3A_414 {strides = array<i32>} : memref<6400xf32, #tpu.memory_space<vmem>>, vector<16xf32>,
      %mul3A_417 = arith.constant 5 : i32
      %mul3A_418 = arith.muli %scan3A_367, %mul3A_417 : i32
      %add3A_419 = arith.constant 4 : i32
      %add3A_420 = arith.addi %mul3A_418, %add3A_419 : i32
      %mul3A_421 = arith.constant 16 : i32
      %mul3A_422 = arith.muli %add3A_420, %mul3A_421 : i32
      %get3A_423 = arith.index_cast %mul3A_422 : i32 to index
      %get3A_424 = tpu.vector_load %arg4[%get3A_423] {strides = array<i32>} : memref<6400xf32, #tpu.memory_space<vmem>>, vector<16xf32>,
      %get3A_425 = arith.index_cast %mul3A_422 : i32 to index
      %get3A_426 = tpu.vector_load %arg6[%get3A_425] {strides = array<i32>} : memref<6400xf32, #tpu.memory_space<vmem>>, vector<16xf32>,
      %max3A_427 = arith.maximumf %get3A_424, %get3A_426 : vector<16xf32>
      %swap3A_428 = arith.index_cast %mul3A_422 : i32 to index
      %swap3A_429 = tpu.vector_load %arg4[%swap3A_428] {strides = array<i32>} : memref<6400xf32, #tpu.memory_space<vmem>>, vector<16xf32>,
      tpu.vector_store %arg4[%swap3A_428], %max3A_427 {strides = array<i32>} : memref<6400xf32, #tpu.memory_space<vmem>>, vector<16xf32>,
    }
    %scan3A_204 = arith.constant 80 : i32
    %mul3A_205 = arith.constant 16 : i32
    %mul3A_206 = arith.muli %arg0, %mul3A_205 : i32
    %add3A_207 = arith.constant 9 : i32
    %add3A_208 = arith.addi %mul3A_206, %add3A_207 : i32
    %mul3A_209 = arith.constant 102400 : i32
    %mul3A_210 = arith.muli %add3A_208, %mul3A_209 : i32
    %add3A_211 = arith.addi %mul3A_210, %mul3A_0 : i32
    %dma_wait3A_212 = tpu.memref_slice %arg2[%add3A_211] : memref<3276800xf32, #tpu.memory_space<hbm>> -> memref<6400xf32, #tpu.memory_space<hbm>>
    %dma_wait3A_213 = tpu.memref_slice %arg2[%add3A_211] : memref<3276800xf32, #tpu.memory_space<hbm>> -> memref<6400xf32, #tpu.memory_space<hbm>>
    tpu.wait_dma2 semaphore(%arg7 : memref<!tpu.dma_semaphore, #tpu.memory_space<semaphore_mem>>) src(%dma_wait3A_213 : memref<6400xf32, #tpu.memory_space<hbm>>) dst(%arg5 : memref<6400xf32, #tpu.memory_space<vmem>>)
    %mul3A_214 = arith.constant 16 : i32
    %mul3A_215 = arith.muli %arg0, %mul3A_214 : i32
    %add3A_216 = arith.constant 10 : i32
    %add3A_217 = arith.addi %mul3A_215, %add3A_216 : i32
    %mul3A_218 = arith.constant 102400 : i32
    %mul3A_219 = arith.muli %add3A_217, %mul3A_218 : i32
    %add3A_220 = arith.addi %mul3A_219, %mul3A_0 : i32
    %dma_start3A_221 = tpu.memref_slice %arg2[%add3A_220] : memref<3276800xf32, #tpu.memory_space<hbm>> -> memref<6400xf32, #tpu.memory_space<hbm>>
    %dma_start3A_222 = tpu.memref_slice %arg2[%add3A_220] : memref<3276800xf32, #tpu.memory_space<hbm>> -> memref<6400xf32, #tpu.memory_space<hbm>>
    tpu.enqueue_dma source(%dma_start3A_222 : memref<6400xf32, #tpu.memory_space<hbm>>) target(%arg6 : memref<6400xf32, #tpu.memory_space<vmem>>) target_semaphore(%arg8 : memref<!tpu.dma_semaphore, #tpu.memory_space<semaphore_mem>>)
    %scan3A_223 = arith.constant 0 : i32
    %scan3A_224 = arith.constant 0 : i32
    %scan3A_225 = arith.constant 80 : i32
    %scan3A_226 = arith.addi %scan3A_224, %scan3A_225 : i32
    %scan3A_227 = arith.constant 1 : i32
    scf.for %scan3A_367 = %scan3A_224 to %scan3A_226 step %scan3A_227  : i32 {
      %mul3A_368 = arith.constant 5 : i32
      %mul3A_369 = arith.muli %scan3A_367, %mul3A_368 : i32
      %add3A_370 = arith.constant 0 : i32
      %add3A_371 = arith.addi %mul3A_369, %add3A_370 : i32
      %mul3A_372 = arith.constant 16 : i32
      %mul3A_373 = arith.muli %add3A_371, %mul3A_372 : i32
      %get3A = arith.index_cast %mul3A_373 : i32 to index
      %get3A_374 = tpu.vector_load %arg4[%get3A] {strides = array<i32>} : memref<6400xf32, #tpu.memory_space<vmem>>, vector<16xf32>,
      %get3A_375 = arith.index_cast %mul3A_373 : i32 to index
      %get3A_376 = tpu.vector_load %arg5[%get3A_375] {strides = array<i32>} : memref<6400xf32, #tpu.memory_space<vmem>>, vector<16xf32>,
      %max3A = arith.maximumf %get3A_374, %get3A_376 : vector<16xf32>
      %swap3A = arith.index_cast %mul3A_373 : i32 to index
      %swap3A_377 = tpu.vector_load %arg4[%swap3A] {strides = array<i32>} : memref<6400xf32, #tpu.memory_space<vmem>>, vector<16xf32>,
      tpu.vector_store %arg4[%swap3A], %max3A {strides = array<i32>} : memref<6400xf32, #tpu.memory_space<vmem>>, vector<16xf32>,
      %mul3A_378 = arith.constant 5 : i32
      %mul3A_379 = arith.muli %scan3A_367, %mul3A_378 : i32
      %add3A_380 = arith.constant 1 : i32
      %add3A_381 = arith.addi %mul3A_379, %add3A_380 : i32
      %mul3A_382 = arith.constant 16 : i32
      %mul3A_383 = arith.muli %add3A_381, %mul3A_382 : i32
      %get3A_384 = arith.index_cast %mul3A_383 : i32 to index
      %get3A_385 = tpu.vector_load %arg4[%get3A_384] {strides = array<i32>} : memref<6400xf32, #tpu.memory_space<vmem>>, vector<16xf32>,
      %get3A_386 = arith.index_cast %mul3A_383 : i32 to index
      %get3A_387 = tpu.vector_load %arg5[%get3A_386] {strides = array<i32>} : memref<6400xf32, #tpu.memory_space<vmem>>, vector<16xf32>,
      %max3A_388 = arith.maximumf %get3A_385, %get3A_387 : vector<16xf32>
      %swap3A_389 = arith.index_cast %mul3A_383 : i32 to index
      %swap3A_390 = tpu.vector_load %arg4[%swap3A_389] {strides = array<i32>} : memref<6400xf32, #tpu.memory_space<vmem>>, vector<16xf32>,
      tpu.vector_store %arg4[%swap3A_389], %max3A_388 {strides = array<i32>} : memref<6400xf32, #tpu.memory_space<vmem>>, vector<16xf32>,
      %mul3A_391 = arith.constant 5 : i32
      %mul3A_392 = arith.muli %scan3A_367, %mul3A_391 : i32
      %add3A_393 = arith.constant 2 : i32
      %add3A_394 = arith.addi %mul3A_392, %add3A_393 : i32
      %mul3A_395 = arith.constant 16 : i32
      %mul3A_396 = arith.muli %add3A_394, %mul3A_395 : i32
      %get3A_397 = arith.index_cast %mul3A_396 : i32 to index
      %get3A_398 = tpu.vector_load %arg4[%get3A_397] {strides = array<i32>} : memref<6400xf32, #tpu.memory_space<vmem>>, vector<16xf32>,
      %get3A_399 = arith.index_cast %mul3A_396 : i32 to index
      %get3A_400 = tpu.vector_load %arg5[%get3A_399] {strides = array<i32>} : memref<6400xf32, #tpu.memory_space<vmem>>, vector<16xf32>,
      %max3A_401 = arith.maximumf %get3A_398, %get3A_400 : vector<16xf32>
      %swap3A_402 = arith.index_cast %mul3A_396 : i32 to index
      %swap3A_403 = tpu.vector_load %arg4[%swap3A_402] {strides = array<i32>} : memref<6400xf32, #tpu.memory_space<vmem>>, vector<16xf32>,
      tpu.vector_store %arg4[%swap3A_402], %max3A_401 {strides = array<i32>} : memref<6400xf32, #tpu.memory_space<vmem>>, vector<16xf32>,
      %mul3A_404 = arith.constant 5 : i32
      %mul3A_405 = arith.muli %scan3A_367, %mul3A_404 : i32
      %add3A_406 = arith.constant 3 : i32
      %add3A_407 = arith.addi %mul3A_405, %add3A_406 : i32
      %mul3A_408 = arith.constant 16 : i32
      %mul3A_409 = arith.muli %add3A_407, %mul3A_408 : i32
      %get3A_410 = arith.index_cast %mul3A_409 : i32 to index
      %get3A_411 = tpu.vector_load %arg4[%get3A_410] {strides = array<i32>} : memref<6400xf32, #tpu.memory_space<vmem>>, vector<16xf32>,
      %get3A_412 = arith.index_cast %mul3A_409 : i32 to index
      %get3A_413 = tpu.vector_load %arg5[%get3A_412] {strides = array<i32>} : memref<6400xf32, #tpu.memory_space<vmem>>, vector<16xf32>,
      %max3A_414 = arith.maximumf %get3A_411, %get3A_413 : vector<16xf32>
      %swap3A_415 = arith.index_cast %mul3A_409 : i32 to index
      %swap3A_416 = tpu.vector_load %arg4[%swap3A_415] {strides = array<i32>} : memref<6400xf32, #tpu.memory_space<vmem>>, vector<16xf32>,
      tpu.vector_store %arg4[%swap3A_415], %max3A_414 {strides = array<i32>} : memref<6400xf32, #tpu.memory_space<vmem>>, vector<16xf32>,
      %mul3A_417 = arith.constant 5 : i32
      %mul3A_418 = arith.muli %scan3A_367, %mul3A_417 : i32
      %add3A_419 = arith.constant 4 : i32
      %add3A_420 = arith.addi %mul3A_418, %add3A_419 : i32
      %mul3A_421 = arith.constant 16 : i32
      %mul3A_422 = arith.muli %add3A_420, %mul3A_421 : i32
      %get3A_423 = arith.index_cast %mul3A_422 : i32 to index
      %get3A_424 = tpu.vector_load %arg4[%get3A_423] {strides = array<i32>} : memref<6400xf32, #tpu.memory_space<vmem>>, vector<16xf32>,
      %get3A_425 = arith.index_cast %mul3A_422 : i32 to index
      %get3A_426 = tpu.vector_load %arg5[%get3A_425] {strides = array<i32>} : memref<6400xf32, #tpu.memory_space<vmem>>, vector<16xf32>,
      %max3A_427 = arith.maximumf %get3A_424, %get3A_426 : vector<16xf32>
      %swap3A_428 = arith.index_cast %mul3A_422 : i32 to index
      %swap3A_429 = tpu.vector_load %arg4[%swap3A_428] {strides = array<i32>} : memref<6400xf32, #tpu.memory_space<vmem>>, vector<16xf32>,
      tpu.vector_store %arg4[%swap3A_428], %max3A_427 {strides = array<i32>} : memref<6400xf32, #tpu.memory_space<vmem>>, vector<16xf32>,
    }
    %scan3A_228 = arith.constant 80 : i32
    %mul3A_229 = arith.constant 16 : i32
    %mul3A_230 = arith.muli %arg0, %mul3A_229 : i32
    %add3A_231 = arith.constant 10 : i32
    %add3A_232 = arith.addi %mul3A_230, %add3A_231 : i32
    %mul3A_233 = arith.constant 102400 : i32
    %mul3A_234 = arith.muli %add3A_232, %mul3A_233 : i32
    %add3A_235 = arith.addi %mul3A_234, %mul3A_0 : i32
    %dma_wait3A_236 = tpu.memref_slice %arg2[%add3A_235] : memref<3276800xf32, #tpu.memory_space<hbm>> -> memref<6400xf32, #tpu.memory_space<hbm>>
    %dma_wait3A_237 = tpu.memref_slice %arg2[%add3A_235] : memref<3276800xf32, #tpu.memory_space<hbm>> -> memref<6400xf32, #tpu.memory_space<hbm>>
    tpu.wait_dma2 semaphore(%arg8 : memref<!tpu.dma_semaphore, #tpu.memory_space<semaphore_mem>>) src(%dma_wait3A_237 : memref<6400xf32, #tpu.memory_space<hbm>>) dst(%arg6 : memref<6400xf32, #tpu.memory_space<vmem>>)
    %mul3A_238 = arith.constant 16 : i32
    %mul3A_239 = arith.muli %arg0, %mul3A_238 : i32
    %add3A_240 = arith.constant 11 : i32
    %add3A_241 = arith.addi %mul3A_239, %add3A_240 : i32
    %mul3A_242 = arith.constant 102400 : i32
    %mul3A_243 = arith.muli %add3A_241, %mul3A_242 : i32
    %add3A_244 = arith.addi %mul3A_243, %mul3A_0 : i32
    %dma_start3A_245 = tpu.memref_slice %arg2[%add3A_244] : memref<3276800xf32, #tpu.memory_space<hbm>> -> memref<6400xf32, #tpu.memory_space<hbm>>
    %dma_start3A_246 = tpu.memref_slice %arg2[%add3A_244] : memref<3276800xf32, #tpu.memory_space<hbm>> -> memref<6400xf32, #tpu.memory_space<hbm>>
    tpu.enqueue_dma source(%dma_start3A_246 : memref<6400xf32, #tpu.memory_space<hbm>>) target(%arg5 : memref<6400xf32, #tpu.memory_space<vmem>>) target_semaphore(%arg7 : memref<!tpu.dma_semaphore, #tpu.memory_space<semaphore_mem>>)
    %scan3A_247 = arith.constant 0 : i32
    %scan3A_248 = arith.constant 0 : i32
    %scan3A_249 = arith.constant 80 : i32
    %scan3A_250 = arith.addi %scan3A_248, %scan3A_249 : i32
    %scan3A_251 = arith.constant 1 : i32
    scf.for %scan3A_367 = %scan3A_248 to %scan3A_250 step %scan3A_251  : i32 {
      %mul3A_368 = arith.constant 5 : i32
      %mul3A_369 = arith.muli %scan3A_367, %mul3A_368 : i32
      %add3A_370 = arith.constant 0 : i32
      %add3A_371 = arith.addi %mul3A_369, %add3A_370 : i32
      %mul3A_372 = arith.constant 16 : i32
      %mul3A_373 = arith.muli %add3A_371, %mul3A_372 : i32
      %get3A = arith.index_cast %mul3A_373 : i32 to index
      %get3A_374 = tpu.vector_load %arg4[%get3A] {strides = array<i32>} : memref<6400xf32, #tpu.memory_space<vmem>>, vector<16xf32>,
      %get3A_375 = arith.index_cast %mul3A_373 : i32 to index
      %get3A_376 = tpu.vector_load %arg6[%get3A_375] {strides = array<i32>} : memref<6400xf32, #tpu.memory_space<vmem>>, vector<16xf32>,
      %max3A = arith.maximumf %get3A_374, %get3A_376 : vector<16xf32>
      %swap3A = arith.index_cast %mul3A_373 : i32 to index
      %swap3A_377 = tpu.vector_load %arg4[%swap3A] {strides = array<i32>} : memref<6400xf32, #tpu.memory_space<vmem>>, vector<16xf32>,
      tpu.vector_store %arg4[%swap3A], %max3A {strides = array<i32>} : memref<6400xf32, #tpu.memory_space<vmem>>, vector<16xf32>,
      %mul3A_378 = arith.constant 5 : i32
      %mul3A_379 = arith.muli %scan3A_367, %mul3A_378 : i32
      %add3A_380 = arith.constant 1 : i32
      %add3A_381 = arith.addi %mul3A_379, %add3A_380 : i32
      %mul3A_382 = arith.constant 16 : i32
      %mul3A_383 = arith.muli %add3A_381, %mul3A_382 : i32
      %get3A_384 = arith.index_cast %mul3A_383 : i32 to index
      %get3A_385 = tpu.vector_load %arg4[%get3A_384] {strides = array<i32>} : memref<6400xf32, #tpu.memory_space<vmem>>, vector<16xf32>,
      %get3A_386 = arith.index_cast %mul3A_383 : i32 to index
      %get3A_387 = tpu.vector_load %arg6[%get3A_386] {strides = array<i32>} : memref<6400xf32, #tpu.memory_space<vmem>>, vector<16xf32>,
      %max3A_388 = arith.maximumf %get3A_385, %get3A_387 : vector<16xf32>
      %swap3A_389 = arith.index_cast %mul3A_383 : i32 to index
      %swap3A_390 = tpu.vector_load %arg4[%swap3A_389] {strides = array<i32>} : memref<6400xf32, #tpu.memory_space<vmem>>, vector<16xf32>,
      tpu.vector_store %arg4[%swap3A_389], %max3A_388 {strides = array<i32>} : memref<6400xf32, #tpu.memory_space<vmem>>, vector<16xf32>,
      %mul3A_391 = arith.constant 5 : i32
      %mul3A_392 = arith.muli %scan3A_367, %mul3A_391 : i32
      %add3A_393 = arith.constant 2 : i32
      %add3A_394 = arith.addi %mul3A_392, %add3A_393 : i32
      %mul3A_395 = arith.constant 16 : i32
      %mul3A_396 = arith.muli %add3A_394, %mul3A_395 : i32
      %get3A_397 = arith.index_cast %mul3A_396 : i32 to index
      %get3A_398 = tpu.vector_load %arg4[%get3A_397] {strides = array<i32>} : memref<6400xf32, #tpu.memory_space<vmem>>, vector<16xf32>,
      %get3A_399 = arith.index_cast %mul3A_396 : i32 to index
      %get3A_400 = tpu.vector_load %arg6[%get3A_399] {strides = array<i32>} : memref<6400xf32, #tpu.memory_space<vmem>>, vector<16xf32>,
      %max3A_401 = arith.maximumf %get3A_398, %get3A_400 : vector<16xf32>
      %swap3A_402 = arith.index_cast %mul3A_396 : i32 to index
      %swap3A_403 = tpu.vector_load %arg4[%swap3A_402] {strides = array<i32>} : memref<6400xf32, #tpu.memory_space<vmem>>, vector<16xf32>,
      tpu.vector_store %arg4[%swap3A_402], %max3A_401 {strides = array<i32>} : memref<6400xf32, #tpu.memory_space<vmem>>, vector<16xf32>,
      %mul3A_404 = arith.constant 5 : i32
      %mul3A_405 = arith.muli %scan3A_367, %mul3A_404 : i32
      %add3A_406 = arith.constant 3 : i32
      %add3A_407 = arith.addi %mul3A_405, %add3A_406 : i32
      %mul3A_408 = arith.constant 16 : i32
      %mul3A_409 = arith.muli %add3A_407, %mul3A_408 : i32
      %get3A_410 = arith.index_cast %mul3A_409 : i32 to index
      %get3A_411 = tpu.vector_load %arg4[%get3A_410] {strides = array<i32>} : memref<6400xf32, #tpu.memory_space<vmem>>, vector<16xf32>,
      %get3A_412 = arith.index_cast %mul3A_409 : i32 to index
      %get3A_413 = tpu.vector_load %arg6[%get3A_412] {strides = array<i32>} : memref<6400xf32, #tpu.memory_space<vmem>>, vector<16xf32>,
      %max3A_414 = arith.maximumf %get3A_411, %get3A_413 : vector<16xf32>
      %swap3A_415 = arith.index_cast %mul3A_409 : i32 to index
      %swap3A_416 = tpu.vector_load %arg4[%swap3A_415] {strides = array<i32>} : memref<6400xf32, #tpu.memory_space<vmem>>, vector<16xf32>,
      tpu.vector_store %arg4[%swap3A_415], %max3A_414 {strides = array<i32>} : memref<6400xf32, #tpu.memory_space<vmem>>, vector<16xf32>,
      %mul3A_417 = arith.constant 5 : i32
      %mul3A_418 = arith.muli %scan3A_367, %mul3A_417 : i32
      %add3A_419 = arith.constant 4 : i32
      %add3A_420 = arith.addi %mul3A_418, %add3A_419 : i32
      %mul3A_421 = arith.constant 16 : i32
      %mul3A_422 = arith.muli %add3A_420, %mul3A_421 : i32
      %get3A_423 = arith.index_cast %mul3A_422 : i32 to index
      %get3A_424 = tpu.vector_load %arg4[%get3A_423] {strides = array<i32>} : memref<6400xf32, #tpu.memory_space<vmem>>, vector<16xf32>,
      %get3A_425 = arith.index_cast %mul3A_422 : i32 to index
      %get3A_426 = tpu.vector_load %arg6[%get3A_425] {strides = array<i32>} : memref<6400xf32, #tpu.memory_space<vmem>>, vector<16xf32>,
      %max3A_427 = arith.maximumf %get3A_424, %get3A_426 : vector<16xf32>
      %swap3A_428 = arith.index_cast %mul3A_422 : i32 to index
      %swap3A_429 = tpu.vector_load %arg4[%swap3A_428] {strides = array<i32>} : memref<6400xf32, #tpu.memory_space<vmem>>, vector<16xf32>,
      tpu.vector_store %arg4[%swap3A_428], %max3A_427 {strides = array<i32>} : memref<6400xf32, #tpu.memory_space<vmem>>, vector<16xf32>,
    }
    %scan3A_252 = arith.constant 80 : i32
    %mul3A_253 = arith.constant 16 : i32
    %mul3A_254 = arith.muli %arg0, %mul3A_253 : i32
    %add3A_255 = arith.constant 11 : i32
    %add3A_256 = arith.addi %mul3A_254, %add3A_255 : i32
    %mul3A_257 = arith.constant 102400 : i32
    %mul3A_258 = arith.muli %add3A_256, %mul3A_257 : i32
    %add3A_259 = arith.addi %mul3A_258, %mul3A_0 : i32
    %dma_wait3A_260 = tpu.memref_slice %arg2[%add3A_259] : memref<3276800xf32, #tpu.memory_space<hbm>> -> memref<6400xf32, #tpu.memory_space<hbm>>
    %dma_wait3A_261 = tpu.memref_slice %arg2[%add3A_259] : memref<3276800xf32, #tpu.memory_space<hbm>> -> memref<6400xf32, #tpu.memory_space<hbm>>
    tpu.wait_dma2 semaphore(%arg7 : memref<!tpu.dma_semaphore, #tpu.memory_space<semaphore_mem>>) src(%dma_wait3A_261 : memref<6400xf32, #tpu.memory_space<hbm>>) dst(%arg5 : memref<6400xf32, #tpu.memory_space<vmem>>)
    %mul3A_262 = arith.constant 16 : i32
    %mul3A_263 = arith.muli %arg0, %mul3A_262 : i32
    %add3A_264 = arith.constant 12 : i32
    %add3A_265 = arith.addi %mul3A_263, %add3A_264 : i32
    %mul3A_266 = arith.constant 102400 : i32
    %mul3A_267 = arith.muli %add3A_265, %mul3A_266 : i32
    %add3A_268 = arith.addi %mul3A_267, %mul3A_0 : i32
    %dma_start3A_269 = tpu.memref_slice %arg2[%add3A_268] : memref<3276800xf32, #tpu.memory_space<hbm>> -> memref<6400xf32, #tpu.memory_space<hbm>>
    %dma_start3A_270 = tpu.memref_slice %arg2[%add3A_268] : memref<3276800xf32, #tpu.memory_space<hbm>> -> memref<6400xf32, #tpu.memory_space<hbm>>
    tpu.enqueue_dma source(%dma_start3A_270 : memref<6400xf32, #tpu.memory_space<hbm>>) target(%arg6 : memref<6400xf32, #tpu.memory_space<vmem>>) target_semaphore(%arg8 : memref<!tpu.dma_semaphore, #tpu.memory_space<semaphore_mem>>)
    %scan3A_271 = arith.constant 0 : i32
    %scan3A_272 = arith.constant 0 : i32
    %scan3A_273 = arith.constant 80 : i32
    %scan3A_274 = arith.addi %scan3A_272, %scan3A_273 : i32
    %scan3A_275 = arith.constant 1 : i32
    scf.for %scan3A_367 = %scan3A_272 to %scan3A_274 step %scan3A_275  : i32 {
      %mul3A_368 = arith.constant 5 : i32
      %mul3A_369 = arith.muli %scan3A_367, %mul3A_368 : i32
      %add3A_370 = arith.constant 0 : i32
      %add3A_371 = arith.addi %mul3A_369, %add3A_370 : i32
      %mul3A_372 = arith.constant 16 : i32
      %mul3A_373 = arith.muli %add3A_371, %mul3A_372 : i32
      %get3A = arith.index_cast %mul3A_373 : i32 to index
      %get3A_374 = tpu.vector_load %arg4[%get3A] {strides = array<i32>} : memref<6400xf32, #tpu.memory_space<vmem>>, vector<16xf32>,
      %get3A_375 = arith.index_cast %mul3A_373 : i32 to index
      %get3A_376 = tpu.vector_load %arg5[%get3A_375] {strides = array<i32>} : memref<6400xf32, #tpu.memory_space<vmem>>, vector<16xf32>,
      %max3A = arith.maximumf %get3A_374, %get3A_376 : vector<16xf32>
      %swap3A = arith.index_cast %mul3A_373 : i32 to index
      %swap3A_377 = tpu.vector_load %arg4[%swap3A] {strides = array<i32>} : memref<6400xf32, #tpu.memory_space<vmem>>, vector<16xf32>,
      tpu.vector_store %arg4[%swap3A], %max3A {strides = array<i32>} : memref<6400xf32, #tpu.memory_space<vmem>>, vector<16xf32>,
      %mul3A_378 = arith.constant 5 : i32
      %mul3A_379 = arith.muli %scan3A_367, %mul3A_378 : i32
      %add3A_380 = arith.constant 1 : i32
      %add3A_381 = arith.addi %mul3A_379, %add3A_380 : i32
      %mul3A_382 = arith.constant 16 : i32
      %mul3A_383 = arith.muli %add3A_381, %mul3A_382 : i32
      %get3A_384 = arith.index_cast %mul3A_383 : i32 to index
      %get3A_385 = tpu.vector_load %arg4[%get3A_384] {strides = array<i32>} : memref<6400xf32, #tpu.memory_space<vmem>>, vector<16xf32>,
      %get3A_386 = arith.index_cast %mul3A_383 : i32 to index
      %get3A_387 = tpu.vector_load %arg5[%get3A_386] {strides = array<i32>} : memref<6400xf32, #tpu.memory_space<vmem>>, vector<16xf32>,
      %max3A_388 = arith.maximumf %get3A_385, %get3A_387 : vector<16xf32>
      %swap3A_389 = arith.index_cast %mul3A_383 : i32 to index
      %swap3A_390 = tpu.vector_load %arg4[%swap3A_389] {strides = array<i32>} : memref<6400xf32, #tpu.memory_space<vmem>>, vector<16xf32>,
      tpu.vector_store %arg4[%swap3A_389], %max3A_388 {strides = array<i32>} : memref<6400xf32, #tpu.memory_space<vmem>>, vector<16xf32>,
      %mul3A_391 = arith.constant 5 : i32
      %mul3A_392 = arith.muli %scan3A_367, %mul3A_391 : i32
      %add3A_393 = arith.constant 2 : i32
      %add3A_394 = arith.addi %mul3A_392, %add3A_393 : i32
      %mul3A_395 = arith.constant 16 : i32
      %mul3A_396 = arith.muli %add3A_394, %mul3A_395 : i32
      %get3A_397 = arith.index_cast %mul3A_396 : i32 to index
      %get3A_398 = tpu.vector_load %arg4[%get3A_397] {strides = array<i32>} : memref<6400xf32, #tpu.memory_space<vmem>>, vector<16xf32>,
      %get3A_399 = arith.index_cast %mul3A_396 : i32 to index
      %get3A_400 = tpu.vector_load %arg5[%get3A_399] {strides = array<i32>} : memref<6400xf32, #tpu.memory_space<vmem>>, vector<16xf32>,
      %max3A_401 = arith.maximumf %get3A_398, %get3A_400 : vector<16xf32>
      %swap3A_402 = arith.index_cast %mul3A_396 : i32 to index
      %swap3A_403 = tpu.vector_load %arg4[%swap3A_402] {strides = array<i32>} : memref<6400xf32, #tpu.memory_space<vmem>>, vector<16xf32>,
      tpu.vector_store %arg4[%swap3A_402], %max3A_401 {strides = array<i32>} : memref<6400xf32, #tpu.memory_space<vmem>>, vector<16xf32>,
      %mul3A_404 = arith.constant 5 : i32
      %mul3A_405 = arith.muli %scan3A_367, %mul3A_404 : i32
      %add3A_406 = arith.constant 3 : i32
      %add3A_407 = arith.addi %mul3A_405, %add3A_406 : i32
      %mul3A_408 = arith.constant 16 : i32
      %mul3A_409 = arith.muli %add3A_407, %mul3A_408 : i32
      %get3A_410 = arith.index_cast %mul3A_409 : i32 to index
      %get3A_411 = tpu.vector_load %arg4[%get3A_410] {strides = array<i32>} : memref<6400xf32, #tpu.memory_space<vmem>>, vector<16xf32>,
      %get3A_412 = arith.index_cast %mul3A_409 : i32 to index
      %get3A_413 = tpu.vector_load %arg5[%get3A_412] {strides = array<i32>} : memref<6400xf32, #tpu.memory_space<vmem>>, vector<16xf32>,
      %max3A_414 = arith.maximumf %get3A_411, %get3A_413 : vector<16xf32>
      %swap3A_415 = arith.index_cast %mul3A_409 : i32 to index
      %swap3A_416 = tpu.vector_load %arg4[%swap3A_415] {strides = array<i32>} : memref<6400xf32, #tpu.memory_space<vmem>>, vector<16xf32>,
      tpu.vector_store %arg4[%swap3A_415], %max3A_414 {strides = array<i32>} : memref<6400xf32, #tpu.memory_space<vmem>>, vector<16xf32>,
      %mul3A_417 = arith.constant 5 : i32
      %mul3A_418 = arith.muli %scan3A_367, %mul3A_417 : i32
      %add3A_419 = arith.constant 4 : i32
      %add3A_420 = arith.addi %mul3A_418, %add3A_419 : i32
      %mul3A_421 = arith.constant 16 : i32
      %mul3A_422 = arith.muli %add3A_420, %mul3A_421 : i32
      %get3A_423 = arith.index_cast %mul3A_422 : i32 to index
      %get3A_424 = tpu.vector_load %arg4[%get3A_423] {strides = array<i32>} : memref<6400xf32, #tpu.memory_space<vmem>>, vector<16xf32>,
      %get3A_425 = arith.index_cast %mul3A_422 : i32 to index
      %get3A_426 = tpu.vector_load %arg5[%get3A_425] {strides = array<i32>} : memref<6400xf32, #tpu.memory_space<vmem>>, vector<16xf32>,
      %max3A_427 = arith.maximumf %get3A_424, %get3A_426 : vector<16xf32>
      %swap3A_428 = arith.index_cast %mul3A_422 : i32 to index
      %swap3A_429 = tpu.vector_load %arg4[%swap3A_428] {strides = array<i32>} : memref<6400xf32, #tpu.memory_space<vmem>>, vector<16xf32>,
      tpu.vector_store %arg4[%swap3A_428], %max3A_427 {strides = array<i32>} : memref<6400xf32, #tpu.memory_space<vmem>>, vector<16xf32>,
    }
    %scan3A_276 = arith.constant 80 : i32
    %mul3A_277 = arith.constant 16 : i32
    %mul3A_278 = arith.muli %arg0, %mul3A_277 : i32
    %add3A_279 = arith.constant 12 : i32
    %add3A_280 = arith.addi %mul3A_278, %add3A_279 : i32
    %mul3A_281 = arith.constant 102400 : i32
    %mul3A_282 = arith.muli %add3A_280, %mul3A_281 : i32
    %add3A_283 = arith.addi %mul3A_282, %mul3A_0 : i32
    %dma_wait3A_284 = tpu.memref_slice %arg2[%add3A_283] : memref<3276800xf32, #tpu.memory_space<hbm>> -> memref<6400xf32, #tpu.memory_space<hbm>>
    %dma_wait3A_285 = tpu.memref_slice %arg2[%add3A_283] : memref<3276800xf32, #tpu.memory_space<hbm>> -> memref<6400xf32, #tpu.memory_space<hbm>>
    tpu.wait_dma2 semaphore(%arg8 : memref<!tpu.dma_semaphore, #tpu.memory_space<semaphore_mem>>) src(%dma_wait3A_285 : memref<6400xf32, #tpu.memory_space<hbm>>) dst(%arg6 : memref<6400xf32, #tpu.memory_space<vmem>>)
    %mul3A_286 = arith.constant 16 : i32
    %mul3A_287 = arith.muli %arg0, %mul3A_286 : i32
    %add3A_288 = arith.constant 13 : i32
    %add3A_289 = arith.addi %mul3A_287, %add3A_288 : i32
    %mul3A_290 = arith.constant 102400 : i32
    %mul3A_291 = arith.muli %add3A_289, %mul3A_290 : i32
    %add3A_292 = arith.addi %mul3A_291, %mul3A_0 : i32
    %dma_start3A_293 = tpu.memref_slice %arg2[%add3A_292] : memref<3276800xf32, #tpu.memory_space<hbm>> -> memref<6400xf32, #tpu.memory_space<hbm>>
    %dma_start3A_294 = tpu.memref_slice %arg2[%add3A_292] : memref<3276800xf32, #tpu.memory_space<hbm>> -> memref<6400xf32, #tpu.memory_space<hbm>>
    tpu.enqueue_dma source(%dma_start3A_294 : memref<6400xf32, #tpu.memory_space<hbm>>) target(%arg5 : memref<6400xf32, #tpu.memory_space<vmem>>) target_semaphore(%arg7 : memref<!tpu.dma_semaphore, #tpu.memory_space<semaphore_mem>>)
    %scan3A_295 = arith.constant 0 : i32
    %scan3A_296 = arith.constant 0 : i32
    %scan3A_297 = arith.constant 80 : i32
    %scan3A_298 = arith.addi %scan3A_296, %scan3A_297 : i32
    %scan3A_299 = arith.constant 1 : i32
    scf.for %scan3A_367 = %scan3A_296 to %scan3A_298 step %scan3A_299  : i32 {
      %mul3A_368 = arith.constant 5 : i32
      %mul3A_369 = arith.muli %scan3A_367, %mul3A_368 : i32
      %add3A_370 = arith.constant 0 : i32
      %add3A_371 = arith.addi %mul3A_369, %add3A_370 : i32
      %mul3A_372 = arith.constant 16 : i32
      %mul3A_373 = arith.muli %add3A_371, %mul3A_372 : i32
      %get3A = arith.index_cast %mul3A_373 : i32 to index
      %get3A_374 = tpu.vector_load %arg4[%get3A] {strides = array<i32>} : memref<6400xf32, #tpu.memory_space<vmem>>, vector<16xf32>,
      %get3A_375 = arith.index_cast %mul3A_373 : i32 to index
      %get3A_376 = tpu.vector_load %arg6[%get3A_375] {strides = array<i32>} : memref<6400xf32, #tpu.memory_space<vmem>>, vector<16xf32>,
      %max3A = arith.maximumf %get3A_374, %get3A_376 : vector<16xf32>
      %swap3A = arith.index_cast %mul3A_373 : i32 to index
      %swap3A_377 = tpu.vector_load %arg4[%swap3A] {strides = array<i32>} : memref<6400xf32, #tpu.memory_space<vmem>>, vector<16xf32>,
      tpu.vector_store %arg4[%swap3A], %max3A {strides = array<i32>} : memref<6400xf32, #tpu.memory_space<vmem>>, vector<16xf32>,
      %mul3A_378 = arith.constant 5 : i32
      %mul3A_379 = arith.muli %scan3A_367, %mul3A_378 : i32
      %add3A_380 = arith.constant 1 : i32
      %add3A_381 = arith.addi %mul3A_379, %add3A_380 : i32
      %mul3A_382 = arith.constant 16 : i32
      %mul3A_383 = arith.muli %add3A_381, %mul3A_382 : i32
      %get3A_384 = arith.index_cast %mul3A_383 : i32 to index
      %get3A_385 = tpu.vector_load %arg4[%get3A_384] {strides = array<i32>} : memref<6400xf32, #tpu.memory_space<vmem>>, vector<16xf32>,
      %get3A_386 = arith.index_cast %mul3A_383 : i32 to index
      %get3A_387 = tpu.vector_load %arg6[%get3A_386] {strides = array<i32>} : memref<6400xf32, #tpu.memory_space<vmem>>, vector<16xf32>,
      %max3A_388 = arith.maximumf %get3A_385, %get3A_387 : vector<16xf32>
      %swap3A_389 = arith.index_cast %mul3A_383 : i32 to index
      %swap3A_390 = tpu.vector_load %arg4[%swap3A_389] {strides = array<i32>} : memref<6400xf32, #tpu.memory_space<vmem>>, vector<16xf32>,
      tpu.vector_store %arg4[%swap3A_389], %max3A_388 {strides = array<i32>} : memref<6400xf32, #tpu.memory_space<vmem>>, vector<16xf32>,
      %mul3A_391 = arith.constant 5 : i32
      %mul3A_392 = arith.muli %scan3A_367, %mul3A_391 : i32
      %add3A_393 = arith.constant 2 : i32
      %add3A_394 = arith.addi %mul3A_392, %add3A_393 : i32
      %mul3A_395 = arith.constant 16 : i32
      %mul3A_396 = arith.muli %add3A_394, %mul3A_395 : i32
      %get3A_397 = arith.index_cast %mul3A_396 : i32 to index
      %get3A_398 = tpu.vector_load %arg4[%get3A_397] {strides = array<i32>} : memref<6400xf32, #tpu.memory_space<vmem>>, vector<16xf32>,
      %get3A_399 = arith.index_cast %mul3A_396 : i32 to index
      %get3A_400 = tpu.vector_load %arg6[%get3A_399] {strides = array<i32>} : memref<6400xf32, #tpu.memory_space<vmem>>, vector<16xf32>,
      %max3A_401 = arith.maximumf %get3A_398, %get3A_400 : vector<16xf32>
      %swap3A_402 = arith.index_cast %mul3A_396 : i32 to index
      %swap3A_403 = tpu.vector_load %arg4[%swap3A_402] {strides = array<i32>} : memref<6400xf32, #tpu.memory_space<vmem>>, vector<16xf32>,
      tpu.vector_store %arg4[%swap3A_402], %max3A_401 {strides = array<i32>} : memref<6400xf32, #tpu.memory_space<vmem>>, vector<16xf32>,
      %mul3A_404 = arith.constant 5 : i32
      %mul3A_405 = arith.muli %scan3A_367, %mul3A_404 : i32
      %add3A_406 = arith.constant 3 : i32
      %add3A_407 = arith.addi %mul3A_405, %add3A_406 : i32
      %mul3A_408 = arith.constant 16 : i32
      %mul3A_409 = arith.muli %add3A_407, %mul3A_408 : i32
      %get3A_410 = arith.index_cast %mul3A_409 : i32 to index
      %get3A_411 = tpu.vector_load %arg4[%get3A_410] {strides = array<i32>} : memref<6400xf32, #tpu.memory_space<vmem>>, vector<16xf32>,
      %get3A_412 = arith.index_cast %mul3A_409 : i32 to index
      %get3A_413 = tpu.vector_load %arg6[%get3A_412] {strides = array<i32>} : memref<6400xf32, #tpu.memory_space<vmem>>, vector<16xf32>,
      %max3A_414 = arith.maximumf %get3A_411, %get3A_413 : vector<16xf32>
      %swap3A_415 = arith.index_cast %mul3A_409 : i32 to index
      %swap3A_416 = tpu.vector_load %arg4[%swap3A_415] {strides = array<i32>} : memref<6400xf32, #tpu.memory_space<vmem>>, vector<16xf32>,
      tpu.vector_store %arg4[%swap3A_415], %max3A_414 {strides = array<i32>} : memref<6400xf32, #tpu.memory_space<vmem>>, vector<16xf32>,
      %mul3A_417 = arith.constant 5 : i32
      %mul3A_418 = arith.muli %scan3A_367, %mul3A_417 : i32
      %add3A_419 = arith.constant 4 : i32
      %add3A_420 = arith.addi %mul3A_418, %add3A_419 : i32
      %mul3A_421 = arith.constant 16 : i32
      %mul3A_422 = arith.muli %add3A_420, %mul3A_421 : i32
      %get3A_423 = arith.index_cast %mul3A_422 : i32 to index
      %get3A_424 = tpu.vector_load %arg4[%get3A_423] {strides = array<i32>} : memref<6400xf32, #tpu.memory_space<vmem>>, vector<16xf32>,
      %get3A_425 = arith.index_cast %mul3A_422 : i32 to index
      %get3A_426 = tpu.vector_load %arg6[%get3A_425] {strides = array<i32>} : memref<6400xf32, #tpu.memory_space<vmem>>, vector<16xf32>,
      %max3A_427 = arith.maximumf %get3A_424, %get3A_426 : vector<16xf32>
      %swap3A_428 = arith.index_cast %mul3A_422 : i32 to index
      %swap3A_429 = tpu.vector_load %arg4[%swap3A_428] {strides = array<i32>} : memref<6400xf32, #tpu.memory_space<vmem>>, vector<16xf32>,
      tpu.vector_store %arg4[%swap3A_428], %max3A_427 {strides = array<i32>} : memref<6400xf32, #tpu.memory_space<vmem>>, vector<16xf32>,
    }
    %scan3A_300 = arith.constant 80 : i32
    %mul3A_301 = arith.constant 16 : i32
    %mul3A_302 = arith.muli %arg0, %mul3A_301 : i32
    %add3A_303 = arith.constant 13 : i32
    %add3A_304 = arith.addi %mul3A_302, %add3A_303 : i32
    %mul3A_305 = arith.constant 102400 : i32
    %mul3A_306 = arith.muli %add3A_304, %mul3A_305 : i32
    %add3A_307 = arith.addi %mul3A_306, %mul3A_0 : i32
    %dma_wait3A_308 = tpu.memref_slice %arg2[%add3A_307] : memref<3276800xf32, #tpu.memory_space<hbm>> -> memref<6400xf32, #tpu.memory_space<hbm>>
    %dma_wait3A_309 = tpu.memref_slice %arg2[%add3A_307] : memref<3276800xf32, #tpu.memory_space<hbm>> -> memref<6400xf32, #tpu.memory_space<hbm>>
    tpu.wait_dma2 semaphore(%arg7 : memref<!tpu.dma_semaphore, #tpu.memory_space<semaphore_mem>>) src(%dma_wait3A_309 : memref<6400xf32, #tpu.memory_space<hbm>>) dst(%arg5 : memref<6400xf32, #tpu.memory_space<vmem>>)
    %mul3A_310 = arith.constant 16 : i32
    %mul3A_311 = arith.muli %arg0, %mul3A_310 : i32
    %add3A_312 = arith.constant 14 : i32
    %add3A_313 = arith.addi %mul3A_311, %add3A_312 : i32
    %mul3A_314 = arith.constant 102400 : i32
    %mul3A_315 = arith.muli %add3A_313, %mul3A_314 : i32
    %add3A_316 = arith.addi %mul3A_315, %mul3A_0 : i32
    %dma_start3A_317 = tpu.memref_slice %arg2[%add3A_316] : memref<3276800xf32, #tpu.memory_space<hbm>> -> memref<6400xf32, #tpu.memory_space<hbm>>
    %dma_start3A_318 = tpu.memref_slice %arg2[%add3A_316] : memref<3276800xf32, #tpu.memory_space<hbm>> -> memref<6400xf32, #tpu.memory_space<hbm>>
    tpu.enqueue_dma source(%dma_start3A_318 : memref<6400xf32, #tpu.memory_space<hbm>>) target(%arg6 : memref<6400xf32, #tpu.memory_space<vmem>>) target_semaphore(%arg8 : memref<!tpu.dma_semaphore, #tpu.memory_space<semaphore_mem>>)
    %scan3A_319 = arith.constant 0 : i32
    %scan3A_320 = arith.constant 0 : i32
    %scan3A_321 = arith.constant 80 : i32
    %scan3A_322 = arith.addi %scan3A_320, %scan3A_321 : i32
    %scan3A_323 = arith.constant 1 : i32
    scf.for %scan3A_367 = %scan3A_320 to %scan3A_322 step %scan3A_323  : i32 {
      %mul3A_368 = arith.constant 5 : i32
      %mul3A_369 = arith.muli %scan3A_367, %mul3A_368 : i32
      %add3A_370 = arith.constant 0 : i32
      %add3A_371 = arith.addi %mul3A_369, %add3A_370 : i32
      %mul3A_372 = arith.constant 16 : i32
      %mul3A_373 = arith.muli %add3A_371, %mul3A_372 : i32
      %get3A = arith.index_cast %mul3A_373 : i32 to index
      %get3A_374 = tpu.vector_load %arg4[%get3A] {strides = array<i32>} : memref<6400xf32, #tpu.memory_space<vmem>>, vector<16xf32>,
      %get3A_375 = arith.index_cast %mul3A_373 : i32 to index
      %get3A_376 = tpu.vector_load %arg5[%get3A_375] {strides = array<i32>} : memref<6400xf32, #tpu.memory_space<vmem>>, vector<16xf32>,
      %max3A = arith.maximumf %get3A_374, %get3A_376 : vector<16xf32>
      %swap3A = arith.index_cast %mul3A_373 : i32 to index
      %swap3A_377 = tpu.vector_load %arg4[%swap3A] {strides = array<i32>} : memref<6400xf32, #tpu.memory_space<vmem>>, vector<16xf32>,
      tpu.vector_store %arg4[%swap3A], %max3A {strides = array<i32>} : memref<6400xf32, #tpu.memory_space<vmem>>, vector<16xf32>,
      %mul3A_378 = arith.constant 5 : i32
      %mul3A_379 = arith.muli %scan3A_367, %mul3A_378 : i32
      %add3A_380 = arith.constant 1 : i32
      %add3A_381 = arith.addi %mul3A_379, %add3A_380 : i32
      %mul3A_382 = arith.constant 16 : i32
      %mul3A_383 = arith.muli %add3A_381, %mul3A_382 : i32
      %get3A_384 = arith.index_cast %mul3A_383 : i32 to index
      %get3A_385 = tpu.vector_load %arg4[%get3A_384] {strides = array<i32>} : memref<6400xf32, #tpu.memory_space<vmem>>, vector<16xf32>,
      %get3A_386 = arith.index_cast %mul3A_383 : i32 to index
      %get3A_387 = tpu.vector_load %arg5[%get3A_386] {strides = array<i32>} : memref<6400xf32, #tpu.memory_space<vmem>>, vector<16xf32>,
      %max3A_388 = arith.maximumf %get3A_385, %get3A_387 : vector<16xf32>
      %swap3A_389 = arith.index_cast %mul3A_383 : i32 to index
      %swap3A_390 = tpu.vector_load %arg4[%swap3A_389] {strides = array<i32>} : memref<6400xf32, #tpu.memory_space<vmem>>, vector<16xf32>,
      tpu.vector_store %arg4[%swap3A_389], %max3A_388 {strides = array<i32>} : memref<6400xf32, #tpu.memory_space<vmem>>, vector<16xf32>,
      %mul3A_391 = arith.constant 5 : i32
      %mul3A_392 = arith.muli %scan3A_367, %mul3A_391 : i32
      %add3A_393 = arith.constant 2 : i32
      %add3A_394 = arith.addi %mul3A_392, %add3A_393 : i32
      %mul3A_395 = arith.constant 16 : i32
      %mul3A_396 = arith.muli %add3A_394, %mul3A_395 : i32
      %get3A_397 = arith.index_cast %mul3A_396 : i32 to index
      %get3A_398 = tpu.vector_load %arg4[%get3A_397] {strides = array<i32>} : memref<6400xf32, #tpu.memory_space<vmem>>, vector<16xf32>,
      %get3A_399 = arith.index_cast %mul3A_396 : i32 to index
      %get3A_400 = tpu.vector_load %arg5[%get3A_399] {strides = array<i32>} : memref<6400xf32, #tpu.memory_space<vmem>>, vector<16xf32>,
      %max3A_401 = arith.maximumf %get3A_398, %get3A_400 : vector<16xf32>
      %swap3A_402 = arith.index_cast %mul3A_396 : i32 to index
      %swap3A_403 = tpu.vector_load %arg4[%swap3A_402] {strides = array<i32>} : memref<6400xf32, #tpu.memory_space<vmem>>, vector<16xf32>,
      tpu.vector_store %arg4[%swap3A_402], %max3A_401 {strides = array<i32>} : memref<6400xf32, #tpu.memory_space<vmem>>, vector<16xf32>,
      %mul3A_404 = arith.constant 5 : i32
      %mul3A_405 = arith.muli %scan3A_367, %mul3A_404 : i32
      %add3A_406 = arith.constant 3 : i32
      %add3A_407 = arith.addi %mul3A_405, %add3A_406 : i32
      %mul3A_408 = arith.constant 16 : i32
      %mul3A_409 = arith.muli %add3A_407, %mul3A_408 : i32
      %get3A_410 = arith.index_cast %mul3A_409 : i32 to index
      %get3A_411 = tpu.vector_load %arg4[%get3A_410] {strides = array<i32>} : memref<6400xf32, #tpu.memory_space<vmem>>, vector<16xf32>,
      %get3A_412 = arith.index_cast %mul3A_409 : i32 to index
      %get3A_413 = tpu.vector_load %arg5[%get3A_412] {strides = array<i32>} : memref<6400xf32, #tpu.memory_space<vmem>>, vector<16xf32>,
      %max3A_414 = arith.maximumf %get3A_411, %get3A_413 : vector<16xf32>
      %swap3A_415 = arith.index_cast %mul3A_409 : i32 to index
      %swap3A_416 = tpu.vector_load %arg4[%swap3A_415] {strides = array<i32>} : memref<6400xf32, #tpu.memory_space<vmem>>, vector<16xf32>,
      tpu.vector_store %arg4[%swap3A_415], %max3A_414 {strides = array<i32>} : memref<6400xf32, #tpu.memory_space<vmem>>, vector<16xf32>,
      %mul3A_417 = arith.constant 5 : i32
      %mul3A_418 = arith.muli %scan3A_367, %mul3A_417 : i32
      %add3A_419 = arith.constant 4 : i32
      %add3A_420 = arith.addi %mul3A_418, %add3A_419 : i32
      %mul3A_421 = arith.constant 16 : i32
      %mul3A_422 = arith.muli %add3A_420, %mul3A_421 : i32
      %get3A_423 = arith.index_cast %mul3A_422 : i32 to index
      %get3A_424 = tpu.vector_load %arg4[%get3A_423] {strides = array<i32>} : memref<6400xf32, #tpu.memory_space<vmem>>, vector<16xf32>,
      %get3A_425 = arith.index_cast %mul3A_422 : i32 to index
      %get3A_426 = tpu.vector_load %arg5[%get3A_425] {strides = array<i32>} : memref<6400xf32, #tpu.memory_space<vmem>>, vector<16xf32>,
      %max3A_427 = arith.maximumf %get3A_424, %get3A_426 : vector<16xf32>
      %swap3A_428 = arith.index_cast %mul3A_422 : i32 to index
      %swap3A_429 = tpu.vector_load %arg4[%swap3A_428] {strides = array<i32>} : memref<6400xf32, #tpu.memory_space<vmem>>, vector<16xf32>,
      tpu.vector_store %arg4[%swap3A_428], %max3A_427 {strides = array<i32>} : memref<6400xf32, #tpu.memory_space<vmem>>, vector<16xf32>,
    }
    %scan3A_324 = arith.constant 80 : i32
    %mul3A_325 = arith.constant 16 : i32
    %mul3A_326 = arith.muli %arg0, %mul3A_325 : i32
    %add3A_327 = arith.constant 14 : i32
    %add3A_328 = arith.addi %mul3A_326, %add3A_327 : i32
    %mul3A_329 = arith.constant 102400 : i32
    %mul3A_330 = arith.muli %add3A_328, %mul3A_329 : i32
    %add3A_331 = arith.addi %mul3A_330, %mul3A_0 : i32
    %dma_wait3A_332 = tpu.memref_slice %arg2[%add3A_331] : memref<3276800xf32, #tpu.memory_space<hbm>> -> memref<6400xf32, #tpu.memory_space<hbm>>
    %dma_wait3A_333 = tpu.memref_slice %arg2[%add3A_331] : memref<3276800xf32, #tpu.memory_space<hbm>> -> memref<6400xf32, #tpu.memory_space<hbm>>
    tpu.wait_dma2 semaphore(%arg8 : memref<!tpu.dma_semaphore, #tpu.memory_space<semaphore_mem>>) src(%dma_wait3A_333 : memref<6400xf32, #tpu.memory_space<hbm>>) dst(%arg6 : memref<6400xf32, #tpu.memory_space<vmem>>)
    %mul3A_334 = arith.constant 16 : i32
    %mul3A_335 = arith.muli %arg0, %mul3A_334 : i32
    %add3A_336 = arith.constant 15 : i32
    %add3A_337 = arith.addi %mul3A_335, %add3A_336 : i32
    %mul3A_338 = arith.constant 102400 : i32
    %mul3A_339 = arith.muli %add3A_337, %mul3A_338 : i32
    %add3A_340 = arith.addi %mul3A_339, %mul3A_0 : i32
    %dma_start3A_341 = tpu.memref_slice %arg2[%add3A_340] : memref<3276800xf32, #tpu.memory_space<hbm>> -> memref<6400xf32, #tpu.memory_space<hbm>>
    %dma_start3A_342 = tpu.memref_slice %arg2[%add3A_340] : memref<3276800xf32, #tpu.memory_space<hbm>> -> memref<6400xf32, #tpu.memory_space<hbm>>
    tpu.enqueue_dma source(%dma_start3A_342 : memref<6400xf32, #tpu.memory_space<hbm>>) target(%arg5 : memref<6400xf32, #tpu.memory_space<vmem>>) target_semaphore(%arg7 : memref<!tpu.dma_semaphore, #tpu.memory_space<semaphore_mem>>)
    %scan3A_343 = arith.constant 0 : i32
    %scan3A_344 = arith.constant 0 : i32
    %scan3A_345 = arith.constant 80 : i32
    %scan3A_346 = arith.addi %scan3A_344, %scan3A_345 : i32
    %scan3A_347 = arith.constant 1 : i32
    scf.for %scan3A_367 = %scan3A_344 to %scan3A_346 step %scan3A_347  : i32 {
      %mul3A_368 = arith.constant 5 : i32
      %mul3A_369 = arith.muli %scan3A_367, %mul3A_368 : i32
      %add3A_370 = arith.constant 0 : i32
      %add3A_371 = arith.addi %mul3A_369, %add3A_370 : i32
      %mul3A_372 = arith.constant 16 : i32
      %mul3A_373 = arith.muli %add3A_371, %mul3A_372 : i32
      %get3A = arith.index_cast %mul3A_373 : i32 to index
      %get3A_374 = tpu.vector_load %arg4[%get3A] {strides = array<i32>} : memref<6400xf32, #tpu.memory_space<vmem>>, vector<16xf32>,
      %get3A_375 = arith.index_cast %mul3A_373 : i32 to index
      %get3A_376 = tpu.vector_load %arg6[%get3A_375] {strides = array<i32>} : memref<6400xf32, #tpu.memory_space<vmem>>, vector<16xf32>,
      %max3A = arith.maximumf %get3A_374, %get3A_376 : vector<16xf32>
      %swap3A = arith.index_cast %mul3A_373 : i32 to index
      %swap3A_377 = tpu.vector_load %arg4[%swap3A] {strides = array<i32>} : memref<6400xf32, #tpu.memory_space<vmem>>, vector<16xf32>,
      tpu.vector_store %arg4[%swap3A], %max3A {strides = array<i32>} : memref<6400xf32, #tpu.memory_space<vmem>>, vector<16xf32>,
      %mul3A_378 = arith.constant 5 : i32
      %mul3A_379 = arith.muli %scan3A_367, %mul3A_378 : i32
      %add3A_380 = arith.constant 1 : i32
      %add3A_381 = arith.addi %mul3A_379, %add3A_380 : i32
      %mul3A_382 = arith.constant 16 : i32
      %mul3A_383 = arith.muli %add3A_381, %mul3A_382 : i32
      %get3A_384 = arith.index_cast %mul3A_383 : i32 to index
      %get3A_385 = tpu.vector_load %arg4[%get3A_384] {strides = array<i32>} : memref<6400xf32, #tpu.memory_space<vmem>>, vector<16xf32>,
      %get3A_386 = arith.index_cast %mul3A_383 : i32 to index
      %get3A_387 = tpu.vector_load %arg6[%get3A_386] {strides = array<i32>} : memref<6400xf32, #tpu.memory_space<vmem>>, vector<16xf32>,
      %max3A_388 = arith.maximumf %get3A_385, %get3A_387 : vector<16xf32>
      %swap3A_389 = arith.index_cast %mul3A_383 : i32 to index
      %swap3A_390 = tpu.vector_load %arg4[%swap3A_389] {strides = array<i32>} : memref<6400xf32, #tpu.memory_space<vmem>>, vector<16xf32>,
      tpu.vector_store %arg4[%swap3A_389], %max3A_388 {strides = array<i32>} : memref<6400xf32, #tpu.memory_space<vmem>>, vector<16xf32>,
      %mul3A_391 = arith.constant 5 : i32
      %mul3A_392 = arith.muli %scan3A_367, %mul3A_391 : i32
      %add3A_393 = arith.constant 2 : i32
      %add3A_394 = arith.addi %mul3A_392, %add3A_393 : i32
      %mul3A_395 = arith.constant 16 : i32
      %mul3A_396 = arith.muli %add3A_394, %mul3A_395 : i32
      %get3A_397 = arith.index_cast %mul3A_396 : i32 to index
      %get3A_398 = tpu.vector_load %arg4[%get3A_397] {strides = array<i32>} : memref<6400xf32, #tpu.memory_space<vmem>>, vector<16xf32>,
      %get3A_399 = arith.index_cast %mul3A_396 : i32 to index
      %get3A_400 = tpu.vector_load %arg6[%get3A_399] {strides = array<i32>} : memref<6400xf32, #tpu.memory_space<vmem>>, vector<16xf32>,
      %max3A_401 = arith.maximumf %get3A_398, %get3A_400 : vector<16xf32>
      %swap3A_402 = arith.index_cast %mul3A_396 : i32 to index
      %swap3A_403 = tpu.vector_load %arg4[%swap3A_402] {strides = array<i32>} : memref<6400xf32, #tpu.memory_space<vmem>>, vector<16xf32>,
      tpu.vector_store %arg4[%swap3A_402], %max3A_401 {strides = array<i32>} : memref<6400xf32, #tpu.memory_space<vmem>>, vector<16xf32>,
      %mul3A_404 = arith.constant 5 : i32
      %mul3A_405 = arith.muli %scan3A_367, %mul3A_404 : i32
      %add3A_406 = arith.constant 3 : i32
      %add3A_407 = arith.addi %mul3A_405, %add3A_406 : i32
      %mul3A_408 = arith.constant 16 : i32
      %mul3A_409 = arith.muli %add3A_407, %mul3A_408 : i32
      %get3A_410 = arith.index_cast %mul3A_409 : i32 to index
      %get3A_411 = tpu.vector_load %arg4[%get3A_410] {strides = array<i32>} : memref<6400xf32, #tpu.memory_space<vmem>>, vector<16xf32>,
      %get3A_412 = arith.index_cast %mul3A_409 : i32 to index
      %get3A_413 = tpu.vector_load %arg6[%get3A_412] {strides = array<i32>} : memref<6400xf32, #tpu.memory_space<vmem>>, vector<16xf32>,
      %max3A_414 = arith.maximumf %get3A_411, %get3A_413 : vector<16xf32>
      %swap3A_415 = arith.index_cast %mul3A_409 : i32 to index
      %swap3A_416 = tpu.vector_load %arg4[%swap3A_415] {strides = array<i32>} : memref<6400xf32, #tpu.memory_space<vmem>>, vector<16xf32>,
      tpu.vector_store %arg4[%swap3A_415], %max3A_414 {strides = array<i32>} : memref<6400xf32, #tpu.memory_space<vmem>>, vector<16xf32>,
      %mul3A_417 = arith.constant 5 : i32
      %mul3A_418 = arith.muli %scan3A_367, %mul3A_417 : i32
      %add3A_419 = arith.constant 4 : i32
      %add3A_420 = arith.addi %mul3A_418, %add3A_419 : i32
      %mul3A_421 = arith.constant 16 : i32
      %mul3A_422 = arith.muli %add3A_420, %mul3A_421 : i32
      %get3A_423 = arith.index_cast %mul3A_422 : i32 to index
      %get3A_424 = tpu.vector_load %arg4[%get3A_423] {strides = array<i32>} : memref<6400xf32, #tpu.memory_space<vmem>>, vector<16xf32>,
      %get3A_425 = arith.index_cast %mul3A_422 : i32 to index
      %get3A_426 = tpu.vector_load %arg6[%get3A_425] {strides = array<i32>} : memref<6400xf32, #tpu.memory_space<vmem>>, vector<16xf32>,
      %max3A_427 = arith.maximumf %get3A_424, %get3A_426 : vector<16xf32>
      %swap3A_428 = arith.index_cast %mul3A_422 : i32 to index
      %swap3A_429 = tpu.vector_load %arg4[%swap3A_428] {strides = array<i32>} : memref<6400xf32, #tpu.memory_space<vmem>>, vector<16xf32>,
      tpu.vector_store %arg4[%swap3A_428], %max3A_427 {strides = array<i32>} : memref<6400xf32, #tpu.memory_space<vmem>>, vector<16xf32>,
    }
    %scan3A_348 = arith.constant 80 : i32
    %mul3A_349 = arith.constant 16 : i32
    %mul3A_350 = arith.muli %arg0, %mul3A_349 : i32
    %add3A_351 = arith.constant 15 : i32
    %add3A_352 = arith.addi %mul3A_350, %add3A_351 : i32
    %mul3A_353 = arith.constant 102400 : i32
    %mul3A_354 = arith.muli %add3A_352, %mul3A_353 : i32
    %add3A_355 = arith.addi %mul3A_354, %mul3A_0 : i32
    %dma_wait3A_356 = tpu.memref_slice %arg2[%add3A_355] : memref<3276800xf32, #tpu.memory_space<hbm>> -> memref<6400xf32, #tpu.memory_space<hbm>>
    %dma_wait3A_357 = tpu.memref_slice %arg2[%add3A_355] : memref<3276800xf32, #tpu.memory_space<hbm>> -> memref<6400xf32, #tpu.memory_space<hbm>>
    tpu.wait_dma2 semaphore(%arg7 : memref<!tpu.dma_semaphore, #tpu.memory_space<semaphore_mem>>) src(%dma_wait3A_357 : memref<6400xf32, #tpu.memory_space<hbm>>) dst(%arg5 : memref<6400xf32, #tpu.memory_space<vmem>>)
    %scan3A_358 = arith.constant 0 : i32
    %scan3A_359 = arith.constant 0 : i32
    %scan3A_360 = arith.constant 80 : i32
    %scan3A_361 = arith.addi %scan3A_359, %scan3A_360 : i32
    %scan3A_362 = arith.constant 1 : i32
    scf.for %scan3A_367 = %scan3A_359 to %scan3A_361 step %scan3A_362  : i32 {
      %mul3A_368 = arith.constant 5 : i32
      %mul3A_369 = arith.muli %scan3A_367, %mul3A_368 : i32
      %add3A_370 = arith.constant 0 : i32
      %add3A_371 = arith.addi %mul3A_369, %add3A_370 : i32
      %mul3A_372 = arith.constant 16 : i32
      %mul3A_373 = arith.muli %add3A_371, %mul3A_372 : i32
      %get3A = arith.index_cast %mul3A_373 : i32 to index
      %get3A_374 = tpu.vector_load %arg4[%get3A] {strides = array<i32>} : memref<6400xf32, #tpu.memory_space<vmem>>, vector<16xf32>,
      %get3A_375 = arith.index_cast %mul3A_373 : i32 to index
      %get3A_376 = tpu.vector_load %arg5[%get3A_375] {strides = array<i32>} : memref<6400xf32, #tpu.memory_space<vmem>>, vector<16xf32>,
      %max3A = arith.maximumf %get3A_374, %get3A_376 : vector<16xf32>
      %swap3A = arith.index_cast %mul3A_373 : i32 to index
      %swap3A_377 = tpu.vector_load %arg4[%swap3A] {strides = array<i32>} : memref<6400xf32, #tpu.memory_space<vmem>>, vector<16xf32>,
      tpu.vector_store %arg4[%swap3A], %max3A {strides = array<i32>} : memref<6400xf32, #tpu.memory_space<vmem>>, vector<16xf32>,
      %mul3A_378 = arith.constant 5 : i32
      %mul3A_379 = arith.muli %scan3A_367, %mul3A_378 : i32
      %add3A_380 = arith.constant 1 : i32
      %add3A_381 = arith.addi %mul3A_379, %add3A_380 : i32
      %mul3A_382 = arith.constant 16 : i32
      %mul3A_383 = arith.muli %add3A_381, %mul3A_382 : i32
      %get3A_384 = arith.index_cast %mul3A_383 : i32 to index
      %get3A_385 = tpu.vector_load %arg4[%get3A_384] {strides = array<i32>} : memref<6400xf32, #tpu.memory_space<vmem>>, vector<16xf32>,
      %get3A_386 = arith.index_cast %mul3A_383 : i32 to index
      %get3A_387 = tpu.vector_load %arg5[%get3A_386] {strides = array<i32>} : memref<6400xf32, #tpu.memory_space<vmem>>, vector<16xf32>,
      %max3A_388 = arith.maximumf %get3A_385, %get3A_387 : vector<16xf32>
      %swap3A_389 = arith.index_cast %mul3A_383 : i32 to index
      %swap3A_390 = tpu.vector_load %arg4[%swap3A_389] {strides = array<i32>} : memref<6400xf32, #tpu.memory_space<vmem>>, vector<16xf32>,
      tpu.vector_store %arg4[%swap3A_389], %max3A_388 {strides = array<i32>} : memref<6400xf32, #tpu.memory_space<vmem>>, vector<16xf32>,
      %mul3A_391 = arith.constant 5 : i32
      %mul3A_392 = arith.muli %scan3A_367, %mul3A_391 : i32
      %add3A_393 = arith.constant 2 : i32
      %add3A_394 = arith.addi %mul3A_392, %add3A_393 : i32
      %mul3A_395 = arith.constant 16 : i32
      %mul3A_396 = arith.muli %add3A_394, %mul3A_395 : i32
      %get3A_397 = arith.index_cast %mul3A_396 : i32 to index
      %get3A_398 = tpu.vector_load %arg4[%get3A_397] {strides = array<i32>} : memref<6400xf32, #tpu.memory_space<vmem>>, vector<16xf32>,
      %get3A_399 = arith.index_cast %mul3A_396 : i32 to index
      %get3A_400 = tpu.vector_load %arg5[%get3A_399] {strides = array<i32>} : memref<6400xf32, #tpu.memory_space<vmem>>, vector<16xf32>,
      %max3A_401 = arith.maximumf %get3A_398, %get3A_400 : vector<16xf32>
      %swap3A_402 = arith.index_cast %mul3A_396 : i32 to index
      %swap3A_403 = tpu.vector_load %arg4[%swap3A_402] {strides = array<i32>} : memref<6400xf32, #tpu.memory_space<vmem>>, vector<16xf32>,
      tpu.vector_store %arg4[%swap3A_402], %max3A_401 {strides = array<i32>} : memref<6400xf32, #tpu.memory_space<vmem>>, vector<16xf32>,
      %mul3A_404 = arith.constant 5 : i32
      %mul3A_405 = arith.muli %scan3A_367, %mul3A_404 : i32
      %add3A_406 = arith.constant 3 : i32
      %add3A_407 = arith.addi %mul3A_405, %add3A_406 : i32
      %mul3A_408 = arith.constant 16 : i32
      %mul3A_409 = arith.muli %add3A_407, %mul3A_408 : i32
      %get3A_410 = arith.index_cast %mul3A_409 : i32 to index
      %get3A_411 = tpu.vector_load %arg4[%get3A_410] {strides = array<i32>} : memref<6400xf32, #tpu.memory_space<vmem>>, vector<16xf32>,
      %get3A_412 = arith.index_cast %mul3A_409 : i32 to index
      %get3A_413 = tpu.vector_load %arg5[%get3A_412] {strides = array<i32>} : memref<6400xf32, #tpu.memory_space<vmem>>, vector<16xf32>,
      %max3A_414 = arith.maximumf %get3A_411, %get3A_413 : vector<16xf32>
      %swap3A_415 = arith.index_cast %mul3A_409 : i32 to index
      %swap3A_416 = tpu.vector_load %arg4[%swap3A_415] {strides = array<i32>} : memref<6400xf32, #tpu.memory_space<vmem>>, vector<16xf32>,
      tpu.vector_store %arg4[%swap3A_415], %max3A_414 {strides = array<i32>} : memref<6400xf32, #tpu.memory_space<vmem>>, vector<16xf32>,
      %mul3A_417 = arith.constant 5 : i32
      %mul3A_418 = arith.muli %scan3A_367, %mul3A_417 : i32
      %add3A_419 = arith.constant 4 : i32
      %add3A_420 = arith.addi %mul3A_418, %add3A_419 : i32
      %mul3A_421 = arith.constant 16 : i32
      %mul3A_422 = arith.muli %add3A_420, %mul3A_421 : i32
      %get3A_423 = arith.index_cast %mul3A_422 : i32 to index
      %get3A_424 = tpu.vector_load %arg4[%get3A_423] {strides = array<i32>} : memref<6400xf32, #tpu.memory_space<vmem>>, vector<16xf32>,
      %get3A_425 = arith.index_cast %mul3A_422 : i32 to index
      %get3A_426 = tpu.vector_load %arg5[%get3A_425] {strides = array<i32>} : memref<6400xf32, #tpu.memory_space<vmem>>, vector<16xf32>,
      %max3A_427 = arith.maximumf %get3A_424, %get3A_426 : vector<16xf32>
      %swap3A_428 = arith.index_cast %mul3A_422 : i32 to index
      %swap3A_429 = tpu.vector_load %arg4[%swap3A_428] {strides = array<i32>} : memref<6400xf32, #tpu.memory_space<vmem>>, vector<16xf32>,
      tpu.vector_store %arg4[%swap3A_428], %max3A_427 {strides = array<i32>} : memref<6400xf32, #tpu.memory_space<vmem>>, vector<16xf32>,
    }
    %scan3A_363 = arith.constant 80 : i32
    %mul3A_364 = arith.constant 102400 : i32
    %mul3A_365 = arith.muli %arg0, %mul3A_364 : i32
    %add3A_366 = arith.addi %mul3A_365, %mul3A_0 : i32
    "tpu.region"() ({
      %run_scoped3A = tpu.sem_alloc : memref<!tpu.dma_semaphore, #tpu.memory_space<semaphore_mem>>
      %dma_start3A_367 = tpu.memref_slice %arg3[%add3A_366] : memref<204800xf32, #tpu.memory_space<hbm>> -> memref<6400xf32, #tpu.memory_space<hbm>>
      %dma_start3A_368 = tpu.memref_slice %arg3[%add3A_366] : memref<204800xf32, #tpu.memory_space<hbm>> -> memref<6400xf32, #tpu.memory_space<hbm>>
      tpu.enqueue_dma source(%arg4 : memref<6400xf32, #tpu.memory_space<vmem>>) target(%dma_start3A_368 : memref<6400xf32, #tpu.memory_space<hbm>>) target_semaphore(%run_scoped3A : memref<!tpu.dma_semaphore, #tpu.memory_space<semaphore_mem>>)
      %dma_wait3A_369 = tpu.memref_slice %arg3[%add3A_366] : memref<204800xf32, #tpu.memory_space<hbm>> -> memref<6400xf32, #tpu.memory_space<hbm>>
      %dma_wait3A_370 = tpu.memref_slice %arg3[%add3A_366] : memref<204800xf32, #tpu.memory_space<hbm>> -> memref<6400xf32, #tpu.memory_space<hbm>>
      tpu.wait_dma2 semaphore(%run_scoped3A : memref<!tpu.dma_semaphore, #tpu.memory_space<semaphore_mem>>) src(%arg4 : memref<6400xf32, #tpu.memory_space<vmem>>) dst(%dma_wait3A_370 : memref<6400xf32, #tpu.memory_space<hbm>>)
      tpu.yield
    }) : () -> ()
    return
  }
}

#map = affine_map<(d0, d1) -> (0)>
module attributes {stable_mosaic.version = 14 : i64} {
  func.func @_k3_body(%arg0: i32, %arg1: i32, %arg2: memref<12800000xi32, #tpu.memory_space<hbm>>, %arg3: memref<204800xf32, #tpu.memory_space<hbm>>, %arg4: memref<6400000xf32, #tpu.memory_space<hbm>>, %arg5: memref<6400000xf32, #tpu.memory_space<hbm>>, %arg6: memref<256000xf32, #tpu.memory_space<hbm>>, %arg7: memref<102400xf32, #tpu.memory_space<vmem>>, %arg8: memref<4000xi32, #tpu.memory_space<vmem>>, %arg9: memref<4000xi32, #tpu.memory_space<vmem>>, %arg10: memref<4000xf32, #tpu.memory_space<vmem>>, %arg11: memref<4000xf32, #tpu.memory_space<vmem>>, %arg12: memref<4000xf32, #tpu.memory_space<vmem>>, %arg13: memref<4000xf32, #tpu.memory_space<vmem>>, %arg14: memref<!tpu.dma_semaphore, #tpu.memory_space<semaphore_mem>>, %arg15: memref<!tpu.dma_semaphore, #tpu.memory_space<semaphore_mem>>, %arg16: memref<!tpu.dma_semaphore, #tpu.memory_space<semaphore_mem>>, %arg17: memref<!tpu.dma_semaphore, #tpu.memory_space<semaphore_mem>>) attributes {dimension_semantics = [#tpu.dimension_semantics<core_parallel>, #tpu.dimension_semantics<subcore_parallel>], iteration_bounds = array<i64: 2, 16>, scalar_prefetch = 0 : i64, scratch_operands = 11 : i64, tpu.core_type = #tpu.core_type<sc_vector_subcore>, window_params = [{transform_indices = #map}, {transform_indices = #map}, {transform_indices = #map}, {transform_indices = #map}, {transform_indices = #map}]} {
    %mul3A = arith.constant 2 : i32
    %mul3A_0 = arith.muli %arg1, %mul3A : i32
    %add3A = arith.addi %mul3A_0, %arg0 : i32
    %mul3A_1 = arith.constant 200000 : i32
    %mul3A_2 = arith.muli %add3A, %mul3A_1 : i32
    "tpu.region"() ({
      %run_scoped3A = tpu.sem_alloc : memref<!tpu.dma_semaphore, #tpu.memory_space<semaphore_mem>>
      %dma_start3A_131 = arith.constant 0 : i32
      %dma_start3A_132 = tpu.memref_slice %arg3[%dma_start3A_131] : memref<204800xf32, #tpu.memory_space<hbm>> -> memref<102400xf32, #tpu.memory_space<hbm>>
      %dma_start3A_133 = arith.constant 0 : i32
      %dma_start3A_134 = tpu.memref_slice %arg3[%dma_start3A_133] : memref<204800xf32, #tpu.memory_space<hbm>> -> memref<102400xf32, #tpu.memory_space<hbm>>
      tpu.enqueue_dma source(%dma_start3A_134 : memref<102400xf32, #tpu.memory_space<hbm>>) target(%arg7 : memref<102400xf32, #tpu.memory_space<vmem>>) target_semaphore(%run_scoped3A : memref<!tpu.dma_semaphore, #tpu.memory_space<semaphore_mem>>)
      %dma_wait3A_135 = arith.constant 0 : i32
      %dma_wait3A_136 = tpu.memref_slice %arg3[%dma_wait3A_135] : memref<204800xf32, #tpu.memory_space<hbm>> -> memref<102400xf32, #tpu.memory_space<hbm>>
      %dma_wait3A_137 = arith.constant 0 : i32
      %dma_wait3A_138 = tpu.memref_slice %arg3[%dma_wait3A_137] : memref<204800xf32, #tpu.memory_space<hbm>> -> memref<102400xf32, #tpu.memory_space<hbm>>
      tpu.wait_dma2 semaphore(%run_scoped3A : memref<!tpu.dma_semaphore, #tpu.memory_space<semaphore_mem>>) src(%dma_wait3A_138 : memref<102400xf32, #tpu.memory_space<hbm>>) dst(%arg7 : memref<102400xf32, #tpu.memory_space<vmem>>)
      tpu.yield
    }) : () -> ()
    %min3A = arith.constant 0 : i32
    %min3A_3 = arith.constant 49 : i32
    %min3A_4 = arith.minsi %min3A, %min3A_3 : i32
    %mul3A_5 = arith.constant 4000 : i32
    %mul3A_6 = arith.muli %min3A_4, %mul3A_5 : i32
    %add3A_7 = arith.addi %mul3A_2, %mul3A_6 : i32
    %dma_start3A = tpu.memref_slice %arg2[%add3A_7] : memref<12800000xi32, #tpu.memory_space<hbm>> -> memref<4000xi32, #tpu.memory_space<hbm>>
    %dma_start3A_8 = tpu.memref_slice %arg2[%add3A_7] : memref<12800000xi32, #tpu.memory_space<hbm>> -> memref<4000xi32, #tpu.memory_space<hbm>>
    tpu.enqueue_dma source(%dma_start3A_8 : memref<4000xi32, #tpu.memory_space<hbm>>) target(%arg8 : memref<4000xi32, #tpu.memory_space<vmem>>) target_semaphore(%arg14 : memref<!tpu.dma_semaphore, #tpu.memory_space<semaphore_mem>>)
    %min3A_9 = arith.constant 1 : i32
    %min3A_10 = arith.constant 49 : i32
    %min3A_11 = arith.minsi %min3A_9, %min3A_10 : i32
    %mul3A_12 = arith.constant 4000 : i32
    %mul3A_13 = arith.muli %min3A_11, %mul3A_12 : i32
    %add3A_14 = arith.addi %mul3A_2, %mul3A_13 : i32
    %dma_start3A_15 = tpu.memref_slice %arg2[%add3A_14] : memref<12800000xi32, #tpu.memory_space<hbm>> -> memref<4000xi32, #tpu.memory_space<hbm>>
    %dma_start3A_16 = tpu.memref_slice %arg2[%add3A_14] : memref<12800000xi32, #tpu.memory_space<hbm>> -> memref<4000xi32, #tpu.memory_space<hbm>>
    tpu.enqueue_dma source(%dma_start3A_16 : memref<4000xi32, #tpu.memory_space<hbm>>) target(%arg9 : memref<4000xi32, #tpu.memory_space<vmem>>) target_semaphore(%arg15 : memref<!tpu.dma_semaphore, #tpu.memory_space<semaphore_mem>>)
    %mul3A_17 = arith.constant 2 : i32
    %mul3A_18 = arith.muli %add3A, %mul3A_17 : i32
    %mul3A_19 = arith.constant 4000 : i32
    %mul3A_20 = arith.muli %mul3A_18, %mul3A_19 : i32
    %dma_start3A_21 = tpu.memref_slice %arg6[%mul3A_20] : memref<256000xf32, #tpu.memory_space<hbm>> -> memref<4000xf32, #tpu.memory_space<hbm>>
    %dma_start3A_22 = tpu.memref_slice %arg6[%mul3A_20] : memref<256000xf32, #tpu.memory_space<hbm>> -> memref<4000xf32, #tpu.memory_space<hbm>>
    tpu.enqueue_dma source(%arg10 : memref<4000xf32, #tpu.memory_space<vmem>>) target(%dma_start3A_22 : memref<4000xf32, #tpu.memory_space<hbm>>) target_semaphore(%arg16 : memref<!tpu.dma_semaphore, #tpu.memory_space<semaphore_mem>>)
    %mul3A_23 = arith.constant 2 : i32
    %mul3A_24 = arith.muli %add3A, %mul3A_23 : i32
    %mul3A_25 = arith.constant 4000 : i32
    %mul3A_26 = arith.muli %mul3A_24, %mul3A_25 : i32
    %add3A_27 = arith.constant 4000 : i32
    %add3A_28 = arith.addi %mul3A_26, %add3A_27 : i32
    %dma_start3A_29 = tpu.memref_slice %arg6[%add3A_28] : memref<256000xf32, #tpu.memory_space<hbm>> -> memref<4000xf32, #tpu.memory_space<hbm>>
    %dma_start3A_30 = tpu.memref_slice %arg6[%add3A_28] : memref<256000xf32, #tpu.memory_space<hbm>> -> memref<4000xf32, #tpu.memory_space<hbm>>
    tpu.enqueue_dma source(%arg11 : memref<4000xf32, #tpu.memory_space<vmem>>) target(%dma_start3A_30 : memref<4000xf32, #tpu.memory_space<hbm>>) target_semaphore(%arg17 : memref<!tpu.dma_semaphore, #tpu.memory_space<semaphore_mem>>)
    %scan3A = arith.constant 0 : i32
    %scan3A_31 = arith.constant 0 : i32
    %scan3A_32 = arith.constant 25 : i32
    %scan3A_33 = arith.addi %scan3A_31, %scan3A_32 : i32
    %scan3A_34 = arith.constant 1 : i32
    scf.for %scan3A_131 = %scan3A_31 to %scan3A_33 step %scan3A_34  : i32 {
      %mul3A_132 = arith.constant 2 : i32
      %mul3A_133 = arith.muli %mul3A_132, %scan3A_131 : i32
      %mul3A_134 = arith.constant 4000 : i32
      %mul3A_135 = arith.muli %mul3A_133, %mul3A_134 : i32
      %add3A_136 = arith.addi %mul3A_2, %mul3A_135 : i32
      %min3A_137 = arith.constant 49 : i32
      %min3A_138 = arith.minsi %mul3A_133, %min3A_137 : i32
      %mul3A_139 = arith.constant 4000 : i32
      %mul3A_140 = arith.muli %min3A_138, %mul3A_139 : i32
      %add3A_141 = arith.addi %mul3A_2, %mul3A_140 : i32
      %dma_wait3A_142 = tpu.memref_slice %arg2[%add3A_141] : memref<12800000xi32, #tpu.memory_space<hbm>> -> memref<4000xi32, #tpu.memory_space<hbm>>
      %dma_wait3A_143 = tpu.memref_slice %arg2[%add3A_141] : memref<12800000xi32, #tpu.memory_space<hbm>> -> memref<4000xi32, #tpu.memory_space<hbm>>
      tpu.wait_dma2 semaphore(%arg14 : memref<!tpu.dma_semaphore, #tpu.memory_space<semaphore_mem>>) src(%dma_wait3A_143 : memref<4000xi32, #tpu.memory_space<hbm>>) dst(%arg8 : memref<4000xi32, #tpu.memory_space<vmem>>)
      %dma_wait3A_144 = tpu.memref_slice %arg5[%add3A_136] : memref<6400000xf32, #tpu.memory_space<hbm>> -> memref<4000xf32, #tpu.memory_space<hbm>>
      %dma_wait3A_145 = tpu.memref_slice %arg5[%add3A_136] : memref<6400000xf32, #tpu.memory_space<hbm>> -> memref<4000xf32, #tpu.memory_space<hbm>>
      tpu.wait_dma2 semaphore(%arg16 : memref<!tpu.dma_semaphore, #tpu.memory_space<semaphore_mem>>) src(%arg10 : memref<4000xf32, #tpu.memory_space<vmem>>) dst(%dma_wait3A_145 : memref<4000xf32, #tpu.memory_space<hbm>>)
      %scan3A_146 = arith.constant 0 : i32
      %scan3A_147 = arith.constant 0 : i32
      %scan3A_148 = arith.constant 50 : i32
      %scan3A_149 = arith.addi %scan3A_147, %scan3A_148 : i32
      %scan3A_150 = arith.constant 1 : i32
      scf.for %scan3A_195 = %scan3A_147 to %scan3A_149 step %scan3A_150  : i32 {
        %mul3A_196 = arith.constant 80 : i32
        %mul3A_197 = arith.muli %scan3A_195, %mul3A_196 : i32
        %add3A_198 = arith.constant 0 : i32
        %add3A_199 = arith.addi %mul3A_197, %add3A_198 : i32
        %get3A = arith.index_cast %add3A_199 : i32 to index
        %get3A_200 = tpu.vector_load %arg8[%get3A] {strides = array<i32>} : memref<4000xi32, #tpu.memory_space<vmem>>, vector<16xi32>,
        %gather3A = tpu.vector_load_idx %arg7[%get3A_200] : memref<102400xf32, #tpu.memory_space<vmem>>[vector<16xi32>], vector<16xf32>,
        %swap3A = arith.index_cast %add3A_199 : i32 to index
        %swap3A_201 = tpu.vector_load %arg10[%swap3A] {strides = array<i32>} : memref<4000xf32, #tpu.memory_space<vmem>>, vector<16xf32>,
        tpu.vector_store %arg10[%swap3A], %gather3A {strides = array<i32>} : memref<4000xf32, #tpu.memory_space<vmem>>, vector<16xf32>,
        %add3A_202 = arith.constant 16 : i32
        %add3A_203 = arith.addi %mul3A_197, %add3A_202 : i32
        %get3A_204 = arith.index_cast %add3A_203 : i32 to index
        %get3A_205 = tpu.vector_load %arg8[%get3A_204] {strides = array<i32>} : memref<4000xi32, #tpu.memory_space<vmem>>, vector<16xi32>,
        %gather3A_206 = tpu.vector_load_idx %arg7[%get3A_205] : memref<102400xf32, #tpu.memory_space<vmem>>[vector<16xi32>], vector<16xf32>,
        %swap3A_207 = arith.index_cast %add3A_203 : i32 to index
        %swap3A_208 = tpu.vector_load %arg10[%swap3A_207] {strides = array<i32>} : memref<4000xf32, #tpu.memory_space<vmem>>, vector<16xf32>,
        tpu.vector_store %arg10[%swap3A_207], %gather3A_206 {strides = array<i32>} : memref<4000xf32, #tpu.memory_space<vmem>>, vector<16xf32>,
        %add3A_209 = arith.constant 32 : i32
        %add3A_210 = arith.addi %mul3A_197, %add3A_209 : i32
        %get3A_211 = arith.index_cast %add3A_210 : i32 to index
        %get3A_212 = tpu.vector_load %arg8[%get3A_211] {strides = array<i32>} : memref<4000xi32, #tpu.memory_space<vmem>>, vector<16xi32>,
        %gather3A_213 = tpu.vector_load_idx %arg7[%get3A_212] : memref<102400xf32, #tpu.memory_space<vmem>>[vector<16xi32>], vector<16xf32>,
        %swap3A_214 = arith.index_cast %add3A_210 : i32 to index
        %swap3A_215 = tpu.vector_load %arg10[%swap3A_214] {strides = array<i32>} : memref<4000xf32, #tpu.memory_space<vmem>>, vector<16xf32>,
        tpu.vector_store %arg10[%swap3A_214], %gather3A_213 {strides = array<i32>} : memref<4000xf32, #tpu.memory_space<vmem>>, vector<16xf32>,
        %add3A_216 = arith.constant 48 : i32
        %add3A_217 = arith.addi %mul3A_197, %add3A_216 : i32
        %get3A_218 = arith.index_cast %add3A_217 : i32 to index
        %get3A_219 = tpu.vector_load %arg8[%get3A_218] {strides = array<i32>} : memref<4000xi32, #tpu.memory_space<vmem>>, vector<16xi32>,
        %gather3A_220 = tpu.vector_load_idx %arg7[%get3A_219] : memref<102400xf32, #tpu.memory_space<vmem>>[vector<16xi32>], vector<16xf32>,
        %swap3A_221 = arith.index_cast %add3A_217 : i32 to index
        %swap3A_222 = tpu.vector_load %arg10[%swap3A_221] {strides = array<i32>} : memref<4000xf32, #tpu.memory_space<vmem>>, vector<16xf32>,
        tpu.vector_store %arg10[%swap3A_221], %gather3A_220 {strides = array<i32>} : memref<4000xf32, #tpu.memory_space<vmem>>, vector<16xf32>,
        %add3A_223 = arith.constant 64 : i32
        %add3A_224 = arith.addi %mul3A_197, %add3A_223 : i32
        %get3A_225 = arith.index_cast %add3A_224 : i32 to index
        %get3A_226 = tpu.vector_load %arg8[%get3A_225] {strides = array<i32>} : memref<4000xi32, #tpu.memory_space<vmem>>, vector<16xi32>,
        %gather3A_227 = tpu.vector_load_idx %arg7[%get3A_226] : memref<102400xf32, #tpu.memory_space<vmem>>[vector<16xi32>], vector<16xf32>,
        %swap3A_228 = arith.index_cast %add3A_224 : i32 to index
        %swap3A_229 = tpu.vector_load %arg10[%swap3A_228] {strides = array<i32>} : memref<4000xf32, #tpu.memory_space<vmem>>, vector<16xf32>,
        tpu.vector_store %arg10[%swap3A_228], %gather3A_227 {strides = array<i32>} : memref<4000xf32, #tpu.memory_space<vmem>>, vector<16xf32>,
      }
      %scan3A_151 = arith.constant 50 : i32
      %dma_start3A_152 = tpu.memref_slice %arg5[%add3A_136] : memref<6400000xf32, #tpu.memory_space<hbm>> -> memref<4000xf32, #tpu.memory_space<hbm>>
      %dma_start3A_153 = tpu.memref_slice %arg5[%add3A_136] : memref<6400000xf32, #tpu.memory_space<hbm>> -> memref<4000xf32, #tpu.memory_space<hbm>>
      tpu.enqueue_dma source(%arg10 : memref<4000xf32, #tpu.memory_space<vmem>>) target(%dma_start3A_153 : memref<4000xf32, #tpu.memory_space<hbm>>) target_semaphore(%arg16 : memref<!tpu.dma_semaphore, #tpu.memory_space<semaphore_mem>>)
      %add3A_154 = arith.constant 2 : i32
      %add3A_155 = arith.addi %mul3A_133, %add3A_154 : i32
      %min3A_156 = arith.constant 49 : i32
      %min3A_157 = arith.minsi %add3A_155, %min3A_156 : i32
      %mul3A_158 = arith.constant 4000 : i32
      %mul3A_159 = arith.muli %min3A_157, %mul3A_158 : i32
      %add3A_160 = arith.addi %mul3A_2, %mul3A_159 : i32
      %dma_start3A_161 = tpu.memref_slice %arg2[%add3A_160] : memref<12800000xi32, #tpu.memory_space<hbm>> -> memref<4000xi32, #tpu.memory_space<hbm>>
      %dma_start3A_162 = tpu.memref_slice %arg2[%add3A_160] : memref<12800000xi32, #tpu.memory_space<hbm>> -> memref<4000xi32, #tpu.memory_space<hbm>>
      tpu.enqueue_dma source(%dma_start3A_162 : memref<4000xi32, #tpu.memory_space<hbm>>) target(%arg8 : memref<4000xi32, #tpu.memory_space<vmem>>) target_semaphore(%arg14 : memref<!tpu.dma_semaphore, #tpu.memory_space<semaphore_mem>>)
      %add3A_163 = arith.constant 1 : i32
      %add3A_164 = arith.addi %mul3A_133, %add3A_163 : i32
      %min3A_165 = arith.constant 49 : i32
      %min3A_166 = arith.minsi %add3A_164, %min3A_165 : i32
      %mul3A_167 = arith.constant 4000 : i32
      %mul3A_168 = arith.muli %min3A_166, %mul3A_167 : i32
      %add3A_169 = arith.addi %mul3A_2, %mul3A_168 : i32
      %dma_wait3A_170 = tpu.memref_slice %arg2[%add3A_169] : memref<12800000xi32, #tpu.memory_space<hbm>> -> memref<4000xi32, #tpu.memory_space<hbm>>
      %dma_wait3A_171 = tpu.memref_slice %arg2[%add3A_169] : memref<12800000xi32, #tpu.memory_space<hbm>> -> memref<4000xi32, #tpu.memory_space<hbm>>
      tpu.wait_dma2 semaphore(%arg15 : memref<!tpu.dma_semaphore, #tpu.memory_space<semaphore_mem>>) src(%dma_wait3A_171 : memref<4000xi32, #tpu.memory_space<hbm>>) dst(%arg9 : memref<4000xi32, #tpu.memory_space<vmem>>)
      %add3A_172 = arith.constant 4000 : i32
      %add3A_173 = arith.addi %add3A_136, %add3A_172 : i32
      %dma_wait3A_174 = tpu.memref_slice %arg5[%add3A_173] : memref<6400000xf32, #tpu.memory_space<hbm>> -> memref<4000xf32, #tpu.memory_space<hbm>>
      %dma_wait3A_175 = tpu.memref_slice %arg5[%add3A_173] : memref<6400000xf32, #tpu.memory_space<hbm>> -> memref<4000xf32, #tpu.memory_space<hbm>>
      tpu.wait_dma2 semaphore(%arg17 : memref<!tpu.dma_semaphore, #tpu.memory_space<semaphore_mem>>) src(%arg11 : memref<4000xf32, #tpu.memory_space<vmem>>) dst(%dma_wait3A_175 : memref<4000xf32, #tpu.memory_space<hbm>>)
      %scan3A_176 = arith.constant 0 : i32
      %scan3A_177 = arith.constant 0 : i32
      %scan3A_178 = arith.constant 50 : i32
      %scan3A_179 = arith.addi %scan3A_177, %scan3A_178 : i32
      %scan3A_180 = arith.constant 1 : i32
      scf.for %scan3A_195 = %scan3A_177 to %scan3A_179 step %scan3A_180  : i32 {
        %mul3A_196 = arith.constant 80 : i32
        %mul3A_197 = arith.muli %scan3A_195, %mul3A_196 : i32
        %add3A_198 = arith.constant 0 : i32
        %add3A_199 = arith.addi %mul3A_197, %add3A_198 : i32
        %get3A = arith.index_cast %add3A_199 : i32 to index
        %get3A_200 = tpu.vector_load %arg9[%get3A] {strides = array<i32>} : memref<4000xi32, #tpu.memory_space<vmem>>, vector<16xi32>,
        %gather3A = tpu.vector_load_idx %arg7[%get3A_200] : memref<102400xf32, #tpu.memory_space<vmem>>[vector<16xi32>], vector<16xf32>,
        %swap3A = arith.index_cast %add3A_199 : i32 to index
        %swap3A_201 = tpu.vector_load %arg11[%swap3A] {strides = array<i32>} : memref<4000xf32, #tpu.memory_space<vmem>>, vector<16xf32>,
        tpu.vector_store %arg11[%swap3A], %gather3A {strides = array<i32>} : memref<4000xf32, #tpu.memory_space<vmem>>, vector<16xf32>,
        %add3A_202 = arith.constant 16 : i32
        %add3A_203 = arith.addi %mul3A_197, %add3A_202 : i32
        %get3A_204 = arith.index_cast %add3A_203 : i32 to index
        %get3A_205 = tpu.vector_load %arg9[%get3A_204] {strides = array<i32>} : memref<4000xi32, #tpu.memory_space<vmem>>, vector<16xi32>,
        %gather3A_206 = tpu.vector_load_idx %arg7[%get3A_205] : memref<102400xf32, #tpu.memory_space<vmem>>[vector<16xi32>], vector<16xf32>,
        %swap3A_207 = arith.index_cast %add3A_203 : i32 to index
        %swap3A_208 = tpu.vector_load %arg11[%swap3A_207] {strides = array<i32>} : memref<4000xf32, #tpu.memory_space<vmem>>, vector<16xf32>,
        tpu.vector_store %arg11[%swap3A_207], %gather3A_206 {strides = array<i32>} : memref<4000xf32, #tpu.memory_space<vmem>>, vector<16xf32>,
        %add3A_209 = arith.constant 32 : i32
        %add3A_210 = arith.addi %mul3A_197, %add3A_209 : i32
        %get3A_211 = arith.index_cast %add3A_210 : i32 to index
        %get3A_212 = tpu.vector_load %arg9[%get3A_211] {strides = array<i32>} : memref<4000xi32, #tpu.memory_space<vmem>>, vector<16xi32>,
        %gather3A_213 = tpu.vector_load_idx %arg7[%get3A_212] : memref<102400xf32, #tpu.memory_space<vmem>>[vector<16xi32>], vector<16xf32>,
        %swap3A_214 = arith.index_cast %add3A_210 : i32 to index
        %swap3A_215 = tpu.vector_load %arg11[%swap3A_214] {strides = array<i32>} : memref<4000xf32, #tpu.memory_space<vmem>>, vector<16xf32>,
        tpu.vector_store %arg11[%swap3A_214], %gather3A_213 {strides = array<i32>} : memref<4000xf32, #tpu.memory_space<vmem>>, vector<16xf32>,
        %add3A_216 = arith.constant 48 : i32
        %add3A_217 = arith.addi %mul3A_197, %add3A_216 : i32
        %get3A_218 = arith.index_cast %add3A_217 : i32 to index
        %get3A_219 = tpu.vector_load %arg9[%get3A_218] {strides = array<i32>} : memref<4000xi32, #tpu.memory_space<vmem>>, vector<16xi32>,
        %gather3A_220 = tpu.vector_load_idx %arg7[%get3A_219] : memref<102400xf32, #tpu.memory_space<vmem>>[vector<16xi32>], vector<16xf32>,
        %swap3A_221 = arith.index_cast %add3A_217 : i32 to index
        %swap3A_222 = tpu.vector_load %arg11[%swap3A_221] {strides = array<i32>} : memref<4000xf32, #tpu.memory_space<vmem>>, vector<16xf32>,
        tpu.vector_store %arg11[%swap3A_221], %gather3A_220 {strides = array<i32>} : memref<4000xf32, #tpu.memory_space<vmem>>, vector<16xf32>,
        %add3A_223 = arith.constant 64 : i32
        %add3A_224 = arith.addi %mul3A_197, %add3A_223 : i32
        %get3A_225 = arith.index_cast %add3A_224 : i32 to index
        %get3A_226 = tpu.vector_load %arg9[%get3A_225] {strides = array<i32>} : memref<4000xi32, #tpu.memory_space<vmem>>, vector<16xi32>,
        %gather3A_227 = tpu.vector_load_idx %arg7[%get3A_226] : memref<102400xf32, #tpu.memory_space<vmem>>[vector<16xi32>], vector<16xf32>,
        %swap3A_228 = arith.index_cast %add3A_224 : i32 to index
        %swap3A_229 = tpu.vector_load %arg11[%swap3A_228] {strides = array<i32>} : memref<4000xf32, #tpu.memory_space<vmem>>, vector<16xf32>,
        tpu.vector_store %arg11[%swap3A_228], %gather3A_227 {strides = array<i32>} : memref<4000xf32, #tpu.memory_space<vmem>>, vector<16xf32>,
      }
      %scan3A_181 = arith.constant 50 : i32
      %add3A_182 = arith.constant 4000 : i32
      %add3A_183 = arith.addi %add3A_136, %add3A_182 : i32
      %dma_start3A_184 = tpu.memref_slice %arg5[%add3A_183] : memref<6400000xf32, #tpu.memory_space<hbm>> -> memref<4000xf32, #tpu.memory_space<hbm>>
      %dma_start3A_185 = tpu.memref_slice %arg5[%add3A_183] : memref<6400000xf32, #tpu.memory_space<hbm>> -> memref<4000xf32, #tpu.memory_space<hbm>>
      tpu.enqueue_dma source(%arg11 : memref<4000xf32, #tpu.memory_space<vmem>>) target(%dma_start3A_185 : memref<4000xf32, #tpu.memory_space<hbm>>) target_semaphore(%arg17 : memref<!tpu.dma_semaphore, #tpu.memory_space<semaphore_mem>>)
      %add3A_186 = arith.constant 3 : i32
      %add3A_187 = arith.addi %mul3A_133, %add3A_186 : i32
      %min3A_188 = arith.constant 49 : i32
      %min3A_189 = arith.minsi %add3A_187, %min3A_188 : i32
      %mul3A_190 = arith.constant 4000 : i32
      %mul3A_191 = arith.muli %min3A_189, %mul3A_190 : i32
      %add3A_192 = arith.addi %mul3A_2, %mul3A_191 : i32
      %dma_start3A_193 = tpu.memref_slice %arg2[%add3A_192] : memref<12800000xi32, #tpu.memory_space<hbm>> -> memref<4000xi32, #tpu.memory_space<hbm>>
      %dma_start3A_194 = tpu.memref_slice %arg2[%add3A_192] : memref<12800000xi32, #tpu.memory_space<hbm>> -> memref<4000xi32, #tpu.memory_space<hbm>>
      tpu.enqueue_dma source(%dma_start3A_194 : memref<4000xi32, #tpu.memory_space<hbm>>) target(%arg9 : memref<4000xi32, #tpu.memory_space<vmem>>) target_semaphore(%arg15 : memref<!tpu.dma_semaphore, #tpu.memory_space<semaphore_mem>>)
    }
    %scan3A_35 = arith.constant 25 : i32
    %min3A_36 = arith.constant 49 : i32
    %min3A_37 = arith.constant 49 : i32
    %min3A_38 = arith.minsi %min3A_36, %min3A_37 : i32
    %mul3A_39 = arith.constant 4000 : i32
    %mul3A_40 = arith.muli %min3A_38, %mul3A_39 : i32
    %add3A_41 = arith.addi %mul3A_2, %mul3A_40 : i32
    %dma_wait3A = tpu.memref_slice %arg2[%add3A_41] : memref<12800000xi32, #tpu.memory_space<hbm>> -> memref<4000xi32, #tpu.memory_space<hbm>>
    %dma_wait3A_42 = tpu.memref_slice %arg2[%add3A_41] : memref<12800000xi32, #tpu.memory_space<hbm>> -> memref<4000xi32, #tpu.memory_space<hbm>>
    tpu.wait_dma2 semaphore(%arg14 : memref<!tpu.dma_semaphore, #tpu.memory_space<semaphore_mem>>) src(%dma_wait3A_42 : memref<4000xi32, #tpu.memory_space<hbm>>) dst(%arg8 : memref<4000xi32, #tpu.memory_space<vmem>>)
    %min3A_43 = arith.constant 49 : i32
    %min3A_44 = arith.constant 49 : i32
    %min3A_45 = arith.minsi %min3A_43, %min3A_44 : i32
    %mul3A_46 = arith.constant 4000 : i32
    %mul3A_47 = arith.muli %min3A_45, %mul3A_46 : i32
    %add3A_48 = arith.addi %mul3A_2, %mul3A_47 : i32
    %dma_wait3A_49 = tpu.memref_slice %arg2[%add3A_48] : memref<12800000xi32, #tpu.memory_space<hbm>> -> memref<4000xi32, #tpu.memory_space<hbm>>
    %dma_wait3A_50 = tpu.memref_slice %arg2[%add3A_48] : memref<12800000xi32, #tpu.memory_space<hbm>> -> memref<4000xi32, #tpu.memory_space<hbm>>
    tpu.wait_dma2 semaphore(%arg15 : memref<!tpu.dma_semaphore, #tpu.memory_space<semaphore_mem>>) src(%dma_wait3A_50 : memref<4000xi32, #tpu.memory_space<hbm>>) dst(%arg9 : memref<4000xi32, #tpu.memory_space<vmem>>)
    %dma_wait3A_51 = tpu.memref_slice %arg5[%mul3A_2] : memref<6400000xf32, #tpu.memory_space<hbm>> -> memref<4000xf32, #tpu.memory_space<hbm>>
    %dma_wait3A_52 = tpu.memref_slice %arg5[%mul3A_2] : memref<6400000xf32, #tpu.memory_space<hbm>> -> memref<4000xf32, #tpu.memory_space<hbm>>
    tpu.wait_dma2 semaphore(%arg16 : memref<!tpu.dma_semaphore, #tpu.memory_space<semaphore_mem>>) src(%arg10 : memref<4000xf32, #tpu.memory_space<vmem>>) dst(%dma_wait3A_52 : memref<4000xf32, #tpu.memory_space<hbm>>)
    %dma_wait3A_53 = tpu.memref_slice %arg5[%mul3A_2] : memref<6400000xf32, #tpu.memory_space<hbm>> -> memref<4000xf32, #tpu.memory_space<hbm>>
    %dma_wait3A_54 = tpu.memref_slice %arg5[%mul3A_2] : memref<6400000xf32, #tpu.memory_space<hbm>> -> memref<4000xf32, #tpu.memory_space<hbm>>
    tpu.wait_dma2 semaphore(%arg17 : memref<!tpu.dma_semaphore, #tpu.memory_space<semaphore_mem>>) src(%arg11 : memref<4000xf32, #tpu.memory_space<vmem>>) dst(%dma_wait3A_54 : memref<4000xf32, #tpu.memory_space<hbm>>)
    "tpu.region"() ({
      %run_scoped3A = tpu.sem_alloc : memref<!tpu.dma_semaphore, #tpu.memory_space<semaphore_mem>>
      %dma_start3A_131 = arith.constant 102400 : i32
      %dma_start3A_132 = tpu.memref_slice %arg3[%dma_start3A_131] : memref<204800xf32, #tpu.memory_space<hbm>> -> memref<102400xf32, #tpu.memory_space<hbm>>
      %dma_start3A_133 = arith.constant 102400 : i32
      %dma_start3A_134 = tpu.memref_slice %arg3[%dma_start3A_133] : memref<204800xf32, #tpu.memory_space<hbm>> -> memref<102400xf32, #tpu.memory_space<hbm>>
      tpu.enqueue_dma source(%dma_start3A_134 : memref<102400xf32, #tpu.memory_space<hbm>>) target(%arg7 : memref<102400xf32, #tpu.memory_space<vmem>>) target_semaphore(%run_scoped3A : memref<!tpu.dma_semaphore, #tpu.memory_space<semaphore_mem>>)
      %dma_wait3A_135 = arith.constant 102400 : i32
      %dma_wait3A_136 = tpu.memref_slice %arg3[%dma_wait3A_135] : memref<204800xf32, #tpu.memory_space<hbm>> -> memref<102400xf32, #tpu.memory_space<hbm>>
      %dma_wait3A_137 = arith.constant 102400 : i32
      %dma_wait3A_138 = tpu.memref_slice %arg3[%dma_wait3A_137] : memref<204800xf32, #tpu.memory_space<hbm>> -> memref<102400xf32, #tpu.memory_space<hbm>>
      tpu.wait_dma2 semaphore(%run_scoped3A : memref<!tpu.dma_semaphore, #tpu.memory_space<semaphore_mem>>) src(%dma_wait3A_138 : memref<102400xf32, #tpu.memory_space<hbm>>) dst(%arg7 : memref<102400xf32, #tpu.memory_space<vmem>>)
      tpu.yield
    }) : () -> ()
    %min3A_55 = arith.constant 0 : i32
    %min3A_56 = arith.constant 49 : i32
    %min3A_57 = arith.minsi %min3A_55, %min3A_56 : i32
    %mul3A_58 = arith.constant 4000 : i32
    %mul3A_59 = arith.muli %min3A_57, %mul3A_58 : i32
    %add3A_60 = arith.constant 6400000 : i32
    %add3A_61 = arith.addi %add3A_60, %mul3A_2 : i32
    %add3A_62 = arith.addi %add3A_61, %mul3A_59 : i32
    %dma_start3A_63 = tpu.memref_slice %arg2[%add3A_62] : memref<12800000xi32, #tpu.memory_space<hbm>> -> memref<4000xi32, #tpu.memory_space<hbm>>
    %dma_start3A_64 = tpu.memref_slice %arg2[%add3A_62] : memref<12800000xi32, #tpu.memory_space<hbm>> -> memref<4000xi32, #tpu.memory_space<hbm>>
    tpu.enqueue_dma source(%dma_start3A_64 : memref<4000xi32, #tpu.memory_space<hbm>>) target(%arg8 : memref<4000xi32, #tpu.memory_space<vmem>>) target_semaphore(%arg14 : memref<!tpu.dma_semaphore, #tpu.memory_space<semaphore_mem>>)
    %add3A_65 = arith.addi %mul3A_2, %mul3A_59 : i32
    %dma_start3A_66 = tpu.memref_slice %arg5[%add3A_65] : memref<6400000xf32, #tpu.memory_space<hbm>> -> memref<4000xf32, #tpu.memory_space<hbm>>
    %dma_start3A_67 = tpu.memref_slice %arg5[%add3A_65] : memref<6400000xf32, #tpu.memory_space<hbm>> -> memref<4000xf32, #tpu.memory_space<hbm>>
    tpu.enqueue_dma source(%dma_start3A_67 : memref<4000xf32, #tpu.memory_space<hbm>>) target(%arg12 : memref<4000xf32, #tpu.memory_space<vmem>>) target_semaphore(%arg14 : memref<!tpu.dma_semaphore, #tpu.memory_space<semaphore_mem>>)
    %min3A_68 = arith.constant 1 : i32
    %min3A_69 = arith.constant 49 : i32
    %min3A_70 = arith.minsi %min3A_68, %min3A_69 : i32
    %mul3A_71 = arith.constant 4000 : i32
    %mul3A_72 = arith.muli %min3A_70, %mul3A_71 : i32
    %add3A_73 = arith.constant 6400000 : i32
    %add3A_74 = arith.addi %add3A_73, %mul3A_2 : i32
    %add3A_75 = arith.addi %add3A_74, %mul3A_72 : i32
    %dma_start3A_76 = tpu.memref_slice %arg2[%add3A_75] : memref<12800000xi32, #tpu.memory_space<hbm>> -> memref<4000xi32, #tpu.memory_space<hbm>>
    %dma_start3A_77 = tpu.memref_slice %arg2[%add3A_75] : memref<12800000xi32, #tpu.memory_space<hbm>> -> memref<4000xi32, #tpu.memory_space<hbm>>
    tpu.enqueue_dma source(%dma_start3A_77 : memref<4000xi32, #tpu.memory_space<hbm>>) target(%arg9 : memref<4000xi32, #tpu.memory_space<vmem>>) target_semaphore(%arg15 : memref<!tpu.dma_semaphore, #tpu.memory_space<semaphore_mem>>)
    %add3A_78 = arith.addi %mul3A_2, %mul3A_72 : i32
    %dma_start3A_79 = tpu.memref_slice %arg5[%add3A_78] : memref<6400000xf32, #tpu.memory_space<hbm>> -> memref<4000xf32, #tpu.memory_space<hbm>>
    %dma_start3A_80 = tpu.memref_slice %arg5[%add3A_78] : memref<6400000xf32, #tpu.memory_space<hbm>> -> memref<4000xf32, #tpu.memory_space<hbm>>
    tpu.enqueue_dma source(%dma_start3A_80 : memref<4000xf32, #tpu.memory_space<hbm>>) target(%arg13 : memref<4000xf32, #tpu.memory_space<vmem>>) target_semaphore(%arg15 : memref<!tpu.dma_semaphore, #tpu.memory_space<semaphore_mem>>)
    %mul3A_81 = arith.constant 2 : i32
    %mul3A_82 = arith.muli %add3A, %mul3A_81 : i32
    %mul3A_83 = arith.constant 4000 : i32
    %mul3A_84 = arith.muli %mul3A_82, %mul3A_83 : i32
    %dma_start3A_85 = tpu.memref_slice %arg6[%mul3A_84] : memref<256000xf32, #tpu.memory_space<hbm>> -> memref<4000xf32, #tpu.memory_space<hbm>>
    %dma_start3A_86 = tpu.memref_slice %arg6[%mul3A_84] : memref<256000xf32, #tpu.memory_space<hbm>> -> memref<4000xf32, #tpu.memory_space<hbm>>
    tpu.enqueue_dma source(%arg10 : memref<4000xf32, #tpu.memory_space<vmem>>) target(%dma_start3A_86 : memref<4000xf32, #tpu.memory_space<hbm>>) target_semaphore(%arg16 : memref<!tpu.dma_semaphore, #tpu.memory_space<semaphore_mem>>)
    %mul3A_87 = arith.constant 2 : i32
    %mul3A_88 = arith.muli %add3A, %mul3A_87 : i32
    %mul3A_89 = arith.constant 4000 : i32
    %mul3A_90 = arith.muli %mul3A_88, %mul3A_89 : i32
    %add3A_91 = arith.constant 4000 : i32
    %add3A_92 = arith.addi %mul3A_90, %add3A_91 : i32
    %dma_start3A_93 = tpu.memref_slice %arg6[%add3A_92] : memref<256000xf32, #tpu.memory_space<hbm>> -> memref<4000xf32, #tpu.memory_space<hbm>>
    %dma_start3A_94 = tpu.memref_slice %arg6[%add3A_92] : memref<256000xf32, #tpu.memory_space<hbm>> -> memref<4000xf32, #tpu.memory_space<hbm>>
    tpu.enqueue_dma source(%arg11 : memref<4000xf32, #tpu.memory_space<vmem>>) target(%dma_start3A_94 : memref<4000xf32, #tpu.memory_space<hbm>>) target_semaphore(%arg17 : memref<!tpu.dma_semaphore, #tpu.memory_space<semaphore_mem>>)
    %scan3A_95 = arith.constant 0 : i32
    %scan3A_96 = arith.constant 0 : i32
    %scan3A_97 = arith.constant 25 : i32
    %scan3A_98 = arith.addi %scan3A_96, %scan3A_97 : i32
    %scan3A_99 = arith.constant 1 : i32
    scf.for %scan3A_131 = %scan3A_96 to %scan3A_98 step %scan3A_99  : i32 {
      %mul3A_132 = arith.constant 2 : i32
      %mul3A_133 = arith.muli %mul3A_132, %scan3A_131 : i32
      %mul3A_134 = arith.constant 4000 : i32
      %mul3A_135 = arith.muli %mul3A_133, %mul3A_134 : i32
      %add3A_136 = arith.addi %mul3A_2, %mul3A_135 : i32
      %min3A_137 = arith.constant 49 : i32
      %min3A_138 = arith.minsi %mul3A_133, %min3A_137 : i32
      %mul3A_139 = arith.constant 4000 : i32
      %mul3A_140 = arith.muli %min3A_138, %mul3A_139 : i32
      %add3A_141 = arith.constant 6400000 : i32
      %add3A_142 = arith.addi %add3A_141, %mul3A_2 : i32
      %add3A_143 = arith.addi %add3A_142, %mul3A_140 : i32
      %dma_wait3A_144 = tpu.memref_slice %arg2[%add3A_143] : memref<12800000xi32, #tpu.memory_space<hbm>> -> memref<4000xi32, #tpu.memory_space<hbm>>
      %dma_wait3A_145 = tpu.memref_slice %arg2[%add3A_143] : memref<12800000xi32, #tpu.memory_space<hbm>> -> memref<4000xi32, #tpu.memory_space<hbm>>
      tpu.wait_dma2 semaphore(%arg14 : memref<!tpu.dma_semaphore, #tpu.memory_space<semaphore_mem>>) src(%dma_wait3A_145 : memref<4000xi32, #tpu.memory_space<hbm>>) dst(%arg8 : memref<4000xi32, #tpu.memory_space<vmem>>)
      %add3A_146 = arith.addi %mul3A_2, %mul3A_140 : i32
      %dma_wait3A_147 = tpu.memref_slice %arg5[%add3A_146] : memref<6400000xf32, #tpu.memory_space<hbm>> -> memref<4000xf32, #tpu.memory_space<hbm>>
      %dma_wait3A_148 = tpu.memref_slice %arg5[%add3A_146] : memref<6400000xf32, #tpu.memory_space<hbm>> -> memref<4000xf32, #tpu.memory_space<hbm>>
      tpu.wait_dma2 semaphore(%arg14 : memref<!tpu.dma_semaphore, #tpu.memory_space<semaphore_mem>>) src(%dma_wait3A_148 : memref<4000xf32, #tpu.memory_space<hbm>>) dst(%arg12 : memref<4000xf32, #tpu.memory_space<vmem>>)
      %dma_wait3A_149 = tpu.memref_slice %arg4[%add3A_136] : memref<6400000xf32, #tpu.memory_space<hbm>> -> memref<4000xf32, #tpu.memory_space<hbm>>
      %dma_wait3A_150 = tpu.memref_slice %arg4[%add3A_136] : memref<6400000xf32, #tpu.memory_space<hbm>> -> memref<4000xf32, #tpu.memory_space<hbm>>
      tpu.wait_dma2 semaphore(%arg16 : memref<!tpu.dma_semaphore, #tpu.memory_space<semaphore_mem>>) src(%arg10 : memref<4000xf32, #tpu.memory_space<vmem>>) dst(%dma_wait3A_150 : memref<4000xf32, #tpu.memory_space<hbm>>)
      %scan3A_151 = arith.constant 0 : i32
      %scan3A_152 = arith.constant 0 : i32
      %scan3A_153 = arith.constant 50 : i32
      %scan3A_154 = arith.addi %scan3A_152, %scan3A_153 : i32
      %scan3A_155 = arith.constant 1 : i32
      scf.for %scan3A_215 = %scan3A_152 to %scan3A_154 step %scan3A_155  : i32 {
        %mul3A_216 = arith.constant 80 : i32
        %mul3A_217 = arith.muli %scan3A_215, %mul3A_216 : i32
        %add3A_218 = arith.constant 0 : i32
        %add3A_219 = arith.addi %mul3A_217, %add3A_218 : i32
        %get3A = arith.index_cast %add3A_219 : i32 to index
        %get3A_220 = tpu.vector_load %arg8[%get3A] {strides = array<i32>} : memref<4000xi32, #tpu.memory_space<vmem>>, vector<16xi32>,
        %gather3A = tpu.vector_load_idx %arg7[%get3A_220] : memref<102400xf32, #tpu.memory_space<vmem>>[vector<16xi32>], vector<16xf32>,
        %get3A_221 = arith.index_cast %add3A_219 : i32 to index
        %get3A_222 = tpu.vector_load %arg12[%get3A_221] {strides = array<i32>} : memref<4000xf32, #tpu.memory_space<vmem>>, vector<16xf32>,
        %mul3A_223 = arith.mulf %gather3A, %get3A_222 : vector<16xf32>
        %swap3A = arith.index_cast %add3A_219 : i32 to index
        %swap3A_224 = tpu.vector_load %arg10[%swap3A] {strides = array<i32>} : memref<4000xf32, #tpu.memory_space<vmem>>, vector<16xf32>,
        tpu.vector_store %arg10[%swap3A], %mul3A_223 {strides = array<i32>} : memref<4000xf32, #tpu.memory_space<vmem>>, vector<16xf32>,
        %add3A_225 = arith.constant 16 : i32
        %add3A_226 = arith.addi %mul3A_217, %add3A_225 : i32
        %get3A_227 = arith.index_cast %add3A_226 : i32 to index
        %get3A_228 = tpu.vector_load %arg8[%get3A_227] {strides = array<i32>} : memref<4000xi32, #tpu.memory_space<vmem>>, vector<16xi32>,
        %gather3A_229 = tpu.vector_load_idx %arg7[%get3A_228] : memref<102400xf32, #tpu.memory_space<vmem>>[vector<16xi32>], vector<16xf32>,
        %get3A_230 = arith.index_cast %add3A_226 : i32 to index
        %get3A_231 = tpu.vector_load %arg12[%get3A_230] {strides = array<i32>} : memref<4000xf32, #tpu.memory_space<vmem>>, vector<16xf32>,
        %mul3A_232 = arith.mulf %gather3A_229, %get3A_231 : vector<16xf32>
        %swap3A_233 = arith.index_cast %add3A_226 : i32 to index
        %swap3A_234 = tpu.vector_load %arg10[%swap3A_233] {strides = array<i32>} : memref<4000xf32, #tpu.memory_space<vmem>>, vector<16xf32>,
        tpu.vector_store %arg10[%swap3A_233], %mul3A_232 {strides = array<i32>} : memref<4000xf32, #tpu.memory_space<vmem>>, vector<16xf32>,
        %add3A_235 = arith.constant 32 : i32
        %add3A_236 = arith.addi %mul3A_217, %add3A_235 : i32
        %get3A_237 = arith.index_cast %add3A_236 : i32 to index
        %get3A_238 = tpu.vector_load %arg8[%get3A_237] {strides = array<i32>} : memref<4000xi32, #tpu.memory_space<vmem>>, vector<16xi32>,
        %gather3A_239 = tpu.vector_load_idx %arg7[%get3A_238] : memref<102400xf32, #tpu.memory_space<vmem>>[vector<16xi32>], vector<16xf32>,
        %get3A_240 = arith.index_cast %add3A_236 : i32 to index
        %get3A_241 = tpu.vector_load %arg12[%get3A_240] {strides = array<i32>} : memref<4000xf32, #tpu.memory_space<vmem>>, vector<16xf32>,
        %mul3A_242 = arith.mulf %gather3A_239, %get3A_241 : vector<16xf32>
        %swap3A_243 = arith.index_cast %add3A_236 : i32 to index
        %swap3A_244 = tpu.vector_load %arg10[%swap3A_243] {strides = array<i32>} : memref<4000xf32, #tpu.memory_space<vmem>>, vector<16xf32>,
        tpu.vector_store %arg10[%swap3A_243], %mul3A_242 {strides = array<i32>} : memref<4000xf32, #tpu.memory_space<vmem>>, vector<16xf32>,
        %add3A_245 = arith.constant 48 : i32
        %add3A_246 = arith.addi %mul3A_217, %add3A_245 : i32
        %get3A_247 = arith.index_cast %add3A_246 : i32 to index
        %get3A_248 = tpu.vector_load %arg8[%get3A_247] {strides = array<i32>} : memref<4000xi32, #tpu.memory_space<vmem>>, vector<16xi32>,
        %gather3A_249 = tpu.vector_load_idx %arg7[%get3A_248] : memref<102400xf32, #tpu.memory_space<vmem>>[vector<16xi32>], vector<16xf32>,
        %get3A_250 = arith.index_cast %add3A_246 : i32 to index
        %get3A_251 = tpu.vector_load %arg12[%get3A_250] {strides = array<i32>} : memref<4000xf32, #tpu.memory_space<vmem>>, vector<16xf32>,
        %mul3A_252 = arith.mulf %gather3A_249, %get3A_251 : vector<16xf32>
        %swap3A_253 = arith.index_cast %add3A_246 : i32 to index
        %swap3A_254 = tpu.vector_load %arg10[%swap3A_253] {strides = array<i32>} : memref<4000xf32, #tpu.memory_space<vmem>>, vector<16xf32>,
        tpu.vector_store %arg10[%swap3A_253], %mul3A_252 {strides = array<i32>} : memref<4000xf32, #tpu.memory_space<vmem>>, vector<16xf32>,
        %add3A_255 = arith.constant 64 : i32
        %add3A_256 = arith.addi %mul3A_217, %add3A_255 : i32
        %get3A_257 = arith.index_cast %add3A_256 : i32 to index
        %get3A_258 = tpu.vector_load %arg8[%get3A_257] {strides = array<i32>} : memref<4000xi32, #tpu.memory_space<vmem>>, vector<16xi32>,
        %gather3A_259 = tpu.vector_load_idx %arg7[%get3A_258] : memref<102400xf32, #tpu.memory_space<vmem>>[vector<16xi32>], vector<16xf32>,
        %get3A_260 = arith.index_cast %add3A_256 : i32 to index
        %get3A_261 = tpu.vector_load %arg12[%get3A_260] {strides = array<i32>} : memref<4000xf32, #tpu.memory_space<vmem>>, vector<16xf32>,
        %mul3A_262 = arith.mulf %gather3A_259, %get3A_261 : vector<16xf32>
        %swap3A_263 = arith.index_cast %add3A_256 : i32 to index
        %swap3A_264 = tpu.vector_load %arg10[%swap3A_263] {strides = array<i32>} : memref<4000xf32, #tpu.memory_space<vmem>>, vector<16xf32>,
        tpu.vector_store %arg10[%swap3A_263], %mul3A_262 {strides = array<i32>} : memref<4000xf32, #tpu.memory_space<vmem>>, vector<16xf32>,
      }
      %scan3A_156 = arith.constant 50 : i32
      %dma_start3A_157 = tpu.memref_slice %arg4[%add3A_136] : memref<6400000xf32, #tpu.memory_space<hbm>> -> memref<4000xf32, #tpu.memory_space<hbm>>
      %dma_start3A_158 = tpu.memref_slice %arg4[%add3A_136] : memref<6400000xf32, #tpu.memory_space<hbm>> -> memref<4000xf32, #tpu.memory_space<hbm>>
      tpu.enqueue_dma source(%arg10 : memref<4000xf32, #tpu.memory_space<vmem>>) target(%dma_start3A_158 : memref<4000xf32, #tpu.memory_space<hbm>>) target_semaphore(%arg16 : memref<!tpu.dma_semaphore, #tpu.memory_space<semaphore_mem>>)
      %add3A_159 = arith.constant 2 : i32
      %add3A_160 = arith.addi %mul3A_133, %add3A_159 : i32
      %min3A_161 = arith.constant 49 : i32
      %min3A_162 = arith.minsi %add3A_160, %min3A_161 : i32
      %mul3A_163 = arith.constant 4000 : i32
      %mul3A_164 = arith.muli %min3A_162, %mul3A_163 : i32
      %add3A_165 = arith.constant 6400000 : i32
      %add3A_166 = arith.addi %add3A_165, %mul3A_2 : i32
      %add3A_167 = arith.addi %add3A_166, %mul3A_164 : i32
      %dma_start3A_168 = tpu.memref_slice %arg2[%add3A_167] : memref<12800000xi32, #tpu.memory_space<hbm>> -> memref<4000xi32, #tpu.memory_space<hbm>>
      %dma_start3A_169 = tpu.memref_slice %arg2[%add3A_167] : memref<12800000xi32, #tpu.memory_space<hbm>> -> memref<4000xi32, #tpu.memory_space<hbm>>
      tpu.enqueue_dma source(%dma_start3A_169 : memref<4000xi32, #tpu.memory_space<hbm>>) target(%arg8 : memref<4000xi32, #tpu.memory_space<vmem>>) target_semaphore(%arg14 : memref<!tpu.dma_semaphore, #tpu.memory_space<semaphore_mem>>)
      %add3A_170 = arith.addi %mul3A_2, %mul3A_164 : i32
      %dma_start3A_171 = tpu.memref_slice %arg5[%add3A_170] : memref<6400000xf32, #tpu.memory_space<hbm>> -> memref<4000xf32, #tpu.memory_space<hbm>>
      %dma_start3A_172 = tpu.memref_slice %arg5[%add3A_170] : memref<6400000xf32, #tpu.memory_space<hbm>> -> memref<4000xf32, #tpu.memory_space<hbm>>
      tpu.enqueue_dma source(%dma_start3A_172 : memref<4000xf32, #tpu.memory_space<hbm>>) target(%arg12 : memref<4000xf32, #tpu.memory_space<vmem>>) target_semaphore(%arg14 : memref<!tpu.dma_semaphore, #tpu.memory_space<semaphore_mem>>)
      %add3A_173 = arith.constant 1 : i32
      %add3A_174 = arith.addi %mul3A_133, %add3A_173 : i32
      %min3A_175 = arith.constant 49 : i32
      %min3A_176 = arith.minsi %add3A_174, %min3A_175 : i32
      %mul3A_177 = arith.constant 4000 : i32
      %mul3A_178 = arith.muli %min3A_176, %mul3A_177 : i32
      %add3A_179 = arith.constant 6400000 : i32
      %add3A_180 = arith.addi %add3A_179, %mul3A_2 : i32
      %add3A_181 = arith.addi %add3A_180, %mul3A_178 : i32
      %dma_wait3A_182 = tpu.memref_slice %arg2[%add3A_181] : memref<12800000xi32, #tpu.memory_space<hbm>> -> memref<4000xi32, #tpu.memory_space<hbm>>
      %dma_wait3A_183 = tpu.memref_slice %arg2[%add3A_181] : memref<12800000xi32, #tpu.memory_space<hbm>> -> memref<4000xi32, #tpu.memory_space<hbm>>
      tpu.wait_dma2 semaphore(%arg15 : memref<!tpu.dma_semaphore, #tpu.memory_space<semaphore_mem>>) src(%dma_wait3A_183 : memref<4000xi32, #tpu.memory_space<hbm>>) dst(%arg9 : memref<4000xi32, #tpu.memory_space<vmem>>)
      %add3A_184 = arith.addi %mul3A_2, %mul3A_178 : i32
      %dma_wait3A_185 = tpu.memref_slice %arg5[%add3A_184] : memref<6400000xf32, #tpu.memory_space<hbm>> -> memref<4000xf32, #tpu.memory_space<hbm>>
      %dma_wait3A_186 = tpu.memref_slice %arg5[%add3A_184] : memref<6400000xf32, #tpu.memory_space<hbm>> -> memref<4000xf32, #tpu.memory_space<hbm>>
      tpu.wait_dma2 semaphore(%arg15 : memref<!tpu.dma_semaphore, #tpu.memory_space<semaphore_mem>>) src(%dma_wait3A_186 : memref<4000xf32, #tpu.memory_space<hbm>>) dst(%arg13 : memref<4000xf32, #tpu.memory_space<vmem>>)
      %add3A_187 = arith.constant 4000 : i32
      %add3A_188 = arith.addi %add3A_136, %add3A_187 : i32
      %dma_wait3A_189 = tpu.memref_slice %arg4[%add3A_188] : memref<6400000xf32, #tpu.memory_space<hbm>> -> memref<4000xf32, #tpu.memory_space<hbm>>
      %dma_wait3A_190 = tpu.memref_slice %arg4[%add3A_188] : memref<6400000xf32, #tpu.memory_space<hbm>> -> memref<4000xf32, #tpu.memory_space<hbm>>
      tpu.wait_dma2 semaphore(%arg17 : memref<!tpu.dma_semaphore, #tpu.memory_space<semaphore_mem>>) src(%arg11 : memref<4000xf32, #tpu.memory_space<vmem>>) dst(%dma_wait3A_190 : memref<4000xf32, #tpu.memory_space<hbm>>)
      %scan3A_191 = arith.constant 0 : i32
      %scan3A_192 = arith.constant 0 : i32
      %scan3A_193 = arith.constant 50 : i32
      %scan3A_194 = arith.addi %scan3A_192, %scan3A_193 : i32
      %scan3A_195 = arith.constant 1 : i32
      scf.for %scan3A_215 = %scan3A_192 to %scan3A_194 step %scan3A_195  : i32 {
        %mul3A_216 = arith.constant 80 : i32
        %mul3A_217 = arith.muli %scan3A_215, %mul3A_216 : i32
        %add3A_218 = arith.constant 0 : i32
        %add3A_219 = arith.addi %mul3A_217, %add3A_218 : i32
        %get3A = arith.index_cast %add3A_219 : i32 to index
        %get3A_220 = tpu.vector_load %arg9[%get3A] {strides = array<i32>} : memref<4000xi32, #tpu.memory_space<vmem>>, vector<16xi32>,
        %gather3A = tpu.vector_load_idx %arg7[%get3A_220] : memref<102400xf32, #tpu.memory_space<vmem>>[vector<16xi32>], vector<16xf32>,
        %get3A_221 = arith.index_cast %add3A_219 : i32 to index
        %get3A_222 = tpu.vector_load %arg13[%get3A_221] {strides = array<i32>} : memref<4000xf32, #tpu.memory_space<vmem>>, vector<16xf32>,
        %mul3A_223 = arith.mulf %gather3A, %get3A_222 : vector<16xf32>
        %swap3A = arith.index_cast %add3A_219 : i32 to index
        %swap3A_224 = tpu.vector_load %arg11[%swap3A] {strides = array<i32>} : memref<4000xf32, #tpu.memory_space<vmem>>, vector<16xf32>,
        tpu.vector_store %arg11[%swap3A], %mul3A_223 {strides = array<i32>} : memref<4000xf32, #tpu.memory_space<vmem>>, vector<16xf32>,
        %add3A_225 = arith.constant 16 : i32
        %add3A_226 = arith.addi %mul3A_217, %add3A_225 : i32
        %get3A_227 = arith.index_cast %add3A_226 : i32 to index
        %get3A_228 = tpu.vector_load %arg9[%get3A_227] {strides = array<i32>} : memref<4000xi32, #tpu.memory_space<vmem>>, vector<16xi32>,
        %gather3A_229 = tpu.vector_load_idx %arg7[%get3A_228] : memref<102400xf32, #tpu.memory_space<vmem>>[vector<16xi32>], vector<16xf32>,
        %get3A_230 = arith.index_cast %add3A_226 : i32 to index
        %get3A_231 = tpu.vector_load %arg13[%get3A_230] {strides = array<i32>} : memref<4000xf32, #tpu.memory_space<vmem>>, vector<16xf32>,
        %mul3A_232 = arith.mulf %gather3A_229, %get3A_231 : vector<16xf32>
        %swap3A_233 = arith.index_cast %add3A_226 : i32 to index
        %swap3A_234 = tpu.vector_load %arg11[%swap3A_233] {strides = array<i32>} : memref<4000xf32, #tpu.memory_space<vmem>>, vector<16xf32>,
        tpu.vector_store %arg11[%swap3A_233], %mul3A_232 {strides = array<i32>} : memref<4000xf32, #tpu.memory_space<vmem>>, vector<16xf32>,
        %add3A_235 = arith.constant 32 : i32
        %add3A_236 = arith.addi %mul3A_217, %add3A_235 : i32
        %get3A_237 = arith.index_cast %add3A_236 : i32 to index
        %get3A_238 = tpu.vector_load %arg9[%get3A_237] {strides = array<i32>} : memref<4000xi32, #tpu.memory_space<vmem>>, vector<16xi32>,
        %gather3A_239 = tpu.vector_load_idx %arg7[%get3A_238] : memref<102400xf32, #tpu.memory_space<vmem>>[vector<16xi32>], vector<16xf32>,
        %get3A_240 = arith.index_cast %add3A_236 : i32 to index
        %get3A_241 = tpu.vector_load %arg13[%get3A_240] {strides = array<i32>} : memref<4000xf32, #tpu.memory_space<vmem>>, vector<16xf32>,
        %mul3A_242 = arith.mulf %gather3A_239, %get3A_241 : vector<16xf32>
        %swap3A_243 = arith.index_cast %add3A_236 : i32 to index
        %swap3A_244 = tpu.vector_load %arg11[%swap3A_243] {strides = array<i32>} : memref<4000xf32, #tpu.memory_space<vmem>>, vector<16xf32>,
        tpu.vector_store %arg11[%swap3A_243], %mul3A_242 {strides = array<i32>} : memref<4000xf32, #tpu.memory_space<vmem>>, vector<16xf32>,
        %add3A_245 = arith.constant 48 : i32
        %add3A_246 = arith.addi %mul3A_217, %add3A_245 : i32
        %get3A_247 = arith.index_cast %add3A_246 : i32 to index
        %get3A_248 = tpu.vector_load %arg9[%get3A_247] {strides = array<i32>} : memref<4000xi32, #tpu.memory_space<vmem>>, vector<16xi32>,
        %gather3A_249 = tpu.vector_load_idx %arg7[%get3A_248] : memref<102400xf32, #tpu.memory_space<vmem>>[vector<16xi32>], vector<16xf32>,
        %get3A_250 = arith.index_cast %add3A_246 : i32 to index
        %get3A_251 = tpu.vector_load %arg13[%get3A_250] {strides = array<i32>} : memref<4000xf32, #tpu.memory_space<vmem>>, vector<16xf32>,
        %mul3A_252 = arith.mulf %gather3A_249, %get3A_251 : vector<16xf32>
        %swap3A_253 = arith.index_cast %add3A_246 : i32 to index
        %swap3A_254 = tpu.vector_load %arg11[%swap3A_253] {strides = array<i32>} : memref<4000xf32, #tpu.memory_space<vmem>>, vector<16xf32>,
        tpu.vector_store %arg11[%swap3A_253], %mul3A_252 {strides = array<i32>} : memref<4000xf32, #tpu.memory_space<vmem>>, vector<16xf32>,
        %add3A_255 = arith.constant 64 : i32
        %add3A_256 = arith.addi %mul3A_217, %add3A_255 : i32
        %get3A_257 = arith.index_cast %add3A_256 : i32 to index
        %get3A_258 = tpu.vector_load %arg9[%get3A_257] {strides = array<i32>} : memref<4000xi32, #tpu.memory_space<vmem>>, vector<16xi32>,
        %gather3A_259 = tpu.vector_load_idx %arg7[%get3A_258] : memref<102400xf32, #tpu.memory_space<vmem>>[vector<16xi32>], vector<16xf32>,
        %get3A_260 = arith.index_cast %add3A_256 : i32 to index
        %get3A_261 = tpu.vector_load %arg13[%get3A_260] {strides = array<i32>} : memref<4000xf32, #tpu.memory_space<vmem>>, vector<16xf32>,
        %mul3A_262 = arith.mulf %gather3A_259, %get3A_261 : vector<16xf32>
        %swap3A_263 = arith.index_cast %add3A_256 : i32 to index
        %swap3A_264 = tpu.vector_load %arg11[%swap3A_263] {strides = array<i32>} : memref<4000xf32, #tpu.memory_space<vmem>>, vector<16xf32>,
        tpu.vector_store %arg11[%swap3A_263], %mul3A_262 {strides = array<i32>} : memref<4000xf32, #tpu.memory_space<vmem>>, vector<16xf32>,
      }
      %scan3A_196 = arith.constant 50 : i32
      %add3A_197 = arith.constant 4000 : i32
      %add3A_198 = arith.addi %add3A_136, %add3A_197 : i32
      %dma_start3A_199 = tpu.memref_slice %arg4[%add3A_198] : memref<6400000xf32, #tpu.memory_space<hbm>> -> memref<4000xf32, #tpu.memory_space<hbm>>
      %dma_start3A_200 = tpu.memref_slice %arg4[%add3A_198] : memref<6400000xf32, #tpu.memory_space<hbm>> -> memref<4000xf32, #tpu.memory_space<hbm>>
      tpu.enqueue_dma source(%arg11 : memref<4000xf32, #tpu.memory_space<vmem>>) target(%dma_start3A_200 : memref<4000xf32, #tpu.memory_space<hbm>>) target_semaphore(%arg17 : memref<!tpu.dma_semaphore, #tpu.memory_space<semaphore_mem>>)
      %add3A_201 = arith.constant 3 : i32
      %add3A_202 = arith.addi %mul3A_133, %add3A_201 : i32
      %min3A_203 = arith.constant 49 : i32
      %min3A_204 = arith.minsi %add3A_202, %min3A_203 : i32
      %mul3A_205 = arith.constant 4000 : i32
      %mul3A_206 = arith.muli %min3A_204, %mul3A_205 : i32
      %add3A_207 = arith.constant 6400000 : i32
      %add3A_208 = arith.addi %add3A_207, %mul3A_2 : i32
      %add3A_209 = arith.addi %add3A_208, %mul3A_206 : i32
      %dma_start3A_210 = tpu.memref_slice %arg2[%add3A_209] : memref<12800000xi32, #tpu.memory_space<hbm>> -> memref<4000xi32, #tpu.memory_space<hbm>>
      %dma_start3A_211 = tpu.memref_slice %arg2[%add3A_209] : memref<12800000xi32, #tpu.memory_space<hbm>> -> memref<4000xi32, #tpu.memory_space<hbm>>
      tpu.enqueue_dma source(%dma_start3A_211 : memref<4000xi32, #tpu.memory_space<hbm>>) target(%arg9 : memref<4000xi32, #tpu.memory_space<vmem>>) target_semaphore(%arg15 : memref<!tpu.dma_semaphore, #tpu.memory_space<semaphore_mem>>)
      %add3A_212 = arith.addi %mul3A_2, %mul3A_206 : i32
      %dma_start3A_213 = tpu.memref_slice %arg5[%add3A_212] : memref<6400000xf32, #tpu.memory_space<hbm>> -> memref<4000xf32, #tpu.memory_space<hbm>>
      %dma_start3A_214 = tpu.memref_slice %arg5[%add3A_212] : memref<6400000xf32, #tpu.memory_space<hbm>> -> memref<4000xf32, #tpu.memory_space<hbm>>
      tpu.enqueue_dma source(%dma_start3A_214 : memref<4000xf32, #tpu.memory_space<hbm>>) target(%arg13 : memref<4000xf32, #tpu.memory_space<vmem>>) target_semaphore(%arg15 : memref<!tpu.dma_semaphore, #tpu.memory_space<semaphore_mem>>)
    }
    %scan3A_100 = arith.constant 25 : i32
    %min3A_101 = arith.constant 49 : i32
    %min3A_102 = arith.constant 49 : i32
    %min3A_103 = arith.minsi %min3A_101, %min3A_102 : i32
    %mul3A_104 = arith.constant 4000 : i32
    %mul3A_105 = arith.muli %min3A_103, %mul3A_104 : i32
    %add3A_106 = arith.constant 6400000 : i32
    %add3A_107 = arith.addi %add3A_106, %mul3A_2 : i32
    %add3A_108 = arith.addi %add3A_107, %mul3A_105 : i32
    %dma_wait3A_109 = tpu.memref_slice %arg2[%add3A_108] : memref<12800000xi32, #tpu.memory_space<hbm>> -> memref<4000xi32, #tpu.memory_space<hbm>>
    %dma_wait3A_110 = tpu.memref_slice %arg2[%add3A_108] : memref<12800000xi32, #tpu.memory_space<hbm>> -> memref<4000xi32, #tpu.memory_space<hbm>>
    tpu.wait_dma2 semaphore(%arg14 : memref<!tpu.dma_semaphore, #tpu.memory_space<semaphore_mem>>) src(%dma_wait3A_110 : memref<4000xi32, #tpu.memory_space<hbm>>) dst(%arg8 : memref<4000xi32, #tpu.memory_space<vmem>>)
    %add3A_111 = arith.addi %mul3A_2, %mul3A_105 : i32
    %dma_wait3A_112 = tpu.memref_slice %arg5[%add3A_111] : memref<6400000xf32, #tpu.memory_space<hbm>> -> memref<4000xf32, #tpu.memory_space<hbm>>
    %dma_wait3A_113 = tpu.memref_slice %arg5[%add3A_111] : memref<6400000xf32, #tpu.memory_space<hbm>> -> memref<4000xf32, #tpu.memory_space<hbm>>
    tpu.wait_dma2 semaphore(%arg14 : memref<!tpu.dma_semaphore, #tpu.memory_space<semaphore_mem>>) src(%dma_wait3A_113 : memref<4000xf32, #tpu.memory_space<hbm>>) dst(%arg12 : memref<4000xf32, #tpu.memory_space<vmem>>)
    %min3A_114 = arith.constant 49 : i32
    %min3A_115 = arith.constant 49 : i32
    %min3A_116 = arith.minsi %min3A_114, %min3A_115 : i32
    %mul3A_117 = arith.constant 4000 : i32
    %mul3A_118 = arith.muli %min3A_116, %mul3A_117 : i32
    %add3A_119 = arith.constant 6400000 : i32
    %add3A_120 = arith.addi %add3A_119, %mul3A_2 : i32
    %add3A_121 = arith.addi %add3A_120, %mul3A_118 : i32
    %dma_wait3A_122 = tpu.memref_slice %arg2[%add3A_121] : memref<12800000xi32, #tpu.memory_space<hbm>> -> memref<4000xi32, #tpu.memory_space<hbm>>
    %dma_wait3A_123 = tpu.memref_slice %arg2[%add3A_121] : memref<12800000xi32, #tpu.memory_space<hbm>> -> memref<4000xi32, #tpu.memory_space<hbm>>
    tpu.wait_dma2 semaphore(%arg15 : memref<!tpu.dma_semaphore, #tpu.memory_space<semaphore_mem>>) src(%dma_wait3A_123 : memref<4000xi32, #tpu.memory_space<hbm>>) dst(%arg9 : memref<4000xi32, #tpu.memory_space<vmem>>)
    %add3A_124 = arith.addi %mul3A_2, %mul3A_118 : i32
    %dma_wait3A_125 = tpu.memref_slice %arg5[%add3A_124] : memref<6400000xf32, #tpu.memory_space<hbm>> -> memref<4000xf32, #tpu.memory_space<hbm>>
    %dma_wait3A_126 = tpu.memref_slice %arg5[%add3A_124] : memref<6400000xf32, #tpu.memory_space<hbm>> -> memref<4000xf32, #tpu.memory_space<hbm>>
    tpu.wait_dma2 semaphore(%arg15 : memref<!tpu.dma_semaphore, #tpu.memory_space<semaphore_mem>>) src(%dma_wait3A_126 : memref<4000xf32, #tpu.memory_space<hbm>>) dst(%arg13 : memref<4000xf32, #tpu.memory_space<vmem>>)
    %dma_wait3A_127 = tpu.memref_slice %arg4[%mul3A_2] : memref<6400000xf32, #tpu.memory_space<hbm>> -> memref<4000xf32, #tpu.memory_space<hbm>>
    %dma_wait3A_128 = tpu.memref_slice %arg4[%mul3A_2] : memref<6400000xf32, #tpu.memory_space<hbm>> -> memref<4000xf32, #tpu.memory_space<hbm>>
    tpu.wait_dma2 semaphore(%arg16 : memref<!tpu.dma_semaphore, #tpu.memory_space<semaphore_mem>>) src(%arg10 : memref<4000xf32, #tpu.memory_space<vmem>>) dst(%dma_wait3A_128 : memref<4000xf32, #tpu.memory_space<hbm>>)
    %dma_wait3A_129 = tpu.memref_slice %arg4[%mul3A_2] : memref<6400000xf32, #tpu.memory_space<hbm>> -> memref<4000xf32, #tpu.memory_space<hbm>>
    %dma_wait3A_130 = tpu.memref_slice %arg4[%mul3A_2] : memref<6400000xf32, #tpu.memory_space<hbm>> -> memref<4000xf32, #tpu.memory_space<hbm>>
    tpu.wait_dma2 semaphore(%arg17 : memref<!tpu.dma_semaphore, #tpu.memory_space<semaphore_mem>>) src(%arg11 : memref<4000xf32, #tpu.memory_space<vmem>>) dst(%dma_wait3A_130 : memref<4000xf32, #tpu.memory_space<hbm>>)
    return
  }
}

</mosaic_0001>

<sc_bundles>
// kernel: kernel.11.cloned.1.call-start
scs
__scs_entry_jumppad:
0x0: {  	(pc) =	sbr.rel $0x88, $3  }
0x1: {  	(tag) =	ssettag $0x0;
	lr =	simm.s32 $0x1  }
0x2: {  	[smem:$0x3F9F] =	sst lr;
	_ =	strace $0xD0000000  }
0x3: {  	_ = 	snop  }
0x4: {  	_ = 	snop  }
0x5: {  	_ = 	snop  }
0x6: {  	_ = 	snop  }
0x7: {  	_ = 	snop  }
__scs_overlays_trampoline_lowered:
0x8: {  	[smem:$0x3FAE] =	sst s0  }
0x9: {  	[smem:$0x3FAF] =	sst s1  }
0xa: {  	[smem:$0x3FB0] =	sst s2  }
0xb: {  	[smem:$0x3FB1] =	sst s3  }
0xc: {  	[smem:$0x3FB2] =	sst s4  }
0xd: {  	[smem:$0x3FB3] =	sst s5  }
0xe: {  	[smem:$0x3FB4] =	sst s6  }
0xf: {  	[smem:$0x3FB5] =	sst s7  }
0x10: {  	[smem:$0x3FB6] =	sst s8  }
0x11: {  	[smem:$0x3FB7] =	sst s9;
	s0 =	simm.s32 @!p0 $0x0  }
0x12: {  	s1 =	sld [smem:$0x3F9D];
	s0 =	simm.s32 @p0 $0x1  }
0x13: {  	[smem:$0x3FB8] =	sst s0;
	s0 =	simm.s32 @!p1 $0x0  }
0x14: {  	s2 =	sld [smem:$0x3F9C];
	s0 =	simm.s32 @p1 $0x1  }
0x15: {  	[smem:$0x3FB9] =	sst s0;
	s0 =	simm.s32 @!p2 $0x0  }
0x16: {  	s3 =	sld [smem:$0x3FDB];
	s0 =	simm.s32 @p2 $0x1  }
0x17: {  	s4 =	simm.s32 $0x1BF5;
	[smem:$0x3FBB] =	sst s0  }
0x18: {  	s0 =	sld [smem:$0x3F9E];
	_ =	swait.ge [sflag:s4], $0x0  }
0x19: {  	s7 =	sld [smem:$0x3F9F]  }
0x1a: {  	s8 =	sadd.s32 $0xFFFFE003, lr  }
0x1b: {  	s9 =	sadd.s32 $0xFFFFFEF7, lr;
	s5 =	simm.s32 $0xFFFFFFFF;
	p2 =	slt.u32 s8, $0xFFFFF086  }
0x1c: {  	p1 =	slt.u32 s9, $0xF7A;
	s5 =	simm.s32 @!p2 $0x0  }
0x1d: {  	s5 =	simm.s32 @p1 $0x1;
	p0 =	seq.s32 s7, s2  }
0x1e: {  	s7 =	smul.u32 @!p0 $0xF7A, s2;
	p2 =	seq.s32 @!p0 s5, $0x0  }
0x1f: {  	s9 =	smul.u32 $0xF7A, s1;
	s8 =	simm.s32 @!p0 $0x1BF5;
	p2 =	por !p2, p0  }
0x20: {  	[sflag:s8] =	ssyncset.s32 @!p0 $0xFFFFF086;
	s6 =	sadd.s32 @!p0 s3, s7;
	s7 =	simm.s32 @!p0 $0x108  }
0x21: {  	s3 =	sadd.s32 s3, s9;
	s6 =	sadd.s32 @!p0 $0x88, s6;
	s7 =	simm.s32 @p2 $0x1082  }
0x22: {  	[simem:s7], [sflag:s8] =	dma.local @!p0 [hbm:s6], $0xF7A  }
0x23: {  	s9 =	sor.u32 $0xD0000000, s2;
	s6 =	simm.s32 $0x108;
	_ =	swait.ge @!p0 [sflag:s8], $0x0  }
0x24: {  	s3 =	sadd.s32 $0x88, s3;
	s6 =	simm.s32 @!p1 $0x1082;
	[sflag:s4] =	ssyncset.s32 $0xFFFFF086  }
0x25: {  	[simem:s6], [sflag:s4] =	dma.local [hbm:s3], $0xF7A  }
0x26: {  	[smem:$0x3F9F] =	sst s1;
	(tag) =	ssettag s2;
	_ =	strace s9  }
0x27: {  	s1 =	sld [smem:$0x3FAF]  }
0x28: {  	s2 =	sld [smem:$0x3FB0]  }
0x29: {  	s4 =	sld [smem:$0x3FB2]  }
0x2a: {  	p0 =	seq.s32 s5, $0x0;
	s5 =	sld [smem:$0x3FB3]  }
0x2b: {  	s6 =	sld [smem:$0x3FB4]  }
0x2c: {  	s7 =	sld [smem:$0x3FB5]  }
0x2d: {  	s3 =	simm.s32 $0x108;
	s8 =	sld [smem:$0x3FB6]  }
0x2e: {  	s3 =	simm.s32 @!p0 $0x1082;
	s9 =	sld [smem:$0x3FB7]  }
0x2f: {  	lr =	sadd.s32 s0, s3;
	s0 =	sld [smem:$0x3FAE]  }
0x30: {  	s3 =	sld [smem:$0x3FB1]  }
0x31: {  	[smem:$0x3FBA] =	sst s10  }
0x32: {  	s10 =	sld [smem:$0x3FB8];
	_ =	sdelay $0x3  }
0x33: {  	p0 =	seq.s32 s10, $0x1;
	s10 =	sld [smem:$0x3FBA];
	_ =	sdelay $0x3  }
0x34: {  	[smem:$0x3FBA] =	sst s10  }
0x35: {  	s10 =	sld [smem:$0x3FB9];
	_ =	sdelay $0x3  }
0x36: {  	p1 =	seq.s32 s10, $0x1;
	s10 =	sld [smem:$0x3FBA];
	_ =	sdelay $0x3  }
0x37: {  	[smem:$0x3FBA] =	sst s10  }
0x38: {  	s10 =	sld [smem:$0x3FBB]  }
0x39: {  	_ = 	snop;
	(pc) =	sbr.ind lr, $3  }
0x3a: {  	_ = 	snop  }
0x3b: {  	_ = 	snop  }
0x3c: {  	p2 =	seq.s32 s10, $0x1;
	s10 =	sld [smem:$0x3FBA]  }
0x3d: {  	_ =	shalt  }
0x3e: {  	_ =	shalt  }
0x3f: {  	_ =	shalt  }
0x40: {  	_ =	shalt  }
0x41: {  	_ =	shalt  }
0x42: {  	_ =	shalt  }
0x43: {  	_ =	shalt  }
0x44: {  	_ =	shalt  }
0x45: {  	_ =	shalt  }
0x46: {  	_ =	shalt  }
0x47: {  	_ =	shalt  }
0x48: {  	_ =	shalt  }
0x49: {  	_ =	shalt  }
0x4a: {  	_ =	shalt  }
0x4b: {  	_ =	shalt  }
0x4c: {  	_ =	shalt  }
0x4d: {  	_ =	shalt  }
0x4e: {  	_ =	shalt  }
0x4f: {  	_ =	shalt  }
0x50: {  	_ =	shalt  }
0x51: {  	_ =	shalt  }
0x52: {  	_ =	shalt  }
0x53: {  	_ =	shalt  }
0x54: {  	_ =	shalt  }
0x55: {  	_ =	shalt  }
0x56: {  	_ =	shalt  }
0x57: {  	_ =	shalt  }
0x58: {  	_ =	shalt  }
0x59: {  	_ =	shalt  }
0x5a: {  	_ =	shalt  }
0x5b: {  	_ =	shalt  }
0x5c: {  	_ =	shalt  }
0x5d: {  	_ =	shalt  }
0x5e: {  	_ =	shalt  }
0x5f: {  	_ =	shalt  }
0x60: {  	_ =	shalt  }
0x61: {  	_ =	shalt  }
0x62: {  	_ =	shalt  }
0x63: {  	_ =	shalt  }
0x64: {  	_ =	shalt  }
0x65: {  	_ =	shalt  }
0x66: {  	_ =	shalt  }
0x67: {  	_ =	shalt  }
0x68: {  	_ =	shalt  }
0x69: {  	_ =	shalt  }
0x6a: {  	_ =	shalt  }
0x6b: {  	_ =	shalt  }
0x6c: {  	_ =	shalt  }
0x6d: {  	_ =	shalt  }
0x6e: {  	_ =	shalt  }
0x6f: {  	_ =	shalt  }
0x70: {  	_ =	shalt  }
0x71: {  	_ =	shalt  }
0x72: {  	_ =	shalt  }
0x73: {  	_ =	shalt  }
0x74: {  	_ =	shalt  }
0x75: {  	_ =	shalt  }
0x76: {  	_ =	shalt  }
0x77: {  	_ =	shalt  }
0x78: {  	_ =	shalt  }
0x79: {  	_ =	shalt  }
0x7a: {  	_ =	shalt  }
0x7b: {  	_ =	shalt  }
0x7c: {  	_ =	shalt  }
0x7d: {  	_ =	shalt  }
0x7e: {  	_ =	shalt  }
0x7f: {  	_ =	shalt  }
0x80: {  	_ =	shalt  }
0x81: {  	_ =	shalt  }
0x82: {  	_ =	shalt  }
0x83: {  	_ =	shalt  }
0x84: {  	_ =	shalt  }
0x85: {  	_ =	shalt  }
0x86: {  	_ =	shalt  }
0x87: {  	_ =	shalt  }
.Lfunc_end0:
.L_simem_size_0:
called_computation.3_lowered:
.L_overlay_start_0:
0x88: {  	s2 =	sld [smem:$0x3FD9]  }
0x89: {  	s3 =	sld [smem:$0x3FFE];
	_ =	sdelay $0x1  }
0x8a: {  	s1 =	srdreg.scid  }
0x8b: {  	s0 =	sand.u32 $0x1, s1  }
0x8c: {  	s17 =	sshll.u32 s0, $0xA;
	s2 =	sadd.s32 s3, s2  }
0x8d: {  	s2 =	sadd.s32 s2, s17  }
0x8e: {  	[smem:$0x3FC6] =	sst s2  }
0x8f: {  	_ = 	snop  }
0x90: {  	s2 =	sld [smem:$0x3FD0];
	(tm) =	ssettm $0x1  }
0x91: {  	s18 =	sld [smem:$0x3FFB];
	_ =	sdelay $0x3  }
0x92: {  	_ =	strace s18  }
0x93: {  	s3 =	sld [smem:$0x3FFC];
	_ =	sdelay $0x3  }
0x94: {  	_ =	strace s3  }
0x95: {  	s3 =	sld [smem:$0x3FFD];
	_ =	sdelay $0x3  }
0x96: {  	_ =	strace s3  }
0x97: {  	_ =	strace $0x8FFFFFFF  }
0x98: {  	s19 =	sld [smem:$0x3FDB];
	_ =	sdelay $0x1  }
0x99: {  	s4 =	simm.s32 $_scs_section_size  }
0x9a: {  	s5 =	simm.s32 $_size__tile_overlayer_lowered;
	s6 =	simm.s32 $_tile_overlayer_lowered  }
0x9b: {  	s22 =	simm.s32 $0x1BFF;
	s21 =	sshll.u32 s6, $0x1;
	s3 =	sadd.s32 s4, s19  }
0x9c: {  	s7 =	simm.s32 $0x0;
	s20 =	sshll.u32 s5, $0x1;
	s5 =	sadd.s32 s21, s3  }
0x9d: {  	[timem:s7], [sflag:s22] =	dma.local [hbm:s5], s20  }
0x9e: {  	_ =	swait.ge [sflag:s22], s20  }
0x9f: {  	s4 =	ssub.s32 $0x0, s20;
	[sflag:s22] =	ssyncset.done $0x0  }
0xa0: {  	[sflag:s22] =	ssyncadd.s32 s4;
	_ =	sdelay $0x1  }
0xa1: {  	s23 =	simm.s32 $0x1B8B  }
0xa2: {  	_ =	swait.ge [sflag:s23], $0x1  }
0xa3: {  	[sflag:s23] =	ssyncset.done $0x0  }
0xa4: {  	s25 =	simm.s32 $0x1B8E;
	s24 =	sld [smem:$0x3FFE];
	[sflag:s23] =	ssyncadd.s32 $0xFFFFFFFF  }
0xa5: {  	s26 =	simm.s32 $execute0_lowered;
	[smem:$0x3FD2] =	sst s25  }
0xa6: {  	s5 =	sshll.u32 s26, $0x1;
	_ =	strace $0x8000004F;
	[dreg:$0x1] =	wrdreg $0xFFFFFFFF  }
0xa7: {  	s28 =	simm.s32 $_size_execute0_lowered;
	s3 =	sadd.s32 s3, s5;
	[dreg:$0x0] =	wrdreg $0x0  }
0xa8: {  	s5 =	sshll.u32 s28, $0x1;
	[dreg:$0x2] =	wrdreg s3  }
0xa9: {  	[dreg:$0x3] =	wrdreg s5  }
0xaa: {  	[dreg:$0x4] =	wrdreg $0xC0  }
0xab: {  	_ =	task [dreg:s7], $0x5FFFF  }
0xac: {  	[dreg:$0x1] =	wrdreg $0xFFFFFFFF  }
0xad: {  	[dreg:$0x0] =	wrdreg $0x60  }
0xae: {  	[dreg:$0x2] =	wrdreg s24  }
0xaf: {  	[dreg:$0x3] =	wrdreg s2  }
0xb0: {  	[dreg:$0x4] =	wrdreg $0x9  }
0xb1: {  	_ =	task.clear_ibuf [dreg:s7], $0x5FFFF;
	_ =	strace $0x9000004F  }
0xb2: {  	s29 =	simm.s32 $0x9;
	_ =	strace $0x80000051  }
0xb3: {  	_ =	swait.ge [sflag:s29], $0x1  }
0xb4: {  	[sflag:s29] =	ssyncadd.s32 $0xFFFFFFFF  }
0xb5: {  	_ =	strace $0x90000051  }
0xb6: {  	_ =	sfence  }
0xb7: {  	s30 =	sld [smem:$0x0];
	_ =	sdelay $0x2  }
0xb8: {  	s31 =	sshll.u32 s1, $0xD;
	s1 =	sshrl.u32 s1, $0x2  }
0xb9: {  	s3 =	sand.u32 $0x4000, s31;
	s1 =	sadd.s32 s1, s30  }
0xba: {  	s0 =	sor.u32 s3, s0;
	s1 =	sshll.u32 s1, $0x11  }
0xbb: {  	s0 =	sor.u32 s1, s0  }
0xbc: {  	s0 =	sadd.s32 $0x8F2B, s0  }
0xbd: {  	[sflag:s0] =	ssyncadd.remote.s32 $0x1  }
0xbe: {  	_ =	sfence.sel $0xFFFF  }
0xbf: {  	[dreg:$0x0] =	wrdreg $0xFFFFFFFF;
	(pc) =	sbr.abs _section_cstart, $3  }
0xc0: {  	[dreg:$0x1] =	wrdreg $0xFFFFFFFF  }
0xc1: {  	_ =	task.clear_ibuf [dreg:s7], $0x2FFFF;
	_ =	strace $0x9FFFFFFF  }
0xc2: {  	(tm) =	ssettm $0x7FFFFFFF  }
0xc3: {  	_ =	shalt  }
tec
execute0_lowered:
.L_overlay_start_1:
0x0: {  	(tag) =	ssettag $0x1  }
0x1: {  	s0 =	rddreg [dreg:$0x0]  }
0x2: {  	s2 =	rddreg [dreg:$0x1];
	s1 =	srdreg.scid  }
0x3: {  	s4 =	stileid.u32;
	s3 =	simm.s32 $0x0;
	s21 =	simm.s32 $0x5  }
0x4: {  	s28 =	simm.s32 $0x3;
	s29 =	simm.s32 $0x2;
	s30 =	simm.s32 $0x4  }
0x5: {  	s31 =	simm.s32 $0x1D000;
	s1 =	sand.u32 $0x1, s1;
	s4 =	sshll.u32 s4, $0x1  }
0x6: {  	[smem:$0x7FF] =	sst s3;
	s6 =	sadd.s32 $0x187E00, s0;
	s5 =	sor.u32 s1, s4  }
0x7: {  	_ =	strace $0x80000050;
	s1 =	ssub.s32 $0x2, s1;
	s8 =	smul.u32 $0x1F40, s5  }
0x8: {  	[dreg:$0x3] =	wrdreg s6;
	s6 =	smul.u32 $0x30D40, s5;
	s23 =	sshrl.u32 s1, $0x1  }
0x9: {  	s7 =	sadd.s32 $0x18E200, s0;
	s4 =	sadd.s32 $0x1400, s0;
	s1 =	ssub.s32 s1, s23  }
0xa: {  	s23 =	simm.s32 $0x1A000;
	s22 =	sshrl.u32 s8, $0x3;
	s10 =	sshrl.u32 s6, $0x3  }
0xb: {  	s12 =	sadd.s32 $0x61A800, s6;
	s13 =	sadd.s32 $0x1F40, s6;
	s14 =	sadd.s32 $0x2EE0, s6  }
0xc: {  	s20 =	smax.u32 s1, $0x1;
	s1 =	simm.s32 $0x0;
	s5 =	sadd.s32 s22, s0  }
0xd: {  	s8 =	sadd.s32 s4, s10;
	s15 =	sadd.s32 $0x1F4, s10;
	s24 =	sshrl.u32 s12, $0x3  }
0xe: {  	s10 =	sadd.s32 s7, s10;
	s0 =	sadd.s32 $0x18B000, s0;
	s22 =	simm.s32 $0x19000  }
0xf: {  	s9 =	sadd.s32 $0x251800, s5;
	s11 =	sadd.s32 s4, s15;
	[dreg:$0x5] =	wrdreg s10  }
0x10: {  	[dreg:$0x6] =	wrdreg s0;
	s25 =	sadd.s32 s4, s24;
	s26 =	sadd.s32 $0xC36F4, s8  }
0x11: {  	s19 =	sadd.s32 s7, s15;
	s24 =	simm.s32 $0x1B000;
	[dreg:$0x4] =	wrdreg s11  }
0x12: {  	s0 =	simm.s32 $0x1E000;
	s11 =	sadd.s32 $0x2519F4, s5;
	[dreg:$0x7] =	wrdreg s25  }
0x13: {  	[dreg:$0x8] =	wrdreg s26;
	s25 =	simm.s32 $0x1C000;
	s26 =	simm.s32 $0x1  }
.LBB2_1:
0x14: {  	s5 =	rddreg [dreg:$0x3]  }
0x15: {  	[tilespmem:s3], [sflag:$0x5] =	stream.linear.gather [hbm4b:s5+s3], $0x19000, $0x38;
	[tilespmem:$0x1F000] =	vst v63  }
0x16: {  	_ =	swait.ge [sflag:s21], $0x19000  }
0x17: {  	[sflag:s21] =	ssyncset.done $0x0  }
0x18: {  	[sflag:s21] =	ssyncadd.s32 $0xFFFE7000  }
0x19: {  	[tilespmem:s22], [sflag:$0x1] =	stream.linear.gather [hbm4b:s8+s3], $0xFA0, $0x38;
	[tilespmem:$0x1F000] =	vst v63  }
0x1a: {  	s18 =	rddreg [dreg:$0x4]  }
0x1b: {  	[tilespmem:s23], [sflag:$0x2] =	stream.linear.gather [hbm4b:s18+s3], $0xFA0, $0x38;
	[tilespmem:$0x1F000] =	vst v63  }
0x1c: {  	_ = 	snop  }
0x1d: {  	[hbm4b:s9+s3] =	stream.linear.scatter [tilespmem:s24], [sflag:$0x3], $0xFA0, $0x38;
	[tilespmem:$0x1F000] =	vst v63  }
0x1e: {  	s5 =	simm.s32 $0x0  }
0x1f: {  	[hbm4b:s11+s3] =	stream.linear.scatter [tilespmem:s25], [sflag:$0x4], $0xFA0, $0x38;
	[tilespmem:$0x1F000] =	vst v63  }
.LBB2_2:
0x20: {  	_ =	swait.ge [sflag:s26], $0xFA0  }
0x21: {  	[sflag:s26] =	ssyncset.done $0x0  }
0x22: {  	[sflag:s26] =	ssyncadd.s32 $0xFFFFF060  }
0x23: {  	_ =	swait.ge [sflag:s28], $0xFA0  }
0x24: {  	[sflag:s28] =	ssyncset.done $0x0  }
0x25: {  	s15 =	simm.s32 $0x0;
	[sflag:s28] =	ssyncadd.s32 $0xFFFFF060  }
0x26: {  	v0 =	vld [tilespmem:s15+$0x19000];
	_ =	sdelay $0x6  }
0x27: {  	v1 =	vld [tilespmem:s15+$0x19010]  }
0x28: {  	v0 =	vld.idx.msk [tilespmem:v0+s3+$0x0], $0xffff;
	_ =	sdelay $0x4  }
0x29: {  	[tilespmem:s15+$0x1B000] =	vst v0;
	v0 =	vld [tilespmem:s15+$0x19020];
	_ =	sdelay $0x1  }
0x2a: {  	v1 =	vld.idx.msk [tilespmem:v1+s3+$0x0], $0xffff;
	_ =	sdelay $0x4  }
0x2b: {  	[tilespmem:s15+$0x1B010] =	vst v1;
	v1 =	vld [tilespmem:s15+$0x19030]  }
0x2c: {  	v0 =	vld.idx.msk [tilespmem:v0+s3+$0x0], $0xffff;
	_ =	sdelay $0x4  }
0x2d: {  	[tilespmem:s15+$0x1B020] =	vst v0;
	v0 =	vld [tilespmem:s15+$0x19040];
	_ =	sdelay $0x1  }
0x2e: {  	s10 =	smul.u32 $0x1F40, s5;
	v1 =	vld.idx.msk [tilespmem:v1+s3+$0x0], $0xffff;
	_ =	sdelay $0x1  }
0x2f: {  	s10 =	sadd.s32 s6, s10  }
0x30: {  	s10 =	sshrl.u32 s10, $0x3  }
0x31: {  	s17 =	simm.s32 $0x50;
	s16 =	simm.s32 $0x280;
	s10 =	sadd.s32 s7, s10  }
.LBB2_3:
0x32: {  	p0 =	sne.s32 s16, $0x3D40;
	v2 =	vld [tilespmem:s17+$0x19000];
	[tilespmem:s15+$0x1B030] =	vst v1  }
0x33: {  	v0 =	vld.idx.msk [tilespmem:v0+s3+$0x0], $0xffff;
	_ =	sdelay $0x5  }
0x34: {  	v1 =	vld [tilespmem:s17+$0x19010];
	[tilespmem:s15+$0x1B040] =	vst v0;
	s15 =	smov.u32 s17  }
0x35: {  	v0 =	vld.idx.msk [tilespmem:v2+s3+$0x0], $0xffff;
	_ =	sdelay $0x5  }
0x36: {  	[tilespmem:s15+$0x1B000] =	vst v0;
	v0 =	vld [tilespmem:s15+$0x19020]  }
0x37: {  	v1 =	vld.idx.msk [tilespmem:v1+s3+$0x0], $0xffff;
	_ =	sdelay $0x5  }
0x38: {  	[tilespmem:s15+$0x1B010] =	vst v1;
	v1 =	vld [tilespmem:s15+$0x19030]  }
0x39: {  	v0 =	vld.idx.msk [tilespmem:v0+s3+$0x0], $0xffff;
	_ =	sdelay $0x5  }
0x3a: {  	[tilespmem:s15+$0x1B020] =	vst v0;
	v0 =	vld [tilespmem:s15+$0x19040]  }
0x3b: {  	v1 =	vld.idx.msk [tilespmem:v1+s3+$0x0], $0xffff  }
.Ltmp0:
0x3c: {  	(pc) =	sbr.rel @p0 .LBB2_3-.Ltmp0, $2  }
0x3d: {  	_ =	sdelay $0x2  }
0x3e: {  	s17 =	sshra.s32 s16, $0x2;
	s16 =	sadd.s32 $0x140, s16  }
0x3f: {  	_ =	sdelay $0x1  }
0x40: {  	v2 =	vld [tilespmem:s17+$0x19000]  }
0x41: {  	[tilespmem:s15+$0x1B030] =	vst v1  }
0x42: {  	v0 =	vld.idx.msk [tilespmem:v0+s3+$0x0], $0xffff;
	_ =	sdelay $0x4  }
0x43: {  	v1 =	vld [tilespmem:s17+$0x19010];
	[tilespmem:s15+$0x1B040] =	vst v0  }
0x44: {  	v0 =	vld.idx.msk [tilespmem:v2+s3+$0x0], $0xffff;
	_ =	sdelay $0x4  }
0x45: {  	[tilespmem:s17+$0x1B000] =	vst v0;
	v0 =	vld [tilespmem:s17+$0x19020];
	_ =	sdelay $0x1  }
0x46: {  	v1 =	vld.idx.msk [tilespmem:v1+s3+$0x0], $0xffff;
	_ =	sdelay $0x4  }
0x47: {  	[tilespmem:s17+$0x1B010] =	vst v1;
	v1 =	vld [tilespmem:s17+$0x19030]  }
0x48: {  	v0 =	vld.idx.msk [tilespmem:v0+s3+$0x0], $0xffff;
	_ =	sdelay $0x4  }
0x49: {  	[tilespmem:s17+$0x1B020] =	vst v0;
	v0 =	vld [tilespmem:s17+$0x19040];
	_ =	sdelay $0x1  }
0x4a: {  	v1 =	vld.idx.msk [tilespmem:v1+s3+$0x0], $0xffff;
	_ =	sdelay $0x4  }
0x4b: {  	[tilespmem:s17+$0x1B030] =	vst v1  }
0x4c: {  	s15 =	sshll.u32 s5, $0x1;
	v0 =	vld.idx.msk [tilespmem:v0+s3+$0x0], $0xffff  }
0x4d: {  	s16 =	smin.u32 s15, $0x2F  }
0x4e: {  	s16 =	smul.u32 $0xFA0, s16;
	_ =	sdelay $0x1  }
0x4f: {  	s16 =	sadd.s32 s16, s13  }
0x50: {  	s18 =	simm.s32 $0x0;
	s16 =	sshrl.u32 s16, $0x3;
	[tilespmem:s17+$0x1B040] =	vst v0  }
0x51: {  	[hbm4b:s10+s18] =	stream.linear.scatter [tilespmem:s24], [sflag:$0x3], $0xFA0, $0x38;
	[tilespmem:$0x1F000] =	vst v63  }
0x52: {  	s16 =	sadd.s32 s4, s16  }
0x53: {  	[tilespmem:s22], [sflag:$0x1] =	stream.linear.gather [hbm4b:s16+s18], $0xFA0, $0x38;
	[tilespmem:$0x1F000] =	vst v63  }
0x54: {  	_ =	swait.ge [sflag:s29], $0xFA0  }
0x55: {  	[sflag:s29] =	ssyncset.done $0x0  }
0x56: {  	[sflag:s29] =	ssyncadd.s32 $0xFFFFF060  }
0x57: {  	_ =	swait.ge [sflag:s30], $0xFA0  }
0x58: {  	[sflag:s30] =	ssyncset.done $0x0  }
0x59: {  	s16 =	simm.s32 $0x0;
	[sflag:s30] =	ssyncadd.s32 $0xFFFFF060  }
0x5a: {  	v0 =	vld [tilespmem:s16+$0x1A000];
	_ =	sdelay $0x6  }
0x5b: {  	v1 =	vld [tilespmem:s16+$0x1A010]  }
0x5c: {  	v0 =	vld.idx.msk [tilespmem:v0+s3+$0x0], $0xffff;
	_ =	sdelay $0x4  }
0x5d: {  	[tilespmem:s16+$0x1C000] =	vst v0;
	v0 =	vld [tilespmem:s16+$0x1A020];
	_ =	sdelay $0x1  }
0x5e: {  	v1 =	vld.idx.msk [tilespmem:v1+s3+$0x0], $0xffff;
	_ =	sdelay $0x4  }
0x5f: {  	[tilespmem:s16+$0x1C010] =	vst v1;
	v1 =	vld [tilespmem:s16+$0x1A030]  }
0x60: {  	v0 =	vld.idx.msk [tilespmem:v0+s3+$0x0], $0xffff;
	_ =	sdelay $0x4  }
0x61: {  	[tilespmem:s16+$0x1C020] =	vst v0;
	v0 =	vld [tilespmem:s16+$0x1A040];
	_ =	sdelay $0x1  }
0x62: {  	v1 =	vld.idx.msk [tilespmem:v1+s3+$0x0], $0xffff;
	_ =	sdelay $0x3  }
0x63: {  	s17 =	simm.s32 $0x280;
	s10 =	sadd.s32 $0x1F4, s10;
	s18 =	simm.s32 $0x50  }
.LBB2_5:
0x64: {  	p0 =	sne.s32 s17, $0x3D40;
	v2 =	vld [tilespmem:s18+$0x1A000];
	[tilespmem:s16+$0x1C030] =	vst v1  }
0x65: {  	v0 =	vld.idx.msk [tilespmem:v0+s3+$0x0], $0xffff;
	_ =	sdelay $0x5  }
0x66: {  	v1 =	vld [tilespmem:s18+$0x1A010];
	[tilespmem:s16+$0x1C040] =	vst v0;
	s16 =	smov.u32 s18  }
0x67: {  	v0 =	vld.idx.msk [tilespmem:v2+s3+$0x0], $0xffff;
	_ =	sdelay $0x5  }
0x68: {  	[tilespmem:s16+$0x1C000] =	vst v0;
	v0 =	vld [tilespmem:s16+$0x1A020]  }
0x69: {  	v1 =	vld.idx.msk [tilespmem:v1+s3+$0x0], $0xffff;
	_ =	sdelay $0x5  }
0x6a: {  	[tilespmem:s16+$0x1C010] =	vst v1;
	v1 =	vld [tilespmem:s16+$0x1A030]  }
0x6b: {  	v0 =	vld.idx.msk [tilespmem:v0+s3+$0x0], $0xffff;
	_ =	sdelay $0x5  }
0x6c: {  	[tilespmem:s16+$0x1C020] =	vst v0;
	v0 =	vld [tilespmem:s16+$0x1A040]  }
0x6d: {  	v1 =	vld.idx.msk [tilespmem:v1+s3+$0x0], $0xffff  }
.Ltmp1:
0x6e: {  	(pc) =	sbr.rel @p0 .LBB2_5-.Ltmp1, $2  }
0x6f: {  	_ =	sdelay $0x2  }
0x70: {  	s18 =	sshra.s32 s17, $0x2;
	s17 =	sadd.s32 $0x140, s17  }
0x71: {  	_ =	sdelay $0x1  }
0x72: {  	v2 =	vld [tilespmem:s18+$0x1A000]  }
0x73: {  	[tilespmem:s16+$0x1C030] =	vst v1  }
0x74: {  	v0 =	vld.idx.msk [tilespmem:v0+s3+$0x0], $0xffff;
	_ =	sdelay $0x3  }
0x75: {  	v1 =	vld [tilespmem:s18+$0x1A010]  }
0x76: {  	[tilespmem:s16+$0x1C040] =	vst v0  }
0x77: {  	v0 =	vld.idx.msk [tilespmem:v2+s3+$0x0], $0xffff;
	_ =	sdelay $0x3  }
0x78: {  	v61 =	vld [tilespmem:s18+$0x1A020]  }
0x79: {  	[tilespmem:s18+$0x1C000] =	vst v0  }
0x7a: {  	v1 =	vld.idx.msk [tilespmem:v1+s3+$0x0], $0xffff;
	_ =	sdelay $0x3  }
0x7b: {  	v62 =	vld [tilespmem:s18+$0x1A030]  }
0x7c: {  	[tilespmem:s18+$0x1C010] =	vst v1  }
0x7d: {  	v0 =	vld.idx.msk [tilespmem:v61+s3+$0x0], $0xffff;
	_ =	sdelay $0x3  }
0x7e: {  	v63 =	vld [tilespmem:s18+$0x1A040]  }
0x7f: {  	[tilespmem:s18+$0x1C020] =	vst v0  }
0x80: {  	v1 =	vld.idx.msk [tilespmem:v62+s3+$0x0], $0xffff;
	_ =	sdelay $0x4  }
0x81: {  	[tilespmem:s18+$0x1C030] =	vst v1  }
0x82: {  	v0 =	vld.idx.msk [tilespmem:v63+s3+$0x0], $0xffff;
	_ =	sdelay $0x1  }
0x83: {  	s15 =	smin.u32 s15, $0x2E  }
0x84: {  	s5 =	sadd.s32 $0x1, s5;
	s15 =	smul.u32 $0xFA0, s15  }
0x85: {  	p0 =	sne.s32 s5, $0x19  }
.Ltmp2:
0x86: {  	[tilespmem:s18+$0x1C040] =	vst v0;
	s18 =	sadd.s32 s15, s14;
	(pc) =	sbr.rel @p0 .LBB2_2-.Ltmp2, $4  }
0x87: {  	[hbm4b:s10+s3] =	stream.linear.scatter [tilespmem:s25], [sflag:$0x4], $0xFA0, $0x38;
	[tilespmem:$0x1F000] =	vst v63  }
0x88: {  	s10 =	sshrl.u32 s18, $0x3  }
0x89: {  	s10 =	sadd.s32 s4, s10  }
0x8a: {  	[tilespmem:s23], [sflag:$0x2] =	stream.linear.gather [hbm4b:s10+s3], $0xFA0, $0x38;
	[tilespmem:$0x1F000] =	vst v63  }
0x8b: {  	_ =	swait.ge [sflag:s26], $0xFA0  }
0x8c: {  	[sflag:s26] =	ssyncset.done $0x0  }
0x8d: {  	[sflag:s26] =	ssyncadd.s32 $0xFFFFF060  }
0x8e: {  	_ =	swait.ge [sflag:s29], $0xFA0  }
0x8f: {  	[sflag:s29] =	ssyncset.done $0x0  }
0x90: {  	[sflag:s29] =	ssyncadd.s32 $0xFFFFF060  }
0x91: {  	_ =	swait.ge [sflag:s28], $0xFA0  }
0x92: {  	[sflag:s28] =	ssyncset.done $0x0  }
0x93: {  	[sflag:s28] =	ssyncadd.s32 $0xFFFFF060  }
0x94: {  	_ =	swait.ge [sflag:s30], $0xFA0  }
0x95: {  	[sflag:s30] =	ssyncset.done $0x0  }
0x96: {  	s5 =	simm.s32 $0x0;
	s10 =	rddreg [dreg:$0x6];
	[sflag:s30] =	ssyncadd.s32 $0xFFFFF060  }
0x97: {  	[tilespmem:s5], [sflag:$0x5] =	stream.linear.gather [hbm4b:s10+s5], $0x19000, $0x38;
	[tilespmem:$0x1F000] =	vst v63  }
0x98: {  	_ =	swait.ge [sflag:s21], $0x19000  }
0x99: {  	[sflag:s21] =	ssyncset.done $0x0  }
0x9a: {  	s16 =	rddreg [dreg:$0x7];
	[sflag:s21] =	ssyncadd.s32 $0xFFFE7000  }
0x9b: {  	[tilespmem:s22], [sflag:$0x1] =	stream.linear.gather [hbm4b:s16+s5], $0xFA0, $0x38;
	[tilespmem:$0x1F000] =	vst v63  }
0x9c: {  	s17 =	rddreg [dreg:$0x5]  }
0x9d: {  	[tilespmem:s31], [sflag:$0x1] =	stream.linear.gather [hbm4b:s17+s5], $0xFA0, $0x38;
	[tilespmem:$0x1F000] =	vst v63  }
0x9e: {  	s18 =	rddreg [dreg:$0x8]  }
0x9f: {  	[tilespmem:s23], [sflag:$0x2] =	stream.linear.gather [hbm4b:s18+s5], $0xFA0, $0x38;
	[tilespmem:$0x1F000] =	vst v63  }
0xa0: {  	_ = 	snop  }
0xa1: {  	[tilespmem:s0], [sflag:$0x2] =	stream.linear.gather [hbm4b:s19+s5], $0xFA0, $0x38;
	[tilespmem:$0x1F000] =	vst v63  }
0xa2: {  	_ = 	snop  }
0xa3: {  	[hbm4b:s9+s5] =	stream.linear.scatter [tilespmem:s24], [sflag:$0x3], $0xFA0, $0x38;
	[tilespmem:$0x1F000] =	vst v63  }
0xa4: {  	_ = 	snop  }
0xa5: {  	[hbm4b:s11+s5] =	stream.linear.scatter [tilespmem:s25], [sflag:$0x4], $0xFA0, $0x38;
	[tilespmem:$0x1F000] =	vst v63  }
.LBB2_8:
0xa6: {  	_ =	swait.ge [sflag:s26], $0xFA0  }
0xa7: {  	[sflag:s26] =	ssyncset.done $0x0  }
0xa8: {  	[sflag:s26] =	ssyncadd.s32 $0xFFFFF060  }
0xa9: {  	_ =	swait.ge [sflag:s26], $0xFA0  }
0xaa: {  	[sflag:s26] =	ssyncset.done $0x0  }
0xab: {  	[sflag:s26] =	ssyncadd.s32 $0xFFFFF060  }
0xac: {  	_ =	swait.ge [sflag:s28], $0xFA0  }
0xad: {  	[sflag:s28] =	ssyncset.done $0x0  }
0xae: {  	s15 =	simm.s32 $0x0;
	[sflag:s28] =	ssyncadd.s32 $0xFFFFF060  }
0xaf: {  	v0 =	vld [tilespmem:s15+$0x19000];
	_ =	sdelay $0x5  }
0xb0: {  	v1 =	vld [tilespmem:s15+$0x1D000]  }
0xb1: {  	v2 =	vld [tilespmem:s15+$0x19010]  }
0xb2: {  	v0 =	vld.idx.msk [tilespmem:v0+s3+$0x0], $0xffff;
	_ =	sdelay $0x4  }
0xb3: {  	v0 =	vmul.f32 v1, v0;
	_ =	sdelay $0x1  }
0xb4: {  	[tilespmem:s15+$0x1B000] =	vst v0;
	v0 =	vld [tilespmem:s15+$0x1D010]  }
0xb5: {  	v1 =	vld.idx.msk [tilespmem:v2+s3+$0x0], $0xffff  }
0xb6: {  	v2 =	vld [tilespmem:s15+$0x19020];
	_ =	sdelay $0x4  }
0xb7: {  	v0 =	vmul.f32 v0, v1;
	_ =	sdelay $0x1  }
0xb8: {  	[tilespmem:s15+$0x1B010] =	vst v0;
	v0 =	vld [tilespmem:s15+$0x1D020]  }
0xb9: {  	v1 =	vld.idx.msk [tilespmem:v2+s3+$0x0], $0xffff  }
0xba: {  	v2 =	vld [tilespmem:s15+$0x19030];
	_ =	sdelay $0x4  }
0xbb: {  	v0 =	vmul.f32 v0, v1;
	_ =	sdelay $0x1  }
0xbc: {  	[tilespmem:s15+$0x1B020] =	vst v0;
	v0 =	vld [tilespmem:s15+$0x1D030]  }
0xbd: {  	v1 =	vld.idx.msk [tilespmem:v2+s3+$0x0], $0xffff  }
0xbe: {  	v2 =	vld [tilespmem:s15+$0x19040];
	_ =	sdelay $0x3  }
0xbf: {  	s10 =	smul.u32 $0x1F40, s5  }
0xc0: {  	v0 =	vmul.f32 v0, v1  }
0xc1: {  	s10 =	sadd.s32 s6, s10  }
0xc2: {  	s10 =	sshrl.u32 s10, $0x3;
	[tilespmem:s15+$0x1B030] =	vst v0;
	v0 =	vld [tilespmem:s15+$0x1D040]  }
0xc3: {  	s17 =	simm.s32 $0x50;
	s16 =	simm.s32 $0x280;
	s10 =	sadd.s32 s2, s10;
	v1 =	vld.idx.msk [tilespmem:v2+s3+$0x0], $0xffff  }
.LBB2_9:
0xc4: {  	p0 =	sne.s32 s16, $0x3D40;
	v2 =	vld [tilespmem:s17+$0x19000];
	_ =	sdelay $0x4  }
0xc5: {  	v0 =	vmul.f32 v0, v1;
	_ =	sdelay $0x1  }
0xc6: {  	v1 =	vld [tilespmem:s17+$0x1D000];
	[tilespmem:s15+$0x1B040] =	vst v0;
	s15 =	smov.u32 s17  }
0xc7: {  	v0 =	vld.idx.msk [tilespmem:v2+s3+$0x0], $0xffff  }
0xc8: {  	v2 =	vld [tilespmem:s15+$0x19010];
	_ =	sdelay $0x4  }
0xc9: {  	v0 =	vmul.f32 v1, v0;
	_ =	sdelay $0x1  }
0xca: {  	[tilespmem:s15+$0x1B000] =	vst v0;
	v0 =	vld [tilespmem:s15+$0x1D010]  }
0xcb: {  	v1 =	vld.idx.msk [tilespmem:v2+s3+$0x0], $0xffff  }
0xcc: {  	v2 =	vld [tilespmem:s15+$0x19020];
	_ =	sdelay $0x4  }
0xcd: {  	v0 =	vmul.f32 v0, v1;
	_ =	sdelay $0x1  }
0xce: {  	[tilespmem:s15+$0x1B010] =	vst v0;
	v0 =	vld [tilespmem:s15+$0x1D020]  }
0xcf: {  	v1 =	vld.idx.msk [tilespmem:v2+s3+$0x0], $0xffff  }
0xd0: {  	v2 =	vld [tilespmem:s15+$0x19030];
	_ =	sdelay $0x4  }
0xd1: {  	v0 =	vmul.f32 v0, v1;
	_ =	sdelay $0x1  }
0xd2: {  	[tilespmem:s15+$0x1B020] =	vst v0;
	v0 =	vld [tilespmem:s15+$0x1D030]  }
0xd3: {  	v1 =	vld.idx.msk [tilespmem:v2+s3+$0x0], $0xffff  }
0xd4: {  	v2 =	vld [tilespmem:s15+$0x19040];
	_ =	sdelay $0x3  }
.Ltmp3:
0xd5: {  	(pc) =	sbr.rel @p0 .LBB2_9-.Ltmp3, $3  }
0xd6: {  	v0 =	vmul.f32 v0, v1;
	_ =	sdelay $0x1  }
0xd7: {  	[tilespmem:s15+$0x1B030] =	vst v0;
	v0 =	vld [tilespmem:s15+$0x1D040]  }
0xd8: {  	s17 =	sshra.s32 s16, $0x2;
	s16 =	sadd.s32 $0x140, s16;
	v1 =	vld.idx.msk [tilespmem:v2+s3+$0x0], $0xffff  }
0xd9: {  	v2 =	vld [tilespmem:s17+$0x19000];
	_ =	sdelay $0x4  }
0xda: {  	v0 =	vmul.f32 v0, v1;
	_ =	sdelay $0x1  }
0xdb: {  	v1 =	vld [tilespmem:s17+$0x1D000];
	[tilespmem:s15+$0x1B040] =	vst v0  }
0xdc: {  	v0 =	vld.idx.msk [tilespmem:v2+s3+$0x0], $0xffff  }
0xdd: {  	v2 =	vld [tilespmem:s17+$0x19010];
	_ =	sdelay $0x4  }
0xde: {  	v0 =	vmul.f32 v1, v0;
	_ =	sdelay $0x1  }
0xdf: {  	[tilespmem:s17+$0x1B000] =	vst v0;
	v0 =	vld [tilespmem:s17+$0x1D010]  }
0xe0: {  	v1 =	vld.idx.msk [tilespmem:v2+s3+$0x0], $0xffff  }
0xe1: {  	v2 =	vld [tilespmem:s17+$0x19020];
	_ =	sdelay $0x4  }
0xe2: {  	v0 =	vmul.f32 v0, v1;
	_ =	sdelay $0x1  }
0xe3: {  	[tilespmem:s17+$0x1B010] =	vst v0;
	v0 =	vld [tilespmem:s17+$0x1D020]  }
0xe4: {  	v1 =	vld.idx.msk [tilespmem:v2+s3+$0x0], $0xffff  }
0xe5: {  	v2 =	vld [tilespmem:s17+$0x19030];
	_ =	sdelay $0x4  }
0xe6: {  	v0 =	vmul.f32 v0, v1;
	_ =	sdelay $0x1  }
0xe7: {  	[tilespmem:s17+$0x1B020] =	vst v0;
	v0 =	vld [tilespmem:s17+$0x1D030]  }
0xe8: {  	v1 =	vld.idx.msk [tilespmem:v2+s3+$0x0], $0xffff  }
0xe9: {  	v2 =	vld [tilespmem:s17+$0x19040];
	_ =	sdelay $0x4  }
0xea: {  	v0 =	vmul.f32 v0, v1;
	_ =	sdelay $0x1  }
0xeb: {  	[tilespmem:s17+$0x1B030] =	vst v0;
	v0 =	vld [tilespmem:s17+$0x1D040]  }
0xec: {  	v1 =	vld.idx.msk [tilespmem:v2+s3+$0x0], $0xffff  }
0xed: {  	s15 =	sshll.u32 s5, $0x1  }
0xee: {  	s16 =	smin.u32 s15, $0x2F  }
0xef: {  	s16 =	smul.u32 $0xFA0, s16;
	_ =	sdelay $0x1  }
0xf0: {  	s16 =	sadd.s32 $0x1F40, s16;
	v0 =	vmul.f32 v0, v1  }
0xf1: {  	s18 =	sadd.s32 s12, s16  }
0xf2: {  	s16 =	sadd.s32 s6, s16;
	s18 =	sshrl.u32 s18, $0x3;
	[tilespmem:s17+$0x1B040] =	vst v0;
	s17 =	simm.s32 $0x0  }
0xf3: {  	[hbm4b:s10+s17] =	stream.linear.scatter [tilespmem:s24], [sflag:$0x3], $0xFA0, $0x38;
	[tilespmem:$0x1F000] =	vst v63  }
0xf4: {  	s16 =	sshrl.u32 s16, $0x3;
	s18 =	sadd.s32 s4, s18  }
0xf5: {  	[tilespmem:s22], [sflag:$0x1] =	stream.linear.gather [hbm4b:s18+s17], $0xFA0, $0x38;
	[tilespmem:$0x1F000] =	vst v63  }
0xf6: {  	s16 =	sadd.s32 s7, s16  }
0xf7: {  	[tilespmem:s31], [sflag:$0x1] =	stream.linear.gather [hbm4b:s16+s17], $0xFA0, $0x38;
	[tilespmem:$0x1F000] =	vst v63  }
0xf8: {  	_ =	swait.ge [sflag:s29], $0xFA0  }
0xf9: {  	[sflag:s29] =	ssyncset.done $0x0  }
0xfa: {  	[sflag:s29] =	ssyncadd.s32 $0xFFFFF060  }
0xfb: {  	_ =	swait.ge [sflag:s29], $0xFA0  }
0xfc: {  	[sflag:s29] =	ssyncset.done $0x0  }
0xfd: {  	[sflag:s29] =	ssyncadd.s32 $0xFFFFF060  }
0xfe: {  	_ =	swait.ge [sflag:s30], $0xFA0  }
0xff: {  	[sflag:s30] =	ssyncset.done $0x0  }
0x100: {  	s16 =	simm.s32 $0x0;
	[sflag:s30] =	ssyncadd.s32 $0xFFFFF060  }
0x101: {  	v0 =	vld [tilespmem:s16+$0x1A000];
	_ =	sdelay $0x5  }
0x102: {  	v1 =	vld [tilespmem:s16+$0x1E000]  }
0x103: {  	v2 =	vld [tilespmem:s16+$0x1A010]  }
0x104: {  	v0 =	vld.idx.msk [tilespmem:v0+s3+$0x0], $0xffff;
	_ =	sdelay $0x4  }
0x105: {  	v0 =	vmul.f32 v1, v0;
	_ =	sdelay $0x1  }
0x106: {  	[tilespmem:s16+$0x1C000] =	vst v0;
	v0 =	vld [tilespmem:s16+$0x1E010]  }
0x107: {  	v1 =	vld.idx.msk [tilespmem:v2+s3+$0x0], $0xffff  }
0x108: {  	v2 =	vld [tilespmem:s16+$0x1A020];
	_ =	sdelay $0x4  }
0x109: {  	v0 =	vmul.f32 v0, v1;
	_ =	sdelay $0x1  }
0x10a: {  	[tilespmem:s16+$0x1C010] =	vst v0;
	v0 =	vld [tilespmem:s16+$0x1E020]  }
0x10b: {  	v1 =	vld.idx.msk [tilespmem:v2+s3+$0x0], $0xffff  }
0x10c: {  	v2 =	vld [tilespmem:s16+$0x1A030];
	_ =	sdelay $0x4  }
0x10d: {  	v0 =	vmul.f32 v0, v1;
	_ =	sdelay $0x1  }
0x10e: {  	[tilespmem:s16+$0x1C020] =	vst v0;
	v0 =	vld [tilespmem:s16+$0x1E030]  }
0x10f: {  	v1 =	vld.idx.msk [tilespmem:v2+s3+$0x0], $0xffff  }
0x110: {  	v2 =	vld [tilespmem:s16+$0x1A040];
	_ =	sdelay $0x4  }
0x111: {  	v0 =	vmul.f32 v0, v1;
	_ =	sdelay $0x1  }
0x112: {  	[tilespmem:s16+$0x1C030] =	vst v0;
	v0 =	vld [tilespmem:s16+$0x1E040]  }
0x113: {  	s10 =	sadd.s32 $0x1F4, s10;
	s18 =	simm.s32 $0x50;
	s17 =	simm.s32 $0x280;
	v1 =	vld.idx.msk [tilespmem:v2+s3+$0x0], $0xffff  }
.LBB2_11:
0x114: {  	p0 =	sne.s32 s17, $0x3D40;
	v2 =	vld [tilespmem:s18+$0x1A000];
	_ =	sdelay $0x4  }
0x115: {  	v0 =	vmul.f32 v0, v1;
	_ =	sdelay $0x1  }
0x116: {  	v1 =	vld [tilespmem:s18+$0x1E000];
	[tilespmem:s16+$0x1C040] =	vst v0;
	s16 =	smov.u32 s18  }
0x117: {  	v0 =	vld.idx.msk [tilespmem:v2+s3+$0x0], $0xffff  }
0x118: {  	v2 =	vld [tilespmem:s16+$0x1A010];
	_ =	sdelay $0x4  }
0x119: {  	v0 =	vmul.f32 v1, v0;
	_ =	sdelay $0x1  }
0x11a: {  	[tilespmem:s16+$0x1C000] =	vst v0;
	v0 =	vld [tilespmem:s16+$0x1E010]  }
0x11b: {  	v1 =	vld.idx.msk [tilespmem:v2+s3+$0x0], $0xffff  }
0x11c: {  	v2 =	vld [tilespmem:s16+$0x1A020];
	_ =	sdelay $0x4  }
0x11d: {  	v0 =	vmul.f32 v0, v1;
	_ =	sdelay $0x1  }
0x11e: {  	[tilespmem:s16+$0x1C010] =	vst v0;
	v0 =	vld [tilespmem:s16+$0x1E020]  }
0x11f: {  	v1 =	vld.idx.msk [tilespmem:v2+s3+$0x0], $0xffff  }
0x120: {  	v2 =	vld [tilespmem:s16+$0x1A030];
	_ =	sdelay $0x4  }
0x121: {  	v0 =	vmul.f32 v0, v1;
	_ =	sdelay $0x1  }
0x122: {  	[tilespmem:s16+$0x1C020] =	vst v0;
	v0 =	vld [tilespmem:s16+$0x1E030]  }
0x123: {  	v1 =	vld.idx.msk [tilespmem:v2+s3+$0x0], $0xffff  }
0x124: {  	v2 =	vld [tilespmem:s16+$0x1A040];
	_ =	sdelay $0x3  }
.Ltmp4:
0x125: {  	(pc) =	sbr.rel @p0 .LBB2_11-.Ltmp4, $3  }
0x126: {  	v0 =	vmul.f32 v0, v1;
	_ =	sdelay $0x1  }
0x127: {  	[tilespmem:s16+$0x1C030] =	vst v0;
	v0 =	vld [tilespmem:s16+$0x1E040]  }
0x128: {  	s18 =	sshra.s32 s17, $0x2;
	s17 =	sadd.s32 $0x140, s17;
	v1 =	vld.idx.msk [tilespmem:v2+s3+$0x0], $0xffff  }
0x129: {  	v2 =	vld [tilespmem:s18+$0x1A000];
	_ =	sdelay $0x3  }
0x12a: {  	v0 =	vmul.f32 v0, v1;
	_ =	sdelay $0x1  }
0x12b: {  	v51 =	vld [tilespmem:s18+$0x1E000];
	[tilespmem:s16+$0x1C040] =	vst v0  }
0x12c: {  	v52 =	vld [tilespmem:s18+$0x1A010]  }
0x12d: {  	v0 =	vld.idx.msk [tilespmem:v2+s3+$0x0], $0xffff;
	_ =	sdelay $0x4  }
0x12e: {  	v0 =	vmul.f32 v51, v0  }
0x12f: {  	v53 =	vld [tilespmem:s18+$0x1E010]  }
0x130: {  	v55 =	vld [tilespmem:s18+$0x1A020];
	[tilespmem:s18+$0x1C000] =	vst v0  }
0x131: {  	v54 =	vld.idx.msk [tilespmem:v52+s3+$0x0], $0xffff;
	_ =	sdelay $0x4  }
0x132: {  	v0 =	vmul.f32 v53, v54  }
0x133: {  	v56 =	vld [tilespmem:s18+$0x1E020]  }
0x134: {  	v58 =	vld [tilespmem:s18+$0x1A030];
	[tilespmem:s18+$0x1C010] =	vst v0  }
0x135: {  	v57 =	vld.idx.msk [tilespmem:v55+s3+$0x0], $0xffff;
	_ =	sdelay $0x4  }
0x136: {  	v0 =	vmul.f32 v56, v57  }
0x137: {  	v59 =	vld [tilespmem:s18+$0x1E030]  }
0x138: {  	v61 =	vld [tilespmem:s18+$0x1A040];
	[tilespmem:s18+$0x1C020] =	vst v0  }
0x139: {  	v60 =	vld.idx.msk [tilespmem:v58+s3+$0x0], $0xffff;
	_ =	sdelay $0x4  }
0x13a: {  	v0 =	vmul.f32 v59, v60;
	_ =	sdelay $0x1  }
0x13b: {  	v62 =	vld [tilespmem:s18+$0x1E040];
	[tilespmem:s18+$0x1C030] =	vst v0  }
0x13c: {  	v63 =	vld.idx.msk [tilespmem:v61+s3+$0x0], $0xffff;
	_ =	sdelay $0x3  }
0x13d: {  	s15 =	smin.u32 s15, $0x2E  }
0x13e: {  	s15 =	smul.u32 $0xFA0, s15;
	v0 =	vmul.f32 v62, v63;
	_ =	sdelay $0x1  }
0x13f: {  	s5 =	sadd.s32 $0x1, s5;
	[tilespmem:s18+$0x1C040] =	vst v0;
	s18 =	sadd.s32 $0x2EE0, s15  }
0x140: {  	[hbm4b:s10+s3] =	stream.linear.scatter [tilespmem:s25], [sflag:$0x4], $0xFA0, $0x38;
	[tilespmem:$0x1F000] =	vst v63  }
0x141: {  	p0 =	sne.s32 s5, $0x19;
	s15 =	sadd.s32 s12, s18  }
.Ltmp5:
0x142: {  	s10 =	sadd.s32 s6, s18;
	s15 =	sshrl.u32 s15, $0x3;
	(pc) =	sbr.rel @p0 .LBB2_8-.Ltmp5, $4  }
0x143: {  	s10 =	sshrl.u32 s10, $0x3;
	s15 =	sadd.s32 s4, s15  }
0x144: {  	[tilespmem:s23], [sflag:$0x2] =	stream.linear.gather [hbm4b:s15+s3], $0xFA0, $0x38;
	[tilespmem:$0x1F000] =	vst v63  }
0x145: {  	s10 =	sadd.s32 s7, s10  }
0x146: {  	[tilespmem:s0], [sflag:$0x2] =	stream.linear.gather [hbm4b:s10+s3], $0xFA0, $0x38;
	[tilespmem:$0x1F000] =	vst v63  }
0x147: {  	_ =	swait.ge [sflag:s26], $0xFA0  }
0x148: {  	[sflag:s26] =	ssyncset.done $0x0  }
0x149: {  	[sflag:s26] =	ssyncadd.s32 $0xFFFFF060  }
0x14a: {  	_ =	swait.ge [sflag:s26], $0xFA0  }
0x14b: {  	[sflag:s26] =	ssyncset.done $0x0  }
0x14c: {  	[sflag:s26] =	ssyncadd.s32 $0xFFFFF060  }
0x14d: {  	_ =	swait.ge [sflag:s29], $0xFA0  }
0x14e: {  	[sflag:s29] =	ssyncset.done $0x0  }
0x14f: {  	[sflag:s29] =	ssyncadd.s32 $0xFFFFF060  }
0x150: {  	_ =	swait.ge [sflag:s29], $0xFA0  }
0x151: {  	[sflag:s29] =	ssyncset.done $0x0  }
0x152: {  	s1 =	sadd.s32 $0x1, s1;
	[sflag:s29] =	ssyncadd.s32 $0xFFFFF060  }
0x153: {  	p0 =	sne.s32 s1, s20;
	_ =	swait.ge [sflag:s28], $0xFA0  }
.Ltmp6:
0x154: {  	[sflag:s28] =	ssyncset.done $0x0;
	(pc) =	sbr.rel @p0 .LBB2_1-.Ltmp6, $4  }
0x155: {  	[sflag:s28] =	ssyncadd.s32 $0xFFFFF060  }
0x156: {  	_ =	swait.ge [sflag:s30], $0xFA0  }
0x157: {  	[sflag:s30] =	ssyncset.done $0x0  }
0x158: {  	[sflag:s30] =	ssyncadd.s32 $0xFFFFF060  }
0x159: {  	_ =	sfence.sel $0x180000  }
0x15a: {  	[bflag:$0x0] =	sbarrier.arrive $0xFFFF  }
0x15b: {  	_ =	strace $0x90000050  }
0x15c: {  	s0 =	stileid.u32;
	[bflag:$0x2] =	sbarrier.arrive $0xFFFF  }
0x15d: {  	p0 =	sne.s32 s0, $0x0;
	s0 =	rddreg [dreg:$0x2]  }
0x15e: {  	s0 =	sadd.s32 @!p0 $0x100000, s0  }
0x15f: {  	[sflag:s0] =	ssyncadd.tile.s32 @!p0 $0x1;
	_ =	shalt  }
.Lfunc_end2:
_tile_overlayer_lowered:
.L_overlay_start_2:
0x160: {  	(tag) =	ssettag $0x2  }
0x161: {  	s0 =	rddreg [dreg:$0x0];
	s2 =	stileid.u32  }
0x162: {  	s1 =	rddreg [dreg:$0x1];
	p0 =	sne.s32 s2, $0x0  }
0x163: {  	s3 =	rddreg [dreg:$0x2];
	[bflag:$0x3] =	sbarrier.arrive $0xFFFF;
	s2 =	simm.s32 @!p0 $0x1C05  }
0x164: {  	[timem:s3], [sflag:s2] =	dma.local @!p0 [hbm:s0], s1  }
0x165: {  	s0 =	simm.s32 @!p0 $0x5  }
0x166: {  	_ =	swait.ge @!p0 [sflag:s0], s1  }
0x167: {  	s1 =	ssub.s32 @!p0 $0x0, s1;
	[sflag:s0] =	ssyncset.done @!p0 $0x0  }
0x168: {  	[sflag:s0] =	ssyncadd.s32 @!p0 s1  }
0x169: {  	[bflag:$0x3] =	sbarrier.arrive $0xFFFF  }
0x16a: {  	_ =	shalt  }

// kernel: kernel.5.cloned.1.call-start
scs
__scs_entry_jumppad:
0x0: {  	(pc) =	sbr.rel $0x88, $3  }
0x1: {  	(tag) =	ssettag $0x0;
	lr =	simm.s32 $0x1  }
0x2: {  	[smem:$0x3F9F] =	sst lr;
	_ =	strace $0xD0000000  }
0x3: {  	_ = 	snop  }
0x4: {  	_ = 	snop  }
0x5: {  	_ = 	snop  }
0x6: {  	_ = 	snop  }
0x7: {  	_ = 	snop  }
__scs_overlays_trampoline_lowered:
0x8: {  	[smem:$0x3FAE] =	sst s0  }
0x9: {  	[smem:$0x3FAF] =	sst s1  }
0xa: {  	[smem:$0x3FB0] =	sst s2  }
0xb: {  	[smem:$0x3FB1] =	sst s3  }
0xc: {  	[smem:$0x3FB2] =	sst s4  }
0xd: {  	[smem:$0x3FB3] =	sst s5  }
0xe: {  	[smem:$0x3FB4] =	sst s6  }
0xf: {  	[smem:$0x3FB5] =	sst s7  }
0x10: {  	[smem:$0x3FB6] =	sst s8  }
0x11: {  	[smem:$0x3FB7] =	sst s9;
	s0 =	simm.s32 @!p0 $0x0  }
0x12: {  	s1 =	sld [smem:$0x3F9D];
	s0 =	simm.s32 @p0 $0x1  }
0x13: {  	[smem:$0x3FB8] =	sst s0;
	s0 =	simm.s32 @!p1 $0x0  }
0x14: {  	s2 =	sld [smem:$0x3F9C];
	s0 =	simm.s32 @p1 $0x1  }
0x15: {  	[smem:$0x3FB9] =	sst s0;
	s0 =	simm.s32 @!p2 $0x0  }
0x16: {  	s3 =	sld [smem:$0x3FDB];
	s0 =	simm.s32 @p2 $0x1  }
0x17: {  	s4 =	simm.s32 $0x1BF5;
	[smem:$0x3FBB] =	sst s0  }
0x18: {  	s0 =	sld [smem:$0x3F9E];
	_ =	swait.ge [sflag:s4], $0x0  }
0x19: {  	s7 =	sld [smem:$0x3F9F]  }
0x1a: {  	s8 =	sadd.s32 $0xFFFFE003, lr  }
0x1b: {  	s9 =	sadd.s32 $0xFFFFFEF7, lr;
	s5 =	simm.s32 $0xFFFFFFFF;
	p2 =	slt.u32 s8, $0xFFFFF086  }
0x1c: {  	p1 =	slt.u32 s9, $0xF7A;
	s5 =	simm.s32 @!p2 $0x0  }
0x1d: {  	s5 =	simm.s32 @p1 $0x1;
	p0 =	seq.s32 s7, s2  }
0x1e: {  	s7 =	smul.u32 @!p0 $0xF7A, s2;
	p2 =	seq.s32 @!p0 s5, $0x0  }
0x1f: {  	s9 =	smul.u32 $0xF7A, s1;
	s8 =	simm.s32 @!p0 $0x1BF5;
	p2 =	por !p2, p0  }
0x20: {  	[sflag:s8] =	ssyncset.s32 @!p0 $0xFFFFF086;
	s6 =	sadd.s32 @!p0 s3, s7;
	s7 =	simm.s32 @!p0 $0x108  }
0x21: {  	s3 =	sadd.s32 s3, s9;
	s6 =	sadd.s32 @!p0 $0x88, s6;
	s7 =	simm.s32 @p2 $0x1082  }
0x22: {  	[simem:s7], [sflag:s8] =	dma.local @!p0 [hbm:s6], $0xF7A  }
0x23: {  	s9 =	sor.u32 $0xD0000000, s2;
	s6 =	simm.s32 $0x108;
	_ =	swait.ge @!p0 [sflag:s8], $0x0  }
0x24: {  	s3 =	sadd.s32 $0x88, s3;
	s6 =	simm.s32 @!p1 $0x1082;
	[sflag:s4] =	ssyncset.s32 $0xFFFFF086  }
0x25: {  	[simem:s6], [sflag:s4] =	dma.local [hbm:s3], $0xF7A  }
0x26: {  	[smem:$0x3F9F] =	sst s1;
	(tag) =	ssettag s2;
	_ =	strace s9  }
0x27: {  	s1 =	sld [smem:$0x3FAF]  }
0x28: {  	s2 =	sld [smem:$0x3FB0]  }
0x29: {  	s4 =	sld [smem:$0x3FB2]  }
0x2a: {  	p0 =	seq.s32 s5, $0x0;
	s5 =	sld [smem:$0x3FB3]  }
0x2b: {  	s6 =	sld [smem:$0x3FB4]  }
0x2c: {  	s7 =	sld [smem:$0x3FB5]  }
0x2d: {  	s3 =	simm.s32 $0x108;
	s8 =	sld [smem:$0x3FB6]  }
0x2e: {  	s3 =	simm.s32 @!p0 $0x1082;
	s9 =	sld [smem:$0x3FB7]  }
0x2f: {  	lr =	sadd.s32 s0, s3;
	s0 =	sld [smem:$0x3FAE]  }
0x30: {  	s3 =	sld [smem:$0x3FB1]  }
0x31: {  	[smem:$0x3FBA] =	sst s10  }
0x32: {  	s10 =	sld [smem:$0x3FB8];
	_ =	sdelay $0x3  }
0x33: {  	p0 =	seq.s32 s10, $0x1;
	s10 =	sld [smem:$0x3FBA];
	_ =	sdelay $0x3  }
0x34: {  	[smem:$0x3FBA] =	sst s10  }
0x35: {  	s10 =	sld [smem:$0x3FB9];
	_ =	sdelay $0x3  }
0x36: {  	p1 =	seq.s32 s10, $0x1;
	s10 =	sld [smem:$0x3FBA];
	_ =	sdelay $0x3  }
0x37: {  	[smem:$0x3FBA] =	sst s10  }
0x38: {  	s10 =	sld [smem:$0x3FBB]  }
0x39: {  	_ = 	snop;
	(pc) =	sbr.ind lr, $3  }
0x3a: {  	_ = 	snop  }
0x3b: {  	_ = 	snop  }
0x3c: {  	p2 =	seq.s32 s10, $0x1;
	s10 =	sld [smem:$0x3FBA]  }
0x3d: {  	_ =	shalt  }
0x3e: {  	_ =	shalt  }
0x3f: {  	_ =	shalt  }
0x40: {  	_ =	shalt  }
0x41: {  	_ =	shalt  }
0x42: {  	_ =	shalt  }
0x43: {  	_ =	shalt  }
0x44: {  	_ =	shalt  }
0x45: {  	_ =	shalt  }
0x46: {  	_ =	shalt  }
0x47: {  	_ =	shalt  }
0x48: {  	_ =	shalt  }
0x49: {  	_ =	shalt  }
0x4a: {  	_ =	shalt  }
0x4b: {  	_ =	shalt  }
0x4c: {  	_ =	shalt  }
0x4d: {  	_ =	shalt  }
0x4e: {  	_ =	shalt  }
0x4f: {  	_ =	shalt  }
0x50: {  	_ =	shalt  }
0x51: {  	_ =	shalt  }
0x52: {  	_ =	shalt  }
0x53: {  	_ =	shalt  }
0x54: {  	_ =	shalt  }
0x55: {  	_ =	shalt  }
0x56: {  	_ =	shalt  }
0x57: {  	_ =	shalt  }
0x58: {  	_ =	shalt  }
0x59: {  	_ =	shalt  }
0x5a: {  	_ =	shalt  }
0x5b: {  	_ =	shalt  }
0x5c: {  	_ =	shalt  }
0x5d: {  	_ =	shalt  }
0x5e: {  	_ =	shalt  }
0x5f: {  	_ =	shalt  }
0x60: {  	_ =	shalt  }
0x61: {  	_ =	shalt  }
0x62: {  	_ =	shalt  }
0x63: {  	_ =	shalt  }
0x64: {  	_ =	shalt  }
0x65: {  	_ =	shalt  }
0x66: {  	_ =	shalt  }
0x67: {  	_ =	shalt  }
0x68: {  	_ =	shalt  }
0x69: {  	_ =	shalt  }
0x6a: {  	_ =	shalt  }
0x6b: {  	_ =	shalt  }
0x6c: {  	_ =	shalt  }
0x6d: {  	_ =	shalt  }
0x6e: {  	_ =	shalt  }
0x6f: {  	_ =	shalt  }
0x70: {  	_ =	shalt  }
0x71: {  	_ =	shalt  }
0x72: {  	_ =	shalt  }
0x73: {  	_ =	shalt  }
0x74: {  	_ =	shalt  }
0x75: {  	_ =	shalt  }
0x76: {  	_ =	shalt  }
0x77: {  	_ =	shalt  }
0x78: {  	_ =	shalt  }
0x79: {  	_ =	shalt  }
0x7a: {  	_ =	shalt  }
0x7b: {  	_ =	shalt  }
0x7c: {  	_ =	shalt  }
0x7d: {  	_ =	shalt  }
0x7e: {  	_ =	shalt  }
0x7f: {  	_ =	shalt  }
0x80: {  	_ =	shalt  }
0x81: {  	_ =	shalt  }
0x82: {  	_ =	shalt  }
0x83: {  	_ =	shalt  }
0x84: {  	_ =	shalt  }
0x85: {  	_ =	shalt  }
0x86: {  	_ =	shalt  }
0x87: {  	_ =	shalt  }
.Lfunc_end0:
.L_simem_size_0:
called_computation.1_lowered:
.L_overlay_start_0:
0x88: {  	s2 =	sld [smem:$0x3FD9]  }
0x89: {  	s3 =	sld [smem:$0x3FFE];
	_ =	sdelay $0x1  }
0x8a: {  	s1 =	srdreg.scid  }
0x8b: {  	s0 =	sand.u32 $0x1, s1  }
0x8c: {  	s17 =	sshll.u32 s0, $0xA;
	s2 =	sadd.s32 s3, s2  }
0x8d: {  	s2 =	sadd.s32 s2, s17  }
0x8e: {  	[smem:$0x3FC6] =	sst s2  }
0x8f: {  	_ = 	snop  }
0x90: {  	s2 =	sld [smem:$0x3FC8]  }
0x91: {  	s18 =	sld [smem:$0x3FD0];
	(tm) =	ssettm $0x1  }
0x92: {  	s4 =	sld [smem:$0x3FFB];
	_ =	sdelay $0x3  }
0x93: {  	_ =	strace s4  }
0x94: {  	s4 =	sld [smem:$0x3FFC];
	_ =	sdelay $0x3  }
0x95: {  	_ =	strace s4  }
0x96: {  	s4 =	sld [smem:$0x3FFD];
	_ =	sdelay $0x3  }
0x97: {  	_ =	strace s4  }
0x98: {  	_ =	strace $0x8FFFFFFF  }
0x99: {  	s19 =	sld [smem:$0x3FDB];
	_ =	sdelay $0x1  }
0x9a: {  	s5 =	simm.s32 $_scs_section_size  }
0x9b: {  	s6 =	simm.s32 $_size__tile_overlayer_lowered;
	s7 =	simm.s32 $_tile_overlayer_lowered  }
0x9c: {  	s22 =	simm.s32 $0x1BFF;
	s21 =	sshll.u32 s7, $0x1;
	s4 =	sadd.s32 s5, s19  }
0x9d: {  	s8 =	simm.s32 $0x0;
	s20 =	sshll.u32 s6, $0x1;
	s6 =	sadd.s32 s21, s4  }
0x9e: {  	[timem:s8], [sflag:s22] =	dma.local [hbm:s6], s20  }
0x9f: {  	_ =	swait.ge [sflag:s22], s20  }
0xa0: {  	s5 =	ssub.s32 $0x0, s20;
	[sflag:s22] =	ssyncset.done $0x0  }
0xa1: {  	[sflag:s22] =	ssyncadd.s32 s5;
	_ =	sdelay $0x1  }
0xa2: {  	s23 =	simm.s32 $0x1B8B  }
0xa3: {  	_ =	swait.ge [sflag:s23], $0x1  }
0xa4: {  	[sflag:s23] =	ssyncset.done $0x0  }
0xa5: {  	s25 =	simm.s32 $0x1B8E;
	s24 =	sld [smem:$0x3FFE];
	[sflag:s23] =	ssyncadd.s32 $0xFFFFFFFF  }
0xa6: {  	s26 =	simm.s32 $execute0_lowered;
	[smem:$0x3FD2] =	sst s25  }
0xa7: {  	s6 =	sshll.u32 s26, $0x1;
	_ =	strace $0x80000049;
	[dreg:$0x1] =	wrdreg $0xFFFFFFFF  }
0xa8: {  	s28 =	simm.s32 $_size_execute0_lowered;
	s4 =	sadd.s32 s4, s6;
	[dreg:$0x0] =	wrdreg $0x0  }
0xa9: {  	s6 =	sshll.u32 s28, $0x1;
	[dreg:$0x2] =	wrdreg s4  }
0xaa: {  	[dreg:$0x3] =	wrdreg s6  }
0xab: {  	[dreg:$0x4] =	wrdreg $0xC0  }
0xac: {  	_ =	task [dreg:s8], $0x5FFFF  }
0xad: {  	[dreg:$0x1] =	wrdreg $0xFFFFFFFF  }
0xae: {  	[dreg:$0x0] =	wrdreg $0x60  }
0xaf: {  	[dreg:$0x2] =	wrdreg s24  }
0xb0: {  	[dreg:$0x3] =	wrdreg s2  }
0xb1: {  	[dreg:$0x4] =	wrdreg s18  }
0xb2: {  	[dreg:$0x5] =	wrdreg $0x9  }
0xb3: {  	_ =	task.clear_ibuf [dreg:s8], $0x6FFFF;
	_ =	strace $0x90000049  }
0xb4: {  	s29 =	simm.s32 $0x9;
	_ =	strace $0x8000004B  }
0xb5: {  	_ =	swait.ge [sflag:s29], $0x1  }
0xb6: {  	[sflag:s29] =	ssyncadd.s32 $0xFFFFFFFF  }
0xb7: {  	_ =	strace $0x9000004B  }
0xb8: {  	_ =	sfence  }
0xb9: {  	s30 =	sld [smem:$0x0];
	_ =	sdelay $0x2  }
0xba: {  	s31 =	sshll.u32 s1, $0xD;
	s1 =	sshrl.u32 s1, $0x2  }
0xbb: {  	s3 =	sand.u32 $0x4000, s31;
	s1 =	sadd.s32 s1, s30  }
0xbc: {  	s0 =	sor.u32 s3, s0;
	s1 =	sshll.u32 s1, $0x11  }
0xbd: {  	s0 =	sor.u32 s1, s0  }
0xbe: {  	s0 =	sadd.s32 $0x8F2B, s0  }
0xbf: {  	[sflag:s0] =	ssyncadd.remote.s32 $0x1  }
0xc0: {  	_ =	sfence.sel $0xFFFF  }
0xc1: {  	[dreg:$0x0] =	wrdreg $0xFFFFFFFF;
	(pc) =	sbr.abs _section_cstart, $3  }
0xc2: {  	[dreg:$0x1] =	wrdreg $0xFFFFFFFF  }
0xc3: {  	_ =	task.clear_ibuf [dreg:s8], $0x2FFFF;
	_ =	strace $0x9FFFFFFF  }
0xc4: {  	(tm) =	ssettm $0x7FFFFFFF  }
0xc5: {  	_ =	shalt  }
tec
execute0_lowered:
.L_overlay_start_1:
0x0: {  	(tag) =	ssettag $0x1  }
0x1: {  	s6 =	rddreg [dreg:$0x0]  }
0x2: {  	s1 =	rddreg [dreg:$0x1]  }
0x3: {  	s12 =	rddreg [dreg:$0x2]  }
0x4: {  	s0 =	rddreg [dreg:$0x3];
	s3 =	simm.s32 $0x0  }
0x5: {  	s2 =	srdreg.scid;
	s16 =	simm.s32 $0x1A000;
	s17 =	simm.s32 $0x1B000  }
0x6: {  	s18 =	simm.s32 $0x1C000;
	s19 =	simm.s32 $0x1;
	s20 =	simm.s32 $0x2  }
0x7: {  	s21 =	simm.s32 $0x0;
	[smem:$0x7FF] =	sst s3;
	s7 =	sand.u32 $0x1, s2  }
0x8: {  	s2 =	stileid.u32;
	s4 =	sadd.s32 $0x1400, s6;
	s8 =	smul.u32 $0x61A800, s7  }
0x9: {  	s6 =	sadd.s32 $0x187E00, s6;
	s5 =	smul.u32 $0x61A80, s2;
	s9 =	ssub.s32 $0x2, s7  }
0xa: {  	_ =	strace $0x8000004A;
	s10 =	sshll.u32 s7, $0x4;
	s11 =	sshrl.u32 s9, $0x1  }
.Ltmp0:
0xb: {  	s30 =	sor.u32 s2, s10;
	s7 =	sadd.s32 s5, s8;
	(pc) =	sbr.rel .LBB2_1-.Ltmp0, $4  }
0xc: {  	s13 =	sshrl.u32 s5, $0x3;
	s14 =	smul.u32 $0x3200, s30;
	s15 =	ssub.s32 s9, s11  }
0xd: {  	s31 =	sshrl.u32 s7, $0x3;
	s9 =	sadd.s32 s1, s13;
	s13 =	smax.u32 s15, $0x1  }
0xe: {  	s15 =	simm.s32 $0x19000;
	s8 =	sadd.s32 s4, s31;
	s11 =	sadd.s32 $0x1F4, s9  }
0xf: {  	v0 =	vimm.f32 $0.0e+00;
	v1 =	vimm.s32 $0x0;
	s12 =	sadd.s32 s12, s14;
	s14 =	simm.s32 $0x3;
	s10 =	sadd.s32 $0x1F4, s8  }
.LBB2_29:
0x10: {  	_ =	swait.ge [sflag:s19], $0xFA0  }
0x11: {  	[sflag:s19] =	ssyncset.done $0x0  }
0x12: {  	[sflag:s19] =	ssyncadd.s32 $0xFFFFF060  }
0x13: {  	_ =	swait.ge [sflag:s19], $0xFA0  }
0x14: {  	[sflag:s19] =	ssyncset.done $0x0  }
0x15: {  	[sflag:s19] =	ssyncadd.s32 $0xFFFFF060  }
0x16: {  	_ =	swait.ge [sflag:s20], $0xFA0  }
0x17: {  	[sflag:s20] =	ssyncset.done $0x0  }
0x18: {  	[sflag:s20] =	ssyncadd.s32 $0xFFFFF060  }
0x19: {  	s21 =	sadd.s32 $0x1, s21;
	_ =	swait.ge [sflag:s20], $0xFA0  }
0x1a: {  	p0 =	sne.s32 s21, s13;
	[sflag:s20] =	ssyncset.done $0x0  }
.Ltmp1:
0x1b: {  	[sflag:s20] =	ssyncadd.s32 $0xFFFFF060;
	(pc) =	sbr.rel @!p0 .LBB2_30-.Ltmp1, $4  }
0x1c: {  	[hbm4b:s12+s3] =	stream.linear.scatter [tilespmem:s3], [sflag:$0x3], $0x19000, $0x38;
	[tilespmem:$0x1D000] =	vst v63  }
0x1d: {  	_ =	swait.ge [sflag:s14], $0x19000  }
0x1e: {  	[sflag:s14] =	ssyncset.done $0x0  }
0x1f: {  	[sflag:s14] =	ssyncadd.s32 $0xFFFE7000  }
.LBB2_1:
0x20: {  	[tilespmem:s3], [sflag:$0x3] =	stream.linear.gather [hbm4b:s6+s3], $0x19000, $0x38;
	[tilespmem:$0x1D000] =	vst v63  }
0x21: {  	_ =	swait.ge [sflag:s14], $0x19000  }
0x22: {  	[sflag:s14] =	ssyncset.done $0x0  }
0x23: {  	[sflag:s14] =	ssyncadd.s32 $0xFFFE7000  }
0x24: {  	[tilespmem:s15], [sflag:$0x1] =	stream.linear.gather [hbm4b:s8+s3], $0xFA0, $0x38;
	[tilespmem:$0x1D000] =	vst v63  }
0x25: {  	_ = 	snop  }
0x26: {  	[tilespmem:s16], [sflag:$0x1] =	stream.linear.gather [hbm4b:s9+s3], $0xFA0, $0x38;
	[tilespmem:$0x1D000] =	vst v63  }
.Ltmp2:
0x27: {  	_ = 	snop;
	(pc) =	sbr.rel .LBB2_2-.Ltmp2, $4  }
0x28: {  	_ = 	snop  }
0x29: {  	[tilespmem:s17], [sflag:$0x2] =	stream.linear.gather [hbm4b:s10+s3], $0xFA0, $0x38;
	[tilespmem:$0x1D000] =	vst v63  }
0x2a: {  	s22 =	simm.s32 $0x0  }
0x2b: {  	[tilespmem:s18], [sflag:$0x2] =	stream.linear.gather [hbm4b:s11+s3], $0xFA0, $0x38;
	[tilespmem:$0x1D000] =	vst v63  }
.LBB2_28:
0x2c: {  	s23 =	smin.u32 s23, $0x60  }
0x2d: {  	s23 =	smul.u32 $0xFA0, s23;
	_ =	sdelay $0x1  }
0x2e: {  	s22 =	sadd.s32 $0x1, s22;
	s23 =	sadd.s32 $0x2EE0, s23  }
0x2f: {  	p0 =	sne.s32 s22, $0x32;
	s24 =	sadd.s32 s7, s23  }
.Ltmp3:
0x30: {  	s23 =	sadd.s32 s5, s23;
	s24 =	sshrl.u32 s24, $0x3;
	(pc) =	sbr.rel @!p0 .LBB2_29-.Ltmp3, $4  }
0x31: {  	s23 =	sshrl.u32 s23, $0x3;
	s24 =	sadd.s32 s4, s24  }
0x32: {  	[tilespmem:s17], [sflag:$0x2] =	stream.linear.gather [hbm4b:s24+s3], $0xFA0, $0x38;
	[tilespmem:$0x1D000] =	vst v63  }
0x33: {  	s23 =	sadd.s32 s1, s23  }
0x34: {  	[tilespmem:s18], [sflag:$0x2] =	stream.linear.gather [hbm4b:s23+s3], $0xFA0, $0x38;
	[tilespmem:$0x1D000] =	vst v63  }
.LBB2_2:
0x35: {  	_ =	swait.ge [sflag:s19], $0xFA0  }
.Ltmp4:
0x36: {  	[sflag:s19] =	ssyncset.done $0x0;
	(pc) =	sbr.rel .LBB2_3-.Ltmp4, $4  }
0x37: {  	[sflag:s19] =	ssyncadd.s32 $0xFFFFF060  }
0x38: {  	_ =	swait.ge [sflag:s19], $0xFA0  }
0x39: {  	[sflag:s19] =	ssyncset.done $0x0  }
0x3a: {  	s23 =	simm.s32 $0x0;
	[sflag:s19] =	ssyncadd.s32 $0xFFFFF060  }
.LBB2_14:
0x3b: {  	s23 =	sadd.s32 $0x140, s23  }
0x3c: {  	p0 =	sne.s32 s23, $0x3E80  }
.Ltmp5:
0x3d: {  	_ = 	snop;
	(pc) =	sbr.rel @!p0 .LBB2_15-.Ltmp5, $1  }
0x3e: {  	_ =	sdelay $0x3  }
.LBB2_3:
0x3f: {  	s24 =	sshra.s32 s23, $0x2  }
0x40: {  	v10 =	vld [tilespmem:s24+$0x19000]  }
0x41: {  	v8 =	vld [tilespmem:s24+$0x19010]  }
0x42: {  	v6 =	vld [tilespmem:s24+$0x19020]  }
0x43: {  	v4 =	vld [tilespmem:s24+$0x19030]  }
0x44: {  	v2 =	vld [tilespmem:s24+$0x19040]  }
0x45: {  	v11 =	vld [tilespmem:s24+$0x1A000]  }
0x46: {  	v9 =	vld [tilespmem:s24+$0x1A010]  }
0x47: {  	v7 =	vld [tilespmem:s24+$0x1A020]  }
0x48: {  	v5 =	vld [tilespmem:s24+$0x1A030]  }
0x49: {  	v3 =	vld [tilespmem:s24+$0x1A040]  }
0x4a: {  	v12 =	vld.idx.msk [tilespmem:v10+s3+$0x0], $0xffff  }
0x4b: {  	v13 =	vld.idx.msk [tilespmem:v8+s3+$0x0], $0xffff  }
0x4c: {  	v14 =	vld.idx.msk [tilespmem:v6+s3+$0x0], $0xffff  }
0x4d: {  	v15 =	vld.idx.msk [tilespmem:v4+s3+$0x0], $0xffff  }
0x4e: {  	v16 =	vld.idx.msk [tilespmem:v2+s3+$0x0], $0xffff  }
0x4f: {  	v17 =	vmax.f32 v12, v11  }
0x50: {  	v13 =	vmax.f32 v13, v9;
	[tilespmem:v10+s3+$0x0] =	vst.idx.msk $0xffff, v17  }
0x51: {  	v14 =	vmax.f32 v14, v7;
	[tilespmem:v8+s3+$0x0] =	vst.idx.msk $0xffff, v13  }
0x52: {  	v15 =	vmax.f32 v15, v5;
	[tilespmem:v6+s3+$0x0] =	vst.idx.msk $0xffff, v14  }
0x53: {  	v16 =	vmax.f32 v16, v3;
	[tilespmem:v4+s3+$0x0] =	vst.idx.msk $0xffff, v15  }
0x54: {  	[tilespmem:v2+s3+$0x0] =	vst.idx.msk $0xffff, v16  }
0x55: {  	v12 =	vld.idx.msk [tilespmem:v10+s3+$0x0], $0xffff  }
0x56: {  	v18 =	vld.idx.msk [tilespmem:v8+s3+$0x0], $0xffff  }
0x57: {  	v19 =	vld.idx.msk [tilespmem:v6+s3+$0x0], $0xffff  }
0x58: {  	v20 =	vld.idx.msk [tilespmem:v4+s3+$0x0], $0xffff  }
0x59: {  	v21 =	vld.idx.msk [tilespmem:v2+s3+$0x0], $0xffff;
	_ =	sdelay $0x1  }
0x5a: {  	vm0 =	vlt.f32 v12, v17;
	vm1 =	vlt.f32 v18, v13  }
0x5b: {  	vm13 =	vlt.f32 v19, v14;
	vm0 =	vmor vm0, vm1  }
0x5c: {  	vm14 =	vlt.f32 v20, v15;
	vm0 =	vmor vm0, vm13  }
0x5d: {  	vm15 =	vlt.f32 v21, v16;
	vm0 =	vmor vm0, vm14  }
0x5e: {  	vm0 =	vmor vm0, vm15  }
0x5f: {  	v13 =	vsel vm0, $0x3F800000, v0  }
0x60: {  	(xrf0) =	vmax.scan.msk.f32 $0xffff, v13;
	_ =	sdelay $0x5  }
0x61: {  	v13, _, _ =	vpop (xrf0)  }
0x62: {  	(v2sf) =	vpush v13, $0xF;
	_ =	sdelay $0xe  }
0x63: {  	s31 =	spop (v2sf)  }
0x64: {  	p0 =	sgt.f32 s31, $0.0e+00  }
.Ltmp6:
0x65: {  	_ = 	snop;
	(pc) =	sbr.rel @!p0 .LBB2_14-.Ltmp6, $1  }
0x66: {  	_ =	sdelay $0x3  }
0x67: {  	_ =	sdelay $0x2  }
0x68: {  	v13 =	vmax.f32 v12, v11  }
0x69: {  	[tilespmem:v10+s3+$0x0] =	vst.idx.msk $0xffff, v13  }
0x6a: {  	v12 =	vld.idx.msk [tilespmem:v10+s3+$0x0], $0xffff;
	_ =	sdelay $0x4  }
0x6b: {  	vm0 =	vlt.f32 v12, v13  }
0x6c: {  	v13 =	vsel vm0, $0x1, v1  }
0x6d: {  	v13 =	vor.u32 $0x80000000, v13  }
0x6e: {  	(xrf0) =	vmax.scan.msk.u32 $0xffff, v13;
	_ =	sdelay $0x5  }
0x6f: {  	v13, _, _ =	vpop (xrf0)  }
0x70: {  	(v2sf) =	vpush v13, $0xF;
	_ =	sdelay $0xe  }
0x71: {  	s24 =	spop (v2sf)  }
0x72: {  	p0 =	slt.u32 s24, $0x80000001  }
.Ltmp7:
0x73: {  	_ = 	snop;
	(pc) =	sbr.rel @p0 .LBB2_6-.Ltmp7, $1  }
0x74: {  	_ =	sdelay $0x3  }
0x75: {  	_ =	sdelay $0x3  }
0x76: {  	v12 =	vmax.f32 v12, v11  }
0x77: {  	[tilespmem:v10+s3+$0x0] =	vst.idx.msk vm0, v12  }
0x78: {  	v13 =	vld.idx.msk [tilespmem:v10+s3+$0x0], $0xffff;
	_ =	sdelay $0x4  }
0x79: {  	vm1 =	vlt.f32 v13, v12  }
0x7a: {  	vm14 =	vmand vm0, vm1;
	_ =	sdelay $0x4  }
0x7b: {  	v38 =	vmax.f32 v13, v11  }
0x7c: {  	[tilespmem:v10+s3+$0x0] =	vst.idx.msk vm14, v38  }
0x7d: {  	v39 =	vld.idx.msk [tilespmem:v10+s3+$0x0], $0xffff;
	_ =	sdelay $0x4  }
0x7e: {  	vm15 =	vlt.f32 v39, v38  }
0x7f: {  	vm0 =	vmand vm14, vm15;
	_ =	sdelay $0x4  }
0x80: {  	v40 =	vmax.f32 v39, v11  }
0x81: {  	[tilespmem:v10+s3+$0x0] =	vst.idx.msk vm0, v40  }
0x82: {  	v41 =	vld.idx.msk [tilespmem:v10+s3+$0x0], $0xffff;
	_ =	sdelay $0x4  }
0x83: {  	vm4 =	vlt.f32 v41, v40  }
0x84: {  	vm0 =	vmand vm0, vm4;
	_ =	sdelay $0x4  }
0x85: {  	v42 =	vmax.f32 v41, v11  }
0x86: {  	[tilespmem:v10+s3+$0x0] =	vst.idx.msk vm0, v42  }
0x87: {  	v43 =	vld.idx.msk [tilespmem:v10+s3+$0x0], $0xffff;
	_ =	sdelay $0x4  }
0x88: {  	vm5 =	vlt.f32 v43, v42  }
0x89: {  	vm0 =	vmand vm0, vm5;
	_ =	sdelay $0x4  }
0x8a: {  	v44 =	vmax.f32 v43, v11  }
0x8b: {  	[tilespmem:v10+s3+$0x0] =	vst.idx.msk vm0, v44  }
0x8c: {  	v45 =	vld.idx.msk [tilespmem:v10+s3+$0x0], $0xffff;
	_ =	sdelay $0x4  }
0x8d: {  	vm6 =	vlt.f32 v45, v44  }
0x8e: {  	vm0 =	vmand vm0, vm6;
	_ =	sdelay $0x4  }
0x8f: {  	v46 =	vmax.f32 v45, v11  }
0x90: {  	[tilespmem:v10+s3+$0x0] =	vst.idx.msk vm0, v46  }
0x91: {  	v47 =	vld.idx.msk [tilespmem:v10+s3+$0x0], $0xffff;
	_ =	sdelay $0x4  }
0x92: {  	vm7 =	vlt.f32 v47, v46  }
0x93: {  	vm0 =	vmand vm0, vm7;
	_ =	sdelay $0x4  }
0x94: {  	v48 =	vmax.f32 v47, v11  }
0x95: {  	[tilespmem:v10+s3+$0x0] =	vst.idx.msk vm0, v48  }
0x96: {  	v49 =	vld.idx.msk [tilespmem:v10+s3+$0x0], $0xffff;
	_ =	sdelay $0x4  }
0x97: {  	vm8 =	vlt.f32 v49, v48  }
0x98: {  	vm0 =	vmand vm0, vm8;
	_ =	sdelay $0x4  }
0x99: {  	v50 =	vmax.f32 v49, v11  }
0x9a: {  	[tilespmem:v10+s3+$0x0] =	vst.idx.msk vm0, v50  }
0x9b: {  	v51 =	vld.idx.msk [tilespmem:v10+s3+$0x0], $0xffff;
	_ =	sdelay $0x4  }
0x9c: {  	vm9 =	vlt.f32 v51, v50  }
0x9d: {  	vm0 =	vmand vm0, vm9;
	_ =	sdelay $0x4  }
0x9e: {  	v52 =	vmax.f32 v51, v11  }
0x9f: {  	[tilespmem:v10+s3+$0x0] =	vst.idx.msk vm0, v52  }
0xa0: {  	v53 =	vld.idx.msk [tilespmem:v10+s3+$0x0], $0xffff;
	_ =	sdelay $0x4  }
0xa1: {  	vm10 =	vlt.f32 v53, v52  }
0xa2: {  	vm0 =	vmand vm0, vm10;
	_ =	sdelay $0x4  }
0xa3: {  	v54 =	vmax.f32 v53, v11  }
0xa4: {  	[tilespmem:v10+s3+$0x0] =	vst.idx.msk vm0, v54  }
0xa5: {  	v55 =	vld.idx.msk [tilespmem:v10+s3+$0x0], $0xffff;
	_ =	sdelay $0x4  }
0xa6: {  	vm11 =	vlt.f32 v55, v54  }
0xa7: {  	vm0 =	vmand vm0, vm11;
	_ =	sdelay $0x4  }
0xa8: {  	v56 =	vmax.f32 v55, v11  }
0xa9: {  	[tilespmem:v10+s3+$0x0] =	vst.idx.msk vm0, v56  }
0xaa: {  	v57 =	vld.idx.msk [tilespmem:v10+s3+$0x0], $0xffff;
	_ =	sdelay $0x4  }
0xab: {  	vm12 =	vlt.f32 v57, v56  }
0xac: {  	vm0 =	vmand vm0, vm12;
	_ =	sdelay $0x4  }
0xad: {  	v58 =	vmax.f32 v57, v11  }
0xae: {  	[tilespmem:v10+s3+$0x0] =	vst.idx.msk vm0, v58  }
0xaf: {  	v59 =	vld.idx.msk [tilespmem:v10+s3+$0x0], $0xffff;
	_ =	sdelay $0x4  }
0xb0: {  	vm13 =	vlt.f32 v59, v58  }
0xb1: {  	vm0 =	vmand vm0, vm13;
	_ =	sdelay $0x4  }
0xb2: {  	v60 =	vmax.f32 v59, v11  }
0xb3: {  	[tilespmem:v10+s3+$0x0] =	vst.idx.msk vm0, v60  }
0xb4: {  	v61 =	vld.idx.msk [tilespmem:v10+s3+$0x0], $0xffff;
	_ =	sdelay $0x4  }
0xb5: {  	vm14 =	vlt.f32 v61, v60  }
0xb6: {  	vm0 =	vmand vm0, vm14;
	_ =	sdelay $0x4  }
0xb7: {  	v62 =	vmax.f32 v61, v11  }
0xb8: {  	[tilespmem:v10+s3+$0x0] =	vst.idx.msk vm0, v62  }
0xb9: {  	v63 =	vld.idx.msk [tilespmem:v10+s3+$0x0], $0xffff;
	_ =	sdelay $0x4  }
0xba: {  	vm15 =	vlt.f32 v63, v62  }
0xbb: {  	vm0 =	vmand vm0, vm15;
	_ =	sdelay $0x4  }
0xbc: {  	v11 =	vmax.f32 v63, v11  }
0xbd: {  	[tilespmem:v10+s3+$0x0] =	vst.idx.msk vm0, v11  }
.LBB2_6:
0xbe: {  	_ =	sdelay $0x3  }
0xbf: {  	v10 =	vld.idx.msk [tilespmem:v8+s3+$0x0], $0xffff;
	_ =	sdelay $0x4  }
0xc0: {  	v11 =	vmax.f32 v10, v9  }
0xc1: {  	[tilespmem:v8+s3+$0x0] =	vst.idx.msk $0xffff, v11  }
0xc2: {  	v10 =	vld.idx.msk [tilespmem:v8+s3+$0x0], $0xffff;
	_ =	sdelay $0x4  }
0xc3: {  	vm0 =	vlt.f32 v10, v11  }
0xc4: {  	v11 =	vsel vm0, $0x1, v1  }
0xc5: {  	v11 =	vor.u32 $0x80000000, v11  }
0xc6: {  	(xrf0) =	vmax.scan.msk.u32 $0xffff, v11;
	_ =	sdelay $0x5  }
0xc7: {  	v11, _, _ =	vpop (xrf0)  }
0xc8: {  	(v2sf) =	vpush v11, $0xF;
	_ =	sdelay $0xe  }
0xc9: {  	s24 =	spop (v2sf)  }
0xca: {  	p0 =	slt.u32 s24, $0x80000001  }
.Ltmp8:
0xcb: {  	_ = 	snop;
	(pc) =	sbr.rel @p0 .LBB2_8-.Ltmp8, $1  }
0xcc: {  	_ =	sdelay $0x3  }
0xcd: {  	_ =	sdelay $0x3  }
0xce: {  	v10 =	vmax.f32 v10, v9  }
0xcf: {  	[tilespmem:v8+s3+$0x0] =	vst.idx.msk vm0, v10  }
0xd0: {  	v11 =	vld.idx.msk [tilespmem:v8+s3+$0x0], $0xffff;
	_ =	sdelay $0x4  }
0xd1: {  	vm1 =	vlt.f32 v11, v10  }
0xd2: {  	vm14 =	vmand vm0, vm1;
	_ =	sdelay $0x4  }
0xd3: {  	v37 =	vmax.f32 v11, v9  }
0xd4: {  	[tilespmem:v8+s3+$0x0] =	vst.idx.msk vm14, v37  }
0xd5: {  	v38 =	vld.idx.msk [tilespmem:v8+s3+$0x0], $0xffff;
	_ =	sdelay $0x4  }
0xd6: {  	vm15 =	vlt.f32 v38, v37  }
0xd7: {  	vm0 =	vmand vm14, vm15;
	_ =	sdelay $0x4  }
0xd8: {  	v39 =	vmax.f32 v38, v9  }
0xd9: {  	[tilespmem:v8+s3+$0x0] =	vst.idx.msk vm0, v39  }
0xda: {  	v40 =	vld.idx.msk [tilespmem:v8+s3+$0x0], $0xffff;
	_ =	sdelay $0x4  }
0xdb: {  	vm4 =	vlt.f32 v40, v39  }
0xdc: {  	vm0 =	vmand vm0, vm4;
	_ =	sdelay $0x4  }
0xdd: {  	v41 =	vmax.f32 v40, v9  }
0xde: {  	[tilespmem:v8+s3+$0x0] =	vst.idx.msk vm0, v41  }
0xdf: {  	v42 =	vld.idx.msk [tilespmem:v8+s3+$0x0], $0xffff;
	_ =	sdelay $0x4  }
0xe0: {  	vm5 =	vlt.f32 v42, v41  }
0xe1: {  	vm0 =	vmand vm0, vm5;
	_ =	sdelay $0x4  }
0xe2: {  	v43 =	vmax.f32 v42, v9  }
0xe3: {  	[tilespmem:v8+s3+$0x0] =	vst.idx.msk vm0, v43  }
0xe4: {  	v44 =	vld.idx.msk [tilespmem:v8+s3+$0x0], $0xffff;
	_ =	sdelay $0x4  }
0xe5: {  	vm6 =	vlt.f32 v44, v43  }
0xe6: {  	vm0 =	vmand vm0, vm6;
	_ =	sdelay $0x4  }
0xe7: {  	v45 =	vmax.f32 v44, v9  }
0xe8: {  	[tilespmem:v8+s3+$0x0] =	vst.idx.msk vm0, v45  }
0xe9: {  	v46 =	vld.idx.msk [tilespmem:v8+s3+$0x0], $0xffff;
	_ =	sdelay $0x4  }
0xea: {  	vm7 =	vlt.f32 v46, v45  }
0xeb: {  	vm0 =	vmand vm0, vm7;
	_ =	sdelay $0x4  }
0xec: {  	v47 =	vmax.f32 v46, v9  }
0xed: {  	[tilespmem:v8+s3+$0x0] =	vst.idx.msk vm0, v47  }
0xee: {  	v48 =	vld.idx.msk [tilespmem:v8+s3+$0x0], $0xffff;
	_ =	sdelay $0x4  }
0xef: {  	vm8 =	vlt.f32 v48, v47  }
0xf0: {  	vm0 =	vmand vm0, vm8;
	_ =	sdelay $0x4  }
0xf1: {  	v49 =	vmax.f32 v48, v9  }
0xf2: {  	[tilespmem:v8+s3+$0x0] =	vst.idx.msk vm0, v49  }
0xf3: {  	v50 =	vld.idx.msk [tilespmem:v8+s3+$0x0], $0xffff;
	_ =	sdelay $0x4  }
0xf4: {  	vm9 =	vlt.f32 v50, v49  }
0xf5: {  	vm0 =	vmand vm0, vm9;
	_ =	sdelay $0x4  }
0xf6: {  	v51 =	vmax.f32 v50, v9  }
0xf7: {  	[tilespmem:v8+s3+$0x0] =	vst.idx.msk vm0, v51  }
0xf8: {  	v52 =	vld.idx.msk [tilespmem:v8+s3+$0x0], $0xffff;
	_ =	sdelay $0x4  }
0xf9: {  	vm10 =	vlt.f32 v52, v51  }
0xfa: {  	vm0 =	vmand vm0, vm10;
	_ =	sdelay $0x4  }
0xfb: {  	v53 =	vmax.f32 v52, v9  }
0xfc: {  	[tilespmem:v8+s3+$0x0] =	vst.idx.msk vm0, v53  }
0xfd: {  	v54 =	vld.idx.msk [tilespmem:v8+s3+$0x0], $0xffff;
	_ =	sdelay $0x4  }
0xfe: {  	vm11 =	vlt.f32 v54, v53  }
0xff: {  	vm0 =	vmand vm0, vm11;
	_ =	sdelay $0x4  }
0x100: {  	v55 =	vmax.f32 v54, v9  }
0x101: {  	[tilespmem:v8+s3+$0x0] =	vst.idx.msk vm0, v55  }
0x102: {  	v56 =	vld.idx.msk [tilespmem:v8+s3+$0x0], $0xffff;
	_ =	sdelay $0x4  }
0x103: {  	vm12 =	vlt.f32 v56, v55  }
0x104: {  	vm0 =	vmand vm0, vm12;
	_ =	sdelay $0x4  }
0x105: {  	v57 =	vmax.f32 v56, v9  }
0x106: {  	[tilespmem:v8+s3+$0x0] =	vst.idx.msk vm0, v57  }
0x107: {  	v58 =	vld.idx.msk [tilespmem:v8+s3+$0x0], $0xffff;
	_ =	sdelay $0x4  }
0x108: {  	vm13 =	vlt.f32 v58, v57  }
0x109: {  	vm0 =	vmand vm0, vm13;
	_ =	sdelay $0x4  }
0x10a: {  	v59 =	vmax.f32 v58, v9  }
0x10b: {  	[tilespmem:v8+s3+$0x0] =	vst.idx.msk vm0, v59  }
0x10c: {  	v60 =	vld.idx.msk [tilespmem:v8+s3+$0x0], $0xffff;
	_ =	sdelay $0x4  }
0x10d: {  	vm14 =	vlt.f32 v60, v59  }
0x10e: {  	vm0 =	vmand vm0, vm14;
	_ =	sdelay $0x4  }
0x10f: {  	v61 =	vmax.f32 v60, v9  }
0x110: {  	[tilespmem:v8+s3+$0x0] =	vst.idx.msk vm0, v61  }
0x111: {  	v62 =	vld.idx.msk [tilespmem:v8+s3+$0x0], $0xffff;
	_ =	sdelay $0x4  }
0x112: {  	vm15 =	vlt.f32 v62, v61  }
0x113: {  	vm0 =	vmand vm0, vm15;
	_ =	sdelay $0x4  }
0x114: {  	v63 =	vmax.f32 v62, v9  }
0x115: {  	[tilespmem:v8+s3+$0x0] =	vst.idx.msk vm0, v63  }
.LBB2_8:
0x116: {  	_ =	sdelay $0x3  }
0x117: {  	v8 =	vld.idx.msk [tilespmem:v6+s3+$0x0], $0xffff;
	_ =	sdelay $0x4  }
0x118: {  	v9 =	vmax.f32 v8, v7  }
0x119: {  	[tilespmem:v6+s3+$0x0] =	vst.idx.msk $0xffff, v9  }
0x11a: {  	v8 =	vld.idx.msk [tilespmem:v6+s3+$0x0], $0xffff;
	_ =	sdelay $0x4  }
0x11b: {  	vm0 =	vlt.f32 v8, v9  }
0x11c: {  	v9 =	vsel vm0, $0x1, v1  }
0x11d: {  	v9 =	vor.u32 $0x80000000, v9  }
0x11e: {  	(xrf0) =	vmax.scan.msk.u32 $0xffff, v9;
	_ =	sdelay $0x5  }
0x11f: {  	v9, _, _ =	vpop (xrf0)  }
0x120: {  	(v2sf) =	vpush v9, $0xF;
	_ =	sdelay $0xe  }
0x121: {  	s24 =	spop (v2sf)  }
0x122: {  	p0 =	slt.u32 s24, $0x80000001  }
.Ltmp9:
0x123: {  	_ = 	snop;
	(pc) =	sbr.rel @p0 .LBB2_10-.Ltmp9, $1  }
0x124: {  	_ =	sdelay $0x3  }
0x125: {  	_ =	sdelay $0x3  }
0x126: {  	v8 =	vmax.f32 v8, v7  }
0x127: {  	[tilespmem:v6+s3+$0x0] =	vst.idx.msk vm0, v8  }
0x128: {  	v9 =	vld.idx.msk [tilespmem:v6+s3+$0x0], $0xffff;
	_ =	sdelay $0x4  }
0x129: {  	vm1 =	vlt.f32 v9, v8  }
0x12a: {  	vm14 =	vmand vm0, vm1;
	_ =	sdelay $0x4  }
0x12b: {  	v38 =	vmax.f32 v9, v7  }
0x12c: {  	[tilespmem:v6+s3+$0x0] =	vst.idx.msk vm14, v38  }
0x12d: {  	v39 =	vld.idx.msk [tilespmem:v6+s3+$0x0], $0xffff;
	_ =	sdelay $0x4  }
0x12e: {  	vm15 =	vlt.f32 v39, v38  }
0x12f: {  	vm0 =	vmand vm14, vm15;
	_ =	sdelay $0x4  }
0x130: {  	v40 =	vmax.f32 v39, v7  }
0x131: {  	[tilespmem:v6+s3+$0x0] =	vst.idx.msk vm0, v40  }
0x132: {  	v41 =	vld.idx.msk [tilespmem:v6+s3+$0x0], $0xffff;
	_ =	sdelay $0x4  }
0x133: {  	vm4 =	vlt.f32 v41, v40  }
0x134: {  	vm0 =	vmand vm0, vm4;
	_ =	sdelay $0x4  }
0x135: {  	v42 =	vmax.f32 v41, v7  }
0x136: {  	[tilespmem:v6+s3+$0x0] =	vst.idx.msk vm0, v42  }
0x137: {  	v43 =	vld.idx.msk [tilespmem:v6+s3+$0x0], $0xffff;
	_ =	sdelay $0x4  }
0x138: {  	vm5 =	vlt.f32 v43, v42  }
0x139: {  	vm0 =	vmand vm0, vm5;
	_ =	sdelay $0x4  }
0x13a: {  	v44 =	vmax.f32 v43, v7  }
0x13b: {  	[tilespmem:v6+s3+$0x0] =	vst.idx.msk vm0, v44  }
0x13c: {  	v45 =	vld.idx.msk [tilespmem:v6+s3+$0x0], $0xffff;
	_ =	sdelay $0x4  }
0x13d: {  	vm6 =	vlt.f32 v45, v44  }
0x13e: {  	vm0 =	vmand vm0, vm6;
	_ =	sdelay $0x4  }
0x13f: {  	v46 =	vmax.f32 v45, v7  }
0x140: {  	[tilespmem:v6+s3+$0x0] =	vst.idx.msk vm0, v46  }
0x141: {  	v47 =	vld.idx.msk [tilespmem:v6+s3+$0x0], $0xffff;
	_ =	sdelay $0x4  }
0x142: {  	vm7 =	vlt.f32 v47, v46  }
0x143: {  	vm0 =	vmand vm0, vm7;
	_ =	sdelay $0x4  }
0x144: {  	v48 =	vmax.f32 v47, v7  }
0x145: {  	[tilespmem:v6+s3+$0x0] =	vst.idx.msk vm0, v48  }
0x146: {  	v49 =	vld.idx.msk [tilespmem:v6+s3+$0x0], $0xffff;
	_ =	sdelay $0x4  }
0x147: {  	vm8 =	vlt.f32 v49, v48  }
0x148: {  	vm0 =	vmand vm0, vm8;
	_ =	sdelay $0x4  }
0x149: {  	v50 =	vmax.f32 v49, v7  }
0x14a: {  	[tilespmem:v6+s3+$0x0] =	vst.idx.msk vm0, v50  }
0x14b: {  	v51 =	vld.idx.msk [tilespmem:v6+s3+$0x0], $0xffff;
	_ =	sdelay $0x4  }
0x14c: {  	vm9 =	vlt.f32 v51, v50  }
0x14d: {  	vm0 =	vmand vm0, vm9;
	_ =	sdelay $0x4  }
0x14e: {  	v52 =	vmax.f32 v51, v7  }
0x14f: {  	[tilespmem:v6+s3+$0x0] =	vst.idx.msk vm0, v52  }
0x150: {  	v53 =	vld.idx.msk [tilespmem:v6+s3+$0x0], $0xffff;
	_ =	sdelay $0x4  }
0x151: {  	vm10 =	vlt.f32 v53, v52  }
0x152: {  	vm0 =	vmand vm0, vm10;
	_ =	sdelay $0x4  }
0x153: {  	v54 =	vmax.f32 v53, v7  }
0x154: {  	[tilespmem:v6+s3+$0x0] =	vst.idx.msk vm0, v54  }
0x155: {  	v55 =	vld.idx.msk [tilespmem:v6+s3+$0x0], $0xffff;
	_ =	sdelay $0x4  }
0x156: {  	vm11 =	vlt.f32 v55, v54  }
0x157: {  	vm0 =	vmand vm0, vm11;
	_ =	sdelay $0x4  }
0x158: {  	v56 =	vmax.f32 v55, v7  }
0x159: {  	[tilespmem:v6+s3+$0x0] =	vst.idx.msk vm0, v56  }
0x15a: {  	v57 =	vld.idx.msk [tilespmem:v6+s3+$0x0], $0xffff;
	_ =	sdelay $0x4  }
0x15b: {  	vm12 =	vlt.f32 v57, v56  }
0x15c: {  	vm0 =	vmand vm0, vm12;
	_ =	sdelay $0x4  }
0x15d: {  	v58 =	vmax.f32 v57, v7  }
0x15e: {  	[tilespmem:v6+s3+$0x0] =	vst.idx.msk vm0, v58  }
0x15f: {  	v59 =	vld.idx.msk [tilespmem:v6+s3+$0x0], $0xffff;
	_ =	sdelay $0x4  }
0x160: {  	vm13 =	vlt.f32 v59, v58  }
0x161: {  	vm0 =	vmand vm0, vm13;
	_ =	sdelay $0x4  }
0x162: {  	v60 =	vmax.f32 v59, v7  }
0x163: {  	[tilespmem:v6+s3+$0x0] =	vst.idx.msk vm0, v60  }
0x164: {  	v61 =	vld.idx.msk [tilespmem:v6+s3+$0x0], $0xffff;
	_ =	sdelay $0x4  }
0x165: {  	vm14 =	vlt.f32 v61, v60  }
0x166: {  	vm0 =	vmand vm0, vm14;
	_ =	sdelay $0x4  }
0x167: {  	v62 =	vmax.f32 v61, v7  }
0x168: {  	[tilespmem:v6+s3+$0x0] =	vst.idx.msk vm0, v62  }
0x169: {  	v63 =	vld.idx.msk [tilespmem:v6+s3+$0x0], $0xffff;
	_ =	sdelay $0x4  }
0x16a: {  	vm15 =	vlt.f32 v63, v62  }
0x16b: {  	vm0 =	vmand vm0, vm15;
	_ =	sdelay $0x4  }
0x16c: {  	v7 =	vmax.f32 v63, v7  }
0x16d: {  	[tilespmem:v6+s3+$0x0] =	vst.idx.msk vm0, v7  }
.LBB2_10:
0x16e: {  	_ =	sdelay $0x3  }
0x16f: {  	v6 =	vld.idx.msk [tilespmem:v4+s3+$0x0], $0xffff;
	_ =	sdelay $0x4  }
0x170: {  	v7 =	vmax.f32 v6, v5  }
0x171: {  	[tilespmem:v4+s3+$0x0] =	vst.idx.msk $0xffff, v7  }
0x172: {  	v6 =	vld.idx.msk [tilespmem:v4+s3+$0x0], $0xffff;
	_ =	sdelay $0x4  }
0x173: {  	vm0 =	vlt.f32 v6, v7  }
0x174: {  	v7 =	vsel vm0, $0x1, v1  }
0x175: {  	v7 =	vor.u32 $0x80000000, v7  }
0x176: {  	(xrf0) =	vmax.scan.msk.u32 $0xffff, v7;
	_ =	sdelay $0x5  }
0x177: {  	v7, _, _ =	vpop (xrf0)  }
0x178: {  	(v2sf) =	vpush v7, $0xF;
	_ =	sdelay $0xe  }
0x179: {  	s24 =	spop (v2sf)  }
0x17a: {  	p0 =	slt.u32 s24, $0x80000001  }
.Ltmp10:
0x17b: {  	_ = 	snop;
	(pc) =	sbr.rel @p0 .LBB2_12-.Ltmp10, $1  }
0x17c: {  	_ =	sdelay $0x3  }
0x17d: {  	_ =	sdelay $0x3  }
0x17e: {  	v6 =	vmax.f32 v6, v5  }
0x17f: {  	[tilespmem:v4+s3+$0x0] =	vst.idx.msk vm0, v6  }
0x180: {  	v7 =	vld.idx.msk [tilespmem:v4+s3+$0x0], $0xffff;
	_ =	sdelay $0x4  }
0x181: {  	vm1 =	vlt.f32 v7, v6  }
0x182: {  	vm14 =	vmand vm0, vm1;
	_ =	sdelay $0x4  }
0x183: {  	v38 =	vmax.f32 v7, v5  }
0x184: {  	[tilespmem:v4+s3+$0x0] =	vst.idx.msk vm14, v38  }
0x185: {  	v39 =	vld.idx.msk [tilespmem:v4+s3+$0x0], $0xffff;
	_ =	sdelay $0x4  }
0x186: {  	vm15 =	vlt.f32 v39, v38  }
0x187: {  	vm0 =	vmand vm14, vm15;
	_ =	sdelay $0x4  }
0x188: {  	v40 =	vmax.f32 v39, v5  }
0x189: {  	[tilespmem:v4+s3+$0x0] =	vst.idx.msk vm0, v40  }
0x18a: {  	v41 =	vld.idx.msk [tilespmem:v4+s3+$0x0], $0xffff;
	_ =	sdelay $0x4  }
0x18b: {  	vm4 =	vlt.f32 v41, v40  }
0x18c: {  	vm0 =	vmand vm0, vm4;
	_ =	sdelay $0x4  }
0x18d: {  	v42 =	vmax.f32 v41, v5  }
0x18e: {  	[tilespmem:v4+s3+$0x0] =	vst.idx.msk vm0, v42  }
0x18f: {  	v43 =	vld.idx.msk [tilespmem:v4+s3+$0x0], $0xffff;
	_ =	sdelay $0x4  }
0x190: {  	vm5 =	vlt.f32 v43, v42  }
0x191: {  	vm0 =	vmand vm0, vm5;
	_ =	sdelay $0x4  }
0x192: {  	v44 =	vmax.f32 v43, v5  }
0x193: {  	[tilespmem:v4+s3+$0x0] =	vst.idx.msk vm0, v44  }
0x194: {  	v45 =	vld.idx.msk [tilespmem:v4+s3+$0x0], $0xffff;
	_ =	sdelay $0x4  }
0x195: {  	vm6 =	vlt.f32 v45, v44  }
0x196: {  	vm0 =	vmand vm0, vm6;
	_ =	sdelay $0x4  }
0x197: {  	v46 =	vmax.f32 v45, v5  }
0x198: {  	[tilespmem:v4+s3+$0x0] =	vst.idx.msk vm0, v46  }
0x199: {  	v47 =	vld.idx.msk [tilespmem:v4+s3+$0x0], $0xffff;
	_ =	sdelay $0x4  }
0x19a: {  	vm7 =	vlt.f32 v47, v46  }
0x19b: {  	vm0 =	vmand vm0, vm7;
	_ =	sdelay $0x4  }
0x19c: {  	v48 =	vmax.f32 v47, v5  }
0x19d: {  	[tilespmem:v4+s3+$0x0] =	vst.idx.msk vm0, v48  }
0x19e: {  	v49 =	vld.idx.msk [tilespmem:v4+s3+$0x0], $0xffff;
	_ =	sdelay $0x4  }
0x19f: {  	vm8 =	vlt.f32 v49, v48  }
0x1a0: {  	vm0 =	vmand vm0, vm8;
	_ =	sdelay $0x4  }
0x1a1: {  	v50 =	vmax.f32 v49, v5  }
0x1a2: {  	[tilespmem:v4+s3+$0x0] =	vst.idx.msk vm0, v50  }
0x1a3: {  	v51 =	vld.idx.msk [tilespmem:v4+s3+$0x0], $0xffff;
	_ =	sdelay $0x4  }
0x1a4: {  	vm9 =	vlt.f32 v51, v50  }
0x1a5: {  	vm0 =	vmand vm0, vm9;
	_ =	sdelay $0x4  }
0x1a6: {  	v52 =	vmax.f32 v51, v5  }
0x1a7: {  	[tilespmem:v4+s3+$0x0] =	vst.idx.msk vm0, v52  }
0x1a8: {  	v53 =	vld.idx.msk [tilespmem:v4+s3+$0x0], $0xffff;
	_ =	sdelay $0x4  }
0x1a9: {  	vm10 =	vlt.f32 v53, v52  }
0x1aa: {  	vm0 =	vmand vm0, vm10;
	_ =	sdelay $0x4  }
0x1ab: {  	v54 =	vmax.f32 v53, v5  }
0x1ac: {  	[tilespmem:v4+s3+$0x0] =	vst.idx.msk vm0, v54  }
0x1ad: {  	v55 =	vld.idx.msk [tilespmem:v4+s3+$0x0], $0xffff;
	_ =	sdelay $0x4  }
0x1ae: {  	vm11 =	vlt.f32 v55, v54  }
0x1af: {  	vm0 =	vmand vm0, vm11;
	_ =	sdelay $0x4  }
0x1b0: {  	v56 =	vmax.f32 v55, v5  }
0x1b1: {  	[tilespmem:v4+s3+$0x0] =	vst.idx.msk vm0, v56  }
0x1b2: {  	v57 =	vld.idx.msk [tilespmem:v4+s3+$0x0], $0xffff;
	_ =	sdelay $0x4  }
0x1b3: {  	vm12 =	vlt.f32 v57, v56  }
0x1b4: {  	vm0 =	vmand vm0, vm12;
	_ =	sdelay $0x4  }
0x1b5: {  	v58 =	vmax.f32 v57, v5  }
0x1b6: {  	[tilespmem:v4+s3+$0x0] =	vst.idx.msk vm0, v58  }
0x1b7: {  	v59 =	vld.idx.msk [tilespmem:v4+s3+$0x0], $0xffff;
	_ =	sdelay $0x4  }
0x1b8: {  	vm13 =	vlt.f32 v59, v58  }
0x1b9: {  	vm0 =	vmand vm0, vm13;
	_ =	sdelay $0x4  }
0x1ba: {  	v60 =	vmax.f32 v59, v5  }
0x1bb: {  	[tilespmem:v4+s3+$0x0] =	vst.idx.msk vm0, v60  }
0x1bc: {  	v61 =	vld.idx.msk [tilespmem:v4+s3+$0x0], $0xffff;
	_ =	sdelay $0x4  }
0x1bd: {  	vm14 =	vlt.f32 v61, v60  }
0x1be: {  	vm0 =	vmand vm0, vm14;
	_ =	sdelay $0x4  }
0x1bf: {  	v62 =	vmax.f32 v61, v5  }
0x1c0: {  	[tilespmem:v4+s3+$0x0] =	vst.idx.msk vm0, v62  }
0x1c1: {  	v63 =	vld.idx.msk [tilespmem:v4+s3+$0x0], $0xffff;
	_ =	sdelay $0x4  }
0x1c2: {  	vm15 =	vlt.f32 v63, v62  }
0x1c3: {  	vm0 =	vmand vm0, vm15;
	_ =	sdelay $0x4  }
0x1c4: {  	v5 =	vmax.f32 v63, v5  }
0x1c5: {  	[tilespmem:v4+s3+$0x0] =	vst.idx.msk vm0, v5  }
.LBB2_12:
0x1c6: {  	_ =	sdelay $0x3  }
0x1c7: {  	v4 =	vld.idx.msk [tilespmem:v2+s3+$0x0], $0xffff;
	_ =	sdelay $0x4  }
0x1c8: {  	v5 =	vmax.f32 v4, v3  }
0x1c9: {  	[tilespmem:v2+s3+$0x0] =	vst.idx.msk $0xffff, v5  }
0x1ca: {  	v4 =	vld.idx.msk [tilespmem:v2+s3+$0x0], $0xffff;
	_ =	sdelay $0x4  }
0x1cb: {  	vm0 =	vlt.f32 v4, v5  }
0x1cc: {  	v5 =	vsel vm0, $0x1, v1  }
0x1cd: {  	v5 =	vor.u32 $0x80000000, v5  }
0x1ce: {  	(xrf0) =	vmax.scan.msk.u32 $0xffff, v5;
	_ =	sdelay $0x5  }
0x1cf: {  	v5, _, _ =	vpop (xrf0)  }
0x1d0: {  	(v2sf) =	vpush v5, $0xF;
	_ =	sdelay $0xe  }
0x1d1: {  	s24 =	spop (v2sf)  }
0x1d2: {  	p0 =	slt.u32 s24, $0x80000001  }
.Ltmp11:
0x1d3: {  	_ = 	snop;
	(pc) =	sbr.rel @p0 .LBB2_14-.Ltmp11, $1  }
0x1d4: {  	_ =	sdelay $0x3  }
0x1d5: {  	_ =	sdelay $0x3  }
0x1d6: {  	v4 =	vmax.f32 v4, v3  }
0x1d7: {  	[tilespmem:v2+s3+$0x0] =	vst.idx.msk vm0, v4  }
0x1d8: {  	v5 =	vld.idx.msk [tilespmem:v2+s3+$0x0], $0xffff;
	_ =	sdelay $0x4  }
0x1d9: {  	vm1 =	vlt.f32 v5, v4  }
0x1da: {  	vm14 =	vmand vm0, vm1;
	_ =	sdelay $0x4  }
0x1db: {  	v38 =	vmax.f32 v5, v3  }
0x1dc: {  	[tilespmem:v2+s3+$0x0] =	vst.idx.msk vm14, v38  }
0x1dd: {  	v39 =	vld.idx.msk [tilespmem:v2+s3+$0x0], $0xffff;
	_ =	sdelay $0x4  }
0x1de: {  	vm15 =	vlt.f32 v39, v38  }
0x1df: {  	vm0 =	vmand vm14, vm15;
	_ =	sdelay $0x4  }
0x1e0: {  	v40 =	vmax.f32 v39, v3  }
0x1e1: {  	[tilespmem:v2+s3+$0x0] =	vst.idx.msk vm0, v40  }
0x1e2: {  	v41 =	vld.idx.msk [tilespmem:v2+s3+$0x0], $0xffff;
	_ =	sdelay $0x4  }
0x1e3: {  	vm4 =	vlt.f32 v41, v40  }
0x1e4: {  	vm0 =	vmand vm0, vm4;
	_ =	sdelay $0x4  }
0x1e5: {  	v42 =	vmax.f32 v41, v3  }
0x1e6: {  	[tilespmem:v2+s3+$0x0] =	vst.idx.msk vm0, v42  }
0x1e7: {  	v43 =	vld.idx.msk [tilespmem:v2+s3+$0x0], $0xffff;
	_ =	sdelay $0x4  }
0x1e8: {  	vm5 =	vlt.f32 v43, v42  }
0x1e9: {  	vm0 =	vmand vm0, vm5;
	_ =	sdelay $0x4  }
0x1ea: {  	v44 =	vmax.f32 v43, v3  }
0x1eb: {  	[tilespmem:v2+s3+$0x0] =	vst.idx.msk vm0, v44  }
0x1ec: {  	v45 =	vld.idx.msk [tilespmem:v2+s3+$0x0], $0xffff;
	_ =	sdelay $0x4  }
0x1ed: {  	vm6 =	vlt.f32 v45, v44  }
0x1ee: {  	vm0 =	vmand vm0, vm6;
	_ =	sdelay $0x4  }
0x1ef: {  	v46 =	vmax.f32 v45, v3  }
0x1f0: {  	[tilespmem:v2+s3+$0x0] =	vst.idx.msk vm0, v46  }
0x1f1: {  	v47 =	vld.idx.msk [tilespmem:v2+s3+$0x0], $0xffff;
	_ =	sdelay $0x4  }
0x1f2: {  	vm7 =	vlt.f32 v47, v46  }
0x1f3: {  	vm0 =	vmand vm0, vm7;
	_ =	sdelay $0x4  }
0x1f4: {  	v48 =	vmax.f32 v47, v3  }
0x1f5: {  	[tilespmem:v2+s3+$0x0] =	vst.idx.msk vm0, v48  }
0x1f6: {  	v49 =	vld.idx.msk [tilespmem:v2+s3+$0x0], $0xffff;
	_ =	sdelay $0x4  }
0x1f7: {  	vm8 =	vlt.f32 v49, v48  }
0x1f8: {  	vm0 =	vmand vm0, vm8;
	_ =	sdelay $0x4  }
0x1f9: {  	v50 =	vmax.f32 v49, v3  }
0x1fa: {  	[tilespmem:v2+s3+$0x0] =	vst.idx.msk vm0, v50  }
0x1fb: {  	v51 =	vld.idx.msk [tilespmem:v2+s3+$0x0], $0xffff;
	_ =	sdelay $0x4  }
0x1fc: {  	vm9 =	vlt.f32 v51, v50  }
0x1fd: {  	vm0 =	vmand vm0, vm9;
	_ =	sdelay $0x4  }
0x1fe: {  	v52 =	vmax.f32 v51, v3  }
0x1ff: {  	[tilespmem:v2+s3+$0x0] =	vst.idx.msk vm0, v52  }
0x200: {  	v53 =	vld.idx.msk [tilespmem:v2+s3+$0x0], $0xffff;
	_ =	sdelay $0x4  }
0x201: {  	vm10 =	vlt.f32 v53, v52  }
0x202: {  	vm0 =	vmand vm0, vm10;
	_ =	sdelay $0x4  }
0x203: {  	v54 =	vmax.f32 v53, v3  }
0x204: {  	[tilespmem:v2+s3+$0x0] =	vst.idx.msk vm0, v54  }
0x205: {  	v55 =	vld.idx.msk [tilespmem:v2+s3+$0x0], $0xffff;
	_ =	sdelay $0x4  }
0x206: {  	vm11 =	vlt.f32 v55, v54  }
0x207: {  	vm0 =	vmand vm0, vm11;
	_ =	sdelay $0x4  }
0x208: {  	v56 =	vmax.f32 v55, v3  }
0x209: {  	[tilespmem:v2+s3+$0x0] =	vst.idx.msk vm0, v56  }
0x20a: {  	v57 =	vld.idx.msk [tilespmem:v2+s3+$0x0], $0xffff;
	_ =	sdelay $0x4  }
0x20b: {  	vm12 =	vlt.f32 v57, v56  }
0x20c: {  	vm0 =	vmand vm0, vm12;
	_ =	sdelay $0x4  }
0x20d: {  	v58 =	vmax.f32 v57, v3  }
0x20e: {  	[tilespmem:v2+s3+$0x0] =	vst.idx.msk vm0, v58  }
0x20f: {  	v59 =	vld.idx.msk [tilespmem:v2+s3+$0x0], $0xffff;
	_ =	sdelay $0x4  }
0x210: {  	vm13 =	vlt.f32 v59, v58  }
0x211: {  	vm0 =	vmand vm0, vm13;
	_ =	sdelay $0x4  }
0x212: {  	v60 =	vmax.f32 v59, v3  }
0x213: {  	[tilespmem:v2+s3+$0x0] =	vst.idx.msk vm0, v60  }
0x214: {  	v61 =	vld.idx.msk [tilespmem:v2+s3+$0x0], $0xffff;
	_ =	sdelay $0x4  }
0x215: {  	vm14 =	vlt.f32 v61, v60  }
0x216: {  	vm0 =	vmand vm0, vm14;
	_ =	sdelay $0x4  }
0x217: {  	v62 =	vmax.f32 v61, v3  }
0x218: {  	[tilespmem:v2+s3+$0x0] =	vst.idx.msk vm0, v62  }
0x219: {  	v63 =	vld.idx.msk [tilespmem:v2+s3+$0x0], $0xffff;
	_ =	sdelay $0x4  }
0x21a: {  	vm15 =	vlt.f32 v63, v62  }
0x21b: {  	vm0 =	vmand vm0, vm15;
	_ =	sdelay $0x1  }
.Ltmp12:
0x21c: {  	_ = 	snop;
	(pc) =	sbr.rel .LBB2_14-.Ltmp12, $3  }
0x21d: {  	_ =	sdelay $0x1  }
0x21e: {  	v3 =	vmax.f32 v63, v3  }
0x21f: {  	[tilespmem:v2+s3+$0x0] =	vst.idx.msk vm0, v3  }
.LBB2_15:
0x220: {  	s23 =	sshll.u32 s22, $0x1  }
0x221: {  	s24 =	smin.u32 s23, $0x61  }
0x222: {  	s24 =	smul.u32 $0xFA0, s24;
	_ =	sdelay $0x1  }
0x223: {  	s25 =	sadd.s32 $0x1F40, s24  }
0x224: {  	s24 =	sadd.s32 s7, s25  }
0x225: {  	s25 =	sadd.s32 s5, s25;
	s24 =	sshrl.u32 s24, $0x3  }
0x226: {  	s25 =	sshrl.u32 s25, $0x3;
	s26 =	sadd.s32 s4, s24;
	s24 =	simm.s32 $0x0  }
0x227: {  	[tilespmem:s15], [sflag:$0x1] =	stream.linear.gather [hbm4b:s26+s24], $0xFA0, $0x38;
	[tilespmem:$0x1D000] =	vst v63  }
0x228: {  	s25 =	sadd.s32 s1, s25  }
0x229: {  	[tilespmem:s16], [sflag:$0x1] =	stream.linear.gather [hbm4b:s25+s24], $0xFA0, $0x38;
	[tilespmem:$0x1D000] =	vst v63  }
0x22a: {  	_ =	swait.ge [sflag:s20], $0xFA0  }
.Ltmp13:
0x22b: {  	[sflag:s20] =	ssyncset.done $0x0;
	(pc) =	sbr.rel .LBB2_16-.Ltmp13, $4  }
0x22c: {  	[sflag:s20] =	ssyncadd.s32 $0xFFFFF060  }
0x22d: {  	_ =	swait.ge [sflag:s20], $0xFA0  }
0x22e: {  	[sflag:s20] =	ssyncset.done $0x0  }
0x22f: {  	[sflag:s20] =	ssyncadd.s32 $0xFFFFF060  }
.LBB2_27:
0x230: {  	s24 =	sadd.s32 $0x140, s24  }
0x231: {  	p0 =	sne.s32 s24, $0x3E80  }
.Ltmp14:
0x232: {  	_ = 	snop;
	(pc) =	sbr.rel @!p0 .LBB2_28-.Ltmp14, $1  }
0x233: {  	_ =	sdelay $0x3  }
.LBB2_16:
0x234: {  	s25 =	sshra.s32 s24, $0x2  }
0x235: {  	v10 =	vld [tilespmem:s25+$0x1B000]  }
0x236: {  	v8 =	vld [tilespmem:s25+$0x1B010]  }
0x237: {  	v6 =	vld [tilespmem:s25+$0x1B020]  }
0x238: {  	v4 =	vld [tilespmem:s25+$0x1B030]  }
0x239: {  	v2 =	vld [tilespmem:s25+$0x1B040]  }
0x23a: {  	v11 =	vld [tilespmem:s25+$0x1C000]  }
0x23b: {  	v9 =	vld [tilespmem:s25+$0x1C010]  }
0x23c: {  	v7 =	vld [tilespmem:s25+$0x1C020]  }
0x23d: {  	v5 =	vld [tilespmem:s25+$0x1C030]  }
0x23e: {  	v3 =	vld [tilespmem:s25+$0x1C040]  }
0x23f: {  	v12 =	vld.idx.msk [tilespmem:v10+s3+$0x0], $0xffff  }
0x240: {  	v13 =	vld.idx.msk [tilespmem:v8+s3+$0x0], $0xffff  }
0x241: {  	v14 =	vld.idx.msk [tilespmem:v6+s3+$0x0], $0xffff  }
0x242: {  	v15 =	vld.idx.msk [tilespmem:v4+s3+$0x0], $0xffff  }
0x243: {  	v16 =	vld.idx.msk [tilespmem:v2+s3+$0x0], $0xffff  }
0x244: {  	v17 =	vmax.f32 v12, v11  }
0x245: {  	v13 =	vmax.f32 v13, v9;
	[tilespmem:v10+s3+$0x0] =	vst.idx.msk $0xffff, v17  }
0x246: {  	v14 =	vmax.f32 v14, v7;
	[tilespmem:v8+s3+$0x0] =	vst.idx.msk $0xffff, v13  }
0x247: {  	v15 =	vmax.f32 v15, v5;
	[tilespmem:v6+s3+$0x0] =	vst.idx.msk $0xffff, v14  }
0x248: {  	v16 =	vmax.f32 v16, v3;
	[tilespmem:v4+s3+$0x0] =	vst.idx.msk $0xffff, v15  }
0x249: {  	[tilespmem:v2+s3+$0x0] =	vst.idx.msk $0xffff, v16  }
0x24a: {  	v12 =	vld.idx.msk [tilespmem:v10+s3+$0x0], $0xffff  }
0x24b: {  	v18 =	vld.idx.msk [tilespmem:v8+s3+$0x0], $0xffff  }
0x24c: {  	v19 =	vld.idx.msk [tilespmem:v6+s3+$0x0], $0xffff  }
0x24d: {  	v20 =	vld.idx.msk [tilespmem:v4+s3+$0x0], $0xffff  }
0x24e: {  	v21 =	vld.idx.msk [tilespmem:v2+s3+$0x0], $0xffff;
	_ =	sdelay $0x1  }
0x24f: {  	vm0 =	vlt.f32 v12, v17;
	vm1 =	vlt.f32 v18, v13  }
0x250: {  	vm13 =	vlt.f32 v19, v14;
	vm0 =	vmor vm0, vm1  }
0x251: {  	vm14 =	vlt.f32 v20, v15;
	vm0 =	vmor vm0, vm13  }
0x252: {  	vm15 =	vlt.f32 v21, v16;
	vm0 =	vmor vm0, vm14  }
0x253: {  	vm0 =	vmor vm0, vm15  }
0x254: {  	v13 =	vsel vm0, $0x3F800000, v0  }
0x255: {  	(xrf0) =	vmax.scan.msk.f32 $0xffff, v13;
	_ =	sdelay $0x5  }
0x256: {  	v13, _, _ =	vpop (xrf0)  }
0x257: {  	(v2sf) =	vpush v13, $0xF;
	_ =	sdelay $0xe  }
0x258: {  	s31 =	spop (v2sf)  }
0x259: {  	p0 =	sgt.f32 s31, $0.0e+00  }
.Ltmp15:
0x25a: {  	_ = 	snop;
	(pc) =	sbr.rel @!p0 .LBB2_27-.Ltmp15, $1  }
0x25b: {  	_ =	sdelay $0x3  }
0x25c: {  	_ =	sdelay $0x2  }
0x25d: {  	v13 =	vmax.f32 v12, v11  }
0x25e: {  	[tilespmem:v10+s3+$0x0] =	vst.idx.msk $0xffff, v13  }
0x25f: {  	v12 =	vld.idx.msk [tilespmem:v10+s3+$0x0], $0xffff;
	_ =	sdelay $0x4  }
0x260: {  	vm0 =	vlt.f32 v12, v13  }
0x261: {  	v13 =	vsel vm0, $0x1, v1  }
0x262: {  	v13 =	vor.u32 $0x80000000, v13  }
0x263: {  	(xrf0) =	vmax.scan.msk.u32 $0xffff, v13;
	_ =	sdelay $0x5  }
0x264: {  	v13, _, _ =	vpop (xrf0)  }
0x265: {  	(v2sf) =	vpush v13, $0xF;
	_ =	sdelay $0xe  }
0x266: {  	s25 =	spop (v2sf)  }
0x267: {  	p0 =	slt.u32 s25, $0x80000001  }
.Ltmp16:
0x268: {  	_ = 	snop;
	(pc) =	sbr.rel @p0 .LBB2_19-.Ltmp16, $1  }
0x269: {  	_ =	sdelay $0x3  }
0x26a: {  	_ =	sdelay $0x3  }
0x26b: {  	v12 =	vmax.f32 v12, v11  }
0x26c: {  	[tilespmem:v10+s3+$0x0] =	vst.idx.msk vm0, v12  }
0x26d: {  	v13 =	vld.idx.msk [tilespmem:v10+s3+$0x0], $0xffff;
	_ =	sdelay $0x4  }
0x26e: {  	vm1 =	vlt.f32 v13, v12  }
0x26f: {  	vm14 =	vmand vm0, vm1;
	_ =	sdelay $0x4  }
0x270: {  	v38 =	vmax.f32 v13, v11  }
0x271: {  	[tilespmem:v10+s3+$0x0] =	vst.idx.msk vm14, v38  }
0x272: {  	v39 =	vld.idx.msk [tilespmem:v10+s3+$0x0], $0xffff;
	_ =	sdelay $0x4  }
0x273: {  	vm15 =	vlt.f32 v39, v38  }
0x274: {  	vm0 =	vmand vm14, vm15;
	_ =	sdelay $0x4  }
0x275: {  	v40 =	vmax.f32 v39, v11  }
0x276: {  	[tilespmem:v10+s3+$0x0] =	vst.idx.msk vm0, v40  }
0x277: {  	v41 =	vld.idx.msk [tilespmem:v10+s3+$0x0], $0xffff;
	_ =	sdelay $0x4  }
0x278: {  	vm4 =	vlt.f32 v41, v40  }
0x279: {  	vm0 =	vmand vm0, vm4;
	_ =	sdelay $0x4  }
0x27a: {  	v42 =	vmax.f32 v41, v11  }
0x27b: {  	[tilespmem:v10+s3+$0x0] =	vst.idx.msk vm0, v42  }
0x27c: {  	v43 =	vld.idx.msk [tilespmem:v10+s3+$0x0], $0xffff;
	_ =	sdelay $0x4  }
0x27d: {  	vm5 =	vlt.f32 v43, v42  }
0x27e: {  	vm0 =	vmand vm0, vm5;
	_ =	sdelay $0x4  }
0x27f: {  	v44 =	vmax.f32 v43, v11  }
0x280: {  	[tilespmem:v10+s3+$0x0] =	vst.idx.msk vm0, v44  }
0x281: {  	v45 =	vld.idx.msk [tilespmem:v10+s3+$0x0], $0xffff;
	_ =	sdelay $0x4  }
0x282: {  	vm6 =	vlt.f32 v45, v44  }
0x283: {  	vm0 =	vmand vm0, vm6;
	_ =	sdelay $0x4  }
0x284: {  	v46 =	vmax.f32 v45, v11  }
0x285: {  	[tilespmem:v10+s3+$0x0] =	vst.idx.msk vm0, v46  }
0x286: {  	v47 =	vld.idx.msk [tilespmem:v10+s3+$0x0], $0xffff;
	_ =	sdelay $0x4  }
0x287: {  	vm7 =	vlt.f32 v47, v46  }
0x288: {  	vm0 =	vmand vm0, vm7;
	_ =	sdelay $0x4  }
0x289: {  	v48 =	vmax.f32 v47, v11  }
0x28a: {  	[tilespmem:v10+s3+$0x0] =	vst.idx.msk vm0, v48  }
0x28b: {  	v49 =	vld.idx.msk [tilespmem:v10+s3+$0x0], $0xffff;
	_ =	sdelay $0x4  }
0x28c: {  	vm8 =	vlt.f32 v49, v48  }
0x28d: {  	vm0 =	vmand vm0, vm8;
	_ =	sdelay $0x4  }
0x28e: {  	v50 =	vmax.f32 v49, v11  }
0x28f: {  	[tilespmem:v10+s3+$0x0] =	vst.idx.msk vm0, v50  }
0x290: {  	v51 =	vld.idx.msk [tilespmem:v10+s3+$0x0], $0xffff;
	_ =	sdelay $0x4  }
0x291: {  	vm9 =	vlt.f32 v51, v50  }
0x292: {  	vm0 =	vmand vm0, vm9;
	_ =	sdelay $0x4  }
0x293: {  	v52 =	vmax.f32 v51, v11  }
0x294: {  	[tilespmem:v10+s3+$0x0] =	vst.idx.msk vm0, v52  }
0x295: {  	v53 =	vld.idx.msk [tilespmem:v10+s3+$0x0], $0xffff;
	_ =	sdelay $0x4  }
0x296: {  	vm10 =	vlt.f32 v53, v52  }
0x297: {  	vm0 =	vmand vm0, vm10;
	_ =	sdelay $0x4  }
0x298: {  	v54 =	vmax.f32 v53, v11  }
0x299: {  	[tilespmem:v10+s3+$0x0] =	vst.idx.msk vm0, v54  }
0x29a: {  	v55 =	vld.idx.msk [tilespmem:v10+s3+$0x0], $0xffff;
	_ =	sdelay $0x4  }
0x29b: {  	vm11 =	vlt.f32 v55, v54  }
0x29c: {  	vm0 =	vmand vm0, vm11;
	_ =	sdelay $0x4  }
0x29d: {  	v56 =	vmax.f32 v55, v11  }
0x29e: {  	[tilespmem:v10+s3+$0x0] =	vst.idx.msk vm0, v56  }
0x29f: {  	v57 =	vld.idx.msk [tilespmem:v10+s3+$0x0], $0xffff;
	_ =	sdelay $0x4  }
0x2a0: {  	vm12 =	vlt.f32 v57, v56  }
0x2a1: {  	vm0 =	vmand vm0, vm12;
	_ =	sdelay $0x4  }
0x2a2: {  	v58 =	vmax.f32 v57, v11  }
0x2a3: {  	[tilespmem:v10+s3+$0x0] =	vst.idx.msk vm0, v58  }
0x2a4: {  	v59 =	vld.idx.msk [tilespmem:v10+s3+$0x0], $0xffff;
	_ =	sdelay $0x4  }
0x2a5: {  	vm13 =	vlt.f32 v59, v58  }
0x2a6: {  	vm0 =	vmand vm0, vm13;
	_ =	sdelay $0x4  }
0x2a7: {  	v60 =	vmax.f32 v59, v11  }
0x2a8: {  	[tilespmem:v10+s3+$0x0] =	vst.idx.msk vm0, v60  }
0x2a9: {  	v61 =	vld.idx.msk [tilespmem:v10+s3+$0x0], $0xffff;
	_ =	sdelay $0x4  }
0x2aa: {  	vm14 =	vlt.f32 v61, v60  }
0x2ab: {  	vm0 =	vmand vm0, vm14;
	_ =	sdelay $0x4  }
0x2ac: {  	v62 =	vmax.f32 v61, v11  }
0x2ad: {  	[tilespmem:v10+s3+$0x0] =	vst.idx.msk vm0, v62  }
0x2ae: {  	v63 =	vld.idx.msk [tilespmem:v10+s3+$0x0], $0xffff;
	_ =	sdelay $0x4  }
0x2af: {  	vm15 =	vlt.f32 v63, v62  }
0x2b0: {  	vm0 =	vmand vm0, vm15;
	_ =	sdelay $0x4  }
0x2b1: {  	v11 =	vmax.f32 v63, v11  }
0x2b2: {  	[tilespmem:v10+s3+$0x0] =	vst.idx.msk vm0, v11  }
.LBB2_19:
0x2b3: {  	_ =	sdelay $0x3  }
0x2b4: {  	v10 =	vld.idx.msk [tilespmem:v8+s3+$0x0], $0xffff;
	_ =	sdelay $0x4  }
0x2b5: {  	v11 =	vmax.f32 v10, v9  }
0x2b6: {  	[tilespmem:v8+s3+$0x0] =	vst.idx.msk $0xffff, v11  }
0x2b7: {  	v10 =	vld.idx.msk [tilespmem:v8+s3+$0x0], $0xffff;
	_ =	sdelay $0x4  }
0x2b8: {  	vm0 =	vlt.f32 v10, v11  }
0x2b9: {  	v11 =	vsel vm0, $0x1, v1  }
0x2ba: {  	v11 =	vor.u32 $0x80000000, v11  }
0x2bb: {  	(xrf0) =	vmax.scan.msk.u32 $0xffff, v11;
	_ =	sdelay $0x5  }
0x2bc: {  	v11, _, _ =	vpop (xrf0)  }
0x2bd: {  	(v2sf) =	vpush v11, $0xF;
	_ =	sdelay $0xe  }
0x2be: {  	s25 =	spop (v2sf)  }
0x2bf: {  	p0 =	slt.u32 s25, $0x80000001  }
.Ltmp17:
0x2c0: {  	_ = 	snop;
	(pc) =	sbr.rel @p0 .LBB2_21-.Ltmp17, $1  }
0x2c1: {  	_ =	sdelay $0x3  }
0x2c2: {  	_ =	sdelay $0x3  }
0x2c3: {  	v10 =	vmax.f32 v10, v9  }
0x2c4: {  	[tilespmem:v8+s3+$0x0] =	vst.idx.msk vm0, v10  }
0x2c5: {  	v11 =	vld.idx.msk [tilespmem:v8+s3+$0x0], $0xffff;
	_ =	sdelay $0x4  }
0x2c6: {  	vm1 =	vlt.f32 v11, v10  }
0x2c7: {  	vm14 =	vmand vm0, vm1;
	_ =	sdelay $0x4  }
0x2c8: {  	v37 =	vmax.f32 v11, v9  }
0x2c9: {  	[tilespmem:v8+s3+$0x0] =	vst.idx.msk vm14, v37  }
0x2ca: {  	v38 =	vld.idx.msk [tilespmem:v8+s3+$0x0], $0xffff;
	_ =	sdelay $0x4  }
0x2cb: {  	vm15 =	vlt.f32 v38, v37  }
0x2cc: {  	vm0 =	vmand vm14, vm15;
	_ =	sdelay $0x4  }
0x2cd: {  	v39 =	vmax.f32 v38, v9  }
0x2ce: {  	[tilespmem:v8+s3+$0x0] =	vst.idx.msk vm0, v39  }
0x2cf: {  	v40 =	vld.idx.msk [tilespmem:v8+s3+$0x0], $0xffff;
	_ =	sdelay $0x4  }
0x2d0: {  	vm4 =	vlt.f32 v40, v39  }
0x2d1: {  	vm0 =	vmand vm0, vm4;
	_ =	sdelay $0x4  }
0x2d2: {  	v41 =	vmax.f32 v40, v9  }
0x2d3: {  	[tilespmem:v8+s3+$0x0] =	vst.idx.msk vm0, v41  }
0x2d4: {  	v42 =	vld.idx.msk [tilespmem:v8+s3+$0x0], $0xffff;
	_ =	sdelay $0x4  }
0x2d5: {  	vm5 =	vlt.f32 v42, v41  }
0x2d6: {  	vm0 =	vmand vm0, vm5;
	_ =	sdelay $0x4  }
0x2d7: {  	v43 =	vmax.f32 v42, v9  }
0x2d8: {  	[tilespmem:v8+s3+$0x0] =	vst.idx.msk vm0, v43  }
0x2d9: {  	v44 =	vld.idx.msk [tilespmem:v8+s3+$0x0], $0xffff;
	_ =	sdelay $0x4  }
0x2da: {  	vm6 =	vlt.f32 v44, v43  }
0x2db: {  	vm0 =	vmand vm0, vm6;
	_ =	sdelay $0x4  }
0x2dc: {  	v45 =	vmax.f32 v44, v9  }
0x2dd: {  	[tilespmem:v8+s3+$0x0] =	vst.idx.msk vm0, v45  }
0x2de: {  	v46 =	vld.idx.msk [tilespmem:v8+s3+$0x0], $0xffff;
	_ =	sdelay $0x4  }
0x2df: {  	vm7 =	vlt.f32 v46, v45  }
0x2e0: {  	vm0 =	vmand vm0, vm7;
	_ =	sdelay $0x4  }
0x2e1: {  	v47 =	vmax.f32 v46, v9  }
0x2e2: {  	[tilespmem:v8+s3+$0x0] =	vst.idx.msk vm0, v47  }
0x2e3: {  	v48 =	vld.idx.msk [tilespmem:v8+s3+$0x0], $0xffff;
	_ =	sdelay $0x4  }
0x2e4: {  	vm8 =	vlt.f32 v48, v47  }
0x2e5: {  	vm0 =	vmand vm0, vm8;
	_ =	sdelay $0x4  }
0x2e6: {  	v49 =	vmax.f32 v48, v9  }
0x2e7: {  	[tilespmem:v8+s3+$0x0] =	vst.idx.msk vm0, v49  }
0x2e8: {  	v50 =	vld.idx.msk [tilespmem:v8+s3+$0x0], $0xffff;
	_ =	sdelay $0x4  }
0x2e9: {  	vm9 =	vlt.f32 v50, v49  }
0x2ea: {  	vm0 =	vmand vm0, vm9;
	_ =	sdelay $0x4  }
0x2eb: {  	v51 =	vmax.f32 v50, v9  }
0x2ec: {  	[tilespmem:v8+s3+$0x0] =	vst.idx.msk vm0, v51  }
0x2ed: {  	v52 =	vld.idx.msk [tilespmem:v8+s3+$0x0], $0xffff;
	_ =	sdelay $0x4  }
0x2ee: {  	vm10 =	vlt.f32 v52, v51  }
0x2ef: {  	vm0 =	vmand vm0, vm10;
	_ =	sdelay $0x4  }
0x2f0: {  	v53 =	vmax.f32 v52, v9  }
0x2f1: {  	[tilespmem:v8+s3+$0x0] =	vst.idx.msk vm0, v53  }
0x2f2: {  	v54 =	vld.idx.msk [tilespmem:v8+s3+$0x0], $0xffff;
	_ =	sdelay $0x4  }
0x2f3: {  	vm11 =	vlt.f32 v54, v53  }
0x2f4: {  	vm0 =	vmand vm0, vm11;
	_ =	sdelay $0x4  }
0x2f5: {  	v55 =	vmax.f32 v54, v9  }
0x2f6: {  	[tilespmem:v8+s3+$0x0] =	vst.idx.msk vm0, v55  }
0x2f7: {  	v56 =	vld.idx.msk [tilespmem:v8+s3+$0x0], $0xffff;
	_ =	sdelay $0x4  }
0x2f8: {  	vm12 =	vlt.f32 v56, v55  }
0x2f9: {  	vm0 =	vmand vm0, vm12;
	_ =	sdelay $0x4  }
0x2fa: {  	v57 =	vmax.f32 v56, v9  }
0x2fb: {  	[tilespmem:v8+s3+$0x0] =	vst.idx.msk vm0, v57  }
0x2fc: {  	v58 =	vld.idx.msk [tilespmem:v8+s3+$0x0], $0xffff;
	_ =	sdelay $0x4  }
0x2fd: {  	vm13 =	vlt.f32 v58, v57  }
0x2fe: {  	vm0 =	vmand vm0, vm13;
	_ =	sdelay $0x4  }
0x2ff: {  	v59 =	vmax.f32 v58, v9  }
0x300: {  	[tilespmem:v8+s3+$0x0] =	vst.idx.msk vm0, v59  }
0x301: {  	v60 =	vld.idx.msk [tilespmem:v8+s3+$0x0], $0xffff;
	_ =	sdelay $0x4  }
0x302: {  	vm14 =	vlt.f32 v60, v59  }
0x303: {  	vm0 =	vmand vm0, vm14;
	_ =	sdelay $0x4  }
0x304: {  	v61 =	vmax.f32 v60, v9  }
0x305: {  	[tilespmem:v8+s3+$0x0] =	vst.idx.msk vm0, v61  }
0x306: {  	v62 =	vld.idx.msk [tilespmem:v8+s3+$0x0], $0xffff;
	_ =	sdelay $0x4  }
0x307: {  	vm15 =	vlt.f32 v62, v61  }
0x308: {  	vm0 =	vmand vm0, vm15;
	_ =	sdelay $0x4  }
0x309: {  	v63 =	vmax.f32 v62, v9  }
0x30a: {  	[tilespmem:v8+s3+$0x0] =	vst.idx.msk vm0, v63  }
.LBB2_21:
0x30b: {  	_ =	sdelay $0x3  }
0x30c: {  	v8 =	vld.idx.msk [tilespmem:v6+s3+$0x0], $0xffff;
	_ =	sdelay $0x4  }
0x30d: {  	v9 =	vmax.f32 v8, v7  }
0x30e: {  	[tilespmem:v6+s3+$0x0] =	vst.idx.msk $0xffff, v9  }
0x30f: {  	v8 =	vld.idx.msk [tilespmem:v6+s3+$0x0], $0xffff;
	_ =	sdelay $0x4  }
0x310: {  	vm0 =	vlt.f32 v8, v9  }
0x311: {  	v9 =	vsel vm0, $0x1, v1  }
0x312: {  	v9 =	vor.u32 $0x80000000, v9  }
0x313: {  	(xrf0) =	vmax.scan.msk.u32 $0xffff, v9;
	_ =	sdelay $0x5  }
0x314: {  	v9, _, _ =	vpop (xrf0)  }
0x315: {  	(v2sf) =	vpush v9, $0xF;
	_ =	sdelay $0xe  }
0x316: {  	s25 =	spop (v2sf)  }
0x317: {  	p0 =	slt.u32 s25, $0x80000001  }
.Ltmp18:
0x318: {  	_ = 	snop;
	(pc) =	sbr.rel @p0 .LBB2_23-.Ltmp18, $1  }
0x319: {  	_ =	sdelay $0x3  }
0x31a: {  	_ =	sdelay $0x3  }
0x31b: {  	v8 =	vmax.f32 v8, v7  }
0x31c: {  	[tilespmem:v6+s3+$0x0] =	vst.idx.msk vm0, v8  }
0x31d: {  	v9 =	vld.idx.msk [tilespmem:v6+s3+$0x0], $0xffff;
	_ =	sdelay $0x4  }
0x31e: {  	vm1 =	vlt.f32 v9, v8  }
0x31f: {  	vm14 =	vmand vm0, vm1;
	_ =	sdelay $0x4  }
0x320: {  	v38 =	vmax.f32 v9, v7  }
0x321: {  	[tilespmem:v6+s3+$0x0] =	vst.idx.msk vm14, v38  }
0x322: {  	v39 =	vld.idx.msk [tilespmem:v6+s3+$0x0], $0xffff;
	_ =	sdelay $0x4  }
0x323: {  	vm15 =	vlt.f32 v39, v38  }
0x324: {  	vm0 =	vmand vm14, vm15;
	_ =	sdelay $0x4  }
0x325: {  	v40 =	vmax.f32 v39, v7  }
0x326: {  	[tilespmem:v6+s3+$0x0] =	vst.idx.msk vm0, v40  }
0x327: {  	v41 =	vld.idx.msk [tilespmem:v6+s3+$0x0], $0xffff;
	_ =	sdelay $0x4  }
0x328: {  	vm4 =	vlt.f32 v41, v40  }
0x329: {  	vm0 =	vmand vm0, vm4;
	_ =	sdelay $0x4  }
0x32a: {  	v42 =	vmax.f32 v41, v7  }
0x32b: {  	[tilespmem:v6+s3+$0x0] =	vst.idx.msk vm0, v42  }
0x32c: {  	v43 =	vld.idx.msk [tilespmem:v6+s3+$0x0], $0xffff;
	_ =	sdelay $0x4  }
0x32d: {  	vm5 =	vlt.f32 v43, v42  }
0x32e: {  	vm0 =	vmand vm0, vm5;
	_ =	sdelay $0x4  }
0x32f: {  	v44 =	vmax.f32 v43, v7  }
0x330: {  	[tilespmem:v6+s3+$0x0] =	vst.idx.msk vm0, v44  }
0x331: {  	v45 =	vld.idx.msk [tilespmem:v6+s3+$0x0], $0xffff;
	_ =	sdelay $0x4  }
0x332: {  	vm6 =	vlt.f32 v45, v44  }
0x333: {  	vm0 =	vmand vm0, vm6;
	_ =	sdelay $0x4  }
0x334: {  	v46 =	vmax.f32 v45, v7  }
0x335: {  	[tilespmem:v6+s3+$0x0] =	vst.idx.msk vm0, v46  }
0x336: {  	v47 =	vld.idx.msk [tilespmem:v6+s3+$0x0], $0xffff;
	_ =	sdelay $0x4  }
0x337: {  	vm7 =	vlt.f32 v47, v46  }
0x338: {  	vm0 =	vmand vm0, vm7;
	_ =	sdelay $0x4  }
0x339: {  	v48 =	vmax.f32 v47, v7  }
0x33a: {  	[tilespmem:v6+s3+$0x0] =	vst.idx.msk vm0, v48  }
0x33b: {  	v49 =	vld.idx.msk [tilespmem:v6+s3+$0x0], $0xffff;
	_ =	sdelay $0x4  }
0x33c: {  	vm8 =	vlt.f32 v49, v48  }
0x33d: {  	vm0 =	vmand vm0, vm8;
	_ =	sdelay $0x4  }
0x33e: {  	v50 =	vmax.f32 v49, v7  }
0x33f: {  	[tilespmem:v6+s3+$0x0] =	vst.idx.msk vm0, v50  }
0x340: {  	v51 =	vld.idx.msk [tilespmem:v6+s3+$0x0], $0xffff;
	_ =	sdelay $0x4  }
0x341: {  	vm9 =	vlt.f32 v51, v50  }
0x342: {  	vm0 =	vmand vm0, vm9;
	_ =	sdelay $0x4  }
0x343: {  	v52 =	vmax.f32 v51, v7  }
0x344: {  	[tilespmem:v6+s3+$0x0] =	vst.idx.msk vm0, v52  }
0x345: {  	v53 =	vld.idx.msk [tilespmem:v6+s3+$0x0], $0xffff;
	_ =	sdelay $0x4  }
0x346: {  	vm10 =	vlt.f32 v53, v52  }
0x347: {  	vm0 =	vmand vm0, vm10;
	_ =	sdelay $0x4  }
0x348: {  	v54 =	vmax.f32 v53, v7  }
0x349: {  	[tilespmem:v6+s3+$0x0] =	vst.idx.msk vm0, v54  }
0x34a: {  	v55 =	vld.idx.msk [tilespmem:v6+s3+$0x0], $0xffff;
	_ =	sdelay $0x4  }
0x34b: {  	vm11 =	vlt.f32 v55, v54  }
0x34c: {  	vm0 =	vmand vm0, vm11;
	_ =	sdelay $0x4  }
0x34d: {  	v56 =	vmax.f32 v55, v7  }
0x34e: {  	[tilespmem:v6+s3+$0x0] =	vst.idx.msk vm0, v56  }
0x34f: {  	v57 =	vld.idx.msk [tilespmem:v6+s3+$0x0], $0xffff;
	_ =	sdelay $0x4  }
0x350: {  	vm12 =	vlt.f32 v57, v56  }
0x351: {  	vm0 =	vmand vm0, vm12;
	_ =	sdelay $0x4  }
0x352: {  	v58 =	vmax.f32 v57, v7  }
0x353: {  	[tilespmem:v6+s3+$0x0] =	vst.idx.msk vm0, v58  }
0x354: {  	v59 =	vld.idx.msk [tilespmem:v6+s3+$0x0], $0xffff;
	_ =	sdelay $0x4  }
0x355: {  	vm13 =	vlt.f32 v59, v58  }
0x356: {  	vm0 =	vmand vm0, vm13;
	_ =	sdelay $0x4  }
0x357: {  	v60 =	vmax.f32 v59, v7  }
0x358: {  	[tilespmem:v6+s3+$0x0] =	vst.idx.msk vm0, v60  }
0x359: {  	v61 =	vld.idx.msk [tilespmem:v6+s3+$0x0], $0xffff;
	_ =	sdelay $0x4  }
0x35a: {  	vm14 =	vlt.f32 v61, v60  }
0x35b: {  	vm0 =	vmand vm0, vm14;
	_ =	sdelay $0x4  }
0x35c: {  	v62 =	vmax.f32 v61, v7  }
0x35d: {  	[tilespmem:v6+s3+$0x0] =	vst.idx.msk vm0, v62  }
0x35e: {  	v63 =	vld.idx.msk [tilespmem:v6+s3+$0x0], $0xffff;
	_ =	sdelay $0x4  }
0x35f: {  	vm15 =	vlt.f32 v63, v62  }
0x360: {  	vm0 =	vmand vm0, vm15;
	_ =	sdelay $0x4  }
0x361: {  	v7 =	vmax.f32 v63, v7  }
0x362: {  	[tilespmem:v6+s3+$0x0] =	vst.idx.msk vm0, v7  }
.LBB2_23:
0x363: {  	_ =	sdelay $0x3  }
0x364: {  	v6 =	vld.idx.msk [tilespmem:v4+s3+$0x0], $0xffff;
	_ =	sdelay $0x4  }
0x365: {  	v7 =	vmax.f32 v6, v5  }
0x366: {  	[tilespmem:v4+s3+$0x0] =	vst.idx.msk $0xffff, v7  }
0x367: {  	v6 =	vld.idx.msk [tilespmem:v4+s3+$0x0], $0xffff;
	_ =	sdelay $0x4  }
0x368: {  	vm0 =	vlt.f32 v6, v7  }
0x369: {  	v7 =	vsel vm0, $0x1, v1  }
0x36a: {  	v7 =	vor.u32 $0x80000000, v7  }
0x36b: {  	(xrf0) =	vmax.scan.msk.u32 $0xffff, v7;
	_ =	sdelay $0x5  }
0x36c: {  	v7, _, _ =	vpop (xrf0)  }
0x36d: {  	(v2sf) =	vpush v7, $0xF;
	_ =	sdelay $0xe  }
0x36e: {  	s25 =	spop (v2sf)  }
0x36f: {  	p0 =	slt.u32 s25, $0x80000001  }
.Ltmp19:
0x370: {  	_ = 	snop;
	(pc) =	sbr.rel @p0 .LBB2_25-.Ltmp19, $1  }
0x371: {  	_ =	sdelay $0x3  }
0x372: {  	_ =	sdelay $0x3  }
0x373: {  	v6 =	vmax.f32 v6, v5  }
0x374: {  	[tilespmem:v4+s3+$0x0] =	vst.idx.msk vm0, v6  }
0x375: {  	v7 =	vld.idx.msk [tilespmem:v4+s3+$0x0], $0xffff;
	_ =	sdelay $0x4  }
0x376: {  	vm1 =	vlt.f32 v7, v6  }
0x377: {  	vm14 =	vmand vm0, vm1;
	_ =	sdelay $0x4  }
0x378: {  	v38 =	vmax.f32 v7, v5  }
0x379: {  	[tilespmem:v4+s3+$0x0] =	vst.idx.msk vm14, v38  }
0x37a: {  	v39 =	vld.idx.msk [tilespmem:v4+s3+$0x0], $0xffff;
	_ =	sdelay $0x4  }
0x37b: {  	vm15 =	vlt.f32 v39, v38  }
0x37c: {  	vm0 =	vmand vm14, vm15;
	_ =	sdelay $0x4  }
0x37d: {  	v40 =	vmax.f32 v39, v5  }
0x37e: {  	[tilespmem:v4+s3+$0x0] =	vst.idx.msk vm0, v40  }
0x37f: {  	v41 =	vld.idx.msk [tilespmem:v4+s3+$0x0], $0xffff;
	_ =	sdelay $0x4  }
0x380: {  	vm4 =	vlt.f32 v41, v40  }
0x381: {  	vm0 =	vmand vm0, vm4;
	_ =	sdelay $0x4  }
0x382: {  	v42 =	vmax.f32 v41, v5  }
0x383: {  	[tilespmem:v4+s3+$0x0] =	vst.idx.msk vm0, v42  }
0x384: {  	v43 =	vld.idx.msk [tilespmem:v4+s3+$0x0], $0xffff;
	_ =	sdelay $0x4  }
0x385: {  	vm5 =	vlt.f32 v43, v42  }
0x386: {  	vm0 =	vmand vm0, vm5;
	_ =	sdelay $0x4  }
0x387: {  	v44 =	vmax.f32 v43, v5  }
0x388: {  	[tilespmem:v4+s3+$0x0] =	vst.idx.msk vm0, v44  }
0x389: {  	v45 =	vld.idx.msk [tilespmem:v4+s3+$0x0], $0xffff;
	_ =	sdelay $0x4  }
0x38a: {  	vm6 =	vlt.f32 v45, v44  }
0x38b: {  	vm0 =	vmand vm0, vm6;
	_ =	sdelay $0x4  }
0x38c: {  	v46 =	vmax.f32 v45, v5  }
0x38d: {  	[tilespmem:v4+s3+$0x0] =	vst.idx.msk vm0, v46  }
0x38e: {  	v47 =	vld.idx.msk [tilespmem:v4+s3+$0x0], $0xffff;
	_ =	sdelay $0x4  }
0x38f: {  	vm7 =	vlt.f32 v47, v46  }
0x390: {  	vm0 =	vmand vm0, vm7;
	_ =	sdelay $0x4  }
0x391: {  	v48 =	vmax.f32 v47, v5  }
0x392: {  	[tilespmem:v4+s3+$0x0] =	vst.idx.msk vm0, v48  }
0x393: {  	v49 =	vld.idx.msk [tilespmem:v4+s3+$0x0], $0xffff;
	_ =	sdelay $0x4  }
0x394: {  	vm8 =	vlt.f32 v49, v48  }
0x395: {  	vm0 =	vmand vm0, vm8;
	_ =	sdelay $0x4  }
0x396: {  	v50 =	vmax.f32 v49, v5  }
0x397: {  	[tilespmem:v4+s3+$0x0] =	vst.idx.msk vm0, v50  }
0x398: {  	v51 =	vld.idx.msk [tilespmem:v4+s3+$0x0], $0xffff;
	_ =	sdelay $0x4  }
0x399: {  	vm9 =	vlt.f32 v51, v50  }
0x39a: {  	vm0 =	vmand vm0, vm9;
	_ =	sdelay $0x4  }
0x39b: {  	v52 =	vmax.f32 v51, v5  }
0x39c: {  	[tilespmem:v4+s3+$0x0] =	vst.idx.msk vm0, v52  }
0x39d: {  	v53 =	vld.idx.msk [tilespmem:v4+s3+$0x0], $0xffff;
	_ =	sdelay $0x4  }
0x39e: {  	vm10 =	vlt.f32 v53, v52  }
0x39f: {  	vm0 =	vmand vm0, vm10;
	_ =	sdelay $0x4  }
0x3a0: {  	v54 =	vmax.f32 v53, v5  }
0x3a1: {  	[tilespmem:v4+s3+$0x0] =	vst.idx.msk vm0, v54  }
0x3a2: {  	v55 =	vld.idx.msk [tilespmem:v4+s3+$0x0], $0xffff;
	_ =	sdelay $0x4  }
0x3a3: {  	vm11 =	vlt.f32 v55, v54  }
0x3a4: {  	vm0 =	vmand vm0, vm11;
	_ =	sdelay $0x4  }
0x3a5: {  	v56 =	vmax.f32 v55, v5  }
0x3a6: {  	[tilespmem:v4+s3+$0x0] =	vst.idx.msk vm0, v56  }
0x3a7: {  	v57 =	vld.idx.msk [tilespmem:v4+s3+$0x0], $0xffff;
	_ =	sdelay $0x4  }
0x3a8: {  	vm12 =	vlt.f32 v57, v56  }
0x3a9: {  	vm0 =	vmand vm0, vm12;
	_ =	sdelay $0x4  }
0x3aa: {  	v58 =	vmax.f32 v57, v5  }
0x3ab: {  	[tilespmem:v4+s3+$0x0] =	vst.idx.msk vm0, v58  }
0x3ac: {  	v59 =	vld.idx.msk [tilespmem:v4+s3+$0x0], $0xffff;
	_ =	sdelay $0x4  }
0x3ad: {  	vm13 =	vlt.f32 v59, v58  }
0x3ae: {  	vm0 =	vmand vm0, vm13;
	_ =	sdelay $0x4  }
0x3af: {  	v60 =	vmax.f32 v59, v5  }
0x3b0: {  	[tilespmem:v4+s3+$0x0] =	vst.idx.msk vm0, v60  }
0x3b1: {  	v61 =	vld.idx.msk [tilespmem:v4+s3+$0x0], $0xffff;
	_ =	sdelay $0x4  }
0x3b2: {  	vm14 =	vlt.f32 v61, v60  }
0x3b3: {  	vm0 =	vmand vm0, vm14;
	_ =	sdelay $0x4  }
0x3b4: {  	v62 =	vmax.f32 v61, v5  }
0x3b5: {  	[tilespmem:v4+s3+$0x0] =	vst.idx.msk vm0, v62  }
0x3b6: {  	v63 =	vld.idx.msk [tilespmem:v4+s3+$0x0], $0xffff;
	_ =	sdelay $0x4  }
0x3b7: {  	vm15 =	vlt.f32 v63, v62  }
0x3b8: {  	vm0 =	vmand vm0, vm15;
	_ =	sdelay $0x4  }
0x3b9: {  	v5 =	vmax.f32 v63, v5  }
0x3ba: {  	[tilespmem:v4+s3+$0x0] =	vst.idx.msk vm0, v5  }
.LBB2_25:
0x3bb: {  	_ =	sdelay $0x3  }
0x3bc: {  	v4 =	vld.idx.msk [tilespmem:v2+s3+$0x0], $0xffff;
	_ =	sdelay $0x4  }
0x3bd: {  	v5 =	vmax.f32 v4, v3  }
0x3be: {  	[tilespmem:v2+s3+$0x0] =	vst.idx.msk $0xffff, v5  }
0x3bf: {  	v4 =	vld.idx.msk [tilespmem:v2+s3+$0x0], $0xffff;
	_ =	sdelay $0x4  }
0x3c0: {  	vm0 =	vlt.f32 v4, v5  }
0x3c1: {  	v5 =	vsel vm0, $0x1, v1  }
0x3c2: {  	v5 =	vor.u32 $0x80000000, v5  }
0x3c3: {  	(xrf0) =	vmax.scan.msk.u32 $0xffff, v5;
	_ =	sdelay $0x5  }
0x3c4: {  	v5, _, _ =	vpop (xrf0)  }
0x3c5: {  	(v2sf) =	vpush v5, $0xF;
	_ =	sdelay $0xe  }
0x3c6: {  	s25 =	spop (v2sf)  }
0x3c7: {  	p0 =	slt.u32 s25, $0x80000001  }
.Ltmp20:
0x3c8: {  	_ = 	snop;
	(pc) =	sbr.rel @p0 .LBB2_27-.Ltmp20, $1  }
0x3c9: {  	_ =	sdelay $0x3  }
0x3ca: {  	_ =	sdelay $0x3  }
0x3cb: {  	v4 =	vmax.f32 v4, v3  }
0x3cc: {  	[tilespmem:v2+s3+$0x0] =	vst.idx.msk vm0, v4  }
0x3cd: {  	v5 =	vld.idx.msk [tilespmem:v2+s3+$0x0], $0xffff;
	_ =	sdelay $0x4  }
0x3ce: {  	vm1 =	vlt.f32 v5, v4  }
0x3cf: {  	vm14 =	vmand vm0, vm1;
	_ =	sdelay $0x4  }
0x3d0: {  	v38 =	vmax.f32 v5, v3  }
0x3d1: {  	[tilespmem:v2+s3+$0x0] =	vst.idx.msk vm14, v38  }
0x3d2: {  	v39 =	vld.idx.msk [tilespmem:v2+s3+$0x0], $0xffff;
	_ =	sdelay $0x4  }
0x3d3: {  	vm15 =	vlt.f32 v39, v38  }
0x3d4: {  	vm0 =	vmand vm14, vm15;
	_ =	sdelay $0x4  }
0x3d5: {  	v40 =	vmax.f32 v39, v3  }
0x3d6: {  	[tilespmem:v2+s3+$0x0] =	vst.idx.msk vm0, v40  }
0x3d7: {  	v41 =	vld.idx.msk [tilespmem:v2+s3+$0x0], $0xffff;
	_ =	sdelay $0x4  }
0x3d8: {  	vm4 =	vlt.f32 v41, v40  }
0x3d9: {  	vm0 =	vmand vm0, vm4;
	_ =	sdelay $0x4  }
0x3da: {  	v42 =	vmax.f32 v41, v3  }
0x3db: {  	[tilespmem:v2+s3+$0x0] =	vst.idx.msk vm0, v42  }
0x3dc: {  	v43 =	vld.idx.msk [tilespmem:v2+s3+$0x0], $0xffff;
	_ =	sdelay $0x4  }
0x3dd: {  	vm5 =	vlt.f32 v43, v42  }
0x3de: {  	vm0 =	vmand vm0, vm5;
	_ =	sdelay $0x4  }
0x3df: {  	v44 =	vmax.f32 v43, v3  }
0x3e0: {  	[tilespmem:v2+s3+$0x0] =	vst.idx.msk vm0, v44  }
0x3e1: {  	v45 =	vld.idx.msk [tilespmem:v2+s3+$0x0], $0xffff;
	_ =	sdelay $0x4  }
0x3e2: {  	vm6 =	vlt.f32 v45, v44  }
0x3e3: {  	vm0 =	vmand vm0, vm6;
	_ =	sdelay $0x4  }
0x3e4: {  	v46 =	vmax.f32 v45, v3  }
0x3e5: {  	[tilespmem:v2+s3+$0x0] =	vst.idx.msk vm0, v46  }
0x3e6: {  	v47 =	vld.idx.msk [tilespmem:v2+s3+$0x0], $0xffff;
	_ =	sdelay $0x4  }
0x3e7: {  	vm7 =	vlt.f32 v47, v46  }
0x3e8: {  	vm0 =	vmand vm0, vm7;
	_ =	sdelay $0x4  }
0x3e9: {  	v48 =	vmax.f32 v47, v3  }
0x3ea: {  	[tilespmem:v2+s3+$0x0] =	vst.idx.msk vm0, v48  }
0x3eb: {  	v49 =	vld.idx.msk [tilespmem:v2+s3+$0x0], $0xffff;
	_ =	sdelay $0x4  }
0x3ec: {  	vm8 =	vlt.f32 v49, v48  }
0x3ed: {  	vm0 =	vmand vm0, vm8;
	_ =	sdelay $0x4  }
0x3ee: {  	v50 =	vmax.f32 v49, v3  }
0x3ef: {  	[tilespmem:v2+s3+$0x0] =	vst.idx.msk vm0, v50  }
0x3f0: {  	v51 =	vld.idx.msk [tilespmem:v2+s3+$0x0], $0xffff;
	_ =	sdelay $0x4  }
0x3f1: {  	vm9 =	vlt.f32 v51, v50  }
0x3f2: {  	vm0 =	vmand vm0, vm9;
	_ =	sdelay $0x4  }
0x3f3: {  	v52 =	vmax.f32 v51, v3  }
0x3f4: {  	[tilespmem:v2+s3+$0x0] =	vst.idx.msk vm0, v52  }
0x3f5: {  	v53 =	vld.idx.msk [tilespmem:v2+s3+$0x0], $0xffff;
	_ =	sdelay $0x4  }
0x3f6: {  	vm10 =	vlt.f32 v53, v52  }
0x3f7: {  	vm0 =	vmand vm0, vm10;
	_ =	sdelay $0x4  }
0x3f8: {  	v54 =	vmax.f32 v53, v3  }
0x3f9: {  	[tilespmem:v2+s3+$0x0] =	vst.idx.msk vm0, v54  }
0x3fa: {  	v55 =	vld.idx.msk [tilespmem:v2+s3+$0x0], $0xffff;
	_ =	sdelay $0x4  }
0x3fb: {  	vm11 =	vlt.f32 v55, v54  }
0x3fc: {  	vm0 =	vmand vm0, vm11;
	_ =	sdelay $0x4  }
0x3fd: {  	v56 =	vmax.f32 v55, v3  }
0x3fe: {  	[tilespmem:v2+s3+$0x0] =	vst.idx.msk vm0, v56  }
0x3ff: {  	v57 =	vld.idx.msk [tilespmem:v2+s3+$0x0], $0xffff;
	_ =	sdelay $0x4  }
0x400: {  	vm12 =	vlt.f32 v57, v56  }
0x401: {  	vm0 =	vmand vm0, vm12;
	_ =	sdelay $0x4  }
0x402: {  	v58 =	vmax.f32 v57, v3  }
0x403: {  	[tilespmem:v2+s3+$0x0] =	vst.idx.msk vm0, v58  }
0x404: {  	v59 =	vld.idx.msk [tilespmem:v2+s3+$0x0], $0xffff;
	_ =	sdelay $0x4  }
0x405: {  	vm13 =	vlt.f32 v59, v58  }
0x406: {  	vm0 =	vmand vm0, vm13;
	_ =	sdelay $0x4  }
0x407: {  	v60 =	vmax.f32 v59, v3  }
0x408: {  	[tilespmem:v2+s3+$0x0] =	vst.idx.msk vm0, v60  }
0x409: {  	v61 =	vld.idx.msk [tilespmem:v2+s3+$0x0], $0xffff;
	_ =	sdelay $0x4  }
0x40a: {  	vm14 =	vlt.f32 v61, v60  }
0x40b: {  	vm0 =	vmand vm0, vm14;
	_ =	sdelay $0x4  }
0x40c: {  	v62 =	vmax.f32 v61, v3  }
0x40d: {  	[tilespmem:v2+s3+$0x0] =	vst.idx.msk vm0, v62  }
0x40e: {  	v63 =	vld.idx.msk [tilespmem:v2+s3+$0x0], $0xffff;
	_ =	sdelay $0x4  }
0x40f: {  	vm15 =	vlt.f32 v63, v62  }
0x410: {  	vm0 =	vmand vm0, vm15;
	_ =	sdelay $0x1  }
.Ltmp21:
0x411: {  	_ = 	snop;
	(pc) =	sbr.rel .LBB2_27-.Ltmp21, $3  }
0x412: {  	_ =	sdelay $0x1  }
0x413: {  	v3 =	vmax.f32 v63, v3  }
0x414: {  	[tilespmem:v2+s3+$0x0] =	vst.idx.msk vm0, v3  }
.LBB2_30:
0x415: {  	_ =	sfence.sel $0x180000  }
0x416: {  	[bflag:$0x0] =	sbarrier.arrive $0xFFFF  }
0x417: {  	p0 =	sne.s32 s2, $0x0;
	_ =	strace $0x9000004A  }
0x418: {  	s0 =	sadd.s32 @!p0 $0x100000, s0;
	[bflag:$0x2] =	sbarrier.arrive $0xFFFF  }
0x419: {  	[sflag:s0] =	ssyncadd.tile.s32 @!p0 $0x1;
	_ =	shalt  }
.Lfunc_end2:
_tile_overlayer_lowered:
.L_overlay_start_2:
0x41a: {  	(tag) =	ssettag $0x2  }
0x41b: {  	s0 =	rddreg [dreg:$0x0];
	s2 =	stileid.u32  }
0x41c: {  	s1 =	rddreg [dreg:$0x1];
	p0 =	sne.s32 s2, $0x0  }
0x41d: {  	s3 =	rddreg [dreg:$0x2];
	[bflag:$0x3] =	sbarrier.arrive $0xFFFF;
	s2 =	simm.s32 @!p0 $0x1C03  }
0x41e: {  	[timem:s3], [sflag:s2] =	dma.local @!p0 [hbm:s0], s1  }
0x41f: {  	s0 =	simm.s32 @!p0 $0x3  }
0x420: {  	_ =	swait.ge @!p0 [sflag:s0], s1  }
0x421: {  	s1 =	ssub.s32 @!p0 $0x0, s1;
	[sflag:s0] =	ssyncset.done @!p0 $0x0  }
0x422: {  	[sflag:s0] =	ssyncadd.s32 @!p0 s1  }
0x423: {  	[bflag:$0x3] =	sbarrier.arrive $0xFFFF  }
0x424: {  	_ =	shalt  }

// kernel: kernel.8.cloned.1.call-start
scs
__scs_entry_jumppad:
0x0: {  	(pc) =	sbr.rel $0x88, $3  }
0x1: {  	(tag) =	ssettag $0x0;
	lr =	simm.s32 $0x1  }
0x2: {  	[smem:$0x3F9F] =	sst lr;
	_ =	strace $0xD0000000  }
0x3: {  	_ = 	snop  }
0x4: {  	_ = 	snop  }
0x5: {  	_ = 	snop  }
0x6: {  	_ = 	snop  }
0x7: {  	_ = 	snop  }
__scs_overlays_trampoline_lowered:
0x8: {  	[smem:$0x3FAE] =	sst s0  }
0x9: {  	[smem:$0x3FAF] =	sst s1  }
0xa: {  	[smem:$0x3FB0] =	sst s2  }
0xb: {  	[smem:$0x3FB1] =	sst s3  }
0xc: {  	[smem:$0x3FB2] =	sst s4  }
0xd: {  	[smem:$0x3FB3] =	sst s5  }
0xe: {  	[smem:$0x3FB4] =	sst s6  }
0xf: {  	[smem:$0x3FB5] =	sst s7  }
0x10: {  	[smem:$0x3FB6] =	sst s8  }
0x11: {  	[smem:$0x3FB7] =	sst s9;
	s0 =	simm.s32 @!p0 $0x0  }
0x12: {  	s1 =	sld [smem:$0x3F9D];
	s0 =	simm.s32 @p0 $0x1  }
0x13: {  	[smem:$0x3FB8] =	sst s0;
	s0 =	simm.s32 @!p1 $0x0  }
0x14: {  	s2 =	sld [smem:$0x3F9C];
	s0 =	simm.s32 @p1 $0x1  }
0x15: {  	[smem:$0x3FB9] =	sst s0;
	s0 =	simm.s32 @!p2 $0x0  }
0x16: {  	s3 =	sld [smem:$0x3FDB];
	s0 =	simm.s32 @p2 $0x1  }
0x17: {  	s4 =	simm.s32 $0x1BF5;
	[smem:$0x3FBB] =	sst s0  }
0x18: {  	s0 =	sld [smem:$0x3F9E];
	_ =	swait.ge [sflag:s4], $0x0  }
0x19: {  	s7 =	sld [smem:$0x3F9F]  }
0x1a: {  	s8 =	sadd.s32 $0xFFFFE003, lr  }
0x1b: {  	s9 =	sadd.s32 $0xFFFFFEF7, lr;
	s5 =	simm.s32 $0xFFFFFFFF;
	p2 =	slt.u32 s8, $0xFFFFF086  }
0x1c: {  	p1 =	slt.u32 s9, $0xF7A;
	s5 =	simm.s32 @!p2 $0x0  }
0x1d: {  	s5 =	simm.s32 @p1 $0x1;
	p0 =	seq.s32 s7, s2  }
0x1e: {  	s7 =	smul.u32 @!p0 $0xF7A, s2;
	p2 =	seq.s32 @!p0 s5, $0x0  }
0x1f: {  	s9 =	smul.u32 $0xF7A, s1;
	s8 =	simm.s32 @!p0 $0x1BF5;
	p2 =	por !p2, p0  }
0x20: {  	[sflag:s8] =	ssyncset.s32 @!p0 $0xFFFFF086;
	s6 =	sadd.s32 @!p0 s3, s7;
	s7 =	simm.s32 @!p0 $0x108  }
0x21: {  	s3 =	sadd.s32 s3, s9;
	s6 =	sadd.s32 @!p0 $0x88, s6;
	s7 =	simm.s32 @p2 $0x1082  }
0x22: {  	[simem:s7], [sflag:s8] =	dma.local @!p0 [hbm:s6], $0xF7A  }
0x23: {  	s9 =	sor.u32 $0xD0000000, s2;
	s6 =	simm.s32 $0x108;
	_ =	swait.ge @!p0 [sflag:s8], $0x0  }
0x24: {  	s3 =	sadd.s32 $0x88, s3;
	s6 =	simm.s32 @!p1 $0x1082;
	[sflag:s4] =	ssyncset.s32 $0xFFFFF086  }
0x25: {  	[simem:s6], [sflag:s4] =	dma.local [hbm:s3], $0xF7A  }
0x26: {  	[smem:$0x3F9F] =	sst s1;
	(tag) =	ssettag s2;
	_ =	strace s9  }
0x27: {  	s1 =	sld [smem:$0x3FAF]  }
0x28: {  	s2 =	sld [smem:$0x3FB0]  }
0x29: {  	s4 =	sld [smem:$0x3FB2]  }
0x2a: {  	p0 =	seq.s32 s5, $0x0;
	s5 =	sld [smem:$0x3FB3]  }
0x2b: {  	s6 =	sld [smem:$0x3FB4]  }
0x2c: {  	s7 =	sld [smem:$0x3FB5]  }
0x2d: {  	s3 =	simm.s32 $0x108;
	s8 =	sld [smem:$0x3FB6]  }
0x2e: {  	s3 =	simm.s32 @!p0 $0x1082;
	s9 =	sld [smem:$0x3FB7]  }
0x2f: {  	lr =	sadd.s32 s0, s3;
	s0 =	sld [smem:$0x3FAE]  }
0x30: {  	s3 =	sld [smem:$0x3FB1]  }
0x31: {  	[smem:$0x3FBA] =	sst s10  }
0x32: {  	s10 =	sld [smem:$0x3FB8];
	_ =	sdelay $0x3  }
0x33: {  	p0 =	seq.s32 s10, $0x1;
	s10 =	sld [smem:$0x3FBA];
	_ =	sdelay $0x3  }
0x34: {  	[smem:$0x3FBA] =	sst s10  }
0x35: {  	s10 =	sld [smem:$0x3FB9];
	_ =	sdelay $0x3  }
0x36: {  	p1 =	seq.s32 s10, $0x1;
	s10 =	sld [smem:$0x3FBA];
	_ =	sdelay $0x3  }
0x37: {  	[smem:$0x3FBA] =	sst s10  }
0x38: {  	s10 =	sld [smem:$0x3FBB]  }
0x39: {  	_ = 	snop;
	(pc) =	sbr.ind lr, $3  }
0x3a: {  	_ = 	snop  }
0x3b: {  	_ = 	snop  }
0x3c: {  	p2 =	seq.s32 s10, $0x1;
	s10 =	sld [smem:$0x3FBA]  }
0x3d: {  	_ =	shalt  }
0x3e: {  	_ =	shalt  }
0x3f: {  	_ =	shalt  }
0x40: {  	_ =	shalt  }
0x41: {  	_ =	shalt  }
0x42: {  	_ =	shalt  }
0x43: {  	_ =	shalt  }
0x44: {  	_ =	shalt  }
0x45: {  	_ =	shalt  }
0x46: {  	_ =	shalt  }
0x47: {  	_ =	shalt  }
0x48: {  	_ =	shalt  }
0x49: {  	_ =	shalt  }
0x4a: {  	_ =	shalt  }
0x4b: {  	_ =	shalt  }
0x4c: {  	_ =	shalt  }
0x4d: {  	_ =	shalt  }
0x4e: {  	_ =	shalt  }
0x4f: {  	_ =	shalt  }
0x50: {  	_ =	shalt  }
0x51: {  	_ =	shalt  }
0x52: {  	_ =	shalt  }
0x53: {  	_ =	shalt  }
0x54: {  	_ =	shalt  }
0x55: {  	_ =	shalt  }
0x56: {  	_ =	shalt  }
0x57: {  	_ =	shalt  }
0x58: {  	_ =	shalt  }
0x59: {  	_ =	shalt  }
0x5a: {  	_ =	shalt  }
0x5b: {  	_ =	shalt  }
0x5c: {  	_ =	shalt  }
0x5d: {  	_ =	shalt  }
0x5e: {  	_ =	shalt  }
0x5f: {  	_ =	shalt  }
0x60: {  	_ =	shalt  }
0x61: {  	_ =	shalt  }
0x62: {  	_ =	shalt  }
0x63: {  	_ =	shalt  }
0x64: {  	_ =	shalt  }
0x65: {  	_ =	shalt  }
0x66: {  	_ =	shalt  }
0x67: {  	_ =	shalt  }
0x68: {  	_ =	shalt  }
0x69: {  	_ =	shalt  }
0x6a: {  	_ =	shalt  }
0x6b: {  	_ =	shalt  }
0x6c: {  	_ =	shalt  }
0x6d: {  	_ =	shalt  }
0x6e: {  	_ =	shalt  }
0x6f: {  	_ =	shalt  }
0x70: {  	_ =	shalt  }
0x71: {  	_ =	shalt  }
0x72: {  	_ =	shalt  }
0x73: {  	_ =	shalt  }
0x74: {  	_ =	shalt  }
0x75: {  	_ =	shalt  }
0x76: {  	_ =	shalt  }
0x77: {  	_ =	shalt  }
0x78: {  	_ =	shalt  }
0x79: {  	_ =	shalt  }
0x7a: {  	_ =	shalt  }
0x7b: {  	_ =	shalt  }
0x7c: {  	_ =	shalt  }
0x7d: {  	_ =	shalt  }
0x7e: {  	_ =	shalt  }
0x7f: {  	_ =	shalt  }
0x80: {  	_ =	shalt  }
0x81: {  	_ =	shalt  }
0x82: {  	_ =	shalt  }
0x83: {  	_ =	shalt  }
0x84: {  	_ =	shalt  }
0x85: {  	_ =	shalt  }
0x86: {  	_ =	shalt  }
0x87: {  	_ =	shalt  }
.Lfunc_end0:
.L_simem_size_0:
called_computation.2_lowered:
.L_overlay_start_0:
0x88: {  	s2 =	sld [smem:$0x3FD9]  }
0x89: {  	s3 =	sld [smem:$0x3FFE];
	_ =	sdelay $0x1  }
0x8a: {  	s1 =	srdreg.scid  }
0x8b: {  	s0 =	sand.u32 $0x1, s1  }
0x8c: {  	s17 =	sshll.u32 s0, $0xA;
	s2 =	sadd.s32 s3, s2  }
0x8d: {  	s2 =	sadd.s32 s2, s17  }
0x8e: {  	[smem:$0x3FC6] =	sst s2  }
0x8f: {  	_ = 	snop  }
0x90: {  	s2 =	sld [smem:$0x3FD0];
	(tm) =	ssettm $0x1  }
0x91: {  	s18 =	sld [smem:$0x3FFB];
	_ =	sdelay $0x3  }
0x92: {  	_ =	strace s18  }
0x93: {  	s3 =	sld [smem:$0x3FFC];
	_ =	sdelay $0x3  }
0x94: {  	_ =	strace s3  }
0x95: {  	s3 =	sld [smem:$0x3FFD];
	_ =	sdelay $0x3  }
0x96: {  	_ =	strace s3  }
0x97: {  	_ =	strace $0x8FFFFFFF  }
0x98: {  	s19 =	sld [smem:$0x3FDB];
	_ =	sdelay $0x1  }
0x99: {  	s4 =	simm.s32 $_scs_section_size  }
0x9a: {  	s5 =	simm.s32 $_size__tile_overlayer_lowered;
	s6 =	simm.s32 $_tile_overlayer_lowered  }
0x9b: {  	s22 =	simm.s32 $0x1BFF;
	s21 =	sshll.u32 s6, $0x1;
	s3 =	sadd.s32 s4, s19  }
0x9c: {  	s7 =	simm.s32 $0x0;
	s20 =	sshll.u32 s5, $0x1;
	s5 =	sadd.s32 s21, s3  }
0x9d: {  	[timem:s7], [sflag:s22] =	dma.local [hbm:s5], s20  }
0x9e: {  	_ =	swait.ge [sflag:s22], s20  }
0x9f: {  	s4 =	ssub.s32 $0x0, s20;
	[sflag:s22] =	ssyncset.done $0x0  }
0xa0: {  	[sflag:s22] =	ssyncadd.s32 s4;
	_ =	sdelay $0x1  }
0xa1: {  	s23 =	simm.s32 $0x1B8B  }
0xa2: {  	_ =	swait.ge [sflag:s23], $0x1  }
0xa3: {  	[sflag:s23] =	ssyncset.done $0x0  }
0xa4: {  	s25 =	simm.s32 $0x1B8E;
	s24 =	sld [smem:$0x3FFE];
	[sflag:s23] =	ssyncadd.s32 $0xFFFFFFFF  }
0xa5: {  	s26 =	simm.s32 $execute0_lowered;
	[smem:$0x3FD2] =	sst s25  }
0xa6: {  	s5 =	sshll.u32 s26, $0x1;
	_ =	strace $0x8000004C;
	[dreg:$0x1] =	wrdreg $0xFFFFFFFF  }
0xa7: {  	s28 =	simm.s32 $_size_execute0_lowered;
	s3 =	sadd.s32 s3, s5;
	[dreg:$0x0] =	wrdreg $0x0  }
0xa8: {  	s5 =	sshll.u32 s28, $0x1;
	[dreg:$0x2] =	wrdreg s3  }
0xa9: {  	[dreg:$0x3] =	wrdreg s5  }
0xaa: {  	[dreg:$0x4] =	wrdreg $0xC0  }
0xab: {  	_ =	task [dreg:s7], $0x5FFFF  }
0xac: {  	[dreg:$0x1] =	wrdreg $0xFFFFFFFF  }
0xad: {  	[dreg:$0x0] =	wrdreg $0x60  }
0xae: {  	[dreg:$0x2] =	wrdreg s2  }
0xaf: {  	[dreg:$0x3] =	wrdreg s24  }
0xb0: {  	[dreg:$0x4] =	wrdreg $0x9  }
0xb1: {  	_ =	task.clear_ibuf [dreg:s7], $0x5FFFF;
	_ =	strace $0x9000004C  }
0xb2: {  	s29 =	simm.s32 $0x9;
	_ =	strace $0x8000004E  }
0xb3: {  	_ =	swait.ge [sflag:s29], $0x1  }
0xb4: {  	[sflag:s29] =	ssyncadd.s32 $0xFFFFFFFF  }
0xb5: {  	_ =	strace $0x9000004E  }
0xb6: {  	_ =	sfence  }
0xb7: {  	s30 =	sld [smem:$0x0];
	_ =	sdelay $0x2  }
0xb8: {  	s31 =	sshll.u32 s1, $0xD;
	s1 =	sshrl.u32 s1, $0x2  }
0xb9: {  	s3 =	sand.u32 $0x4000, s31;
	s1 =	sadd.s32 s1, s30  }
0xba: {  	s0 =	sor.u32 s3, s0;
	s1 =	sshll.u32 s1, $0x11  }
0xbb: {  	s0 =	sor.u32 s1, s0  }
0xbc: {  	s0 =	sadd.s32 $0x8F2B, s0  }
0xbd: {  	[sflag:s0] =	ssyncadd.remote.s32 $0x1  }
0xbe: {  	_ =	sfence.sel $0xFFFF  }
0xbf: {  	[dreg:$0x0] =	wrdreg $0xFFFFFFFF;
	(pc) =	sbr.abs _section_cstart, $3  }
0xc0: {  	[dreg:$0x1] =	wrdreg $0xFFFFFFFF  }
0xc1: {  	_ =	task.clear_ibuf [dreg:s7], $0x2FFFF;
	_ =	strace $0x9FFFFFFF  }
0xc2: {  	(tm) =	ssettm $0x7FFFFFFF  }
0xc3: {  	_ =	shalt  }
tec
execute0_lowered:
.L_overlay_start_1:
0x0: {  	(tag) =	ssettag $0x1  }
0x1: {  	s1 =	srdreg.scid;
	s3 =	rddreg [dreg:$0x0]  }
0x2: {  	s0 =	stileid.u32;
	s6 =	rddreg [dreg:$0x1];
	s2 =	simm.s32 $0x0  }
0x3: {  	s21 =	simm.s32 $0x3;
	s4 =	sand.u32 $0x1, s1;
	s5 =	smul.u32 $0x1900, s0  }
0x4: {  	s22 =	simm.s32 $0x1900;
	s23 =	simm.s32 $0x1;
	s7 =	smul.u32 $0x19000, s4  }
0x5: {  	s24 =	simm.s32 $0x3200;
	s1 =	rddreg [dreg:$0x2];
	s8 =	smul.u32 $0x190000, s4  }
0x6: {  	s25 =	simm.s32 $0x2;
	s26 =	simm.s32 $0x0;
	[smem:$0x7FF] =	sst s2  }
0x7: {  	s4 =	ssub.s32 $0x2, s4;
	s7 =	sadd.s32 s5, s7;
	s5 =	sadd.s32 s5, s8  }
0x8: {  	_ =	strace $0x8000004D;
	s31 =	sshrl.u32 s4, $0x1;
	s5 =	sshrl.u32 s5, $0x3  }
0x9: {  	s20 =	ssub.s32 s4, s31;
	s7 =	sshrl.u32 s7, $0x3;
	s3 =	sadd.s32 s3, s5  }
0xa: {  	s20 =	smax.u32 s20, $0x1;
	s19 =	sadd.s32 s7, s6;
	s4 =	sadd.s32 $0x3200, s3  }
0xb: {  	s5 =	sadd.s32 $0x6400, s3;
	s6 =	sadd.s32 $0x9600, s3;
	s7 =	sadd.s32 $0xC800, s3  }
0xc: {  	s8 =	sadd.s32 $0xFA00, s3;
	s9 =	sadd.s32 $0x12C00, s3;
	s10 =	sadd.s32 $0x15E00, s3  }
0xd: {  	s11 =	sadd.s32 $0x19000, s3;
	s12 =	sadd.s32 $0x1C200, s3;
	s13 =	sadd.s32 $0x1F400, s3  }
0xe: {  	s14 =	sadd.s32 $0x22600, s3;
	s15 =	sadd.s32 $0x25800, s3;
	s16 =	sadd.s32 $0x28A00, s3  }
0xf: {  	s17 =	sadd.s32 $0x2BC00, s3;
	s18 =	sadd.s32 $0x2EE00, s3;
	s19 =	sadd.s32 $0x187E00, s19  }
.LBB2_1:
0x10: {  	[tilespmem:s2], [sflag:$0x3] =	stream.linear.gather [hbm4b:s3+s2], $0x1900, $0x38;
	[tilespmem:$0x4B00] =	vst v63  }
0x11: {  	_ =	swait.ge [sflag:s21], $0x1900  }
0x12: {  	[sflag:s21] =	ssyncset.done $0x0  }
0x13: {  	[sflag:s21] =	ssyncadd.s32 $0xFFFFE700  }
0x14: {  	[tilespmem:s22], [sflag:$0x1] =	stream.linear.gather [hbm4b:s4+s2], $0x1900, $0x38;
	[tilespmem:$0x4B00] =	vst v63  }
0x15: {  	_ =	swait.ge [sflag:s23], $0x1900  }
0x16: {  	[sflag:s23] =	ssyncset.done $0x0  }
0x17: {  	s28 =	simm.s32 $0x0;
	[sflag:s23] =	ssyncadd.s32 $0xFFFFE700  }
0x18: {  	[tilespmem:s24], [sflag:$0x2] =	stream.linear.gather [hbm4b:s5+s2], $0x1900, $0x38;
	[tilespmem:$0x4B00] =	vst v63  }
0x19: {  	v4 =	vld [tilespmem:s28+$0x1900]  }
0x1a: {  	v3 =	vld [tilespmem:s28+$0x1910]  }
0x1b: {  	v2 =	vld [tilespmem:s28+$0x1920]  }
0x1c: {  	v1 =	vld [tilespmem:s28+$0x1930]  }
0x1d: {  	v0 =	vld [tilespmem:s28+$0x1940]  }
0x1e: {  	v8 =	vld [tilespmem:s28+$0x0]  }
0x1f: {  	v7 =	vld [tilespmem:s28+$0x10]  }
0x20: {  	v6 =	vld [tilespmem:s28+$0x20]  }
0x21: {  	s29 =	simm.s32 $0x140;
	v5 =	vld [tilespmem:s28+$0x30]  }
.LBB2_2:
0x22: {  	s30 =	sshra.s32 s29, $0x2;
	p0 =	sne.s32 s29, $0x62C0;
	v9 =	vld [tilespmem:s28+$0x40]  }
0x23: {  	v8 =	vmax.f32 v8, v4;
	v4 =	vld [tilespmem:s30+$0x1900]  }
0x24: {  	[tilespmem:s28+$0x0] =	vst v8;
	v7 =	vmax.f32 v7, v3;
	v3 =	vld [tilespmem:s30+$0x1910]  }
0x25: {  	[tilespmem:s28+$0x10] =	vst v7;
	v6 =	vmax.f32 v6, v2;
	v2 =	vld [tilespmem:s30+$0x1920]  }
0x26: {  	[tilespmem:s28+$0x20] =	vst v6;
	v5 =	vmax.f32 v5, v1;
	v1 =	vld [tilespmem:s30+$0x1930]  }
.Ltmp0:
0x27: {  	[tilespmem:s28+$0x30] =	vst v5;
	v5 =	vmax.f32 v9, v0;
	v0 =	vld [tilespmem:s30+$0x1940];
	(pc) =	sbr.rel @p0 .LBB2_2-.Ltmp0, $4  }
0x28: {  	v8 =	vld [tilespmem:s30+$0x0];
	[tilespmem:s28+$0x40] =	vst v5;
	s28 =	smov.u32 s30  }
0x29: {  	v7 =	vld [tilespmem:s28+$0x10]  }
0x2a: {  	v6 =	vld [tilespmem:s28+$0x20]  }
0x2b: {  	s29 =	sadd.s32 $0x140, s29;
	v5 =	vld [tilespmem:s28+$0x30]  }
0x2c: {  	v9 =	vld [tilespmem:s28+$0x40]  }
0x2d: {  	v4 =	vmax.f32 v8, v4  }
0x2e: {  	[tilespmem:s28+$0x0] =	vst v4;
	v3 =	vmax.f32 v7, v3  }
0x2f: {  	[tilespmem:s28+$0x10] =	vst v3;
	v2 =	vmax.f32 v6, v2  }
0x30: {  	[tilespmem:s28+$0x20] =	vst v2;
	v1 =	vmax.f32 v5, v1  }
0x31: {  	[tilespmem:s28+$0x30] =	vst v1;
	v0 =	vmax.f32 v9, v0  }
0x32: {  	[tilespmem:s28+$0x40] =	vst v0  }
0x33: {  	_ =	swait.ge [sflag:s25], $0x1900  }
0x34: {  	[sflag:s25] =	ssyncset.done $0x0  }
0x35: {  	s28 =	simm.s32 $0x0;
	[sflag:s25] =	ssyncadd.s32 $0xFFFFE700  }
0x36: {  	[tilespmem:s22], [sflag:$0x1] =	stream.linear.gather [hbm4b:s6+s28], $0x1900, $0x38;
	[tilespmem:$0x4B00] =	vst v63  }
0x37: {  	s28 =	simm.s32 $0x0  }
0x38: {  	v4 =	vld [tilespmem:s28+$0x3200]  }
0x39: {  	v3 =	vld [tilespmem:s28+$0x3210]  }
0x3a: {  	v2 =	vld [tilespmem:s28+$0x3220]  }
0x3b: {  	v1 =	vld [tilespmem:s28+$0x3230]  }
0x3c: {  	v0 =	vld [tilespmem:s28+$0x3240]  }
0x3d: {  	v8 =	vld [tilespmem:s28+$0x0]  }
0x3e: {  	v7 =	vld [tilespmem:s28+$0x10]  }
0x3f: {  	v6 =	vld [tilespmem:s28+$0x20]  }
0x40: {  	s29 =	simm.s32 $0x140;
	v5 =	vld [tilespmem:s28+$0x30]  }
.LBB2_4:
0x41: {  	s30 =	sshra.s32 s29, $0x2;
	p0 =	sne.s32 s29, $0x62C0;
	v9 =	vld [tilespmem:s28+$0x40]  }
0x42: {  	v8 =	vmax.f32 v8, v4;
	v4 =	vld [tilespmem:s30+$0x3200]  }
0x43: {  	[tilespmem:s28+$0x0] =	vst v8;
	v7 =	vmax.f32 v7, v3;
	v3 =	vld [tilespmem:s30+$0x3210]  }
0x44: {  	[tilespmem:s28+$0x10] =	vst v7;
	v6 =	vmax.f32 v6, v2;
	v2 =	vld [tilespmem:s30+$0x3220]  }
0x45: {  	[tilespmem:s28+$0x20] =	vst v6;
	v5 =	vmax.f32 v5, v1;
	v1 =	vld [tilespmem:s30+$0x3230]  }
.Ltmp1:
0x46: {  	[tilespmem:s28+$0x30] =	vst v5;
	v5 =	vmax.f32 v9, v0;
	v0 =	vld [tilespmem:s30+$0x3240];
	(pc) =	sbr.rel @p0 .LBB2_4-.Ltmp1, $4  }
0x47: {  	v8 =	vld [tilespmem:s30+$0x0];
	[tilespmem:s28+$0x40] =	vst v5;
	s28 =	smov.u32 s30  }
0x48: {  	v7 =	vld [tilespmem:s28+$0x10]  }
0x49: {  	v6 =	vld [tilespmem:s28+$0x20]  }
0x4a: {  	s29 =	sadd.s32 $0x140, s29;
	v5 =	vld [tilespmem:s28+$0x30]  }
0x4b: {  	v9 =	vld [tilespmem:s28+$0x40]  }
0x4c: {  	v4 =	vmax.f32 v8, v4  }
0x4d: {  	[tilespmem:s28+$0x0] =	vst v4;
	v3 =	vmax.f32 v7, v3  }
0x4e: {  	[tilespmem:s28+$0x10] =	vst v3;
	v2 =	vmax.f32 v6, v2  }
0x4f: {  	[tilespmem:s28+$0x20] =	vst v2;
	v1 =	vmax.f32 v5, v1  }
0x50: {  	[tilespmem:s28+$0x30] =	vst v1;
	v0 =	vmax.f32 v9, v0  }
0x51: {  	[tilespmem:s28+$0x40] =	vst v0  }
0x52: {  	_ =	swait.ge [sflag:s23], $0x1900  }
0x53: {  	[sflag:s23] =	ssyncset.done $0x0  }
0x54: {  	s28 =	simm.s32 $0x0;
	[sflag:s23] =	ssyncadd.s32 $0xFFFFE700  }
0x55: {  	[tilespmem:s24], [sflag:$0x2] =	stream.linear.gather [hbm4b:s7+s28], $0x1900, $0x38;
	[tilespmem:$0x4B00] =	vst v63  }
0x56: {  	s28 =	simm.s32 $0x0  }
0x57: {  	v4 =	vld [tilespmem:s28+$0x1900]  }
0x58: {  	v3 =	vld [tilespmem:s28+$0x1910]  }
0x59: {  	v2 =	vld [tilespmem:s28+$0x1920]  }
0x5a: {  	v1 =	vld [tilespmem:s28+$0x1930]  }
0x5b: {  	v0 =	vld [tilespmem:s28+$0x1940]  }
0x5c: {  	v8 =	vld [tilespmem:s28+$0x0]  }
0x5d: {  	v7 =	vld [tilespmem:s28+$0x10]  }
0x5e: {  	v6 =	vld [tilespmem:s28+$0x20]  }
0x5f: {  	s29 =	simm.s32 $0x140;
	v5 =	vld [tilespmem:s28+$0x30]  }
.LBB2_6:
0x60: {  	s30 =	sshra.s32 s29, $0x2;
	p0 =	sne.s32 s29, $0x62C0;
	v9 =	vld [tilespmem:s28+$0x40]  }
0x61: {  	v8 =	vmax.f32 v8, v4;
	v4 =	vld [tilespmem:s30+$0x1900]  }
0x62: {  	[tilespmem:s28+$0x0] =	vst v8;
	v7 =	vmax.f32 v7, v3;
	v3 =	vld [tilespmem:s30+$0x1910]  }
0x63: {  	[tilespmem:s28+$0x10] =	vst v7;
	v6 =	vmax.f32 v6, v2;
	v2 =	vld [tilespmem:s30+$0x1920]  }
0x64: {  	[tilespmem:s28+$0x20] =	vst v6;
	v5 =	vmax.f32 v5, v1;
	v1 =	vld [tilespmem:s30+$0x1930]  }
.Ltmp2:
0x65: {  	[tilespmem:s28+$0x30] =	vst v5;
	v5 =	vmax.f32 v9, v0;
	v0 =	vld [tilespmem:s30+$0x1940];
	(pc) =	sbr.rel @p0 .LBB2_6-.Ltmp2, $4  }
0x66: {  	v8 =	vld [tilespmem:s30+$0x0];
	[tilespmem:s28+$0x40] =	vst v5;
	s28 =	smov.u32 s30  }
0x67: {  	v7 =	vld [tilespmem:s28+$0x10]  }
0x68: {  	v6 =	vld [tilespmem:s28+$0x20]  }
0x69: {  	s29 =	sadd.s32 $0x140, s29;
	v5 =	vld [tilespmem:s28+$0x30]  }
0x6a: {  	v9 =	vld [tilespmem:s28+$0x40]  }
0x6b: {  	v4 =	vmax.f32 v8, v4  }
0x6c: {  	[tilespmem:s28+$0x0] =	vst v4;
	v3 =	vmax.f32 v7, v3  }
0x6d: {  	[tilespmem:s28+$0x10] =	vst v3;
	v2 =	vmax.f32 v6, v2  }
0x6e: {  	[tilespmem:s28+$0x20] =	vst v2;
	v1 =	vmax.f32 v5, v1  }
0x6f: {  	[tilespmem:s28+$0x30] =	vst v1;
	v0 =	vmax.f32 v9, v0  }
0x70: {  	[tilespmem:s28+$0x40] =	vst v0  }
0x71: {  	_ =	swait.ge [sflag:s25], $0x1900  }
0x72: {  	[sflag:s25] =	ssyncset.done $0x0  }
0x73: {  	s28 =	simm.s32 $0x0;
	[sflag:s25] =	ssyncadd.s32 $0xFFFFE700  }
0x74: {  	[tilespmem:s22], [sflag:$0x1] =	stream.linear.gather [hbm4b:s8+s28], $0x1900, $0x38;
	[tilespmem:$0x4B00] =	vst v63  }
0x75: {  	s28 =	simm.s32 $0x0  }
0x76: {  	v4 =	vld [tilespmem:s28+$0x3200]  }
0x77: {  	v3 =	vld [tilespmem:s28+$0x3210]  }
0x78: {  	v2 =	vld [tilespmem:s28+$0x3220]  }
0x79: {  	v1 =	vld [tilespmem:s28+$0x3230]  }
0x7a: {  	v0 =	vld [tilespmem:s28+$0x3240]  }
0x7b: {  	v8 =	vld [tilespmem:s28+$0x0]  }
0x7c: {  	v7 =	vld [tilespmem:s28+$0x10]  }
0x7d: {  	v6 =	vld [tilespmem:s28+$0x20]  }
0x7e: {  	s29 =	simm.s32 $0x140;
	v5 =	vld [tilespmem:s28+$0x30]  }
.LBB2_8:
0x7f: {  	s30 =	sshra.s32 s29, $0x2;
	p0 =	sne.s32 s29, $0x62C0;
	v9 =	vld [tilespmem:s28+$0x40]  }
0x80: {  	v8 =	vmax.f32 v8, v4;
	v4 =	vld [tilespmem:s30+$0x3200]  }
0x81: {  	[tilespmem:s28+$0x0] =	vst v8;
	v7 =	vmax.f32 v7, v3;
	v3 =	vld [tilespmem:s30+$0x3210]  }
0x82: {  	[tilespmem:s28+$0x10] =	vst v7;
	v6 =	vmax.f32 v6, v2;
	v2 =	vld [tilespmem:s30+$0x3220]  }
0x83: {  	[tilespmem:s28+$0x20] =	vst v6;
	v5 =	vmax.f32 v5, v1;
	v1 =	vld [tilespmem:s30+$0x3230]  }
.Ltmp3:
0x84: {  	[tilespmem:s28+$0x30] =	vst v5;
	v5 =	vmax.f32 v9, v0;
	v0 =	vld [tilespmem:s30+$0x3240];
	(pc) =	sbr.rel @p0 .LBB2_8-.Ltmp3, $4  }
0x85: {  	v8 =	vld [tilespmem:s30+$0x0];
	[tilespmem:s28+$0x40] =	vst v5;
	s28 =	smov.u32 s30  }
0x86: {  	v7 =	vld [tilespmem:s28+$0x10]  }
0x87: {  	v6 =	vld [tilespmem:s28+$0x20]  }
0x88: {  	s29 =	sadd.s32 $0x140, s29;
	v5 =	vld [tilespmem:s28+$0x30]  }
0x89: {  	v9 =	vld [tilespmem:s28+$0x40]  }
0x8a: {  	v4 =	vmax.f32 v8, v4  }
0x8b: {  	[tilespmem:s28+$0x0] =	vst v4;
	v3 =	vmax.f32 v7, v3  }
0x8c: {  	[tilespmem:s28+$0x10] =	vst v3;
	v2 =	vmax.f32 v6, v2  }
0x8d: {  	[tilespmem:s28+$0x20] =	vst v2;
	v1 =	vmax.f32 v5, v1  }
0x8e: {  	[tilespmem:s28+$0x30] =	vst v1;
	v0 =	vmax.f32 v9, v0  }
0x8f: {  	[tilespmem:s28+$0x40] =	vst v0  }
0x90: {  	_ =	swait.ge [sflag:s23], $0x1900  }
0x91: {  	[sflag:s23] =	ssyncset.done $0x0  }
0x92: {  	s28 =	simm.s32 $0x0;
	[sflag:s23] =	ssyncadd.s32 $0xFFFFE700  }
0x93: {  	[tilespmem:s24], [sflag:$0x2] =	stream.linear.gather [hbm4b:s9+s28], $0x1900, $0x38;
	[tilespmem:$0x4B00] =	vst v63  }
0x94: {  	s28 =	simm.s32 $0x0  }
0x95: {  	v4 =	vld [tilespmem:s28+$0x1900]  }
0x96: {  	v3 =	vld [tilespmem:s28+$0x1910]  }
0x97: {  	v2 =	vld [tilespmem:s28+$0x1920]  }
0x98: {  	v1 =	vld [tilespmem:s28+$0x1930]  }
0x99: {  	v0 =	vld [tilespmem:s28+$0x1940]  }
0x9a: {  	v8 =	vld [tilespmem:s28+$0x0]  }
0x9b: {  	v7 =	vld [tilespmem:s28+$0x10]  }
0x9c: {  	v6 =	vld [tilespmem:s28+$0x20]  }
0x9d: {  	s29 =	simm.s32 $0x140;
	v5 =	vld [tilespmem:s28+$0x30]  }
.LBB2_10:
0x9e: {  	s30 =	sshra.s32 s29, $0x2;
	p0 =	sne.s32 s29, $0x62C0;
	v9 =	vld [tilespmem:s28+$0x40]  }
0x9f: {  	v8 =	vmax.f32 v8, v4;
	v4 =	vld [tilespmem:s30+$0x1900]  }
0xa0: {  	[tilespmem:s28+$0x0] =	vst v8;
	v7 =	vmax.f32 v7, v3;
	v3 =	vld [tilespmem:s30+$0x1910]  }
0xa1: {  	[tilespmem:s28+$0x10] =	vst v7;
	v6 =	vmax.f32 v6, v2;
	v2 =	vld [tilespmem:s30+$0x1920]  }
0xa2: {  	[tilespmem:s28+$0x20] =	vst v6;
	v5 =	vmax.f32 v5, v1;
	v1 =	vld [tilespmem:s30+$0x1930]  }
.Ltmp4:
0xa3: {  	[tilespmem:s28+$0x30] =	vst v5;
	v5 =	vmax.f32 v9, v0;
	v0 =	vld [tilespmem:s30+$0x1940];
	(pc) =	sbr.rel @p0 .LBB2_10-.Ltmp4, $4  }
0xa4: {  	v8 =	vld [tilespmem:s30+$0x0];
	[tilespmem:s28+$0x40] =	vst v5;
	s28 =	smov.u32 s30  }
0xa5: {  	v7 =	vld [tilespmem:s28+$0x10]  }
0xa6: {  	v6 =	vld [tilespmem:s28+$0x20]  }
0xa7: {  	s29 =	sadd.s32 $0x140, s29;
	v5 =	vld [tilespmem:s28+$0x30]  }
0xa8: {  	v9 =	vld [tilespmem:s28+$0x40]  }
0xa9: {  	v4 =	vmax.f32 v8, v4  }
0xaa: {  	[tilespmem:s28+$0x0] =	vst v4;
	v3 =	vmax.f32 v7, v3  }
0xab: {  	[tilespmem:s28+$0x10] =	vst v3;
	v2 =	vmax.f32 v6, v2  }
0xac: {  	[tilespmem:s28+$0x20] =	vst v2;
	v1 =	vmax.f32 v5, v1  }
0xad: {  	[tilespmem:s28+$0x30] =	vst v1;
	v0 =	vmax.f32 v9, v0  }
0xae: {  	[tilespmem:s28+$0x40] =	vst v0  }
0xaf: {  	_ =	swait.ge [sflag:s25], $0x1900  }
0xb0: {  	[sflag:s25] =	ssyncset.done $0x0  }
0xb1: {  	s28 =	simm.s32 $0x0;
	[sflag:s25] =	ssyncadd.s32 $0xFFFFE700  }
0xb2: {  	[tilespmem:s22], [sflag:$0x1] =	stream.linear.gather [hbm4b:s10+s28], $0x1900, $0x38;
	[tilespmem:$0x4B00] =	vst v63  }
0xb3: {  	s28 =	simm.s32 $0x0  }
0xb4: {  	v4 =	vld [tilespmem:s28+$0x3200]  }
0xb5: {  	v3 =	vld [tilespmem:s28+$0x3210]  }
0xb6: {  	v2 =	vld [tilespmem:s28+$0x3220]  }
0xb7: {  	v1 =	vld [tilespmem:s28+$0x3230]  }
0xb8: {  	v0 =	vld [tilespmem:s28+$0x3240]  }
0xb9: {  	v8 =	vld [tilespmem:s28+$0x0]  }
0xba: {  	v7 =	vld [tilespmem:s28+$0x10]  }
0xbb: {  	v6 =	vld [tilespmem:s28+$0x20]  }
0xbc: {  	s29 =	simm.s32 $0x140;
	v5 =	vld [tilespmem:s28+$0x30]  }
.LBB2_12:
0xbd: {  	s30 =	sshra.s32 s29, $0x2;
	p0 =	sne.s32 s29, $0x62C0;
	v9 =	vld [tilespmem:s28+$0x40]  }
0xbe: {  	v8 =	vmax.f32 v8, v4;
	v4 =	vld [tilespmem:s30+$0x3200]  }
0xbf: {  	[tilespmem:s28+$0x0] =	vst v8;
	v7 =	vmax.f32 v7, v3;
	v3 =	vld [tilespmem:s30+$0x3210]  }
0xc0: {  	[tilespmem:s28+$0x10] =	vst v7;
	v6 =	vmax.f32 v6, v2;
	v2 =	vld [tilespmem:s30+$0x3220]  }
0xc1: {  	[tilespmem:s28+$0x20] =	vst v6;
	v5 =	vmax.f32 v5, v1;
	v1 =	vld [tilespmem:s30+$0x3230]  }
.Ltmp5:
0xc2: {  	[tilespmem:s28+$0x30] =	vst v5;
	v5 =	vmax.f32 v9, v0;
	v0 =	vld [tilespmem:s30+$0x3240];
	(pc) =	sbr.rel @p0 .LBB2_12-.Ltmp5, $4  }
0xc3: {  	v8 =	vld [tilespmem:s30+$0x0];
	[tilespmem:s28+$0x40] =	vst v5;
	s28 =	smov.u32 s30  }
0xc4: {  	v7 =	vld [tilespmem:s28+$0x10]  }
0xc5: {  	v6 =	vld [tilespmem:s28+$0x20]  }
0xc6: {  	s29 =	sadd.s32 $0x140, s29;
	v5 =	vld [tilespmem:s28+$0x30]  }
0xc7: {  	v9 =	vld [tilespmem:s28+$0x40]  }
0xc8: {  	v4 =	vmax.f32 v8, v4  }
0xc9: {  	[tilespmem:s28+$0x0] =	vst v4;
	v3 =	vmax.f32 v7, v3  }
0xca: {  	[tilespmem:s28+$0x10] =	vst v3;
	v2 =	vmax.f32 v6, v2  }
0xcb: {  	[tilespmem:s28+$0x20] =	vst v2;
	v1 =	vmax.f32 v5, v1  }
0xcc: {  	[tilespmem:s28+$0x30] =	vst v1;
	v0 =	vmax.f32 v9, v0  }
0xcd: {  	[tilespmem:s28+$0x40] =	vst v0  }
0xce: {  	_ =	swait.ge [sflag:s23], $0x1900  }
0xcf: {  	[sflag:s23] =	ssyncset.done $0x0  }
0xd0: {  	s28 =	simm.s32 $0x0;
	[sflag:s23] =	ssyncadd.s32 $0xFFFFE700  }
0xd1: {  	[tilespmem:s24], [sflag:$0x2] =	stream.linear.gather [hbm4b:s11+s28], $0x1900, $0x38;
	[tilespmem:$0x4B00] =	vst v63  }
0xd2: {  	s28 =	simm.s32 $0x0  }
0xd3: {  	v4 =	vld [tilespmem:s28+$0x1900]  }
0xd4: {  	v3 =	vld [tilespmem:s28+$0x1910]  }
0xd5: {  	v2 =	vld [tilespmem:s28+$0x1920]  }
0xd6: {  	v1 =	vld [tilespmem:s28+$0x1930]  }
0xd7: {  	v0 =	vld [tilespmem:s28+$0x1940]  }
0xd8: {  	v8 =	vld [tilespmem:s28+$0x0]  }
0xd9: {  	v7 =	vld [tilespmem:s28+$0x10]  }
0xda: {  	v6 =	vld [tilespmem:s28+$0x20]  }
0xdb: {  	s29 =	simm.s32 $0x140;
	v5 =	vld [tilespmem:s28+$0x30]  }
.LBB2_14:
0xdc: {  	s30 =	sshra.s32 s29, $0x2;
	p0 =	sne.s32 s29, $0x62C0;
	v9 =	vld [tilespmem:s28+$0x40]  }
0xdd: {  	v8 =	vmax.f32 v8, v4;
	v4 =	vld [tilespmem:s30+$0x1900]  }
0xde: {  	[tilespmem:s28+$0x0] =	vst v8;
	v7 =	vmax.f32 v7, v3;
	v3 =	vld [tilespmem:s30+$0x1910]  }
0xdf: {  	[tilespmem:s28+$0x10] =	vst v7;
	v6 =	vmax.f32 v6, v2;
	v2 =	vld [tilespmem:s30+$0x1920]  }
0xe0: {  	[tilespmem:s28+$0x20] =	vst v6;
	v5 =	vmax.f32 v5, v1;
	v1 =	vld [tilespmem:s30+$0x1930]  }
.Ltmp6:
0xe1: {  	[tilespmem:s28+$0x30] =	vst v5;
	v5 =	vmax.f32 v9, v0;
	v0 =	vld [tilespmem:s30+$0x1940];
	(pc) =	sbr.rel @p0 .LBB2_14-.Ltmp6, $4  }
0xe2: {  	v8 =	vld [tilespmem:s30+$0x0];
	[tilespmem:s28+$0x40] =	vst v5;
	s28 =	smov.u32 s30  }
0xe3: {  	v7 =	vld [tilespmem:s28+$0x10]  }
0xe4: {  	v6 =	vld [tilespmem:s28+$0x20]  }
0xe5: {  	s29 =	sadd.s32 $0x140, s29;
	v5 =	vld [tilespmem:s28+$0x30]  }
0xe6: {  	v9 =	vld [tilespmem:s28+$0x40]  }
0xe7: {  	v4 =	vmax.f32 v8, v4  }
0xe8: {  	[tilespmem:s28+$0x0] =	vst v4;
	v3 =	vmax.f32 v7, v3  }
0xe9: {  	[tilespmem:s28+$0x10] =	vst v3;
	v2 =	vmax.f32 v6, v2  }
0xea: {  	[tilespmem:s28+$0x20] =	vst v2;
	v1 =	vmax.f32 v5, v1  }
0xeb: {  	[tilespmem:s28+$0x30] =	vst v1;
	v0 =	vmax.f32 v9, v0  }
0xec: {  	[tilespmem:s28+$0x40] =	vst v0  }
0xed: {  	_ =	swait.ge [sflag:s25], $0x1900  }
0xee: {  	[sflag:s25] =	ssyncset.done $0x0  }
0xef: {  	s28 =	simm.s32 $0x0;
	[sflag:s25] =	ssyncadd.s32 $0xFFFFE700  }
0xf0: {  	[tilespmem:s22], [sflag:$0x1] =	stream.linear.gather [hbm4b:s12+s28], $0x1900, $0x38;
	[tilespmem:$0x4B00] =	vst v63  }
0xf1: {  	s28 =	simm.s32 $0x0  }
0xf2: {  	v4 =	vld [tilespmem:s28+$0x3200]  }
0xf3: {  	v3 =	vld [tilespmem:s28+$0x3210]  }
0xf4: {  	v2 =	vld [tilespmem:s28+$0x3220]  }
0xf5: {  	v1 =	vld [tilespmem:s28+$0x3230]  }
0xf6: {  	v0 =	vld [tilespmem:s28+$0x3240]  }
0xf7: {  	v8 =	vld [tilespmem:s28+$0x0]  }
0xf8: {  	v7 =	vld [tilespmem:s28+$0x10]  }
0xf9: {  	v6 =	vld [tilespmem:s28+$0x20]  }
0xfa: {  	s29 =	simm.s32 $0x140;
	v5 =	vld [tilespmem:s28+$0x30]  }
.LBB2_16:
0xfb: {  	s30 =	sshra.s32 s29, $0x2;
	p0 =	sne.s32 s29, $0x62C0;
	v9 =	vld [tilespmem:s28+$0x40]  }
0xfc: {  	v8 =	vmax.f32 v8, v4;
	v4 =	vld [tilespmem:s30+$0x3200]  }
0xfd: {  	[tilespmem:s28+$0x0] =	vst v8;
	v7 =	vmax.f32 v7, v3;
	v3 =	vld [tilespmem:s30+$0x3210]  }
0xfe: {  	[tilespmem:s28+$0x10] =	vst v7;
	v6 =	vmax.f32 v6, v2;
	v2 =	vld [tilespmem:s30+$0x3220]  }
0xff: {  	[tilespmem:s28+$0x20] =	vst v6;
	v5 =	vmax.f32 v5, v1;
	v1 =	vld [tilespmem:s30+$0x3230]  }
.Ltmp7:
0x100: {  	[tilespmem:s28+$0x30] =	vst v5;
	v5 =	vmax.f32 v9, v0;
	v0 =	vld [tilespmem:s30+$0x3240];
	(pc) =	sbr.rel @p0 .LBB2_16-.Ltmp7, $4  }
0x101: {  	v8 =	vld [tilespmem:s30+$0x0];
	[tilespmem:s28+$0x40] =	vst v5;
	s28 =	smov.u32 s30  }
0x102: {  	v7 =	vld [tilespmem:s28+$0x10]  }
0x103: {  	v6 =	vld [tilespmem:s28+$0x20]  }
0x104: {  	s29 =	sadd.s32 $0x140, s29;
	v5 =	vld [tilespmem:s28+$0x30]  }
0x105: {  	v9 =	vld [tilespmem:s28+$0x40]  }
0x106: {  	v4 =	vmax.f32 v8, v4  }
0x107: {  	[tilespmem:s28+$0x0] =	vst v4;
	v3 =	vmax.f32 v7, v3  }
0x108: {  	[tilespmem:s28+$0x10] =	vst v3;
	v2 =	vmax.f32 v6, v2  }
0x109: {  	[tilespmem:s28+$0x20] =	vst v2;
	v1 =	vmax.f32 v5, v1  }
0x10a: {  	[tilespmem:s28+$0x30] =	vst v1;
	v0 =	vmax.f32 v9, v0  }
0x10b: {  	[tilespmem:s28+$0x40] =	vst v0  }
0x10c: {  	_ =	swait.ge [sflag:s23], $0x1900  }
0x10d: {  	[sflag:s23] =	ssyncset.done $0x0  }
0x10e: {  	s28 =	simm.s32 $0x0;
	[sflag:s23] =	ssyncadd.s32 $0xFFFFE700  }
0x10f: {  	[tilespmem:s24], [sflag:$0x2] =	stream.linear.gather [hbm4b:s13+s28], $0x1900, $0x38;
	[tilespmem:$0x4B00] =	vst v63  }
0x110: {  	s28 =	simm.s32 $0x0  }
0x111: {  	v4 =	vld [tilespmem:s28+$0x1900]  }
0x112: {  	v3 =	vld [tilespmem:s28+$0x1910]  }
0x113: {  	v2 =	vld [tilespmem:s28+$0x1920]  }
0x114: {  	v1 =	vld [tilespmem:s28+$0x1930]  }
0x115: {  	v0 =	vld [tilespmem:s28+$0x1940]  }
0x116: {  	v8 =	vld [tilespmem:s28+$0x0]  }
0x117: {  	v7 =	vld [tilespmem:s28+$0x10]  }
0x118: {  	v6 =	vld [tilespmem:s28+$0x20]  }
0x119: {  	s29 =	simm.s32 $0x140;
	v5 =	vld [tilespmem:s28+$0x30]  }
.LBB2_18:
0x11a: {  	s30 =	sshra.s32 s29, $0x2;
	p0 =	sne.s32 s29, $0x62C0;
	v9 =	vld [tilespmem:s28+$0x40]  }
0x11b: {  	v8 =	vmax.f32 v8, v4;
	v4 =	vld [tilespmem:s30+$0x1900]  }
0x11c: {  	[tilespmem:s28+$0x0] =	vst v8;
	v7 =	vmax.f32 v7, v3;
	v3 =	vld [tilespmem:s30+$0x1910]  }
0x11d: {  	[tilespmem:s28+$0x10] =	vst v7;
	v6 =	vmax.f32 v6, v2;
	v2 =	vld [tilespmem:s30+$0x1920]  }
0x11e: {  	[tilespmem:s28+$0x20] =	vst v6;
	v5 =	vmax.f32 v5, v1;
	v1 =	vld [tilespmem:s30+$0x1930]  }
.Ltmp8:
0x11f: {  	[tilespmem:s28+$0x30] =	vst v5;
	v5 =	vmax.f32 v9, v0;
	v0 =	vld [tilespmem:s30+$0x1940];
	(pc) =	sbr.rel @p0 .LBB2_18-.Ltmp8, $4  }
0x120: {  	v8 =	vld [tilespmem:s30+$0x0];
	[tilespmem:s28+$0x40] =	vst v5;
	s28 =	smov.u32 s30  }
0x121: {  	v7 =	vld [tilespmem:s28+$0x10]  }
0x122: {  	v6 =	vld [tilespmem:s28+$0x20]  }
0x123: {  	s29 =	sadd.s32 $0x140, s29;
	v5 =	vld [tilespmem:s28+$0x30]  }
0x124: {  	v9 =	vld [tilespmem:s28+$0x40]  }
0x125: {  	v4 =	vmax.f32 v8, v4  }
0x126: {  	[tilespmem:s28+$0x0] =	vst v4;
	v3 =	vmax.f32 v7, v3  }
0x127: {  	[tilespmem:s28+$0x10] =	vst v3;
	v2 =	vmax.f32 v6, v2  }
0x128: {  	[tilespmem:s28+$0x20] =	vst v2;
	v1 =	vmax.f32 v5, v1  }
0x129: {  	[tilespmem:s28+$0x30] =	vst v1;
	v0 =	vmax.f32 v9, v0  }
0x12a: {  	[tilespmem:s28+$0x40] =	vst v0  }
0x12b: {  	_ =	swait.ge [sflag:s25], $0x1900  }
0x12c: {  	[sflag:s25] =	ssyncset.done $0x0  }
0x12d: {  	s28 =	simm.s32 $0x0;
	[sflag:s25] =	ssyncadd.s32 $0xFFFFE700  }
0x12e: {  	[tilespmem:s22], [sflag:$0x1] =	stream.linear.gather [hbm4b:s14+s28], $0x1900, $0x38;
	[tilespmem:$0x4B00] =	vst v63  }
0x12f: {  	s28 =	simm.s32 $0x0  }
0x130: {  	v4 =	vld [tilespmem:s28+$0x3200]  }
0x131: {  	v3 =	vld [tilespmem:s28+$0x3210]  }
0x132: {  	v2 =	vld [tilespmem:s28+$0x3220]  }
0x133: {  	v1 =	vld [tilespmem:s28+$0x3230]  }
0x134: {  	v0 =	vld [tilespmem:s28+$0x3240]  }
0x135: {  	v8 =	vld [tilespmem:s28+$0x0]  }
0x136: {  	v7 =	vld [tilespmem:s28+$0x10]  }
0x137: {  	v6 =	vld [tilespmem:s28+$0x20]  }
0x138: {  	s29 =	simm.s32 $0x140;
	v5 =	vld [tilespmem:s28+$0x30]  }
.LBB2_20:
0x139: {  	s30 =	sshra.s32 s29, $0x2;
	p0 =	sne.s32 s29, $0x62C0;
	v9 =	vld [tilespmem:s28+$0x40]  }
0x13a: {  	v8 =	vmax.f32 v8, v4;
	v4 =	vld [tilespmem:s30+$0x3200]  }
0x13b: {  	[tilespmem:s28+$0x0] =	vst v8;
	v7 =	vmax.f32 v7, v3;
	v3 =	vld [tilespmem:s30+$0x3210]  }
0x13c: {  	[tilespmem:s28+$0x10] =	vst v7;
	v6 =	vmax.f32 v6, v2;
	v2 =	vld [tilespmem:s30+$0x3220]  }
0x13d: {  	[tilespmem:s28+$0x20] =	vst v6;
	v5 =	vmax.f32 v5, v1;
	v1 =	vld [tilespmem:s30+$0x3230]  }
.Ltmp9:
0x13e: {  	[tilespmem:s28+$0x30] =	vst v5;
	v5 =	vmax.f32 v9, v0;
	v0 =	vld [tilespmem:s30+$0x3240];
	(pc) =	sbr.rel @p0 .LBB2_20-.Ltmp9, $4  }
0x13f: {  	v8 =	vld [tilespmem:s30+$0x0];
	[tilespmem:s28+$0x40] =	vst v5;
	s28 =	smov.u32 s30  }
0x140: {  	v7 =	vld [tilespmem:s28+$0x10]  }
0x141: {  	v6 =	vld [tilespmem:s28+$0x20]  }
0x142: {  	s29 =	sadd.s32 $0x140, s29;
	v5 =	vld [tilespmem:s28+$0x30]  }
0x143: {  	v9 =	vld [tilespmem:s28+$0x40]  }
0x144: {  	v4 =	vmax.f32 v8, v4  }
0x145: {  	[tilespmem:s28+$0x0] =	vst v4;
	v3 =	vmax.f32 v7, v3  }
0x146: {  	[tilespmem:s28+$0x10] =	vst v3;
	v2 =	vmax.f32 v6, v2  }
0x147: {  	[tilespmem:s28+$0x20] =	vst v2;
	v1 =	vmax.f32 v5, v1  }
0x148: {  	[tilespmem:s28+$0x30] =	vst v1;
	v0 =	vmax.f32 v9, v0  }
0x149: {  	[tilespmem:s28+$0x40] =	vst v0  }
0x14a: {  	_ =	swait.ge [sflag:s23], $0x1900  }
0x14b: {  	[sflag:s23] =	ssyncset.done $0x0  }
0x14c: {  	s28 =	simm.s32 $0x0;
	[sflag:s23] =	ssyncadd.s32 $0xFFFFE700  }
0x14d: {  	[tilespmem:s24], [sflag:$0x2] =	stream.linear.gather [hbm4b:s15+s28], $0x1900, $0x38;
	[tilespmem:$0x4B00] =	vst v63  }
0x14e: {  	s28 =	simm.s32 $0x0  }
0x14f: {  	v4 =	vld [tilespmem:s28+$0x1900]  }
0x150: {  	v3 =	vld [tilespmem:s28+$0x1910]  }
0x151: {  	v2 =	vld [tilespmem:s28+$0x1920]  }
0x152: {  	v1 =	vld [tilespmem:s28+$0x1930]  }
0x153: {  	v0 =	vld [tilespmem:s28+$0x1940]  }
0x154: {  	v8 =	vld [tilespmem:s28+$0x0]  }
0x155: {  	v7 =	vld [tilespmem:s28+$0x10]  }
0x156: {  	v6 =	vld [tilespmem:s28+$0x20]  }
0x157: {  	s29 =	simm.s32 $0x140;
	v5 =	vld [tilespmem:s28+$0x30]  }
.LBB2_22:
0x158: {  	s30 =	sshra.s32 s29, $0x2;
	p0 =	sne.s32 s29, $0x62C0;
	v9 =	vld [tilespmem:s28+$0x40]  }
0x159: {  	v8 =	vmax.f32 v8, v4;
	v4 =	vld [tilespmem:s30+$0x1900]  }
0x15a: {  	[tilespmem:s28+$0x0] =	vst v8;
	v7 =	vmax.f32 v7, v3;
	v3 =	vld [tilespmem:s30+$0x1910]  }
0x15b: {  	[tilespmem:s28+$0x10] =	vst v7;
	v6 =	vmax.f32 v6, v2;
	v2 =	vld [tilespmem:s30+$0x1920]  }
0x15c: {  	[tilespmem:s28+$0x20] =	vst v6;
	v5 =	vmax.f32 v5, v1;
	v1 =	vld [tilespmem:s30+$0x1930]  }
.Ltmp10:
0x15d: {  	[tilespmem:s28+$0x30] =	vst v5;
	v5 =	vmax.f32 v9, v0;
	v0 =	vld [tilespmem:s30+$0x1940];
	(pc) =	sbr.rel @p0 .LBB2_22-.Ltmp10, $4  }
0x15e: {  	v8 =	vld [tilespmem:s30+$0x0];
	[tilespmem:s28+$0x40] =	vst v5;
	s28 =	smov.u32 s30  }
0x15f: {  	v7 =	vld [tilespmem:s28+$0x10]  }
0x160: {  	v6 =	vld [tilespmem:s28+$0x20]  }
0x161: {  	s29 =	sadd.s32 $0x140, s29;
	v5 =	vld [tilespmem:s28+$0x30]  }
0x162: {  	v9 =	vld [tilespmem:s28+$0x40]  }
0x163: {  	v4 =	vmax.f32 v8, v4  }
0x164: {  	[tilespmem:s28+$0x0] =	vst v4;
	v3 =	vmax.f32 v7, v3  }
0x165: {  	[tilespmem:s28+$0x10] =	vst v3;
	v2 =	vmax.f32 v6, v2  }
0x166: {  	[tilespmem:s28+$0x20] =	vst v2;
	v1 =	vmax.f32 v5, v1  }
0x167: {  	[tilespmem:s28+$0x30] =	vst v1;
	v0 =	vmax.f32 v9, v0  }
0x168: {  	[tilespmem:s28+$0x40] =	vst v0  }
0x169: {  	_ =	swait.ge [sflag:s25], $0x1900  }
0x16a: {  	[sflag:s25] =	ssyncset.done $0x0  }
0x16b: {  	s28 =	simm.s32 $0x0;
	[sflag:s25] =	ssyncadd.s32 $0xFFFFE700  }
0x16c: {  	[tilespmem:s22], [sflag:$0x1] =	stream.linear.gather [hbm4b:s16+s28], $0x1900, $0x38;
	[tilespmem:$0x4B00] =	vst v63  }
0x16d: {  	s28 =	simm.s32 $0x0  }
0x16e: {  	v4 =	vld [tilespmem:s28+$0x3200]  }
0x16f: {  	v3 =	vld [tilespmem:s28+$0x3210]  }
0x170: {  	v2 =	vld [tilespmem:s28+$0x3220]  }
0x171: {  	v1 =	vld [tilespmem:s28+$0x3230]  }
0x172: {  	v0 =	vld [tilespmem:s28+$0x3240]  }
0x173: {  	v8 =	vld [tilespmem:s28+$0x0]  }
0x174: {  	v7 =	vld [tilespmem:s28+$0x10]  }
0x175: {  	v6 =	vld [tilespmem:s28+$0x20]  }
0x176: {  	s29 =	simm.s32 $0x140;
	v5 =	vld [tilespmem:s28+$0x30]  }
.LBB2_24:
0x177: {  	s30 =	sshra.s32 s29, $0x2;
	p0 =	sne.s32 s29, $0x62C0;
	v9 =	vld [tilespmem:s28+$0x40]  }
0x178: {  	v8 =	vmax.f32 v8, v4;
	v4 =	vld [tilespmem:s30+$0x3200]  }
0x179: {  	[tilespmem:s28+$0x0] =	vst v8;
	v7 =	vmax.f32 v7, v3;
	v3 =	vld [tilespmem:s30+$0x3210]  }
0x17a: {  	[tilespmem:s28+$0x10] =	vst v7;
	v6 =	vmax.f32 v6, v2;
	v2 =	vld [tilespmem:s30+$0x3220]  }
0x17b: {  	[tilespmem:s28+$0x20] =	vst v6;
	v5 =	vmax.f32 v5, v1;
	v1 =	vld [tilespmem:s30+$0x3230]  }
.Ltmp11:
0x17c: {  	[tilespmem:s28+$0x30] =	vst v5;
	v5 =	vmax.f32 v9, v0;
	v0 =	vld [tilespmem:s30+$0x3240];
	(pc) =	sbr.rel @p0 .LBB2_24-.Ltmp11, $4  }
0x17d: {  	v8 =	vld [tilespmem:s30+$0x0];
	[tilespmem:s28+$0x40] =	vst v5;
	s28 =	smov.u32 s30  }
0x17e: {  	v7 =	vld [tilespmem:s28+$0x10]  }
0x17f: {  	v6 =	vld [tilespmem:s28+$0x20]  }
0x180: {  	s29 =	sadd.s32 $0x140, s29;
	v5 =	vld [tilespmem:s28+$0x30]  }
0x181: {  	v9 =	vld [tilespmem:s28+$0x40]  }
0x182: {  	v4 =	vmax.f32 v8, v4  }
0x183: {  	[tilespmem:s28+$0x0] =	vst v4;
	v3 =	vmax.f32 v7, v3  }
0x184: {  	[tilespmem:s28+$0x10] =	vst v3;
	v2 =	vmax.f32 v6, v2  }
0x185: {  	[tilespmem:s28+$0x20] =	vst v2;
	v1 =	vmax.f32 v5, v1  }
0x186: {  	[tilespmem:s28+$0x30] =	vst v1;
	v0 =	vmax.f32 v9, v0  }
0x187: {  	[tilespmem:s28+$0x40] =	vst v0  }
0x188: {  	_ =	swait.ge [sflag:s23], $0x1900  }
0x189: {  	[sflag:s23] =	ssyncset.done $0x0  }
0x18a: {  	s28 =	simm.s32 $0x0;
	[sflag:s23] =	ssyncadd.s32 $0xFFFFE700  }
0x18b: {  	[tilespmem:s24], [sflag:$0x2] =	stream.linear.gather [hbm4b:s17+s28], $0x1900, $0x38;
	[tilespmem:$0x4B00] =	vst v63  }
0x18c: {  	s28 =	simm.s32 $0x0  }
0x18d: {  	v4 =	vld [tilespmem:s28+$0x1900]  }
0x18e: {  	v3 =	vld [tilespmem:s28+$0x1910]  }
0x18f: {  	v2 =	vld [tilespmem:s28+$0x1920]  }
0x190: {  	v1 =	vld [tilespmem:s28+$0x1930]  }
0x191: {  	v0 =	vld [tilespmem:s28+$0x1940]  }
0x192: {  	v8 =	vld [tilespmem:s28+$0x0]  }
0x193: {  	v7 =	vld [tilespmem:s28+$0x10]  }
0x194: {  	v6 =	vld [tilespmem:s28+$0x20]  }
0x195: {  	s29 =	simm.s32 $0x140;
	v5 =	vld [tilespmem:s28+$0x30]  }
.LBB2_26:
0x196: {  	s30 =	sshra.s32 s29, $0x2;
	p0 =	sne.s32 s29, $0x62C0;
	v9 =	vld [tilespmem:s28+$0x40]  }
0x197: {  	v8 =	vmax.f32 v8, v4;
	v4 =	vld [tilespmem:s30+$0x1900]  }
0x198: {  	[tilespmem:s28+$0x0] =	vst v8;
	v7 =	vmax.f32 v7, v3;
	v3 =	vld [tilespmem:s30+$0x1910]  }
0x199: {  	[tilespmem:s28+$0x10] =	vst v7;
	v6 =	vmax.f32 v6, v2;
	v2 =	vld [tilespmem:s30+$0x1920]  }
0x19a: {  	[tilespmem:s28+$0x20] =	vst v6;
	v5 =	vmax.f32 v5, v1;
	v1 =	vld [tilespmem:s30+$0x1930]  }
.Ltmp12:
0x19b: {  	[tilespmem:s28+$0x30] =	vst v5;
	v5 =	vmax.f32 v9, v0;
	v0 =	vld [tilespmem:s30+$0x1940];
	(pc) =	sbr.rel @p0 .LBB2_26-.Ltmp12, $4  }
0x19c: {  	v8 =	vld [tilespmem:s30+$0x0];
	[tilespmem:s28+$0x40] =	vst v5;
	s28 =	smov.u32 s30  }
0x19d: {  	v7 =	vld [tilespmem:s28+$0x10]  }
0x19e: {  	v6 =	vld [tilespmem:s28+$0x20]  }
0x19f: {  	s29 =	sadd.s32 $0x140, s29;
	v5 =	vld [tilespmem:s28+$0x30]  }
0x1a0: {  	v9 =	vld [tilespmem:s28+$0x40]  }
0x1a1: {  	v4 =	vmax.f32 v8, v4  }
0x1a2: {  	[tilespmem:s28+$0x0] =	vst v4;
	v3 =	vmax.f32 v7, v3  }
0x1a3: {  	[tilespmem:s28+$0x10] =	vst v3;
	v2 =	vmax.f32 v6, v2  }
0x1a4: {  	[tilespmem:s28+$0x20] =	vst v2;
	v1 =	vmax.f32 v5, v1  }
0x1a5: {  	[tilespmem:s28+$0x30] =	vst v1;
	v0 =	vmax.f32 v9, v0  }
0x1a6: {  	[tilespmem:s28+$0x40] =	vst v0  }
0x1a7: {  	_ =	swait.ge [sflag:s25], $0x1900  }
0x1a8: {  	[sflag:s25] =	ssyncset.done $0x0  }
0x1a9: {  	s28 =	simm.s32 $0x0;
	[sflag:s25] =	ssyncadd.s32 $0xFFFFE700  }
0x1aa: {  	[tilespmem:s22], [sflag:$0x1] =	stream.linear.gather [hbm4b:s18+s28], $0x1900, $0x38;
	[tilespmem:$0x4B00] =	vst v63  }
0x1ab: {  	s28 =	simm.s32 $0x0  }
0x1ac: {  	v4 =	vld [tilespmem:s28+$0x3200]  }
0x1ad: {  	v3 =	vld [tilespmem:s28+$0x3210]  }
0x1ae: {  	v2 =	vld [tilespmem:s28+$0x3220]  }
0x1af: {  	v1 =	vld [tilespmem:s28+$0x3230]  }
0x1b0: {  	v0 =	vld [tilespmem:s28+$0x3240]  }
0x1b1: {  	v8 =	vld [tilespmem:s28+$0x0]  }
0x1b2: {  	v7 =	vld [tilespmem:s28+$0x10]  }
0x1b3: {  	v6 =	vld [tilespmem:s28+$0x20]  }
0x1b4: {  	s29 =	simm.s32 $0x140;
	v5 =	vld [tilespmem:s28+$0x30]  }
.LBB2_28:
0x1b5: {  	s30 =	sshra.s32 s29, $0x2;
	p0 =	sne.s32 s29, $0x62C0;
	v9 =	vld [tilespmem:s28+$0x40]  }
0x1b6: {  	v8 =	vmax.f32 v8, v4;
	v4 =	vld [tilespmem:s30+$0x3200]  }
0x1b7: {  	[tilespmem:s28+$0x0] =	vst v8;
	v7 =	vmax.f32 v7, v3;
	v3 =	vld [tilespmem:s30+$0x3210]  }
0x1b8: {  	[tilespmem:s28+$0x10] =	vst v7;
	v6 =	vmax.f32 v6, v2;
	v2 =	vld [tilespmem:s30+$0x3220]  }
0x1b9: {  	[tilespmem:s28+$0x20] =	vst v6;
	v5 =	vmax.f32 v5, v1;
	v1 =	vld [tilespmem:s30+$0x3230]  }
.Ltmp13:
0x1ba: {  	[tilespmem:s28+$0x30] =	vst v5;
	v5 =	vmax.f32 v9, v0;
	v0 =	vld [tilespmem:s30+$0x3240];
	(pc) =	sbr.rel @p0 .LBB2_28-.Ltmp13, $4  }
0x1bb: {  	v8 =	vld [tilespmem:s30+$0x0];
	[tilespmem:s28+$0x40] =	vst v5;
	s28 =	smov.u32 s30  }
0x1bc: {  	v7 =	vld [tilespmem:s28+$0x10]  }
0x1bd: {  	v6 =	vld [tilespmem:s28+$0x20]  }
0x1be: {  	s29 =	sadd.s32 $0x140, s29;
	v5 =	vld [tilespmem:s28+$0x30]  }
0x1bf: {  	v9 =	vld [tilespmem:s28+$0x40]  }
0x1c0: {  	v4 =	vmax.f32 v8, v4  }
0x1c1: {  	[tilespmem:s28+$0x0] =	vst v4;
	v3 =	vmax.f32 v7, v3  }
0x1c2: {  	[tilespmem:s28+$0x10] =	vst v3;
	v2 =	vmax.f32 v6, v2  }
0x1c3: {  	[tilespmem:s28+$0x20] =	vst v2;
	v1 =	vmax.f32 v5, v1  }
0x1c4: {  	[tilespmem:s28+$0x30] =	vst v1;
	v0 =	vmax.f32 v9, v0  }
0x1c5: {  	[tilespmem:s28+$0x40] =	vst v0  }
0x1c6: {  	_ =	swait.ge [sflag:s23], $0x1900  }
0x1c7: {  	[sflag:s23] =	ssyncset.done $0x0  }
0x1c8: {  	s28 =	simm.s32 $0x0;
	[sflag:s23] =	ssyncadd.s32 $0xFFFFE700  }
0x1c9: {  	v4 =	vld [tilespmem:s28+$0x1900]  }
0x1ca: {  	v3 =	vld [tilespmem:s28+$0x1910]  }
0x1cb: {  	v2 =	vld [tilespmem:s28+$0x1920]  }
0x1cc: {  	v1 =	vld [tilespmem:s28+$0x1930]  }
0x1cd: {  	v0 =	vld [tilespmem:s28+$0x1940]  }
0x1ce: {  	v8 =	vld [tilespmem:s28+$0x0]  }
0x1cf: {  	v7 =	vld [tilespmem:s28+$0x10]  }
0x1d0: {  	v6 =	vld [tilespmem:s28+$0x20]  }
0x1d1: {  	s29 =	simm.s32 $0x140;
	v5 =	vld [tilespmem:s28+$0x30]  }
.LBB2_30:
0x1d2: {  	s30 =	sshra.s32 s29, $0x2;
	p0 =	sne.s32 s29, $0x62C0;
	v9 =	vld [tilespmem:s28+$0x40]  }
0x1d3: {  	v8 =	vmax.f32 v8, v4;
	v4 =	vld [tilespmem:s30+$0x1900]  }
0x1d4: {  	[tilespmem:s28+$0x0] =	vst v8;
	v7 =	vmax.f32 v7, v3;
	v3 =	vld [tilespmem:s30+$0x1910]  }
0x1d5: {  	[tilespmem:s28+$0x10] =	vst v7;
	v6 =	vmax.f32 v6, v2;
	v2 =	vld [tilespmem:s30+$0x1920]  }
0x1d6: {  	[tilespmem:s28+$0x20] =	vst v6;
	v5 =	vmax.f32 v5, v1;
	v1 =	vld [tilespmem:s30+$0x1930]  }
.Ltmp14:
0x1d7: {  	[tilespmem:s28+$0x30] =	vst v5;
	v5 =	vmax.f32 v9, v0;
	v0 =	vld [tilespmem:s30+$0x1940];
	(pc) =	sbr.rel @p0 .LBB2_30-.Ltmp14, $4  }
0x1d8: {  	v8 =	vld [tilespmem:s30+$0x0];
	[tilespmem:s28+$0x40] =	vst v5;
	s28 =	smov.u32 s30  }
0x1d9: {  	v7 =	vld [tilespmem:s28+$0x10]  }
0x1da: {  	v6 =	vld [tilespmem:s28+$0x20]  }
0x1db: {  	s29 =	sadd.s32 $0x140, s29;
	v5 =	vld [tilespmem:s28+$0x30]  }
0x1dc: {  	v9 =	vld [tilespmem:s28+$0x40]  }
0x1dd: {  	v4 =	vmax.f32 v8, v4  }
0x1de: {  	[tilespmem:s28+$0x0] =	vst v4;
	v3 =	vmax.f32 v7, v3  }
0x1df: {  	[tilespmem:s28+$0x10] =	vst v3;
	v2 =	vmax.f32 v6, v2  }
0x1e0: {  	s26 =	sadd.s32 $0x1, s26;
	[tilespmem:s28+$0x20] =	vst v2;
	v1 =	vmax.f32 v5, v1  }
0x1e1: {  	p0 =	sne.s32 s26, s20;
	[tilespmem:s28+$0x30] =	vst v1;
	v0 =	vmax.f32 v9, v0  }
.Ltmp15:
0x1e2: {  	[tilespmem:s28+$0x40] =	vst v0;
	(pc) =	sbr.rel @p0 .LBB2_1-.Ltmp15, $4  }
0x1e3: {  	[hbm4b:s19+s2] =	stream.linear.scatter [tilespmem:s2], [sflag:$0x3], $0x1900, $0x38;
	[tilespmem:$0x4B00] =	vst v63  }
0x1e4: {  	_ =	swait.ge [sflag:s21], $0x1900  }
0x1e5: {  	[sflag:s21] =	ssyncset.done $0x0  }
0x1e6: {  	[sflag:s21] =	ssyncadd.s32 $0xFFFFE700  }
0x1e7: {  	_ =	sfence.sel $0x180000  }
0x1e8: {  	[bflag:$0x0] =	sbarrier.arrive $0xFFFF  }
0x1e9: {  	p0 =	sne.s32 s0, $0x0;
	_ =	strace $0x9000004D  }
0x1ea: {  	s0 =	sadd.s32 @!p0 $0x100000, s1;
	[bflag:$0x2] =	sbarrier.arrive $0xFFFF  }
0x1eb: {  	[sflag:s0] =	ssyncadd.tile.s32 @!p0 $0x1;
	_ =	shalt  }
.Lfunc_end2:
_tile_overlayer_lowered:
.L_overlay_start_2:
0x1ec: {  	(tag) =	ssettag $0x2  }
0x1ed: {  	s0 =	rddreg [dreg:$0x0];
	s2 =	stileid.u32  }
0x1ee: {  	s1 =	rddreg [dreg:$0x1];
	p0 =	sne.s32 s2, $0x0  }
0x1ef: {  	s3 =	rddreg [dreg:$0x2];
	[bflag:$0x3] =	sbarrier.arrive $0xFFFF;
	s2 =	simm.s32 @!p0 $0x1C03  }
0x1f0: {  	[timem:s3], [sflag:s2] =	dma.local @!p0 [hbm:s0], s1  }
0x1f1: {  	s0 =	simm.s32 @!p0 $0x3  }
0x1f2: {  	_ =	swait.ge @!p0 [sflag:s0], s1  }
0x1f3: {  	s1 =	ssub.s32 @!p0 $0x0, s1;
	[sflag:s0] =	ssyncset.done @!p0 $0x0  }
0x1f4: {  	[sflag:s0] =	ssyncadd.s32 @!p0 s1  }
0x1f5: {  	[bflag:$0x3] =	sbarrier.arrive $0xFFFF  }
0x1f6: {  	_ =	shalt  }

// kernel: sparse-core-data-format-call.cloned.1.call-start
scs
called_computation_lowered:
.L_overlay_start_0:
0x0: {  	s2 =	sld [smem:$0x3FD9]  }
0x1: {  	s3 =	sld [smem:$0x3FFE];
	_ =	sdelay $0x1  }
0x2: {  	s1 =	srdreg.scid  }
0x3: {  	s0 =	sand.u32 $0x1, s1  }
0x4: {  	s18 =	sshll.u32 s0, $0xA;
	s2 =	sadd.s32 s3, s2  }
0x5: {  	s2 =	sadd.s32 s2, s18  }
0x6: {  	[smem:$0x3FC6] =	sst s2  }
0x7: {  	_ = 	snop  }
0x8: {  	s2 =	sld [smem:$0x3FC9];
	(tm) =	ssettm $0x1  }
0x9: {  	s19 =	sld [smem:$0x3FFB];
	_ =	sdelay $0x3  }
0xa: {  	_ =	strace s19  }
0xb: {  	s3 =	sld [smem:$0x3FFC];
	_ =	sdelay $0x3  }
0xc: {  	_ =	strace s3  }
0xd: {  	s3 =	sld [smem:$0x3FFD];
	_ =	sdelay $0x3  }
0xe: {  	_ =	strace s3  }
0xf: {  	_ =	strace $0x8FFFFFFF  }
0x10: {  	s20 =	sld [smem:$0x3FDB];
	_ =	sdelay $0x1  }
0x11: {  	s4 =	simm.s32 $_scs_section_size  }
0x12: {  	s5 =	simm.s32 $_size__tile_overlayer_lowered;
	s6 =	simm.s32 $_tile_overlayer_lowered  }
0x13: {  	s23 =	simm.s32 $0x1BFF;
	s22 =	sshll.u32 s6, $0x1;
	s3 =	sadd.s32 s4, s20  }
0x14: {  	s7 =	simm.s32 $0x0;
	s21 =	sshll.u32 s5, $0x1;
	s5 =	sadd.s32 s22, s3  }
0x15: {  	[timem:s7], [sflag:s23] =	dma.local [hbm:s5], s21  }
0x16: {  	_ =	swait.ge [sflag:s23], s21  }
0x17: {  	s4 =	ssub.s32 $0x0, s21;
	[sflag:s23] =	ssyncset.done $0x0  }
0x18: {  	[sflag:s23] =	ssyncadd.s32 s4;
	_ =	sdelay $0x1  }
0x19: {  	s24 =	simm.s32 $0x1B8B  }
0x1a: {  	_ =	swait.ge [sflag:s24], $0x1  }
0x1b: {  	[sflag:s24] =	ssyncset.done $0x0  }
0x1c: {  	s26 =	simm.s32 $0x1B8E;
	s25 =	sld [smem:$0x3FFE];
	[sflag:s24] =	ssyncadd.s32 $0xFFFFFFFF  }
0x1d: {  	s27 =	simm.s32 $execute0_lowered;
	[smem:$0x3FD2] =	sst s26  }
0x1e: {  	s5 =	sshll.u32 s27, $0x1;
	_ =	strace $0x80000046;
	[dreg:$0x1] =	wrdreg $0xFFFFFFFF  }
0x1f: {  	s28 =	simm.s32 $_size_execute0_lowered;
	s3 =	sadd.s32 s3, s5;
	[dreg:$0x0] =	wrdreg $0x0  }
0x20: {  	s5 =	sshll.u32 s28, $0x1;
	[dreg:$0x2] =	wrdreg s3  }
0x21: {  	[dreg:$0x3] =	wrdreg s5  }
0x22: {  	[dreg:$0x4] =	wrdreg $0xC0  }
0x23: {  	_ =	task [dreg:s7], $0x5FFFF  }
0x24: {  	[dreg:$0x1] =	wrdreg $0xFFFFFFFF  }
0x25: {  	[dreg:$0x0] =	wrdreg $0x60  }
0x26: {  	[dreg:$0x2] =	wrdreg s2  }
0x27: {  	[dreg:$0x3] =	wrdreg s25  }
0x28: {  	[dreg:$0x4] =	wrdreg $0x9  }
0x29: {  	_ =	task.clear_ibuf [dreg:s7], $0x5FFFF;
	_ =	strace $0x90000046  }
0x2a: {  	s29 =	simm.s32 $0x9;
	_ =	strace $0x80000048  }
0x2b: {  	_ =	swait.ge [sflag:s29], $0x1  }
0x2c: {  	[sflag:s29] =	ssyncadd.s32 $0xFFFFFFFF  }
0x2d: {  	_ =	strace $0x90000048  }
0x2e: {  	_ =	sfence  }
0x2f: {  	s30 =	sld [smem:$0x0];
	_ =	sdelay $0x2  }
0x30: {  	s31 =	sshll.u32 s1, $0xD;
	s1 =	sshrl.u32 s1, $0x2  }
0x31: {  	s3 =	sand.u32 $0x4000, s31;
	s1 =	sadd.s32 s1, s30  }
0x32: {  	s0 =	sor.u32 s3, s0;
	s1 =	sshll.u32 s1, $0x11  }
0x33: {  	s0 =	sor.u32 s1, s0  }
0x34: {  	s0 =	sadd.s32 $0x8F2B, s0  }
0x35: {  	[sflag:s0] =	ssyncadd.remote.s32 $0x1  }
0x36: {  	_ =	sfence.sel $0xFFFF  }
0x37: {  	[dreg:$0x0] =	wrdreg $0xFFFFFFFF;
	(pc) =	sbr.abs _section_cstart, $3  }
0x38: {  	[dreg:$0x1] =	wrdreg $0xFFFFFFFF  }
0x39: {  	_ =	task.clear_ibuf [dreg:s7], $0x2FFFF;
	_ =	strace $0x9FFFFFFF  }
0x3a: {  	(tm) =	ssettm $0x7FFFFFFF  }
0x3b: {  	_ =	shalt  }
tec
execute0_lowered:
.L_overlay_start_1:
0x0: {  	(tag) =	ssettag $0x1  }
0x1: {  	s0 =	stileid.u32;
	s7 =	rddreg [dreg:$0x0]  }
0x2: {  	s1 =	srdreg.scid;
	s4 =	rddreg [dreg:$0x1]  }
0x3: {  	s30 =	simm.s32 $0x2;
	s10 =	simm.s32 $0x0;
	s14 =	simm.s32 $0x0  }
0x4: {  	s15 =	simm.s32 $0x0;
	s11 =	simm.s32 $0x0;
	s13 =	simm.s32 $0x0  }
0x5: {  	s2 =	sand.u32 $0x1, s1;
	s3 =	sshll.u32 s0, $0x7;
	s1 =	rddreg [dreg:$0x2]  }
0x6: {  	_ =	strace $0x80000047;
	s5 =	ssub.s32 $0xC300, s3;
	s6 =	ssub.s32 $0x2, s2  }
.Ltmp0:
0x7: {  	s5 =	sshrl.u32 s5, $0xB;
	s8 =	sshrl.u32 s6, $0x1;
	(pc) =	sbr.rel .LBB1_1-.Ltmp0, $4  }
0x8: {  	s4 =	sadd.s32 $0x1400, s4;
	s9 =	sadd.s32 $0x1, s5;
	s6 =	ssub.s32 s6, s8  }
0x9: {  	s31 =	sshll.u32 s2, $0x4;
	s5 =	simm.s32 $0x1;
	s6 =	smul.u32 s9, s6  }
0xa: {  	s12 =	smov.u32 s3;
	s7 =	sadd.s32 s7, s31;
	[sflag:s5] =	ssyncpa.u1 $0x0  }
0xb: {  	s9 =	simm.s32 $0x0;
	[sflag:s30] =	ssyncpa.u1 $0x0;
	s8 =	sadd.s32 $0x1, s6  }
.LBB1_4:
0xc: {  	s21 =	simm.s32 $0x0  }
.LBB1_8:
0xd: {  	_ =	sdelay $0x3  }
0xe: {  	v6 =	vld [tilespmem:s18+$0xFFFFFFC0];
	[tilespmem:v0+s20+$0x30 ss:$0x1] =	vst.idx.msk @p0 $0xffff, v2  }
0xf: {  	v58 =	vld [tilespmem:s18+$0xFFFFFFD0];
	[tilespmem:v0+s20+$0x40 ss:$0x1] =	vst.idx.msk @p0 $0xffff, v3;
	s21 =	sadd.s32 @p0 $0x80, s21  }
0x10: {  	v59 =	vld [tilespmem:s18+$0xFFFFFFE0];
	[tilespmem:v0+s20+$0x50 ss:$0x1] =	vst.idx.msk @p0 $0xffff, v5;
	s19 =	smov.u32 @p0 s21  }
0x11: {  	v60 =	vld [tilespmem:s18+$0xFFFFFFF0];
	[tilespmem:v0+s20+$0x60 ss:$0x1] =	vst.idx.msk @p0 $0xffff, v4;
	s19 =	sand.u32 $0x3F80, s19  }
0x12: {  	v61 =	vld [tilespmem:s18+$0x0];
	[tilespmem:v0+s19+$0x70 ss:$0x1] =	vst.idx.msk $0xffff, v1  }
0x13: {  	v62 =	vld [tilespmem:s18+$0x10];
	[tilespmem:v0+s19+$0x0 ss:$0x1] =	vst.idx.msk $0xffff, v6  }
0x14: {  	v63 =	vld [tilespmem:s18+$0x20];
	[tilespmem:v0+s19+$0x10 ss:$0x1] =	vst.idx.msk $0xffff, v58  }
0x15: {  	[tilespmem:v0+s19+$0x20 ss:$0x1] =	vst.idx.msk $0xffff, v59  }
0x16: {  	[tilespmem:v0+s19+$0x30 ss:$0x1] =	vst.idx.msk $0xffff, v60  }
0x17: {  	[tilespmem:v0+s19+$0x40 ss:$0x1] =	vst.idx.msk $0xffff, v61  }
0x18: {  	[tilespmem:v0+s19+$0x50 ss:$0x1] =	vst.idx.msk $0xffff, v62  }
0x19: {  	[tilespmem:v0+s19+$0x60 ss:$0x1] =	vst.idx.msk $0xffff, v63  }
.LBB1_9:
0x1a: {  	s18 =	sand.u32 $0x1FFFFFF, s11  }
0x1b: {  	s19 =	smulhi.u32 $0x14F8B59, s18;
	_ =	sdelay $0x1  }
0x1c: {  	s19 =	sshrl.u32 s19, $0x8  }
0x1d: {  	s19 =	smul.u32 $0xC350, s19  }
0x1e: {  	s15 =	smul.u32 $0xC3500, s15  }
0x1f: {  	s18 =	ssub.s32 s18, s19  }
0x20: {  	s15 =	sadd.s32 s4, s15;
	s18 =	sshll.u32 s18, $0x4  }
0x21: {  	s15 =	sadd.s32 s18, s15  }
0x22: {  	[hbm4b:s15+s9] =	stream.linear.scatter [tilespmem:s17], [sflag:$0x2], s16, $0x38;
	[tilespmem:$0x10000] =	vst v63  }
.LBB1_10:
0x23: {  	p0 =	slt.u32 s13, $0x2  }
0x24: {  	p1 =	sgt.s32 @!p0 s14, $0xC2D0  }
0x25: {  	s15 =	smov.u32 s14;
	s16 =	sshra.s32 @!p0 s14, $0x1F;
	p1 =	por !p1, p0  }
0x26: {  	s14 =	sand.u32 @!p0 s16, s14;
	s15 =	simm.s32 @p1 $0xC2D0  }
0x27: {  	s14 =	ssub.s32 @!p0 s15, s14  }
0x28: {  	s14 =	sadd.s32 @!p0 $0xFFFF3D30, s14  }
0x29: {  	s15 =	sshll.u32 @!p0 s14, $0x7  }
0x2a: {  	p1 =	sgt.s32 @!p0 s14, $0x7F;
	s14 =	ssub.s32 @!p0 $0x4000, s15  }
0x2b: {  	s16 =	sadd.s32 $0x800, s12;
	p1 =	por !p1, p0;
	s14 =	sand.u32 @!p0 $0x3FFFFF80, s14  }
0x2c: {  	s14 =	simm.s32 @!p1 $0x0;
	p1 =	sgt.s32 s16, $0xC34F  }
0x2d: {  	s16 =	smov.u32 @p1 s3;
	p1 =	sne.s32 s13, s8  }
.Ltmp1:
0x2e: {  	_ = 	snop;
	(pc) =	sbr.rel @!p1 .LBB1_11-.Ltmp1, $4  }
0x2f: {  	s10 =	sadd.s32 $0x4000, s10;
	s15 =	simm.s32 @!p0 $0x2  }
0x30: {  	_ =	swait.ge @!p0 [sflag:s15], s14;
	s17 =	ssub.s32 @!p0 $0x0, s14;
	s14 =	smov.u32 s11  }
0x31: {  	s13 =	sadd.s32 $0x1, s13;
	s11 =	smov.u32 s12;
	[sflag:s15] =	ssyncset.done @!p0 $0x0  }
0x32: {  	s12 =	smov.u32 s16;
	[sflag:s15] =	ssyncadd.s32 @!p0 s17;
	s15 =	smov.u32 s2  }
.LBB1_1:
0x33: {  	p0 =	sge.u32 s13, s6  }
0x34: {  	p1 =	sgt.s32 @!p0 s12, $0xC2D0  }
0x35: {  	s16 =	smov.u32 s12;
	s17 =	sshra.s32 @!p0 s12, $0x1F;
	p1 =	por !p1, p0  }
0x36: {  	s17 =	sand.u32 @!p0 s17, s12;
	s16 =	simm.s32 @p1 $0xC2D0  }
0x37: {  	s16 =	ssub.s32 @!p0 s16, s17  }
0x38: {  	s31 =	sadd.s32 $0xFFFFFFFF, s13;
	s18 =	sxor.u32 @!p0 $0xFFFFFFFF, s13;
	s16 =	sadd.s32 @!p0 $0xFFFF3D30, s16  }
0x39: {  	s19 =	simm.s32 @!p0 $0x80;
	s20 =	simm.s32 @!p0 $0x100;
	s17 =	sshll.u32 @!p0 s16, $0x7  }
0x3a: {  	p1 =	sgt.s32 @!p0 s16, $0x7F;
	s16 =	ssub.s32 @!p0 $0x4000, s17;
	s17 =	sshll.u32 @!p0 s18, $0xE  }
0x3b: {  	p1 =	por !p1, p0;
	s18 =	sshll.u32 @!p0 s12, $0x5;
	s16 =	sand.u32 @!p0 $0x3FFFFF80, s16  }
0x3c: {  	s17 =	sand.u32 @!p0 $0x4000, s17;
	s18 =	sadd.s32 @!p0 s18, s7;
	s16 =	simm.s32 @!p1 $0x0  }
0x3d: {  	[tilespmem:s17], [sflag:$0x1] =	stream.strided.gather @!p0 [hbm4b:s18+s19], s16, s20, s19, $0x38;
	[tilespmem:$0x10000] =	vst v63  }
0x3e: {  	p0 =	sge.u32 s31, s6  }
.Ltmp2:
0x3f: {  	_ = 	snop;
	(pc) =	sbr.rel @p0 .LBB1_10-.Ltmp2, $1  }
0x40: {  	_ =	sdelay $0x3  }
0x41: {  	p0 =	sgt.s32 s11, $0xC2D0;
	s16 =	smov.u32 s11;
	s17 =	sshra.s32 s11, $0x1F  }
0x42: {  	s16 =	simm.s32 @!p0 $0xC2D0;
	s17 =	sand.u32 s17, s11  }
0x43: {  	s16 =	ssub.s32 s16, s17  }
0x44: {  	s16 =	sadd.s32 $0xFFFF3D30, s16  }
0x45: {  	s30 =	sshll.u32 s16, $0x7  }
0x46: {  	s17 =	ssub.s32 $0x4000, s30  }
0x47: {  	p0 =	sgt.s32 s16, $0x7F;
	s16 =	sand.u32 $0x3FFFFF80, s17;
	s17 =	sadd.s32 $0x80, s11  }
0x48: {  	s16 =	simm.s32 @p0 $0x0;
	p0 =	slt.s32 s17, $0xC350  }
0x49: {  	s17 =	simm.s32 @!p0 $0xC350  }
0x4a: {  	s20 =	ssub.s32 s17, s11  }
0x4b: {  	p0 =	slt.s32 s20, $0x1  }
.Ltmp3:
0x4c: {  	_ = 	snop;
	(pc) =	sbr.rel @p0 .LBB1_9-.Ltmp3, $4  }
0x4d: {  	_ = 	snop  }
0x4e: {  	s19 =	sshll.u32 s13, $0xE;
	_ =	swait.ge [sflag:s5], s16  }
0x4f: {  	s31 =	sand.u32 $0x4000, s19;
	s18 =	ssub.s32 $0x0, s16;
	[sflag:s5] =	ssyncset.done $0x0  }
0x50: {  	s17 =	sor.u32 $0x8000, s31;
	[sflag:s5] =	ssyncadd.s32 s18  }
0x51: {  	p1 =	sne.s32 s20, $0x1  }
.Ltmp4:
0x52: {  	v0 =	vmov s17;
	(pc) =	sbr.rel @!p1 .LBB1_4-.Ltmp4, $4  }
0x53: {  	_ = 	snop  }
0x54: {  	s18 =	sand.u32 $0x4000, s10  }
0x55: {  	s18 =	sor.u32 $0x40, s18  }
0x56: {  	s19 =	simm.s32 $0x0;
	s21 =	sadd.s32 $0xFFFFFFFF, s20;
	p0 =	por $0x0, $0x0;
	v1 =	vld [tilespmem:s18+$0x30]  }
0x57: {  	v4 =	vld [tilespmem:s18+$0xFFFFFFC0]  }
0x58: {  	v6 =	vld [tilespmem:s18+$0xFFFFFFD0]  }
0x59: {  	v7 =	vld [tilespmem:s18+$0xFFFFFFE0];
	p1 =	sne.s32 s21, $0x1  }
.Ltmp5:
0x5a: {  	v2 =	vld [tilespmem:s18+$0xFFFFFFF0];
	s20 =	sand.u32 $0x3F80, s19;
	(pc) =	sbr.rel @!p1 .LBB1_6-.Ltmp5, $4  }
0x5b: {  	v3 =	vld [tilespmem:s18+$0x0];
	[tilespmem:v0+s20+$0x70 ss:$0x1] =	vst.idx.msk $0xffff, v1  }
0x5c: {  	v5 =	vld [tilespmem:s18+$0x10];
	[tilespmem:v0+s20+$0x0 ss:$0x1] =	vst.idx.msk $0xffff, v4  }
0x5d: {  	v4 =	vld [tilespmem:s18+$0x20];
	[tilespmem:v0+s20+$0x10 ss:$0x1] =	vst.idx.msk $0xffff, v6;
	s18 =	sadd.s32 $0x80, s18  }
0x5e: {  	s22 =	sadd.s32 $0xFFFFFFFF, s21;
	p0 =	por $0x1, $0x1;
	s21 =	simm.s32 $0x0;
	[tilespmem:v0+s20+$0x20 ss:$0x1] =	vst.idx.msk $0xffff, v7;
	v1 =	vld [tilespmem:s18+$0x30]  }
.LBB1_7:
0x5f: {  	p1 =	sne.s32 s22, $0x1;
	v6 =	vld [tilespmem:s18+$0xFFFFFFC0];
	[tilespmem:v0+s20+$0x30 ss:$0x1] =	vst.idx.msk $0xffff, v2  }
0x60: {  	v7 =	vld [tilespmem:s18+$0xFFFFFFD0];
	[tilespmem:v0+s20+$0x40 ss:$0x1] =	vst.idx.msk $0xffff, v3  }
0x61: {  	s21 =	sadd.s32 $0x80, s21;
	v8 =	vld [tilespmem:s18+$0xFFFFFFE0];
	[tilespmem:v0+s20+$0x50 ss:$0x1] =	vst.idx.msk $0xffff, v5  }
.Ltmp6:
0x62: {  	v2 =	vld [tilespmem:s18+$0xFFFFFFF0];
	[tilespmem:v0+s20+$0x60 ss:$0x1] =	vst.idx.msk $0xffff, v4;
	s20 =	sand.u32 $0x3F80, s21;
	(pc) =	sbr.rel @p1 .LBB1_7-.Ltmp6, $4  }
0x63: {  	v3 =	vld [tilespmem:s18+$0x0];
	[tilespmem:v0+s20+$0x70 ss:$0x1] =	vst.idx.msk $0xffff, v1  }
0x64: {  	[tilespmem:v0+s20+$0x0 ss:$0x1] =	vst.idx.msk $0xffff, v6;
	v5 =	vld [tilespmem:s18+$0x10]  }
0x65: {  	[tilespmem:v0+s20+$0x10 ss:$0x1] =	vst.idx.msk $0xffff, v7;
	v4 =	vld [tilespmem:s18+$0x20];
	s18 =	sadd.s32 $0x80, s18  }
0x66: {  	s22 =	sadd.s32 $0xFFFFFFFF, s22;
	v1 =	vld [tilespmem:s18+$0x30];
	[tilespmem:v0+s20+$0x20 ss:$0x1] =	vst.idx.msk $0xffff, v8  }
.Ltmp7:
0x67: {  	_ = 	snop;
	(pc) =	sbr.rel .LBB1_8-.Ltmp7, $1  }
0x68: {  	_ =	sdelay $0x3  }
.LBB1_6:
.Ltmp8:
0x69: {  	(pc) =	sbr.rel .LBB1_8-.Ltmp8, $2  }
0x6a: {  	_ =	sdelay $0x2  }
0x6b: {  	s21 =	simm.s32 $0x0  }
.LBB1_11:
0x6c: {  	_ =	sfence.sel $0x180000  }
0x6d: {  	s2 =	simm.s32 $0x1;
	[bflag:$0x0] =	sbarrier.arrive $0xFFFF  }
0x6e: {  	s31 =	simm.s32 $0x2;
	[sflag:s2] =	ssyncpa.u1 $0x1  }
0x6f: {  	[sflag:s31] =	ssyncpa.u1 $0x1  }
0x70: {  	p0 =	sne.s32 s0, $0x0;
	_ =	strace $0x90000047  }
0x71: {  	s0 =	sadd.s32 @!p0 $0x100000, s1;
	[bflag:$0x2] =	sbarrier.arrive $0xFFFF  }
0x72: {  	[sflag:s0] =	ssyncadd.tile.s32 @!p0 $0x1;
	_ =	shalt  }
.Lfunc_end1:
_tile_overlayer_lowered:
.L_overlay_start_2:
0x73: {  	(tag) =	ssettag $0x2  }
0x74: {  	s0 =	rddreg [dreg:$0x0];
	s2 =	stileid.u32  }
0x75: {  	s1 =	rddreg [dreg:$0x1];
	p0 =	sne.s32 s2, $0x0  }
0x76: {  	s3 =	rddreg [dreg:$0x2];
	[bflag:$0x3] =	sbarrier.arrive $0xFFFF;
	s2 =	simm.s32 @!p0 $0x1C01  }
0x77: {  	[timem:s3], [sflag:s2] =	dma.local @!p0 [hbm:s0], s1  }
0x78: {  	s0 =	simm.s32 @!p0 $0x1  }
0x79: {  	_ =	swait.ge @!p0 [sflag:s0], s1  }
0x7a: {  	s1 =	ssub.s32 @!p0 $0x0, s1;
	[sflag:s0] =	ssyncset.done @!p0 $0x0  }
0x7b: {  	[sflag:s0] =	ssyncadd.s32 @!p0 s1  }
0x7c: {  	[bflag:$0x3] =	sbarrier.arrive $0xFFFF  }
0x7d: {  	_ =	shalt  }

</sc_bundles>
